<compile_context>
chip_gen: v7x
topology: tpu7x:2x2x1
jax: 0.10.2.dev20260603
libtpu: 0.0.44.dev20260713+nightly
codegen_flags: <defaults>
</compile_context>

<pallas_src>
import jax
import jax.numpy as jnp
from jax import lax
from jax.experimental import pallas as pl
from jax.experimental.pallas import tpu as pltpu
from jax.experimental.pallas import tpu_sc as plsc

N = 10000
E = 320000
D = 128
BLK = 1000
GRID = N // BLK

NTILE = 16
CH = 80
EPT = E // NTILE
TPC = EPT // CH
SW = 8
RPT = N // NTILE


def _dense_pre_body(x_ref, wp_ref, w0_ref, w1_ref, al0_ref, ar0_ref,
                    al1_ref, ar1_ref, zs_ref, elr_ref, gmax_ref, mx_ref):
    i = pl.program_id(0)
    h = x_ref[...] @ wp_ref[...]
    z0 = h @ w0_ref[...]
    z1 = h @ w1_ref[...]
    zs_ref[0] = z0
    zs_ref[1] = z1
    el0 = z0 @ al0_ref[...].T
    er0 = z0 @ ar0_ref[...].T
    el1 = z1 @ al1_ref[...].T
    er1 = z1 @ ar1_ref[...].T
    elr_ref[0] = jnp.concatenate([el0, er0], axis=1)
    elr_ref[1] = jnp.concatenate([el1, er1], axis=1)
    cols = jnp.concatenate([el0, er0, el1, er1], axis=1)
    m = jnp.max(cols, axis=0)[None, :]
    prev = jnp.where(i == 0, jnp.full((1, 4), -jnp.inf, jnp.float32),
                     mx_ref[...])
    mx = jnp.maximum(m, prev)
    mx_ref[...] = mx
    g0 = mx[0, 0] + mx[0, 1]
    g1 = mx[0, 2] + mx[0, 3]
    g0 = jnp.maximum(g0, 0.2 * g0)
    g1 = jnp.maximum(g1, 0.2 * g1)
    gmax_ref[...] = jnp.stack([jnp.full((16,), g0, jnp.float32),
                               jnp.full((16,), g1, jnp.float32)])


def _dense_pre(x, W_proj, W_fc0, W_fc1, al0, ar0, al1, ar1):
    return pl.pallas_call(
        _dense_pre_body,
        grid=(GRID,),
        in_specs=[
            pl.BlockSpec((BLK, D), lambda i: (i, 0)),
            pl.BlockSpec((D, D), lambda i: (0, 0)),
            pl.BlockSpec((D, D), lambda i: (0, 0)),
            pl.BlockSpec((D, D), lambda i: (0, 0)),
            pl.BlockSpec((1, D), lambda i: (0, 0)),
            pl.BlockSpec((1, D), lambda i: (0, 0)),
            pl.BlockSpec((1, D), lambda i: (0, 0)),
            pl.BlockSpec((1, D), lambda i: (0, 0)),
        ],
        out_specs=[
            pl.BlockSpec((2, BLK, D), lambda i: (0, i, 0)),
            pl.BlockSpec((2, BLK, 2), lambda i: (0, i, 0)),
            pl.BlockSpec((2, 16), lambda i: (0, 0)),
        ],
        out_shape=[
            jax.ShapeDtypeStruct((2, N, D), jnp.float32),
            jax.ShapeDtypeStruct((2, N, 2), jnp.float32),
            jax.ShapeDtypeStruct((2, 16), jnp.float32),
        ],
        scratch_shapes=[pltpu.VMEM((1, 4), jnp.float32)],
    )(x, W_proj, W_fc0, W_fc1, al0, ar0, al1, ar1)


def _sc_body(zs_h, ed_h, elr_h, gmax_h, zu_h,
             u_out, s_out,
             gmax_v, a_v, tab_v,
             srcc0, srcc1, dstc0, dstc1, zb0, zb1, sr0, sr1,
             sds0, sds1, sdd0, sdd1,
             U_sh, S_sh,
             semi0, semi1, semz0, semz1, semU0, semU1, semS0, semS1):
    c = lax.axis_index("c")
    s = lax.axis_index("s")
    r0 = s * RPT
    B = ((srcc0, dstc0, zb0, sr0, semz0, semU0, semS0),
         (srcc1, dstc1, zb1, sr1, semz1, semU1, semS1))
    SD = ((sds0, sdd0, semi0), (sds1, sdd1, semi1))

    pltpu.sync_copy(gmax_h.at[c], gmax_v)
    pltpu.sync_copy(elr_h.at[c], tab_v)
    pltpu.sync_copy(zu_h.at[pl.ds(r0, RPT)], U_sh.at[pl.ds(r0, RPT)])
    pltpu.sync_copy(zu_h.at[pl.ds(r0, RPT), pl.ds(0, SW)],
                    S_sh.at[pl.ds(r0, RPT)])
    pltpu.sync_copy(zu_h.at[pl.ds(0, CH), pl.ds(0, SW)], sr0)
    pltpu.sync_copy(zu_h.at[pl.ds(0, CH), pl.ds(0, SW)], sr1)

    gm = gmax_v[...]
    iota16 = lax.iota(jnp.int32, 16)
    zi16 = jnp.zeros((16,), jnp.int32)
    one16 = zi16 + 1

    plsc.subcore_barrier()


    def stage_pair(t, m):
        sds, sdd, semi = SD[m]
        b = t * CH
        pltpu.async_copy(ed_h.at[c, 0, s, pl.ds(b, 2 * CH)], sds, semi)
        pltpu.async_copy(ed_h.at[c, 1, s, pl.ds(b, 2 * CH)], sdd, semi)

    def wait_pair(t, m):
        sds, sdd, semi = SD[m]
        b = t * CH
        pltpu.make_async_copy(ed_h.at[c, 0, s, pl.ds(b, 2 * CH)], sds,
                              semi).wait()
        pltpu.make_async_copy(ed_h.at[c, 1, s, pl.ds(b, 2 * CH)], sdd,
                              semi).wait()

    def load_idx_issue_gathers(p, m, off):
        srcc, dstc, zb, _, semz = B[p][:5]
        sds, sdd, _ = SD[m]
        for j in range(CH // 16):
            srcc[pl.ds(j * 16, 16)] = sds[pl.ds(off + j * 16, 16)]
            dstc[pl.ds(j * 16, 16)] = sdd[pl.ds(off + j * 16, 16)]
        pltpu.async_copy(zs_h.at[c].at[srcc], zb, semz)

    def drain_scatters(p):
        _, dstc, zb, sr, _, semU, semS = B[p]
        pltpu.make_async_copy(zb, U_sh.at[dstc], semU).wait()
        pltpu.make_async_copy(sr, S_sh.at[dstc], semS).wait()

    def process(t, p, drain_pred, stage_t, stage_m, nxt):
        srcc, dstc, zb, sr, semz, semU, semS = B[p]
        q = 1 - p

        if stage_t is not None:
            stage_pair(stage_t, stage_m)

        for j in range(CH // 16):
            sidx = srcc[pl.ds(j * 16, 16)]
            didx = dstc[pl.ds(j * 16, 16)]
            el = plsc.load_gather(tab_v, [sidx + sidx])
            er = plsc.load_gather(tab_v, [didx + didx + one16])
            xx = el + er
            e = jnp.maximum(xx, 0.2 * xx)
            a = jnp.exp(e - gm)
            a_v[pl.ds(j * 16, 16)] = a
            plsc.store_scatter(sr, [iota16 + j * 16, zi16], a)

        @pl.when(drain_pred)
        def _():
            drain_scatters(q)

        if nxt is not None:
            nm, noff, nwait = nxt
            if nwait:
                wait_pair(t + 1, nm)
            load_idx_issue_gathers(q, nm, noff)

        pltpu.make_async_copy(zs_h.at[c].at[srcc], zb, semz).wait()

        @plsc.parallel_loop(0, CH, 1, unroll=4)
        def _(i):
            asp = plsc.load_gather(a_v, [jnp.broadcast_to(i, (16,))])
            for kk in range(D // 16):
                zb[i, pl.ds(kk * 16, 16)] = zb[i, pl.ds(kk * 16, 16)] * asp

        pltpu.async_copy(zb, U_sh.at[dstc], semU, add=True)
        pltpu.async_copy(sr, S_sh.at[dstc], semS, add=True)

    stage_pair(0, 0)
    wait_pair(0, 0)
    load_idx_issue_gathers(0, 0, 0)

    def quad(qi, _):
        t = 4 * qi
        process(t, 0, qi >= 1, t + 2, 1, (0, CH, False))
        process(t + 1, 1, True, None, 0, (1, 0, True))
        process(t + 2, 0, True, t + 4, 0, (1, CH, False))
        process(t + 3, 1, True, None, 0, (0, 0, True))
        return 0
    lax.fori_loop(0, (TPC - 2) // 4, quad, 0)
    process(TPC - 2, 0, True, None, 0, (0, CH, False))
    process(TPC - 1, 1, True, None, 0, None)
    drain_scatters(1)

    plsc.subcore_barrier()
    pltpu.sync_copy(U_sh.at[pl.ds(r0, RPT)], u_out.at[c, pl.ds(r0, RPT)])
    pltpu.sync_copy(S_sh.at[pl.ds(r0, RPT)], s_out.at[c, pl.ds(r0, RPT)])


def _sc_gat(zs, ed, elr, gmax, zu):
    mesh = plsc.VectorSubcoreMesh(core_axis_name="c", subcore_axis_name="s")
    f = pl.kernel(
        _sc_body,
        out_type=(jax.ShapeDtypeStruct((2, N, D), jnp.float32),
                  jax.ShapeDtypeStruct((2, N, SW), jnp.float32)),
        mesh=mesh,
        compiler_params=pltpu.CompilerParams(use_tc_tiling_on_sc=False,
                                             needs_layout_passes=False),
        scratch_types=(
            [pltpu.VMEM((16,), jnp.float32),
             pltpu.VMEM((CH,), jnp.float32),
             pltpu.VMEM((2 * N,), jnp.float32)]
            + [pltpu.VMEM((CH,), jnp.int32)] * 4
            + [pltpu.VMEM((CH, D), jnp.float32)] * 2
            + [pltpu.VMEM((CH, SW), jnp.float32)] * 2
            + [pltpu.VMEM((2 * CH,), jnp.int32)] * 4
            + [pltpu.VMEM_SHARED((N, D), jnp.float32),
               pltpu.VMEM_SHARED((N, SW), jnp.float32)]
            + [pltpu.SemaphoreType.DMA] * 8
        ),
    )
    return f(zs, ed, elr, gmax, zu)


def _z_from(u_ref, s_ref, mp):
    z = u_ref[mp] / (s_ref[mp, :, 0][:, None] + 1e-9)
    return jnp.where(z > 0, z, jnp.exp(jnp.minimum(z, 0.0)) - 1.0)


def _sem_w_body(u_ref, s_ref, ws1_ref, b_ref, ws2t_ref, w_ref, acc_ref):
    i = pl.program_id(0)
    z0 = _z_from(u_ref, s_ref, 0)
    z1 = _z_from(u_ref, s_ref, 1)
    t0 = jnp.sum(jnp.tanh(z0 @ ws1_ref[...] + b_ref[...]) * ws2t_ref[...])
    t1 = jnp.sum(jnp.tanh(z1 @ ws1_ref[...] + b_ref[...]) * ws2t_ref[...])
    cur = jnp.stack([t0, t1])[None, :]
    prev = jnp.where(i == 0, jnp.zeros((1, 2), jnp.float32), acc_ref[...])
    acc = prev + cur
    acc_ref[...] = acc
    w_ref[...] = acc / N


def _combine_body(u_ref, s_ref, w_ref, out_ref):
    z0 = _z_from(u_ref, s_ref, 0)
    z1 = _z_from(u_ref, s_ref, 1)
    w0 = w_ref[0, 0]
    w1 = w_ref[0, 1]
    m = jnp.maximum(w0, w1)
    b0 = jnp.exp(w0 - m)
    b1 = jnp.exp(w1 - m)
    t = b0 + b1
    out_ref[...] = (b0 / t) * z0 + (b1 / t) * z1


def _combine(u, s_, W_s1, b_s1, W_s2):
    b2d = b_s1.reshape(1, D)
    ws2t = W_s2.reshape(1, D)
    u_spec = pl.BlockSpec((2, BLK, D), lambda i: (0, i, 0))
    s_spec = pl.BlockSpec((2, BLK, SW), lambda i: (0, i, 0))
    w = pl.pallas_call(
        _sem_w_body,
        grid=(GRID,),
        in_specs=[
            u_spec, s_spec,
            pl.BlockSpec((D, D), lambda i: (0, 0)),
            pl.BlockSpec((1, D), lambda i: (0, 0)),
            pl.BlockSpec((1, D), lambda i: (0, 0)),
        ],
        out_specs=pl.BlockSpec((1, 2), lambda i: (0, 0)),
        out_shape=jax.ShapeDtypeStruct((1, 2), jnp.float32),
        scratch_shapes=[pltpu.VMEM((1, 2), jnp.float32)],
    )(u, s_, W_s1, b2d, ws2t)
    return pl.pallas_call(
        _combine_body,
        grid=(GRID,),
        in_specs=[u_spec, s_spec, pl.BlockSpec((1, 2), lambda i: (0, 0))],
        out_specs=pl.BlockSpec((BLK, D), lambda i: (i, 0)),
        out_shape=jax.ShapeDtypeStruct((N, D), jnp.float32),
    )(u, s_, w)


def kernel(x, edge_index_mp0, edge_index_mp1, W_proj, W_fc0, attn_l0,
           attn_r0, W_fc1, attn_l1, attn_r1, W_s1, b_s1, W_s2):
    zs, elr, gmax = _dense_pre(x, W_proj, W_fc0, W_fc1,
                               attn_l0, attn_r0, attn_l1, attn_r1)
    zu = jnp.zeros((N, D), jnp.float32)
    ed = jnp.stack([edge_index_mp0, edge_index_mp1])
    ed = ed.reshape(2, 2, NTILE, EPT)
    u, s_ = _sc_gat(zs, ed, elr.reshape(2, 2 * N), gmax, zu)
    return _combine(u, s_, W_s1, b_s1, W_s2)

# --- scband reference (transcript-rebuilt; emitter-appended) ---
"""Pipeline reference for scband-hanlayer-25606595019110 (READ-ONLY COPY).

The authoritative reference and input builder live on the scoring server;
editing this copy changes nothing except your own understanding.
"""

import jax, jax.numpy as jnp
import numpy as np

N = 10000
E = 320000
D_FEAT = 128
HID = 128
OUT = 128
H = 1


def setup_inputs(seed: int = 0) -> dict:
    key = jax.random.key(seed)
    ks = jax.random.split(key, 16)
    inp = {}
    inp["x"] = jax.random.normal(ks[0], (N, D_FEAT), dtype=jnp.float32)
    inp["edge_index_mp0"] = jax.random.randint(ks[1], (2, E), 0, N, dtype=jnp.int32)
    inp["edge_index_mp1"] = jax.random.randint(ks[2], (2, E), 0, N, dtype=jnp.int32)
    # learned params
    inp["W_proj"] = jax.random.normal(ks[3], (D_FEAT, HID), dtype=jnp.float32) * (1.0 / np.sqrt(D_FEAT))
    inp["W_fc0"] = jax.random.normal(ks[4], (HID, H * OUT), dtype=jnp.float32) * (1.0 / np.sqrt(HID))
    inp["attn_l0"] = jax.random.normal(ks[5], (H, OUT), dtype=jnp.float32) * 0.1
    inp["attn_r0"] = jax.random.normal(ks[6], (H, OUT), dtype=jnp.float32) * 0.1
    inp["W_fc1"] = jax.random.normal(ks[7], (HID, H * OUT), dtype=jnp.float32) * (1.0 / np.sqrt(HID))
    inp["attn_l1"] = jax.random.normal(ks[8], (H, OUT), dtype=jnp.float32) * 0.1
    inp["attn_r1"] = jax.random.normal(ks[9], (H, OUT), dtype=jnp.float32) * 0.1
    inp["W_s1"] = jax.random.normal(ks[10], (H * OUT, HID), dtype=jnp.float32) * (1.0 / np.sqrt(H * OUT))
    inp["b_s1"] = jnp.zeros((HID,), dtype=jnp.float32)
    inp["W_s2"] = jax.random.normal(ks[11], (HID, 1), dtype=jnp.float32) * (1.0 / np.sqrt(HID))
    return inp


def _gat_conv(h, src, dst, W_fc, a_l, a_r):
    # DGL-style GATConv with elu activation, allow_zero_in_degree
    z = (h @ W_fc).reshape(N, H, OUT)
    el = jnp.sum(z * a_l[None, :, :], axis=-1)  # [N, H]
    er = jnp.sum(z * a_r[None, :, :], axis=-1)  # [N, H]
    e = jax.nn.leaky_relu(el[src] + er[dst], negative_slope=0.2)  # [E, H]
    # edge softmax over incoming edges per dst node
    m = jax.ops.segment_max(jax.lax.stop_gradient(e), dst, num_segments=N)
    m = jnp.where(jnp.isfinite(m), m, 0.0)
    a = jnp.exp(e - m[dst])
    s = jax.ops.segment_sum(a, dst, num_segments=N)
    alpha = a / (s[dst] + 1e-9)
    msg = alpha[:, :, None] * z[src]  # [E, H, OUT]
    out = jax.ops.segment_sum(msg, dst, num_segments=N)  # [N, H, OUT]
    z_out = jax.nn.elu(out)
    return z_out.reshape(N, H * OUT)


def _semantic_w(z, W_s1, b_s1, W_s2):
    w = jnp.tanh(z @ W_s1 + b_s1) @ W_s2  # [N, 1]
    return jnp.mean(w, axis=0)  # [1]


def reference(x, edge_index_mp0, edge_index_mp1, W_proj, W_fc0, attn_l0, attn_r0,
              W_fc1, attn_l1, attn_r1, W_s1, b_s1, W_s2):
    # project node features (single node type)
    h = x @ W_proj  # [N, HID]
    # node-level attention per meta-path
    z0 = _gat_conv(h, edge_index_mp0[0], edge_index_mp0[1], W_fc0, attn_l0, attn_r0)
    z1 = _gat_conv(h, edge_index_mp1[0], edge_index_mp1[1], W_fc1, attn_l1, attn_r1)
    # semantic-level attention
    w0 = _semantic_w(z0, W_s1, b_s1, W_s2)
    w1 = _semantic_w(z1, W_s1, b_s1, W_s2)
    w = jnp.stack([w0, w1], axis=0)  # [2, 1]
    beta = jax.nn.softmax(w, axis=0)  # [2, 1]
    emb = jnp.stack([z0, z1], axis=1)  # [N, 2, H*OUT]
    out = jnp.sum(beta[None, :, :] * emb, axis=1)  # [N, H*OUT]
    return out

if __name__ == "__main__":
    import jax
    _d = setup_inputs()
    print(jax.jit(kernel)(*tuple(_d.values())))

</pallas_src>

<mosaic_0001>
#map = affine_map<(d0, d1) -> (0, 0, 0)>
#map1 = affine_map<(d0, d1) -> (0, 0, 0, 0)>
#map2 = affine_map<(d0, d1) -> (0, 0)>
module attributes {stable_mosaic.version = 14 : i64} {
  func.func @_sc_body(%arg0: i32, %arg1: i32, %arg2: memref<2x10000x128xf32, #tpu.memory_space<hbm>>, %arg3: memref<2x2x16x20000xi32, #tpu.memory_space<hbm>>, %arg4: memref<2x20000xf32, #tpu.memory_space<hbm>>, %arg5: memref<2x16xf32, #tpu.memory_space<hbm>>, %arg6: memref<10000x128xf32, #tpu.memory_space<hbm>>, %arg7: memref<2x10000x128xf32, #tpu.memory_space<hbm>>, %arg8: memref<2x10000x8xf32, #tpu.memory_space<hbm>>, %arg9: memref<16xf32, #tpu.memory_space<vmem>>, %arg10: memref<80xf32, #tpu.memory_space<vmem>>, %arg11: memref<20000xf32, #tpu.memory_space<vmem>>, %arg12: memref<80xi32, #tpu.memory_space<vmem>>, %arg13: memref<80xi32, #tpu.memory_space<vmem>>, %arg14: memref<80xi32, #tpu.memory_space<vmem>>, %arg15: memref<80xi32, #tpu.memory_space<vmem>>, %arg16: memref<80x128xf32, #tpu.memory_space<vmem>>, %arg17: memref<80x128xf32, #tpu.memory_space<vmem>>, %arg18: memref<80x8xf32, #tpu.memory_space<vmem>>, %arg19: memref<80x8xf32, #tpu.memory_space<vmem>>, %arg20: memref<160xi32, #tpu.memory_space<vmem>>, %arg21: memref<160xi32, #tpu.memory_space<vmem>>, %arg22: memref<160xi32, #tpu.memory_space<vmem>>, %arg23: memref<160xi32, #tpu.memory_space<vmem>>, %arg24: memref<10000x128xf32, #tpu.memory_space<vmem_shared>>, %arg25: memref<10000x8xf32, #tpu.memory_space<vmem_shared>>, %arg26: memref<!tpu.dma_semaphore, #tpu.memory_space<semaphore_mem>>, %arg27: memref<!tpu.dma_semaphore, #tpu.memory_space<semaphore_mem>>, %arg28: memref<!tpu.dma_semaphore, #tpu.memory_space<semaphore_mem>>, %arg29: memref<!tpu.dma_semaphore, #tpu.memory_space<semaphore_mem>>, %arg30: memref<!tpu.dma_semaphore, #tpu.memory_space<semaphore_mem>>, %arg31: memref<!tpu.dma_semaphore, #tpu.memory_space<semaphore_mem>>, %arg32: memref<!tpu.dma_semaphore, #tpu.memory_space<semaphore_mem>>, %arg33: memref<!tpu.dma_semaphore, #tpu.memory_space<semaphore_mem>>) attributes {dimension_semantics = [#tpu.dimension_semantics<core_parallel>, #tpu.dimension_semantics<subcore_parallel>], iteration_bounds = array<i64: 2, 16>, scalar_prefetch = 0 : i64, scratch_operands = 25 : i64, tpu.core_type = #tpu.core_type<sc_vector_subcore>, window_params = [{transform_indices = #map}, {transform_indices = #map1}, {transform_indices = #map2}, {transform_indices = #map2}, {transform_indices = #map2}, {transform_indices = #map}, {transform_indices = #map}]} {
    %mul3A = arith.constant 625 : i32
    %mul3A_0 = arith.muli %arg1, %mul3A : i32
    "tpu.region"() ({
      %run_scoped3A = tpu.sem_alloc : memref<!tpu.dma_semaphore, #tpu.memory_space<semaphore_mem>>
      %dma_start3A_386 = arith.constant 0 : i32
      %dma_start3A_387 = tpu.memref_slice %arg5[%arg0, %dma_start3A_386] : memref<2x16xf32, #tpu.memory_space<hbm>> -> memref<1x16xf32, #tpu.memory_space<hbm>>
      %dma_start3A_388 = tpu.memref_squeeze %dma_start3A_387 : memref<1x16xf32, #tpu.memory_space<hbm>> -> memref<16xf32, #tpu.memory_space<hbm>>
      %dma_start3A_389 = arith.constant 0 : i32
      %dma_start3A_390 = tpu.memref_slice %arg5[%arg0, %dma_start3A_389] : memref<2x16xf32, #tpu.memory_space<hbm>> -> memref<1x16xf32, #tpu.memory_space<hbm>>
      %dma_start3A_391 = tpu.memref_squeeze %dma_start3A_390 : memref<1x16xf32, #tpu.memory_space<hbm>> -> memref<16xf32, #tpu.memory_space<hbm>>
      tpu.enqueue_dma source(%dma_start3A_391 : memref<16xf32, #tpu.memory_space<hbm>>) target(%arg9 : memref<16xf32, #tpu.memory_space<vmem>>) target_semaphore(%run_scoped3A : memref<!tpu.dma_semaphore, #tpu.memory_space<semaphore_mem>>)
      %dma_wait3A_392 = arith.constant 0 : i32
      %dma_wait3A_393 = tpu.memref_slice %arg5[%arg0, %dma_wait3A_392] : memref<2x16xf32, #tpu.memory_space<hbm>> -> memref<1x16xf32, #tpu.memory_space<hbm>>
      %dma_wait3A_394 = tpu.memref_squeeze %dma_wait3A_393 : memref<1x16xf32, #tpu.memory_space<hbm>> -> memref<16xf32, #tpu.memory_space<hbm>>
      %dma_wait3A_395 = arith.constant 0 : i32
      %dma_wait3A_396 = tpu.memref_slice %arg5[%arg0, %dma_wait3A_395] : memref<2x16xf32, #tpu.memory_space<hbm>> -> memref<1x16xf32, #tpu.memory_space<hbm>>
      %dma_wait3A_397 = tpu.memref_squeeze %dma_wait3A_396 : memref<1x16xf32, #tpu.memory_space<hbm>> -> memref<16xf32, #tpu.memory_space<hbm>>
      tpu.wait_dma2 semaphore(%run_scoped3A : memref<!tpu.dma_semaphore, #tpu.memory_space<semaphore_mem>>) src(%dma_wait3A_397 : memref<16xf32, #tpu.memory_space<hbm>>) dst(%arg9 : memref<16xf32, #tpu.memory_space<vmem>>)
      tpu.yield
    }) : () -> ()
    "tpu.region"() ({
      %run_scoped3A = tpu.sem_alloc : memref<!tpu.dma_semaphore, #tpu.memory_space<semaphore_mem>>
      %dma_start3A_386 = arith.constant 0 : i32
      %dma_start3A_387 = tpu.memref_slice %arg4[%arg0, %dma_start3A_386] : memref<2x20000xf32, #tpu.memory_space<hbm>> -> memref<1x20000xf32, #tpu.memory_space<hbm>>
      %dma_start3A_388 = tpu.memref_squeeze %dma_start3A_387 : memref<1x20000xf32, #tpu.memory_space<hbm>> -> memref<20000xf32, #tpu.memory_space<hbm>>
      %dma_start3A_389 = arith.constant 0 : i32
      %dma_start3A_390 = tpu.memref_slice %arg4[%arg0, %dma_start3A_389] : memref<2x20000xf32, #tpu.memory_space<hbm>> -> memref<1x20000xf32, #tpu.memory_space<hbm>>
      %dma_start3A_391 = tpu.memref_squeeze %dma_start3A_390 : memref<1x20000xf32, #tpu.memory_space<hbm>> -> memref<20000xf32, #tpu.memory_space<hbm>>
      tpu.enqueue_dma source(%dma_start3A_391 : memref<20000xf32, #tpu.memory_space<hbm>>) target(%arg11 : memref<20000xf32, #tpu.memory_space<vmem>>) target_semaphore(%run_scoped3A : memref<!tpu.dma_semaphore, #tpu.memory_space<semaphore_mem>>)
      %dma_wait3A_392 = arith.constant 0 : i32
      %dma_wait3A_393 = tpu.memref_slice %arg4[%arg0, %dma_wait3A_392] : memref<2x20000xf32, #tpu.memory_space<hbm>> -> memref<1x20000xf32, #tpu.memory_space<hbm>>
      %dma_wait3A_394 = tpu.memref_squeeze %dma_wait3A_393 : memref<1x20000xf32, #tpu.memory_space<hbm>> -> memref<20000xf32, #tpu.memory_space<hbm>>
      %dma_wait3A_395 = arith.constant 0 : i32
      %dma_wait3A_396 = tpu.memref_slice %arg4[%arg0, %dma_wait3A_395] : memref<2x20000xf32, #tpu.memory_space<hbm>> -> memref<1x20000xf32, #tpu.memory_space<hbm>>
      %dma_wait3A_397 = tpu.memref_squeeze %dma_wait3A_396 : memref<1x20000xf32, #tpu.memory_space<hbm>> -> memref<20000xf32, #tpu.memory_space<hbm>>
      tpu.wait_dma2 semaphore(%run_scoped3A : memref<!tpu.dma_semaphore, #tpu.memory_space<semaphore_mem>>) src(%dma_wait3A_397 : memref<20000xf32, #tpu.memory_space<hbm>>) dst(%arg11 : memref<20000xf32, #tpu.memory_space<vmem>>)
      tpu.yield
    }) : () -> ()
    "tpu.region"() ({
      %run_scoped3A = tpu.sem_alloc : memref<!tpu.dma_semaphore, #tpu.memory_space<semaphore_mem>>
      %dma_start3A_386 = arith.constant 0 : i32
      %dma_start3A_387 = tpu.memref_slice %arg24[%mul3A_0, %dma_start3A_386] : memref<10000x128xf32, #tpu.memory_space<vmem_shared>> -> memref<625x128xf32, #tpu.memory_space<vmem_shared>>
      %dma_start3A_388 = arith.constant 0 : i32
      %dma_start3A_389 = tpu.memref_slice %arg6[%mul3A_0, %dma_start3A_388] : memref<10000x128xf32, #tpu.memory_space<hbm>> -> memref<625x128xf32, #tpu.memory_space<hbm>>
      tpu.enqueue_dma source(%dma_start3A_389 : memref<625x128xf32, #tpu.memory_space<hbm>>) target(%dma_start3A_387 : memref<625x128xf32, #tpu.memory_space<vmem_shared>>) target_semaphore(%run_scoped3A : memref<!tpu.dma_semaphore, #tpu.memory_space<semaphore_mem>>)
      %dma_wait3A_390 = arith.constant 0 : i32
      %dma_wait3A_391 = tpu.memref_slice %arg24[%mul3A_0, %dma_wait3A_390] : memref<10000x128xf32, #tpu.memory_space<vmem_shared>> -> memref<625x128xf32, #tpu.memory_space<vmem_shared>>
      %dma_wait3A_392 = arith.constant 0 : i32
      %dma_wait3A_393 = tpu.memref_slice %arg6[%mul3A_0, %dma_wait3A_392] : memref<10000x128xf32, #tpu.memory_space<hbm>> -> memref<625x128xf32, #tpu.memory_space<hbm>>
      tpu.wait_dma2 semaphore(%run_scoped3A : memref<!tpu.dma_semaphore, #tpu.memory_space<semaphore_mem>>) src(%dma_wait3A_393 : memref<625x128xf32, #tpu.memory_space<hbm>>) dst(%dma_wait3A_391 : memref<625x128xf32, #tpu.memory_space<vmem_shared>>)
      tpu.yield
    }) : () -> ()
    "tpu.region"() ({
      %run_scoped3A = tpu.sem_alloc : memref<!tpu.dma_semaphore, #tpu.memory_space<semaphore_mem>>
      %dma_start3A_386 = arith.constant 0 : i32
      %dma_start3A_387 = tpu.memref_slice %arg25[%mul3A_0, %dma_start3A_386] : memref<10000x8xf32, #tpu.memory_space<vmem_shared>> -> memref<625x8xf32, #tpu.memory_space<vmem_shared>>
      %dma_start3A_388 = arith.constant 0 : i32
      %dma_start3A_389 = tpu.memref_slice %arg6[%mul3A_0, %dma_start3A_388] : memref<10000x128xf32, #tpu.memory_space<hbm>> -> memref<625x8xf32, #tpu.memory_space<hbm>>
      tpu.enqueue_dma source(%dma_start3A_389 : memref<625x8xf32, #tpu.memory_space<hbm>>) target(%dma_start3A_387 : memref<625x8xf32, #tpu.memory_space<vmem_shared>>) target_semaphore(%run_scoped3A : memref<!tpu.dma_semaphore, #tpu.memory_space<semaphore_mem>>)
      %dma_wait3A_390 = arith.constant 0 : i32
      %dma_wait3A_391 = tpu.memref_slice %arg25[%mul3A_0, %dma_wait3A_390] : memref<10000x8xf32, #tpu.memory_space<vmem_shared>> -> memref<625x8xf32, #tpu.memory_space<vmem_shared>>
      %dma_wait3A_392 = arith.constant 0 : i32
      %dma_wait3A_393 = tpu.memref_slice %arg6[%mul3A_0, %dma_wait3A_392] : memref<10000x128xf32, #tpu.memory_space<hbm>> -> memref<625x8xf32, #tpu.memory_space<hbm>>
      tpu.wait_dma2 semaphore(%run_scoped3A : memref<!tpu.dma_semaphore, #tpu.memory_space<semaphore_mem>>) src(%dma_wait3A_393 : memref<625x8xf32, #tpu.memory_space<hbm>>) dst(%dma_wait3A_391 : memref<625x8xf32, #tpu.memory_space<vmem_shared>>)
      tpu.yield
    }) : () -> ()
    "tpu.region"() ({
      %run_scoped3A = tpu.sem_alloc : memref<!tpu.dma_semaphore, #tpu.memory_space<semaphore_mem>>
      %dma_start3A_386 = arith.constant 0 : i32
      %dma_start3A_387 = arith.constant 0 : i32
      %dma_start3A_388 = tpu.memref_slice %arg6[%dma_start3A_386, %dma_start3A_387] : memref<10000x128xf32, #tpu.memory_space<hbm>> -> memref<80x8xf32, #tpu.memory_space<hbm>>
      %dma_start3A_389 = arith.constant 0 : i32
      %dma_start3A_390 = arith.constant 0 : i32
      %dma_start3A_391 = tpu.memref_slice %arg6[%dma_start3A_389, %dma_start3A_390] : memref<10000x128xf32, #tpu.memory_space<hbm>> -> memref<80x8xf32, #tpu.memory_space<hbm>>
      tpu.enqueue_dma source(%dma_start3A_391 : memref<80x8xf32, #tpu.memory_space<hbm>>) target(%arg18 : memref<80x8xf32, #tpu.memory_space<vmem>>) target_semaphore(%run_scoped3A : memref<!tpu.dma_semaphore, #tpu.memory_space<semaphore_mem>>)
      %dma_wait3A_392 = arith.constant 0 : i32
      %dma_wait3A_393 = arith.constant 0 : i32
      %dma_wait3A_394 = tpu.memref_slice %arg6[%dma_wait3A_392, %dma_wait3A_393] : memref<10000x128xf32, #tpu.memory_space<hbm>> -> memref<80x8xf32, #tpu.memory_space<hbm>>
      %dma_wait3A_395 = arith.constant 0 : i32
      %dma_wait3A_396 = arith.constant 0 : i32
      %dma_wait3A_397 = tpu.memref_slice %arg6[%dma_wait3A_395, %dma_wait3A_396] : memref<10000x128xf32, #tpu.memory_space<hbm>> -> memref<80x8xf32, #tpu.memory_space<hbm>>
      tpu.wait_dma2 semaphore(%run_scoped3A : memref<!tpu.dma_semaphore, #tpu.memory_space<semaphore_mem>>) src(%dma_wait3A_397 : memref<80x8xf32, #tpu.memory_space<hbm>>) dst(%arg18 : memref<80x8xf32, #tpu.memory_space<vmem>>)
      tpu.yield
    }) : () -> ()
    "tpu.region"() ({
      %run_scoped3A = tpu.sem_alloc : memref<!tpu.dma_semaphore, #tpu.memory_space<semaphore_mem>>
      %dma_start3A_386 = arith.constant 0 : i32
      %dma_start3A_387 = arith.constant 0 : i32
      %dma_start3A_388 = tpu.memref_slice %arg6[%dma_start3A_386, %dma_start3A_387] : memref<10000x128xf32, #tpu.memory_space<hbm>> -> memref<80x8xf32, #tpu.memory_space<hbm>>
      %dma_start3A_389 = arith.constant 0 : i32
      %dma_start3A_390 = arith.constant 0 : i32
      %dma_start3A_391 = tpu.memref_slice %arg6[%dma_start3A_389, %dma_start3A_390] : memref<10000x128xf32, #tpu.memory_space<hbm>> -> memref<80x8xf32, #tpu.memory_space<hbm>>
      tpu.enqueue_dma source(%dma_start3A_391 : memref<80x8xf32, #tpu.memory_space<hbm>>) target(%arg19 : memref<80x8xf32, #tpu.memory_space<vmem>>) target_semaphore(%run_scoped3A : memref<!tpu.dma_semaphore, #tpu.memory_space<semaphore_mem>>)
      %dma_wait3A_392 = arith.constant 0 : i32
      %dma_wait3A_393 = arith.constant 0 : i32
      %dma_wait3A_394 = tpu.memref_slice %arg6[%dma_wait3A_392, %dma_wait3A_393] : memref<10000x128xf32, #tpu.memory_space<hbm>> -> memref<80x8xf32, #tpu.memory_space<hbm>>
      %dma_wait3A_395 = arith.constant 0 : i32
      %dma_wait3A_396 = arith.constant 0 : i32
      %dma_wait3A_397 = tpu.memref_slice %arg6[%dma_wait3A_395, %dma_wait3A_396] : memref<10000x128xf32, #tpu.memory_space<hbm>> -> memref<80x8xf32, #tpu.memory_space<hbm>>
      tpu.wait_dma2 semaphore(%run_scoped3A : memref<!tpu.dma_semaphore, #tpu.memory_space<semaphore_mem>>) src(%dma_wait3A_397 : memref<80x8xf32, #tpu.memory_space<hbm>>) dst(%arg19 : memref<80x8xf32, #tpu.memory_space<vmem>>)
      tpu.yield
    }) : () -> ()
    %get3A = arith.constant 0 : index
    %get3A_1 = tpu.vector_load %arg9[%get3A] {strides = array<i32>} : memref<16xf32, #tpu.memory_space<vmem>>, vector<16xf32>,
    %iota3A = tpu.iota {dimensions = array<i32: 0>} : vector<16xi32>
    %broadcast_in_dim3A = arith.constant 0 : i32
    %broadcast_in_dim3A_2 = vector.broadcast %broadcast_in_dim3A : i32 to vector<16xi32>
    %add3A = arith.constant 1 : i32
    %add3A_3 = vector.broadcast %add3A : i32 to vector<16xi32>
    %add3A_4 = arith.addi %broadcast_in_dim3A_2, %add3A_3 : vector<16xi32>
    %barrier3A = arith.constant 0 : index
    tpu.barrier barrier_id(%barrier3A)
    %dma_start3A = arith.constant 0 : i32
    %dma_start3A_5 = arith.constant 0 : i32
    %dma_start3A_6 = tpu.memref_slice %arg3[%arg0, %dma_start3A, %arg1, %dma_start3A_5] : memref<2x2x16x20000xi32, #tpu.memory_space<hbm>> -> memref<1x1x1x160xi32, #tpu.memory_space<hbm>>
    %dma_start3A_7 = tpu.memref_squeeze %dma_start3A_6 : memref<1x1x1x160xi32, #tpu.memory_space<hbm>> -> memref<160xi32, #tpu.memory_space<hbm>>
    %dma_start3A_8 = arith.constant 0 : i32
    %dma_start3A_9 = tpu.memref_slice %arg3[%arg0, %dma_start3A, %arg1, %dma_start3A_8] : memref<2x2x16x20000xi32, #tpu.memory_space<hbm>> -> memref<1x1x1x160xi32, #tpu.memory_space<hbm>>
    %dma_start3A_10 = tpu.memref_squeeze %dma_start3A_9 : memref<1x1x1x160xi32, #tpu.memory_space<hbm>> -> memref<160xi32, #tpu.memory_space<hbm>>
    tpu.enqueue_dma source(%dma_start3A_10 : memref<160xi32, #tpu.memory_space<hbm>>) target(%arg20 : memref<160xi32, #tpu.memory_space<vmem>>) target_semaphore(%arg26 : memref<!tpu.dma_semaphore, #tpu.memory_space<semaphore_mem>>)
    %dma_start3A_11 = arith.constant 1 : i32
    %dma_start3A_12 = arith.constant 0 : i32
    %dma_start3A_13 = tpu.memref_slice %arg3[%arg0, %dma_start3A_11, %arg1, %dma_start3A_12] : memref<2x2x16x20000xi32, #tpu.memory_space<hbm>> -> memref<1x1x1x160xi32, #tpu.memory_space<hbm>>
    %dma_start3A_14 = tpu.memref_squeeze %dma_start3A_13 : memref<1x1x1x160xi32, #tpu.memory_space<hbm>> -> memref<160xi32, #tpu.memory_space<hbm>>
    %dma_start3A_15 = arith.constant 0 : i32
    %dma_start3A_16 = tpu.memref_slice %arg3[%arg0, %dma_start3A_11, %arg1, %dma_start3A_15] : memref<2x2x16x20000xi32, #tpu.memory_space<hbm>> -> memref<1x1x1x160xi32, #tpu.memory_space<hbm>>
    %dma_start3A_17 = tpu.memref_squeeze %dma_start3A_16 : memref<1x1x1x160xi32, #tpu.memory_space<hbm>> -> memref<160xi32, #tpu.memory_space<hbm>>
    tpu.enqueue_dma source(%dma_start3A_17 : memref<160xi32, #tpu.memory_space<hbm>>) target(%arg22 : memref<160xi32, #tpu.memory_space<vmem>>) target_semaphore(%arg26 : memref<!tpu.dma_semaphore, #tpu.memory_space<semaphore_mem>>)
    %dma_wait3A = arith.constant 0 : i32
    %dma_wait3A_18 = arith.constant 0 : i32
    %dma_wait3A_19 = tpu.memref_slice %arg3[%arg0, %dma_wait3A, %arg1, %dma_wait3A_18] : memref<2x2x16x20000xi32, #tpu.memory_space<hbm>> -> memref<1x1x1x160xi32, #tpu.memory_space<hbm>>
    %dma_wait3A_20 = tpu.memref_squeeze %dma_wait3A_19 : memref<1x1x1x160xi32, #tpu.memory_space<hbm>> -> memref<160xi32, #tpu.memory_space<hbm>>
    %dma_wait3A_21 = arith.constant 0 : i32
    %dma_wait3A_22 = tpu.memref_slice %arg3[%arg0, %dma_wait3A, %arg1, %dma_wait3A_21] : memref<2x2x16x20000xi32, #tpu.memory_space<hbm>> -> memref<1x1x1x160xi32, #tpu.memory_space<hbm>>
    %dma_wait3A_23 = tpu.memref_squeeze %dma_wait3A_22 : memref<1x1x1x160xi32, #tpu.memory_space<hbm>> -> memref<160xi32, #tpu.memory_space<hbm>>
    tpu.wait_dma2 semaphore(%arg26 : memref<!tpu.dma_semaphore, #tpu.memory_space<semaphore_mem>>) src(%dma_wait3A_23 : memref<160xi32, #tpu.memory_space<hbm>>) dst(%arg20 : memref<160xi32, #tpu.memory_space<vmem>>)
    %dma_wait3A_24 = arith.constant 1 : i32
    %dma_wait3A_25 = arith.constant 0 : i32
    %dma_wait3A_26 = tpu.memref_slice %arg3[%arg0, %dma_wait3A_24, %arg1, %dma_wait3A_25] : memref<2x2x16x20000xi32, #tpu.memory_space<hbm>> -> memref<1x1x1x160xi32, #tpu.memory_space<hbm>>
    %dma_wait3A_27 = tpu.memref_squeeze %dma_wait3A_26 : memref<1x1x1x160xi32, #tpu.memory_space<hbm>> -> memref<160xi32, #tpu.memory_space<hbm>>
    %dma_wait3A_28 = arith.constant 0 : i32
    %dma_wait3A_29 = tpu.memref_slice %arg3[%arg0, %dma_wait3A_24, %arg1, %dma_wait3A_28] : memref<2x2x16x20000xi32, #tpu.memory_space<hbm>> -> memref<1x1x1x160xi32, #tpu.memory_space<hbm>>
    %dma_wait3A_30 = tpu.memref_squeeze %dma_wait3A_29 : memref<1x1x1x160xi32, #tpu.memory_space<hbm>> -> memref<160xi32, #tpu.memory_space<hbm>>
    tpu.wait_dma2 semaphore(%arg26 : memref<!tpu.dma_semaphore, #tpu.memory_space<semaphore_mem>>) src(%dma_wait3A_30 : memref<160xi32, #tpu.memory_space<hbm>>) dst(%arg22 : memref<160xi32, #tpu.memory_space<vmem>>)
    %get3A_31 = arith.constant 0 : index
    %get3A_32 = tpu.vector_load %arg20[%get3A_31] {strides = array<i32>} : memref<160xi32, #tpu.memory_space<vmem>>, vector<16xi32>,
    %swap3A = arith.constant 0 : index
    %swap3A_33 = tpu.vector_load %arg12[%swap3A] {strides = array<i32>} : memref<80xi32, #tpu.memory_space<vmem>>, vector<16xi32>,
    tpu.vector_store %arg12[%swap3A], %get3A_32 {strides = array<i32>} : memref<80xi32, #tpu.memory_space<vmem>>, vector<16xi32>,
    %get3A_34 = arith.constant 0 : index
    %get3A_35 = tpu.vector_load %arg22[%get3A_34] {strides = array<i32>} : memref<160xi32, #tpu.memory_space<vmem>>, vector<16xi32>,
    %swap3A_36 = arith.constant 0 : index
    %swap3A_37 = tpu.vector_load %arg14[%swap3A_36] {strides = array<i32>} : memref<80xi32, #tpu.memory_space<vmem>>, vector<16xi32>,
    tpu.vector_store %arg14[%swap3A_36], %get3A_35 {strides = array<i32>} : memref<80xi32, #tpu.memory_space<vmem>>, vector<16xi32>,
    %get3A_38 = arith.constant 16 : index
    %get3A_39 = tpu.vector_load %arg20[%get3A_38] {strides = array<i32>} : memref<160xi32, #tpu.memory_space<vmem>>, vector<16xi32>,
    %swap3A_40 = arith.constant 16 : index
    %swap3A_41 = tpu.vector_load %arg12[%swap3A_40] {strides = array<i32>} : memref<80xi32, #tpu.memory_space<vmem>>, vector<16xi32>,
    tpu.vector_store %arg12[%swap3A_40], %get3A_39 {strides = array<i32>} : memref<80xi32, #tpu.memory_space<vmem>>, vector<16xi32>,
    %get3A_42 = arith.constant 16 : index
    %get3A_43 = tpu.vector_load %arg22[%get3A_42] {strides = array<i32>} : memref<160xi32, #tpu.memory_space<vmem>>, vector<16xi32>,
    %swap3A_44 = arith.constant 16 : index
    %swap3A_45 = tpu.vector_load %arg14[%swap3A_44] {strides = array<i32>} : memref<80xi32, #tpu.memory_space<vmem>>, vector<16xi32>,
    tpu.vector_store %arg14[%swap3A_44], %get3A_43 {strides = array<i32>} : memref<80xi32, #tpu.memory_space<vmem>>, vector<16xi32>,
    %get3A_46 = arith.constant 32 : index
    %get3A_47 = tpu.vector_load %arg20[%get3A_46] {strides = array<i32>} : memref<160xi32, #tpu.memory_space<vmem>>, vector<16xi32>,
    %swap3A_48 = arith.constant 32 : index
    %swap3A_49 = tpu.vector_load %arg12[%swap3A_48] {strides = array<i32>} : memref<80xi32, #tpu.memory_space<vmem>>, vector<16xi32>,
    tpu.vector_store %arg12[%swap3A_48], %get3A_47 {strides = array<i32>} : memref<80xi32, #tpu.memory_space<vmem>>, vector<16xi32>,
    %get3A_50 = arith.constant 32 : index
    %get3A_51 = tpu.vector_load %arg22[%get3A_50] {strides = array<i32>} : memref<160xi32, #tpu.memory_space<vmem>>, vector<16xi32>,
    %swap3A_52 = arith.constant 32 : index
    %swap3A_53 = tpu.vector_load %arg14[%swap3A_52] {strides = array<i32>} : memref<80xi32, #tpu.memory_space<vmem>>, vector<16xi32>,
    tpu.vector_store %arg14[%swap3A_52], %get3A_51 {strides = array<i32>} : memref<80xi32, #tpu.memory_space<vmem>>, vector<16xi32>,
    %get3A_54 = arith.constant 48 : index
    %get3A_55 = tpu.vector_load %arg20[%get3A_54] {strides = array<i32>} : memref<160xi32, #tpu.memory_space<vmem>>, vector<16xi32>,
    %swap3A_56 = arith.constant 48 : index
    %swap3A_57 = tpu.vector_load %arg12[%swap3A_56] {strides = array<i32>} : memref<80xi32, #tpu.memory_space<vmem>>, vector<16xi32>,
    tpu.vector_store %arg12[%swap3A_56], %get3A_55 {strides = array<i32>} : memref<80xi32, #tpu.memory_space<vmem>>, vector<16xi32>,
    %get3A_58 = arith.constant 48 : index
    %get3A_59 = tpu.vector_load %arg22[%get3A_58] {strides = array<i32>} : memref<160xi32, #tpu.memory_space<vmem>>, vector<16xi32>,
    %swap3A_60 = arith.constant 48 : index
    %swap3A_61 = tpu.vector_load %arg14[%swap3A_60] {strides = array<i32>} : memref<80xi32, #tpu.memory_space<vmem>>, vector<16xi32>,
    tpu.vector_store %arg14[%swap3A_60], %get3A_59 {strides = array<i32>} : memref<80xi32, #tpu.memory_space<vmem>>, vector<16xi32>,
    %get3A_62 = arith.constant 64 : index
    %get3A_63 = tpu.vector_load %arg20[%get3A_62] {strides = array<i32>} : memref<160xi32, #tpu.memory_space<vmem>>, vector<16xi32>,
    %swap3A_64 = arith.constant 64 : index
    %swap3A_65 = tpu.vector_load %arg12[%swap3A_64] {strides = array<i32>} : memref<80xi32, #tpu.memory_space<vmem>>, vector<16xi32>,
    tpu.vector_store %arg12[%swap3A_64], %get3A_63 {strides = array<i32>} : memref<80xi32, #tpu.memory_space<vmem>>, vector<16xi32>,
    %get3A_66 = arith.constant 64 : index
    %get3A_67 = tpu.vector_load %arg22[%get3A_66] {strides = array<i32>} : memref<160xi32, #tpu.memory_space<vmem>>, vector<16xi32>,
    %swap3A_68 = arith.constant 64 : index
    %swap3A_69 = tpu.vector_load %arg14[%swap3A_68] {strides = array<i32>} : memref<80xi32, #tpu.memory_space<vmem>>, vector<16xi32>,
    tpu.vector_store %arg14[%swap3A_68], %get3A_67 {strides = array<i32>} : memref<80xi32, #tpu.memory_space<vmem>>, vector<16xi32>,
    %dma_start3A_70 = arith.constant 0 : i32
    %dma_start3A_71 = arith.constant 0 : i32
    %dma_start3A_72 = tpu.memref_slice %arg2[%arg0, %dma_start3A_70, %dma_start3A_71] : memref<2x10000x128xf32, #tpu.memory_space<hbm>> -> memref<1x10000x128xf32, #tpu.memory_space<hbm>>
    %dma_start3A_73 = tpu.memref_squeeze %dma_start3A_72 : memref<1x10000x128xf32, #tpu.memory_space<hbm>> -> memref<10000x128xf32, #tpu.memory_space<hbm>>
    %dma_start3A_74 = arith.constant 0 : i32
    %dma_start3A_75 = arith.constant 0 : i32
    %dma_start3A_76 = tpu.memref_slice %dma_start3A_73[%dma_start3A_74, %dma_start3A_75] : memref<10000x128xf32, #tpu.memory_space<hbm>> -> memref<10000x128xf32, #tpu.memory_space<hbm>>
    tpu.enqueue_indirect_dma source(%dma_start3A_76 : memref<10000x128xf32, #tpu.memory_space<hbm>>) target(%arg16 : memref<80x128xf32, #tpu.memory_space<vmem>>) offsets(%arg12 : memref<80xi32, #tpu.memory_space<vmem>>) semaphore(%arg28 : memref<!tpu.dma_semaphore, #tpu.memory_space<semaphore_mem>>)
    %scan3A = arith.constant 0 : i32
    %scan3A_77 = arith.constant 0 : i32
    %scan3A_78 = arith.constant 62 : i32
    %scan3A_79 = arith.addi %scan3A_77, %scan3A_78 : i32
    %scan3A_80 = arith.constant 1 : i32
    %scan3A_81 = scf.for %scan3A_386 = %scan3A_77 to %scan3A_79 step %scan3A_80 iter_args(%scan3A_387 = %scan3A) -> (i32)  : i32 {
      %mul3A_388 = arith.constant 4 : i32
      %mul3A_389 = arith.muli %mul3A_388, %scan3A_386 : i32
      %ge3A = arith.constant 1 : i32
      %ge3A_390 = arith.cmpi sge, %scan3A_386, %ge3A : i32
      %add3A_391 = arith.constant 2 : i32
      %add3A_392 = arith.addi %mul3A_389, %add3A_391 : i32
      %mul3A_393 = arith.constant 80 : i32
      %mul3A_394 = arith.muli %add3A_392, %mul3A_393 : i32
      %dma_start3A_395 = arith.constant 0 : i32
      %dma_start3A_396 = tpu.memref_slice %arg3[%arg0, %dma_start3A_395, %arg1, %mul3A_394] : memref<2x2x16x20000xi32, #tpu.memory_space<hbm>> -> memref<1x1x1x160xi32, #tpu.memory_space<hbm>>
      %dma_start3A_397 = tpu.memref_squeeze %dma_start3A_396 : memref<1x1x1x160xi32, #tpu.memory_space<hbm>> -> memref<160xi32, #tpu.memory_space<hbm>>
      %dma_start3A_398 = tpu.memref_slice %arg3[%arg0, %dma_start3A_395, %arg1, %mul3A_394] : memref<2x2x16x20000xi32, #tpu.memory_space<hbm>> -> memref<1x1x1x160xi32, #tpu.memory_space<hbm>>
      %dma_start3A_399 = tpu.memref_squeeze %dma_start3A_398 : memref<1x1x1x160xi32, #tpu.memory_space<hbm>> -> memref<160xi32, #tpu.memory_space<hbm>>
      tpu.enqueue_dma source(%dma_start3A_399 : memref<160xi32, #tpu.memory_space<hbm>>) target(%arg21 : memref<160xi32, #tpu.memory_space<vmem>>) target_semaphore(%arg27 : memref<!tpu.dma_semaphore, #tpu.memory_space<semaphore_mem>>)
      %dma_start3A_400 = arith.constant 1 : i32
      %dma_start3A_401 = tpu.memref_slice %arg3[%arg0, %dma_start3A_400, %arg1, %mul3A_394] : memref<2x2x16x20000xi32, #tpu.memory_space<hbm>> -> memref<1x1x1x160xi32, #tpu.memory_space<hbm>>
      %dma_start3A_402 = tpu.memref_squeeze %dma_start3A_401 : memref<1x1x1x160xi32, #tpu.memory_space<hbm>> -> memref<160xi32, #tpu.memory_space<hbm>>
      %dma_start3A_403 = tpu.memref_slice %arg3[%arg0, %dma_start3A_400, %arg1, %mul3A_394] : memref<2x2x16x20000xi32, #tpu.memory_space<hbm>> -> memref<1x1x1x160xi32, #tpu.memory_space<hbm>>
      %dma_start3A_404 = tpu.memref_squeeze %dma_start3A_403 : memref<1x1x1x160xi32, #tpu.memory_space<hbm>> -> memref<160xi32, #tpu.memory_space<hbm>>
      tpu.enqueue_dma source(%dma_start3A_404 : memref<160xi32, #tpu.memory_space<hbm>>) target(%arg23 : memref<160xi32, #tpu.memory_space<vmem>>) target_semaphore(%arg27 : memref<!tpu.dma_semaphore, #tpu.memory_space<semaphore_mem>>)
      %get3A_405 = arith.constant 0 : index
      %get3A_406 = tpu.vector_load %arg12[%get3A_405] {strides = array<i32>} : memref<80xi32, #tpu.memory_space<vmem>>, vector<16xi32>,
      %get3A_407 = arith.constant 0 : index
      %get3A_408 = tpu.vector_load %arg14[%get3A_407] {strides = array<i32>} : memref<80xi32, #tpu.memory_space<vmem>>, vector<16xi32>,
      %add3A_409 = arith.addi %get3A_406, %get3A_406 : vector<16xi32>
      %gather3A_410 = tpu.vector_load_idx %arg11[%add3A_409] : memref<20000xf32, #tpu.memory_space<vmem>>[vector<16xi32>], vector<16xf32>,
      %add3A_411 = arith.addi %get3A_408, %get3A_408 : vector<16xi32>
      %add3A_412 = arith.addi %add3A_411, %add3A_4 : vector<16xi32>
      %gather3A_413 = tpu.vector_load_idx %arg11[%add3A_412] : memref<20000xf32, #tpu.memory_space<vmem>>[vector<16xi32>], vector<16xf32>,
      %add3A_414 = arith.addf %gather3A_410, %gather3A_413 : vector<16xf32>
      %mul3A_415 = arith.constant 2.000000e-01 : f32
      %mul3A_416 = vector.broadcast %mul3A_415 : f32 to vector<16xf32>
      %mul3A_417 = arith.mulf %mul3A_416, %add3A_414 : vector<16xf32>
      %max3A_418 = arith.maximumf %add3A_414, %mul3A_417 : vector<16xf32>
      %sub3A_419 = arith.subf %max3A_418, %get3A_1 : vector<16xf32>
      %exp3A_420 = math.exp %sub3A_419 : vector<16xf32>
      %swap3A_421 = arith.constant 0 : index
      %swap3A_422 = tpu.vector_load %arg10[%swap3A_421] {strides = array<i32>} : memref<80xf32, #tpu.memory_space<vmem>>, vector<16xf32>,
      tpu.vector_store %arg10[%swap3A_421], %exp3A_420 {strides = array<i32>} : memref<80xf32, #tpu.memory_space<vmem>>, vector<16xf32>,
      %add3A_423 = arith.constant 0 : i32
      %add3A_424 = vector.broadcast %add3A_423 : i32 to vector<16xi32>
      %add3A_425 = arith.addi %iota3A, %add3A_424 : vector<16xi32>
      tpu.vector_store_idx %arg18[%add3A_425, %broadcast_in_dim3A_2], %exp3A_420 : memref<80x8xf32, #tpu.memory_space<vmem>>[vector<16xi32>, vector<16xi32>], vector<16xf32>,
      %get3A_426 = arith.constant 16 : index
      %get3A_427 = tpu.vector_load %arg12[%get3A_426] {strides = array<i32>} : memref<80xi32, #tpu.memory_space<vmem>>, vector<16xi32>,
      %get3A_428 = arith.constant 16 : index
      %get3A_429 = tpu.vector_load %arg14[%get3A_428] {strides = array<i32>} : memref<80xi32, #tpu.memory_space<vmem>>, vector<16xi32>,
      %add3A_430 = arith.addi %get3A_427, %get3A_427 : vector<16xi32>
      %gather3A_431 = tpu.vector_load_idx %arg11[%add3A_430] : memref<20000xf32, #tpu.memory_space<vmem>>[vector<16xi32>], vector<16xf32>,
      %add3A_432 = arith.addi %get3A_429, %get3A_429 : vector<16xi32>
      %add3A_433 = arith.addi %add3A_432, %add3A_4 : vector<16xi32>
      %gather3A_434 = tpu.vector_load_idx %arg11[%add3A_433] : memref<20000xf32, #tpu.memory_space<vmem>>[vector<16xi32>], vector<16xf32>,
      %add3A_435 = arith.addf %gather3A_431, %gather3A_434 : vector<16xf32>
      %mul3A_436 = arith.constant 2.000000e-01 : f32
      %mul3A_437 = vector.broadcast %mul3A_436 : f32 to vector<16xf32>
      %mul3A_438 = arith.mulf %mul3A_437, %add3A_435 : vector<16xf32>
      %max3A_439 = arith.maximumf %add3A_435, %mul3A_438 : vector<16xf32>
      %sub3A_440 = arith.subf %max3A_439, %get3A_1 : vector<16xf32>
      %exp3A_441 = math.exp %sub3A_440 : vector<16xf32>
      %swap3A_442 = arith.constant 16 : index
      %swap3A_443 = tpu.vector_load %arg10[%swap3A_442] {strides = array<i32>} : memref<80xf32, #tpu.memory_space<vmem>>, vector<16xf32>,
      tpu.vector_store %arg10[%swap3A_442], %exp3A_441 {strides = array<i32>} : memref<80xf32, #tpu.memory_space<vmem>>, vector<16xf32>,
      %add3A_444 = arith.constant 16 : i32
      %add3A_445 = vector.broadcast %add3A_444 : i32 to vector<16xi32>
      %add3A_446 = arith.addi %iota3A, %add3A_445 : vector<16xi32>
      tpu.vector_store_idx %arg18[%add3A_446, %broadcast_in_dim3A_2], %exp3A_441 : memref<80x8xf32, #tpu.memory_space<vmem>>[vector<16xi32>, vector<16xi32>], vector<16xf32>,
      %get3A_447 = arith.constant 32 : index
      %get3A_448 = tpu.vector_load %arg12[%get3A_447] {strides = array<i32>} : memref<80xi32, #tpu.memory_space<vmem>>, vector<16xi32>,
      %get3A_449 = arith.constant 32 : index
      %get3A_450 = tpu.vector_load %arg14[%get3A_449] {strides = array<i32>} : memref<80xi32, #tpu.memory_space<vmem>>, vector<16xi32>,
      %add3A_451 = arith.addi %get3A_448, %get3A_448 : vector<16xi32>
      %gather3A_452 = tpu.vector_load_idx %arg11[%add3A_451] : memref<20000xf32, #tpu.memory_space<vmem>>[vector<16xi32>], vector<16xf32>,
      %add3A_453 = arith.addi %get3A_450, %get3A_450 : vector<16xi32>
      %add3A_454 = arith.addi %add3A_453, %add3A_4 : vector<16xi32>
      %gather3A_455 = tpu.vector_load_idx %arg11[%add3A_454] : memref<20000xf32, #tpu.memory_space<vmem>>[vector<16xi32>], vector<16xf32>,
      %add3A_456 = arith.addf %gather3A_452, %gather3A_455 : vector<16xf32>
      %mul3A_457 = arith.constant 2.000000e-01 : f32
      %mul3A_458 = vector.broadcast %mul3A_457 : f32 to vector<16xf32>
      %mul3A_459 = arith.mulf %mul3A_458, %add3A_456 : vector<16xf32>
      %max3A_460 = arith.maximumf %add3A_456, %mul3A_459 : vector<16xf32>
      %sub3A_461 = arith.subf %max3A_460, %get3A_1 : vector<16xf32>
      %exp3A_462 = math.exp %sub3A_461 : vector<16xf32>
      %swap3A_463 = arith.constant 32 : index
      %swap3A_464 = tpu.vector_load %arg10[%swap3A_463] {strides = array<i32>} : memref<80xf32, #tpu.memory_space<vmem>>, vector<16xf32>,
      tpu.vector_store %arg10[%swap3A_463], %exp3A_462 {strides = array<i32>} : memref<80xf32, #tpu.memory_space<vmem>>, vector<16xf32>,
      %add3A_465 = arith.constant 32 : i32
      %add3A_466 = vector.broadcast %add3A_465 : i32 to vector<16xi32>
      %add3A_467 = arith.addi %iota3A, %add3A_466 : vector<16xi32>
      tpu.vector_store_idx %arg18[%add3A_467, %broadcast_in_dim3A_2], %exp3A_462 : memref<80x8xf32, #tpu.memory_space<vmem>>[vector<16xi32>, vector<16xi32>], vector<16xf32>,
      %get3A_468 = arith.constant 48 : index
      %get3A_469 = tpu.vector_load %arg12[%get3A_468] {strides = array<i32>} : memref<80xi32, #tpu.memory_space<vmem>>, vector<16xi32>,
      %get3A_470 = arith.constant 48 : index
      %get3A_471 = tpu.vector_load %arg14[%get3A_470] {strides = array<i32>} : memref<80xi32, #tpu.memory_space<vmem>>, vector<16xi32>,
      %add3A_472 = arith.addi %get3A_469, %get3A_469 : vector<16xi32>
      %gather3A_473 = tpu.vector_load_idx %arg11[%add3A_472] : memref<20000xf32, #tpu.memory_space<vmem>>[vector<16xi32>], vector<16xf32>,
      %add3A_474 = arith.addi %get3A_471, %get3A_471 : vector<16xi32>
      %add3A_475 = arith.addi %add3A_474, %add3A_4 : vector<16xi32>
      %gather3A_476 = tpu.vector_load_idx %arg11[%add3A_475] : memref<20000xf32, #tpu.memory_space<vmem>>[vector<16xi32>], vector<16xf32>,
      %add3A_477 = arith.addf %gather3A_473, %gather3A_476 : vector<16xf32>
      %mul3A_478 = arith.constant 2.000000e-01 : f32
      %mul3A_479 = vector.broadcast %mul3A_478 : f32 to vector<16xf32>
      %mul3A_480 = arith.mulf %mul3A_479, %add3A_477 : vector<16xf32>
      %max3A_481 = arith.maximumf %add3A_477, %mul3A_480 : vector<16xf32>
      %sub3A_482 = arith.subf %max3A_481, %get3A_1 : vector<16xf32>
      %exp3A_483 = math.exp %sub3A_482 : vector<16xf32>
      %swap3A_484 = arith.constant 48 : index
      %swap3A_485 = tpu.vector_load %arg10[%swap3A_484] {strides = array<i32>} : memref<80xf32, #tpu.memory_space<vmem>>, vector<16xf32>,
      tpu.vector_store %arg10[%swap3A_484], %exp3A_483 {strides = array<i32>} : memref<80xf32, #tpu.memory_space<vmem>>, vector<16xf32>,
      %add3A_486 = arith.constant 48 : i32
      %add3A_487 = vector.broadcast %add3A_486 : i32 to vector<16xi32>
      %add3A_488 = arith.addi %iota3A, %add3A_487 : vector<16xi32>
      tpu.vector_store_idx %arg18[%add3A_488, %broadcast_in_dim3A_2], %exp3A_483 : memref<80x8xf32, #tpu.memory_space<vmem>>[vector<16xi32>, vector<16xi32>], vector<16xf32>,
      %get3A_489 = arith.constant 64 : index
      %get3A_490 = tpu.vector_load %arg12[%get3A_489] {strides = array<i32>} : memref<80xi32, #tpu.memory_space<vmem>>, vector<16xi32>,
      %get3A_491 = arith.constant 64 : index
      %get3A_492 = tpu.vector_load %arg14[%get3A_491] {strides = array<i32>} : memref<80xi32, #tpu.memory_space<vmem>>, vector<16xi32>,
      %add3A_493 = arith.addi %get3A_490, %get3A_490 : vector<16xi32>
      %gather3A_494 = tpu.vector_load_idx %arg11[%add3A_493] : memref<20000xf32, #tpu.memory_space<vmem>>[vector<16xi32>], vector<16xf32>,
      %add3A_495 = arith.addi %get3A_492, %get3A_492 : vector<16xi32>
      %add3A_496 = arith.addi %add3A_495, %add3A_4 : vector<16xi32>
      %gather3A_497 = tpu.vector_load_idx %arg11[%add3A_496] : memref<20000xf32, #tpu.memory_space<vmem>>[vector<16xi32>], vector<16xf32>,
      %add3A_498 = arith.addf %gather3A_494, %gather3A_497 : vector<16xf32>
      %mul3A_499 = arith.constant 2.000000e-01 : f32
      %mul3A_500 = vector.broadcast %mul3A_499 : f32 to vector<16xf32>
      %mul3A_501 = arith.mulf %mul3A_500, %add3A_498 : vector<16xf32>
      %max3A_502 = arith.maximumf %add3A_498, %mul3A_501 : vector<16xf32>
      %sub3A_503 = arith.subf %max3A_502, %get3A_1 : vector<16xf32>
      %exp3A_504 = math.exp %sub3A_503 : vector<16xf32>
      %swap3A_505 = arith.constant 64 : index
      %swap3A_506 = tpu.vector_load %arg10[%swap3A_505] {strides = array<i32>} : memref<80xf32, #tpu.memory_space<vmem>>, vector<16xf32>,
      tpu.vector_store %arg10[%swap3A_505], %exp3A_504 {strides = array<i32>} : memref<80xf32, #tpu.memory_space<vmem>>, vector<16xf32>,
      %add3A_507 = arith.constant 64 : i32
      %add3A_508 = vector.broadcast %add3A_507 : i32 to vector<16xi32>
      %add3A_509 = arith.addi %iota3A, %add3A_508 : vector<16xi32>
      tpu.vector_store_idx %arg18[%add3A_509, %broadcast_in_dim3A_2], %exp3A_504 : memref<80x8xf32, #tpu.memory_space<vmem>>[vector<16xi32>, vector<16xi32>], vector<16xf32>,
      %convert_element_type3A = arith.extui %ge3A_390 : i1 to i32
      %cond3A = arith.constant 0 : i32
      %cond3A_510 = arith.cmpi ne, %convert_element_type3A, %cond3A : i32
      scf.if %cond3A_510 {
        %dma_wait3A_1145 = arith.constant 0 : i32
        %dma_wait3A_1146 = arith.constant 0 : i32
        %dma_wait3A_1147 = tpu.memref_slice %arg24[%dma_wait3A_1145, %dma_wait3A_1146] : memref<10000x128xf32, #tpu.memory_space<vmem_shared>> -> memref<10000x128xf32, #tpu.memory_space<vmem_shared>>
        tpu.wait_indirect_dma semaphore(%arg31 : memref<!tpu.dma_semaphore, #tpu.memory_space<semaphore_mem>>) src(%arg17 : memref<80x128xf32, #tpu.memory_space<vmem>>) dst(%dma_wait3A_1147 : memref<10000x128xf32, #tpu.memory_space<vmem_shared>>)
        %dma_wait3A_1148 = arith.constant 0 : i32
        %dma_wait3A_1149 = arith.constant 0 : i32
        %dma_wait3A_1150 = tpu.memref_slice %arg25[%dma_wait3A_1148, %dma_wait3A_1149] : memref<10000x8xf32, #tpu.memory_space<vmem_shared>> -> memref<10000x8xf32, #tpu.memory_space<vmem_shared>>
        tpu.wait_indirect_dma semaphore(%arg33 : memref<!tpu.dma_semaphore, #tpu.memory_space<semaphore_mem>>) src(%arg19 : memref<80x8xf32, #tpu.memory_space<vmem>>) dst(%dma_wait3A_1150 : memref<10000x8xf32, #tpu.memory_space<vmem_shared>>)
      } else {
      }
      %get3A_511 = arith.constant 80 : index
      %get3A_512 = tpu.vector_load %arg20[%get3A_511] {strides = array<i32>} : memref<160xi32, #tpu.memory_space<vmem>>, vector<16xi32>,
      %swap3A_513 = arith.constant 0 : index
      %swap3A_514 = tpu.vector_load %arg13[%swap3A_513] {strides = array<i32>} : memref<80xi32, #tpu.memory_space<vmem>>, vector<16xi32>,
      tpu.vector_store %arg13[%swap3A_513], %get3A_512 {strides = array<i32>} : memref<80xi32, #tpu.memory_space<vmem>>, vector<16xi32>,
      %get3A_515 = arith.constant 80 : index
      %get3A_516 = tpu.vector_load %arg22[%get3A_515] {strides = array<i32>} : memref<160xi32, #tpu.memory_space<vmem>>, vector<16xi32>,
      %swap3A_517 = arith.constant 0 : index
      %swap3A_518 = tpu.vector_load %arg15[%swap3A_517] {strides = array<i32>} : memref<80xi32, #tpu.memory_space<vmem>>, vector<16xi32>,
      tpu.vector_store %arg15[%swap3A_517], %get3A_516 {strides = array<i32>} : memref<80xi32, #tpu.memory_space<vmem>>, vector<16xi32>,
      %get3A_519 = arith.constant 96 : index
      %get3A_520 = tpu.vector_load %arg20[%get3A_519] {strides = array<i32>} : memref<160xi32, #tpu.memory_space<vmem>>, vector<16xi32>,
      %swap3A_521 = arith.constant 16 : index
      %swap3A_522 = tpu.vector_load %arg13[%swap3A_521] {strides = array<i32>} : memref<80xi32, #tpu.memory_space<vmem>>, vector<16xi32>,
      tpu.vector_store %arg13[%swap3A_521], %get3A_520 {strides = array<i32>} : memref<80xi32, #tpu.memory_space<vmem>>, vector<16xi32>,
      %get3A_523 = arith.constant 96 : index
      %get3A_524 = tpu.vector_load %arg22[%get3A_523] {strides = array<i32>} : memref<160xi32, #tpu.memory_space<vmem>>, vector<16xi32>,
      %swap3A_525 = arith.constant 16 : index
      %swap3A_526 = tpu.vector_load %arg15[%swap3A_525] {strides = array<i32>} : memref<80xi32, #tpu.memory_space<vmem>>, vector<16xi32>,
      tpu.vector_store %arg15[%swap3A_525], %get3A_524 {strides = array<i32>} : memref<80xi32, #tpu.memory_space<vmem>>, vector<16xi32>,
      %get3A_527 = arith.constant 112 : index
      %get3A_528 = tpu.vector_load %arg20[%get3A_527] {strides = array<i32>} : memref<160xi32, #tpu.memory_space<vmem>>, vector<16xi32>,
      %swap3A_529 = arith.constant 32 : index
      %swap3A_530 = tpu.vector_load %arg13[%swap3A_529] {strides = array<i32>} : memref<80xi32, #tpu.memory_space<vmem>>, vector<16xi32>,
      tpu.vector_store %arg13[%swap3A_529], %get3A_528 {strides = array<i32>} : memref<80xi32, #tpu.memory_space<vmem>>, vector<16xi32>,
      %get3A_531 = arith.constant 112 : index
      %get3A_532 = tpu.vector_load %arg22[%get3A_531] {strides = array<i32>} : memref<160xi32, #tpu.memory_space<vmem>>, vector<16xi32>,
      %swap3A_533 = arith.constant 32 : index
      %swap3A_534 = tpu.vector_load %arg15[%swap3A_533] {strides = array<i32>} : memref<80xi32, #tpu.memory_space<vmem>>, vector<16xi32>,
      tpu.vector_store %arg15[%swap3A_533], %get3A_532 {strides = array<i32>} : memref<80xi32, #tpu.memory_space<vmem>>, vector<16xi32>,
      %get3A_535 = arith.constant 128 : index
      %get3A_536 = tpu.vector_load %arg20[%get3A_535] {strides = array<i32>} : memref<160xi32, #tpu.memory_space<vmem>>, vector<16xi32>,
      %swap3A_537 = arith.constant 48 : index
      %swap3A_538 = tpu.vector_load %arg13[%swap3A_537] {strides = array<i32>} : memref<80xi32, #tpu.memory_space<vmem>>, vector<16xi32>,
      tpu.vector_store %arg13[%swap3A_537], %get3A_536 {strides = array<i32>} : memref<80xi32, #tpu.memory_space<vmem>>, vector<16xi32>,
      %get3A_539 = arith.constant 128 : index
      %get3A_540 = tpu.vector_load %arg22[%get3A_539] {strides = array<i32>} : memref<160xi32, #tpu.memory_space<vmem>>, vector<16xi32>,
      %swap3A_541 = arith.constant 48 : index
      %swap3A_542 = tpu.vector_load %arg15[%swap3A_541] {strides = array<i32>} : memref<80xi32, #tpu.memory_space<vmem>>, vector<16xi32>,
      tpu.vector_store %arg15[%swap3A_541], %get3A_540 {strides = array<i32>} : memref<80xi32, #tpu.memory_space<vmem>>, vector<16xi32>,
      %get3A_543 = arith.constant 144 : index
      %get3A_544 = tpu.vector_load %arg20[%get3A_543] {strides = array<i32>} : memref<160xi32, #tpu.memory_space<vmem>>, vector<16xi32>,
      %swap3A_545 = arith.constant 64 : index
      %swap3A_546 = tpu.vector_load %arg13[%swap3A_545] {strides = array<i32>} : memref<80xi32, #tpu.memory_space<vmem>>, vector<16xi32>,
      tpu.vector_store %arg13[%swap3A_545], %get3A_544 {strides = array<i32>} : memref<80xi32, #tpu.memory_space<vmem>>, vector<16xi32>,
      %get3A_547 = arith.constant 144 : index
      %get3A_548 = tpu.vector_load %arg22[%get3A_547] {strides = array<i32>} : memref<160xi32, #tpu.memory_space<vmem>>, vector<16xi32>,
      %swap3A_549 = arith.constant 64 : index
      %swap3A_550 = tpu.vector_load %arg15[%swap3A_549] {strides = array<i32>} : memref<80xi32, #tpu.memory_space<vmem>>, vector<16xi32>,
      tpu.vector_store %arg15[%swap3A_549], %get3A_548 {strides = array<i32>} : memref<80xi32, #tpu.memory_space<vmem>>, vector<16xi32>,
      %dma_start3A_551 = arith.constant 0 : i32
      %dma_start3A_552 = arith.constant 0 : i32
      %dma_start3A_553 = tpu.memref_slice %arg2[%arg0, %dma_start3A_551, %dma_start3A_552] : memref<2x10000x128xf32, #tpu.memory_space<hbm>> -> memref<1x10000x128xf32, #tpu.memory_space<hbm>>
      %dma_start3A_554 = tpu.memref_squeeze %dma_start3A_553 : memref<1x10000x128xf32, #tpu.memory_space<hbm>> -> memref<10000x128xf32, #tpu.memory_space<hbm>>
      %dma_start3A_555 = arith.constant 0 : i32
      %dma_start3A_556 = arith.constant 0 : i32
      %dma_start3A_557 = tpu.memref_slice %dma_start3A_554[%dma_start3A_555, %dma_start3A_556] : memref<10000x128xf32, #tpu.memory_space<hbm>> -> memref<10000x128xf32, #tpu.memory_space<hbm>>
      tpu.enqueue_indirect_dma source(%dma_start3A_557 : memref<10000x128xf32, #tpu.memory_space<hbm>>) target(%arg17 : memref<80x128xf32, #tpu.memory_space<vmem>>) offsets(%arg13 : memref<80xi32, #tpu.memory_space<vmem>>) semaphore(%arg29 : memref<!tpu.dma_semaphore, #tpu.memory_space<semaphore_mem>>)
      %dma_wait3A_558 = arith.constant 0 : i32
      %dma_wait3A_559 = arith.constant 0 : i32
      %dma_wait3A_560 = tpu.memref_slice %arg2[%arg0, %dma_wait3A_558, %dma_wait3A_559] : memref<2x10000x128xf32, #tpu.memory_space<hbm>> -> memref<1x10000x128xf32, #tpu.memory_space<hbm>>
      %dma_wait3A_561 = tpu.memref_squeeze %dma_wait3A_560 : memref<1x10000x128xf32, #tpu.memory_space<hbm>> -> memref<10000x128xf32, #tpu.memory_space<hbm>>
      %dma_wait3A_562 = arith.constant 0 : i32
      %dma_wait3A_563 = arith.constant 0 : i32
      %dma_wait3A_564 = tpu.memref_slice %dma_wait3A_561[%dma_wait3A_562, %dma_wait3A_563] : memref<10000x128xf32, #tpu.memory_space<hbm>> -> memref<10000x128xf32, #tpu.memory_space<hbm>>
      tpu.wait_indirect_dma semaphore(%arg28 : memref<!tpu.dma_semaphore, #tpu.memory_space<semaphore_mem>>) src(%dma_wait3A_564 : memref<10000x128xf32, #tpu.memory_space<hbm>>) dst(%arg16 : memref<80x128xf32, #tpu.memory_space<vmem>>)
      %parallel_loop3A_565 = arith.constant 0 : i32
      %parallel_loop3A_566 = arith.constant 80 : i32
      %parallel_loop3A_567 = arith.constant 1 : i32
      scf.for %parallel_loop3A_1145 = %parallel_loop3A_565 to %parallel_loop3A_566 step %parallel_loop3A_567  : i32 {
        %parallel_loop3A_1146 = vector.broadcast %parallel_loop3A_1145 : i32 to vector<16xi32>
        %parallel_loop3A_1147 = tpu.vector_load_idx %arg10[%parallel_loop3A_1146] : memref<80xf32, #tpu.memory_space<vmem>>[vector<16xi32>], vector<16xf32>,
        %parallel_loop3A_1148 = arith.index_cast %parallel_loop3A_1145 : i32 to index
        %parallel_loop3A_1149 = arith.constant 0 : index
        %parallel_loop3A_1150 = tpu.vector_load %arg16[%parallel_loop3A_1148, %parallel_loop3A_1149] {strides = array<i32>} : memref<80x128xf32, #tpu.memory_space<vmem>>, vector<16xf32>,
        %parallel_loop3A_1151 = arith.mulf %parallel_loop3A_1150, %parallel_loop3A_1147 : vector<16xf32>
        %parallel_loop3A_1152 = arith.index_cast %parallel_loop3A_1145 : i32 to index
        %parallel_loop3A_1153 = arith.constant 0 : index
        %parallel_loop3A_1154 = tpu.vector_load %arg16[%parallel_loop3A_1152, %parallel_loop3A_1153] {strides = array<i32>} : memref<80x128xf32, #tpu.memory_space<vmem>>, vector<16xf32>,
        tpu.vector_store %arg16[%parallel_loop3A_1152, %parallel_loop3A_1153], %parallel_loop3A_1151 {strides = array<i32>} : memref<80x128xf32, #tpu.memory_space<vmem>>, vector<16xf32>,
        %parallel_loop3A_1155 = arith.index_cast %parallel_loop3A_1145 : i32 to index
        %parallel_loop3A_1156 = arith.constant 16 : index
        %parallel_loop3A_1157 = tpu.vector_load %arg16[%parallel_loop3A_1155, %parallel_loop3A_1156] {strides = array<i32>} : memref<80x128xf32, #tpu.memory_space<vmem>>, vector<16xf32>,
        %parallel_loop3A_1158 = arith.mulf %parallel_loop3A_1157, %parallel_loop3A_1147 : vector<16xf32>
        %parallel_loop3A_1159 = arith.index_cast %parallel_loop3A_1145 : i32 to index
        %parallel_loop3A_1160 = arith.constant 16 : index
        %parallel_loop3A_1161 = tpu.vector_load %arg16[%parallel_loop3A_1159, %parallel_loop3A_1160] {strides = array<i32>} : memref<80x128xf32, #tpu.memory_space<vmem>>, vector<16xf32>,
        tpu.vector_store %arg16[%parallel_loop3A_1159, %parallel_loop3A_1160], %parallel_loop3A_1158 {strides = array<i32>} : memref<80x128xf32, #tpu.memory_space<vmem>>, vector<16xf32>,
        %parallel_loop3A_1162 = arith.index_cast %parallel_loop3A_1145 : i32 to index
        %parallel_loop3A_1163 = arith.constant 32 : index
        %parallel_loop3A_1164 = tpu.vector_load %arg16[%parallel_loop3A_1162, %parallel_loop3A_1163] {strides = array<i32>} : memref<80x128xf32, #tpu.memory_space<vmem>>, vector<16xf32>,
        %parallel_loop3A_1165 = arith.mulf %parallel_loop3A_1164, %parallel_loop3A_1147 : vector<16xf32>
        %parallel_loop3A_1166 = arith.index_cast %parallel_loop3A_1145 : i32 to index
        %parallel_loop3A_1167 = arith.constant 32 : index
        %parallel_loop3A_1168 = tpu.vector_load %arg16[%parallel_loop3A_1166, %parallel_loop3A_1167] {strides = array<i32>} : memref<80x128xf32, #tpu.memory_space<vmem>>, vector<16xf32>,
        tpu.vector_store %arg16[%parallel_loop3A_1166, %parallel_loop3A_1167], %parallel_loop3A_1165 {strides = array<i32>} : memref<80x128xf32, #tpu.memory_space<vmem>>, vector<16xf32>,
        %parallel_loop3A_1169 = arith.index_cast %parallel_loop3A_1145 : i32 to index
        %parallel_loop3A_1170 = arith.constant 48 : index
        %parallel_loop3A_1171 = tpu.vector_load %arg16[%parallel_loop3A_1169, %parallel_loop3A_1170] {strides = array<i32>} : memref<80x128xf32, #tpu.memory_space<vmem>>, vector<16xf32>,
        %parallel_loop3A_1172 = arith.mulf %parallel_loop3A_1171, %parallel_loop3A_1147 : vector<16xf32>
        %parallel_loop3A_1173 = arith.index_cast %parallel_loop3A_1145 : i32 to index
        %parallel_loop3A_1174 = arith.constant 48 : index
        %parallel_loop3A_1175 = tpu.vector_load %arg16[%parallel_loop3A_1173, %parallel_loop3A_1174] {strides = array<i32>} : memref<80x128xf32, #tpu.memory_space<vmem>>, vector<16xf32>,
        tpu.vector_store %arg16[%parallel_loop3A_1173, %parallel_loop3A_1174], %parallel_loop3A_1172 {strides = array<i32>} : memref<80x128xf32, #tpu.memory_space<vmem>>, vector<16xf32>,
        %parallel_loop3A_1176 = arith.index_cast %parallel_loop3A_1145 : i32 to index
        %parallel_loop3A_1177 = arith.constant 64 : index
        %parallel_loop3A_1178 = tpu.vector_load %arg16[%parallel_loop3A_1176, %parallel_loop3A_1177] {strides = array<i32>} : memref<80x128xf32, #tpu.memory_space<vmem>>, vector<16xf32>,
        %parallel_loop3A_1179 = arith.mulf %parallel_loop3A_1178, %parallel_loop3A_1147 : vector<16xf32>
        %parallel_loop3A_1180 = arith.index_cast %parallel_loop3A_1145 : i32 to index
        %parallel_loop3A_1181 = arith.constant 64 : index
        %parallel_loop3A_1182 = tpu.vector_load %arg16[%parallel_loop3A_1180, %parallel_loop3A_1181] {strides = array<i32>} : memref<80x128xf32, #tpu.memory_space<vmem>>, vector<16xf32>,
        tpu.vector_store %arg16[%parallel_loop3A_1180, %parallel_loop3A_1181], %parallel_loop3A_1179 {strides = array<i32>} : memref<80x128xf32, #tpu.memory_space<vmem>>, vector<16xf32>,
        %parallel_loop3A_1183 = arith.index_cast %parallel_loop3A_1145 : i32 to index
        %parallel_loop3A_1184 = arith.constant 80 : index
        %parallel_loop3A_1185 = tpu.vector_load %arg16[%parallel_loop3A_1183, %parallel_loop3A_1184] {strides = array<i32>} : memref<80x128xf32, #tpu.memory_space<vmem>>, vector<16xf32>,
        %parallel_loop3A_1186 = arith.mulf %parallel_loop3A_1185, %parallel_loop3A_1147 : vector<16xf32>
        %parallel_loop3A_1187 = arith.index_cast %parallel_loop3A_1145 : i32 to index
        %parallel_loop3A_1188 = arith.constant 80 : index
        %parallel_loop3A_1189 = tpu.vector_load %arg16[%parallel_loop3A_1187, %parallel_loop3A_1188] {strides = array<i32>} : memref<80x128xf32, #tpu.memory_space<vmem>>, vector<16xf32>,
        tpu.vector_store %arg16[%parallel_loop3A_1187, %parallel_loop3A_1188], %parallel_loop3A_1186 {strides = array<i32>} : memref<80x128xf32, #tpu.memory_space<vmem>>, vector<16xf32>,
        %parallel_loop3A_1190 = arith.index_cast %parallel_loop3A_1145 : i32 to index
        %parallel_loop3A_1191 = arith.constant 96 : index
        %parallel_loop3A_1192 = tpu.vector_load %arg16[%parallel_loop3A_1190, %parallel_loop3A_1191] {strides = array<i32>} : memref<80x128xf32, #tpu.memory_space<vmem>>, vector<16xf32>,
        %parallel_loop3A_1193 = arith.mulf %parallel_loop3A_1192, %parallel_loop3A_1147 : vector<16xf32>
        %parallel_loop3A_1194 = arith.index_cast %parallel_loop3A_1145 : i32 to index
        %parallel_loop3A_1195 = arith.constant 96 : index
        %parallel_loop3A_1196 = tpu.vector_load %arg16[%parallel_loop3A_1194, %parallel_loop3A_1195] {strides = array<i32>} : memref<80x128xf32, #tpu.memory_space<vmem>>, vector<16xf32>,
        tpu.vector_store %arg16[%parallel_loop3A_1194, %parallel_loop3A_1195], %parallel_loop3A_1193 {strides = array<i32>} : memref<80x128xf32, #tpu.memory_space<vmem>>, vector<16xf32>,
        %parallel_loop3A_1197 = arith.index_cast %parallel_loop3A_1145 : i32 to index
        %parallel_loop3A_1198 = arith.constant 112 : index
        %parallel_loop3A_1199 = tpu.vector_load %arg16[%parallel_loop3A_1197, %parallel_loop3A_1198] {strides = array<i32>} : memref<80x128xf32, #tpu.memory_space<vmem>>, vector<16xf32>,
        %parallel_loop3A_1200 = arith.mulf %parallel_loop3A_1199, %parallel_loop3A_1147 : vector<16xf32>
        %parallel_loop3A_1201 = arith.index_cast %parallel_loop3A_1145 : i32 to index
        %parallel_loop3A_1202 = arith.constant 112 : index
        %parallel_loop3A_1203 = tpu.vector_load %arg16[%parallel_loop3A_1201, %parallel_loop3A_1202] {strides = array<i32>} : memref<80x128xf32, #tpu.memory_space<vmem>>, vector<16xf32>,
        tpu.vector_store %arg16[%parallel_loop3A_1201, %parallel_loop3A_1202], %parallel_loop3A_1200 {strides = array<i32>} : memref<80x128xf32, #tpu.memory_space<vmem>>, vector<16xf32>,
      } {sc.loop_unroll_factor = 4 : i64, sc.parallel_access}
      %dma_start3A_568 = arith.constant 0 : i32
      %dma_start3A_569 = arith.constant 0 : i32
      %dma_start3A_570 = tpu.memref_slice %arg24[%dma_start3A_568, %dma_start3A_569] : memref<10000x128xf32, #tpu.memory_space<vmem_shared>> -> memref<10000x128xf32, #tpu.memory_space<vmem_shared>>
      tpu.enqueue_indirect_dma source(%arg16 : memref<80x128xf32, #tpu.memory_space<vmem>>) target(%dma_start3A_570 : memref<10000x128xf32, #tpu.memory_space<vmem_shared>>) offsets(%arg14 : memref<80xi32, #tpu.memory_space<vmem>>) semaphore(%arg30 : memref<!tpu.dma_semaphore, #tpu.memory_space<semaphore_mem>>) {add = true}
      %dma_start3A_571 = arith.constant 0 : i32
      %dma_start3A_572 = arith.constant 0 : i32
      %dma_start3A_573 = tpu.memref_slice %arg25[%dma_start3A_571, %dma_start3A_572] : memref<10000x8xf32, #tpu.memory_space<vmem_shared>> -> memref<10000x8xf32, #tpu.memory_space<vmem_shared>>
      tpu.enqueue_indirect_dma source(%arg18 : memref<80x8xf32, #tpu.memory_space<vmem>>) target(%dma_start3A_573 : memref<10000x8xf32, #tpu.memory_space<vmem_shared>>) offsets(%arg14 : memref<80xi32, #tpu.memory_space<vmem>>) semaphore(%arg32 : memref<!tpu.dma_semaphore, #tpu.memory_space<semaphore_mem>>) {add = true}
      %add3A_574 = arith.constant 1 : i32
      %add3A_575 = arith.addi %mul3A_389, %add3A_574 : i32
      %get3A_576 = arith.constant 0 : index
      %get3A_577 = tpu.vector_load %arg13[%get3A_576] {strides = array<i32>} : memref<80xi32, #tpu.memory_space<vmem>>, vector<16xi32>,
      %get3A_578 = arith.constant 0 : index
      %get3A_579 = tpu.vector_load %arg15[%get3A_578] {strides = array<i32>} : memref<80xi32, #tpu.memory_space<vmem>>, vector<16xi32>,
      %add3A_580 = arith.addi %get3A_577, %get3A_577 : vector<16xi32>
      %gather3A_581 = tpu.vector_load_idx %arg11[%add3A_580] : memref<20000xf32, #tpu.memory_space<vmem>>[vector<16xi32>], vector<16xf32>,
      %add3A_582 = arith.addi %get3A_579, %get3A_579 : vector<16xi32>
      %add3A_583 = arith.addi %add3A_582, %add3A_4 : vector<16xi32>
      %gather3A_584 = tpu.vector_load_idx %arg11[%add3A_583] : memref<20000xf32, #tpu.memory_space<vmem>>[vector<16xi32>], vector<16xf32>,
      %add3A_585 = arith.addf %gather3A_581, %gather3A_584 : vector<16xf32>
      %mul3A_586 = arith.constant 2.000000e-01 : f32
      %mul3A_587 = vector.broadcast %mul3A_586 : f32 to vector<16xf32>
      %mul3A_588 = arith.mulf %mul3A_587, %add3A_585 : vector<16xf32>
      %max3A_589 = arith.maximumf %add3A_585, %mul3A_588 : vector<16xf32>
      %sub3A_590 = arith.subf %max3A_589, %get3A_1 : vector<16xf32>
      %exp3A_591 = math.exp %sub3A_590 : vector<16xf32>
      %swap3A_592 = arith.constant 0 : index
      %swap3A_593 = tpu.vector_load %arg10[%swap3A_592] {strides = array<i32>} : memref<80xf32, #tpu.memory_space<vmem>>, vector<16xf32>,
      tpu.vector_store %arg10[%swap3A_592], %exp3A_591 {strides = array<i32>} : memref<80xf32, #tpu.memory_space<vmem>>, vector<16xf32>,
      %add3A_594 = arith.constant 0 : i32
      %add3A_595 = vector.broadcast %add3A_594 : i32 to vector<16xi32>
      %add3A_596 = arith.addi %iota3A, %add3A_595 : vector<16xi32>
      tpu.vector_store_idx %arg19[%add3A_596, %broadcast_in_dim3A_2], %exp3A_591 : memref<80x8xf32, #tpu.memory_space<vmem>>[vector<16xi32>, vector<16xi32>], vector<16xf32>,
      %get3A_597 = arith.constant 16 : index
      %get3A_598 = tpu.vector_load %arg13[%get3A_597] {strides = array<i32>} : memref<80xi32, #tpu.memory_space<vmem>>, vector<16xi32>,
      %get3A_599 = arith.constant 16 : index
      %get3A_600 = tpu.vector_load %arg15[%get3A_599] {strides = array<i32>} : memref<80xi32, #tpu.memory_space<vmem>>, vector<16xi32>,
      %add3A_601 = arith.addi %get3A_598, %get3A_598 : vector<16xi32>
      %gather3A_602 = tpu.vector_load_idx %arg11[%add3A_601] : memref<20000xf32, #tpu.memory_space<vmem>>[vector<16xi32>], vector<16xf32>,
      %add3A_603 = arith.addi %get3A_600, %get3A_600 : vector<16xi32>
      %add3A_604 = arith.addi %add3A_603, %add3A_4 : vector<16xi32>
      %gather3A_605 = tpu.vector_load_idx %arg11[%add3A_604] : memref<20000xf32, #tpu.memory_space<vmem>>[vector<16xi32>], vector<16xf32>,
      %add3A_606 = arith.addf %gather3A_602, %gather3A_605 : vector<16xf32>
      %mul3A_607 = arith.constant 2.000000e-01 : f32
      %mul3A_608 = vector.broadcast %mul3A_607 : f32 to vector<16xf32>
      %mul3A_609 = arith.mulf %mul3A_608, %add3A_606 : vector<16xf32>
      %max3A_610 = arith.maximumf %add3A_606, %mul3A_609 : vector<16xf32>
      %sub3A_611 = arith.subf %max3A_610, %get3A_1 : vector<16xf32>
      %exp3A_612 = math.exp %sub3A_611 : vector<16xf32>
      %swap3A_613 = arith.constant 16 : index
      %swap3A_614 = tpu.vector_load %arg10[%swap3A_613] {strides = array<i32>} : memref<80xf32, #tpu.memory_space<vmem>>, vector<16xf32>,
      tpu.vector_store %arg10[%swap3A_613], %exp3A_612 {strides = array<i32>} : memref<80xf32, #tpu.memory_space<vmem>>, vector<16xf32>,
      %add3A_615 = arith.constant 16 : i32
      %add3A_616 = vector.broadcast %add3A_615 : i32 to vector<16xi32>
      %add3A_617 = arith.addi %iota3A, %add3A_616 : vector<16xi32>
      tpu.vector_store_idx %arg19[%add3A_617, %broadcast_in_dim3A_2], %exp3A_612 : memref<80x8xf32, #tpu.memory_space<vmem>>[vector<16xi32>, vector<16xi32>], vector<16xf32>,
      %get3A_618 = arith.constant 32 : index
      %get3A_619 = tpu.vector_load %arg13[%get3A_618] {strides = array<i32>} : memref<80xi32, #tpu.memory_space<vmem>>, vector<16xi32>,
      %get3A_620 = arith.constant 32 : index
      %get3A_621 = tpu.vector_load %arg15[%get3A_620] {strides = array<i32>} : memref<80xi32, #tpu.memory_space<vmem>>, vector<16xi32>,
      %add3A_622 = arith.addi %get3A_619, %get3A_619 : vector<16xi32>
      %gather3A_623 = tpu.vector_load_idx %arg11[%add3A_622] : memref<20000xf32, #tpu.memory_space<vmem>>[vector<16xi32>], vector<16xf32>,
      %add3A_624 = arith.addi %get3A_621, %get3A_621 : vector<16xi32>
      %add3A_625 = arith.addi %add3A_624, %add3A_4 : vector<16xi32>
      %gather3A_626 = tpu.vector_load_idx %arg11[%add3A_625] : memref<20000xf32, #tpu.memory_space<vmem>>[vector<16xi32>], vector<16xf32>,
      %add3A_627 = arith.addf %gather3A_623, %gather3A_626 : vector<16xf32>
      %mul3A_628 = arith.constant 2.000000e-01 : f32
      %mul3A_629 = vector.broadcast %mul3A_628 : f32 to vector<16xf32>
      %mul3A_630 = arith.mulf %mul3A_629, %add3A_627 : vector<16xf32>
      %max3A_631 = arith.maximumf %add3A_627, %mul3A_630 : vector<16xf32>
      %sub3A_632 = arith.subf %max3A_631, %get3A_1 : vector<16xf32>
      %exp3A_633 = math.exp %sub3A_632 : vector<16xf32>
      %swap3A_634 = arith.constant 32 : index
      %swap3A_635 = tpu.vector_load %arg10[%swap3A_634] {strides = array<i32>} : memref<80xf32, #tpu.memory_space<vmem>>, vector<16xf32>,
      tpu.vector_store %arg10[%swap3A_634], %exp3A_633 {strides = array<i32>} : memref<80xf32, #tpu.memory_space<vmem>>, vector<16xf32>,
      %add3A_636 = arith.constant 32 : i32
      %add3A_637 = vector.broadcast %add3A_636 : i32 to vector<16xi32>
      %add3A_638 = arith.addi %iota3A, %add3A_637 : vector<16xi32>
      tpu.vector_store_idx %arg19[%add3A_638, %broadcast_in_dim3A_2], %exp3A_633 : memref<80x8xf32, #tpu.memory_space<vmem>>[vector<16xi32>, vector<16xi32>], vector<16xf32>,
      %get3A_639 = arith.constant 48 : index
      %get3A_640 = tpu.vector_load %arg13[%get3A_639] {strides = array<i32>} : memref<80xi32, #tpu.memory_space<vmem>>, vector<16xi32>,
      %get3A_641 = arith.constant 48 : index
      %get3A_642 = tpu.vector_load %arg15[%get3A_641] {strides = array<i32>} : memref<80xi32, #tpu.memory_space<vmem>>, vector<16xi32>,
      %add3A_643 = arith.addi %get3A_640, %get3A_640 : vector<16xi32>
      %gather3A_644 = tpu.vector_load_idx %arg11[%add3A_643] : memref<20000xf32, #tpu.memory_space<vmem>>[vector<16xi32>], vector<16xf32>,
      %add3A_645 = arith.addi %get3A_642, %get3A_642 : vector<16xi32>
      %add3A_646 = arith.addi %add3A_645, %add3A_4 : vector<16xi32>
      %gather3A_647 = tpu.vector_load_idx %arg11[%add3A_646] : memref<20000xf32, #tpu.memory_space<vmem>>[vector<16xi32>], vector<16xf32>,
      %add3A_648 = arith.addf %gather3A_644, %gather3A_647 : vector<16xf32>
      %mul3A_649 = arith.constant 2.000000e-01 : f32
      %mul3A_650 = vector.broadcast %mul3A_649 : f32 to vector<16xf32>
      %mul3A_651 = arith.mulf %mul3A_650, %add3A_648 : vector<16xf32>
      %max3A_652 = arith.maximumf %add3A_648, %mul3A_651 : vector<16xf32>
      %sub3A_653 = arith.subf %max3A_652, %get3A_1 : vector<16xf32>
      %exp3A_654 = math.exp %sub3A_653 : vector<16xf32>
      %swap3A_655 = arith.constant 48 : index
      %swap3A_656 = tpu.vector_load %arg10[%swap3A_655] {strides = array<i32>} : memref<80xf32, #tpu.memory_space<vmem>>, vector<16xf32>,
      tpu.vector_store %arg10[%swap3A_655], %exp3A_654 {strides = array<i32>} : memref<80xf32, #tpu.memory_space<vmem>>, vector<16xf32>,
      %add3A_657 = arith.constant 48 : i32
      %add3A_658 = vector.broadcast %add3A_657 : i32 to vector<16xi32>
      %add3A_659 = arith.addi %iota3A, %add3A_658 : vector<16xi32>
      tpu.vector_store_idx %arg19[%add3A_659, %broadcast_in_dim3A_2], %exp3A_654 : memref<80x8xf32, #tpu.memory_space<vmem>>[vector<16xi32>, vector<16xi32>], vector<16xf32>,
      %get3A_660 = arith.constant 64 : index
      %get3A_661 = tpu.vector_load %arg13[%get3A_660] {strides = array<i32>} : memref<80xi32, #tpu.memory_space<vmem>>, vector<16xi32>,
      %get3A_662 = arith.constant 64 : index
      %get3A_663 = tpu.vector_load %arg15[%get3A_662] {strides = array<i32>} : memref<80xi32, #tpu.memory_space<vmem>>, vector<16xi32>,
      %add3A_664 = arith.addi %get3A_661, %get3A_661 : vector<16xi32>
      %gather3A_665 = tpu.vector_load_idx %arg11[%add3A_664] : memref<20000xf32, #tpu.memory_space<vmem>>[vector<16xi32>], vector<16xf32>,
      %add3A_666 = arith.addi %get3A_663, %get3A_663 : vector<16xi32>
      %add3A_667 = arith.addi %add3A_666, %add3A_4 : vector<16xi32>
      %gather3A_668 = tpu.vector_load_idx %arg11[%add3A_667] : memref<20000xf32, #tpu.memory_space<vmem>>[vector<16xi32>], vector<16xf32>,
      %add3A_669 = arith.addf %gather3A_665, %gather3A_668 : vector<16xf32>
      %mul3A_670 = arith.constant 2.000000e-01 : f32
      %mul3A_671 = vector.broadcast %mul3A_670 : f32 to vector<16xf32>
      %mul3A_672 = arith.mulf %mul3A_671, %add3A_669 : vector<16xf32>
      %max3A_673 = arith.maximumf %add3A_669, %mul3A_672 : vector<16xf32>
      %sub3A_674 = arith.subf %max3A_673, %get3A_1 : vector<16xf32>
      %exp3A_675 = math.exp %sub3A_674 : vector<16xf32>
      %swap3A_676 = arith.constant 64 : index
      %swap3A_677 = tpu.vector_load %arg10[%swap3A_676] {strides = array<i32>} : memref<80xf32, #tpu.memory_space<vmem>>, vector<16xf32>,
      tpu.vector_store %arg10[%swap3A_676], %exp3A_675 {strides = array<i32>} : memref<80xf32, #tpu.memory_space<vmem>>, vector<16xf32>,
      %add3A_678 = arith.constant 64 : i32
      %add3A_679 = vector.broadcast %add3A_678 : i32 to vector<16xi32>
      %add3A_680 = arith.addi %iota3A, %add3A_679 : vector<16xi32>
      tpu.vector_store_idx %arg19[%add3A_680, %broadcast_in_dim3A_2], %exp3A_675 : memref<80x8xf32, #tpu.memory_space<vmem>>[vector<16xi32>, vector<16xi32>], vector<16xf32>,
      %dma_wait3A_681 = arith.constant 0 : i32
      %dma_wait3A_682 = arith.constant 0 : i32
      %dma_wait3A_683 = tpu.memref_slice %arg24[%dma_wait3A_681, %dma_wait3A_682] : memref<10000x128xf32, #tpu.memory_space<vmem_shared>> -> memref<10000x128xf32, #tpu.memory_space<vmem_shared>>
      tpu.wait_indirect_dma semaphore(%arg30 : memref<!tpu.dma_semaphore, #tpu.memory_space<semaphore_mem>>) src(%arg16 : memref<80x128xf32, #tpu.memory_space<vmem>>) dst(%dma_wait3A_683 : memref<10000x128xf32, #tpu.memory_space<vmem_shared>>)
      %dma_wait3A_684 = arith.constant 0 : i32
      %dma_wait3A_685 = arith.constant 0 : i32
      %dma_wait3A_686 = tpu.memref_slice %arg25[%dma_wait3A_684, %dma_wait3A_685] : memref<10000x8xf32, #tpu.memory_space<vmem_shared>> -> memref<10000x8xf32, #tpu.memory_space<vmem_shared>>
      tpu.wait_indirect_dma semaphore(%arg32 : memref<!tpu.dma_semaphore, #tpu.memory_space<semaphore_mem>>) src(%arg18 : memref<80x8xf32, #tpu.memory_space<vmem>>) dst(%dma_wait3A_686 : memref<10000x8xf32, #tpu.memory_space<vmem_shared>>)
      %add3A_687 = arith.constant 1 : i32
      %add3A_688 = arith.addi %add3A_575, %add3A_687 : i32
      %mul3A_689 = arith.constant 80 : i32
      %mul3A_690 = arith.muli %add3A_688, %mul3A_689 : i32
      %dma_wait3A_691 = arith.constant 0 : i32
      %dma_wait3A_692 = tpu.memref_slice %arg3[%arg0, %dma_wait3A_691, %arg1, %mul3A_690] : memref<2x2x16x20000xi32, #tpu.memory_space<hbm>> -> memref<1x1x1x160xi32, #tpu.memory_space<hbm>>
      %dma_wait3A_693 = tpu.memref_squeeze %dma_wait3A_692 : memref<1x1x1x160xi32, #tpu.memory_space<hbm>> -> memref<160xi32, #tpu.memory_space<hbm>>
      %dma_wait3A_694 = tpu.memref_slice %arg3[%arg0, %dma_wait3A_691, %arg1, %mul3A_690] : memref<2x2x16x20000xi32, #tpu.memory_space<hbm>> -> memref<1x1x1x160xi32, #tpu.memory_space<hbm>>
      %dma_wait3A_695 = tpu.memref_squeeze %dma_wait3A_694 : memref<1x1x1x160xi32, #tpu.memory_space<hbm>> -> memref<160xi32, #tpu.memory_space<hbm>>
      tpu.wait_dma2 semaphore(%arg27 : memref<!tpu.dma_semaphore, #tpu.memory_space<semaphore_mem>>) src(%dma_wait3A_695 : memref<160xi32, #tpu.memory_space<hbm>>) dst(%arg21 : memref<160xi32, #tpu.memory_space<vmem>>)
      %dma_wait3A_696 = arith.constant 1 : i32
      %dma_wait3A_697 = tpu.memref_slice %arg3[%arg0, %dma_wait3A_696, %arg1, %mul3A_690] : memref<2x2x16x20000xi32, #tpu.memory_space<hbm>> -> memref<1x1x1x160xi32, #tpu.memory_space<hbm>>
      %dma_wait3A_698 = tpu.memref_squeeze %dma_wait3A_697 : memref<1x1x1x160xi32, #tpu.memory_space<hbm>> -> memref<160xi32, #tpu.memory_space<hbm>>
      %dma_wait3A_699 = tpu.memref_slice %arg3[%arg0, %dma_wait3A_696, %arg1, %mul3A_690] : memref<2x2x16x20000xi32, #tpu.memory_space<hbm>> -> memref<1x1x1x160xi32, #tpu.memory_space<hbm>>
      %dma_wait3A_700 = tpu.memref_squeeze %dma_wait3A_699 : memref<1x1x1x160xi32, #tpu.memory_space<hbm>> -> memref<160xi32, #tpu.memory_space<hbm>>
      tpu.wait_dma2 semaphore(%arg27 : memref<!tpu.dma_semaphore, #tpu.memory_space<semaphore_mem>>) src(%dma_wait3A_700 : memref<160xi32, #tpu.memory_space<hbm>>) dst(%arg23 : memref<160xi32, #tpu.memory_space<vmem>>)
      %get3A_701 = arith.constant 0 : index
      %get3A_702 = tpu.vector_load %arg21[%get3A_701] {strides = array<i32>} : memref<160xi32, #tpu.memory_space<vmem>>, vector<16xi32>,
      %swap3A_703 = arith.constant 0 : index
      %swap3A_704 = tpu.vector_load %arg12[%swap3A_703] {strides = array<i32>} : memref<80xi32, #tpu.memory_space<vmem>>, vector<16xi32>,
      tpu.vector_store %arg12[%swap3A_703], %get3A_702 {strides = array<i32>} : memref<80xi32, #tpu.memory_space<vmem>>, vector<16xi32>,
      %get3A_705 = arith.constant 0 : index
      %get3A_706 = tpu.vector_load %arg23[%get3A_705] {strides = array<i32>} : memref<160xi32, #tpu.memory_space<vmem>>, vector<16xi32>,
      %swap3A_707 = arith.constant 0 : index
      %swap3A_708 = tpu.vector_load %arg14[%swap3A_707] {strides = array<i32>} : memref<80xi32, #tpu.memory_space<vmem>>, vector<16xi32>,
      tpu.vector_store %arg14[%swap3A_707], %get3A_706 {strides = array<i32>} : memref<80xi32, #tpu.memory_space<vmem>>, vector<16xi32>,
      %get3A_709 = arith.constant 16 : index
      %get3A_710 = tpu.vector_load %arg21[%get3A_709] {strides = array<i32>} : memref<160xi32, #tpu.memory_space<vmem>>, vector<16xi32>,
      %swap3A_711 = arith.constant 16 : index
      %swap3A_712 = tpu.vector_load %arg12[%swap3A_711] {strides = array<i32>} : memref<80xi32, #tpu.memory_space<vmem>>, vector<16xi32>,
      tpu.vector_store %arg12[%swap3A_711], %get3A_710 {strides = array<i32>} : memref<80xi32, #tpu.memory_space<vmem>>, vector<16xi32>,
      %get3A_713 = arith.constant 16 : index
      %get3A_714 = tpu.vector_load %arg23[%get3A_713] {strides = array<i32>} : memref<160xi32, #tpu.memory_space<vmem>>, vector<16xi32>,
      %swap3A_715 = arith.constant 16 : index
      %swap3A_716 = tpu.vector_load %arg14[%swap3A_715] {strides = array<i32>} : memref<80xi32, #tpu.memory_space<vmem>>, vector<16xi32>,
      tpu.vector_store %arg14[%swap3A_715], %get3A_714 {strides = array<i32>} : memref<80xi32, #tpu.memory_space<vmem>>, vector<16xi32>,
      %get3A_717 = arith.constant 32 : index
      %get3A_718 = tpu.vector_load %arg21[%get3A_717] {strides = array<i32>} : memref<160xi32, #tpu.memory_space<vmem>>, vector<16xi32>,
      %swap3A_719 = arith.constant 32 : index
      %swap3A_720 = tpu.vector_load %arg12[%swap3A_719] {strides = array<i32>} : memref<80xi32, #tpu.memory_space<vmem>>, vector<16xi32>,
      tpu.vector_store %arg12[%swap3A_719], %get3A_718 {strides = array<i32>} : memref<80xi32, #tpu.memory_space<vmem>>, vector<16xi32>,
      %get3A_721 = arith.constant 32 : index
      %get3A_722 = tpu.vector_load %arg23[%get3A_721] {strides = array<i32>} : memref<160xi32, #tpu.memory_space<vmem>>, vector<16xi32>,
      %swap3A_723 = arith.constant 32 : index
      %swap3A_724 = tpu.vector_load %arg14[%swap3A_723] {strides = array<i32>} : memref<80xi32, #tpu.memory_space<vmem>>, vector<16xi32>,
      tpu.vector_store %arg14[%swap3A_723], %get3A_722 {strides = array<i32>} : memref<80xi32, #tpu.memory_space<vmem>>, vector<16xi32>,
      %get3A_725 = arith.constant 48 : index
      %get3A_726 = tpu.vector_load %arg21[%get3A_725] {strides = array<i32>} : memref<160xi32, #tpu.memory_space<vmem>>, vector<16xi32>,
      %swap3A_727 = arith.constant 48 : index
      %swap3A_728 = tpu.vector_load %arg12[%swap3A_727] {strides = array<i32>} : memref<80xi32, #tpu.memory_space<vmem>>, vector<16xi32>,
      tpu.vector_store %arg12[%swap3A_727], %get3A_726 {strides = array<i32>} : memref<80xi32, #tpu.memory_space<vmem>>, vector<16xi32>,
      %get3A_729 = arith.constant 48 : index
      %get3A_730 = tpu.vector_load %arg23[%get3A_729] {strides = array<i32>} : memref<160xi32, #tpu.memory_space<vmem>>, vector<16xi32>,
      %swap3A_731 = arith.constant 48 : index
      %swap3A_732 = tpu.vector_load %arg14[%swap3A_731] {strides = array<i32>} : memref<80xi32, #tpu.memory_space<vmem>>, vector<16xi32>,
      tpu.vector_store %arg14[%swap3A_731], %get3A_730 {strides = array<i32>} : memref<80xi32, #tpu.memory_space<vmem>>, vector<16xi32>,
      %get3A_733 = arith.constant 64 : index
      %get3A_734 = tpu.vector_load %arg21[%get3A_733] {strides = array<i32>} : memref<160xi32, #tpu.memory_space<vmem>>, vector<16xi32>,
      %swap3A_735 = arith.constant 64 : index
      %swap3A_736 = tpu.vector_load %arg12[%swap3A_735] {strides = array<i32>} : memref<80xi32, #tpu.memory_space<vmem>>, vector<16xi32>,
      tpu.vector_store %arg12[%swap3A_735], %get3A_734 {strides = array<i32>} : memref<80xi32, #tpu.memory_space<vmem>>, vector<16xi32>,
      %get3A_737 = arith.constant 64 : index
      %get3A_738 = tpu.vector_load %arg23[%get3A_737] {strides = array<i32>} : memref<160xi32, #tpu.memory_space<vmem>>, vector<16xi32>,
      %swap3A_739 = arith.constant 64 : index
      %swap3A_740 = tpu.vector_load %arg14[%swap3A_739] {strides = array<i32>} : memref<80xi32, #tpu.memory_space<vmem>>, vector<16xi32>,
      tpu.vector_store %arg14[%swap3A_739], %get3A_738 {strides = array<i32>} : memref<80xi32, #tpu.memory_space<vmem>>, vector<16xi32>,
      %dma_start3A_741 = arith.constant 0 : i32
      %dma_start3A_742 = arith.constant 0 : i32
      %dma_start3A_743 = tpu.memref_slice %arg2[%arg0, %dma_start3A_741, %dma_start3A_742] : memref<2x10000x128xf32, #tpu.memory_space<hbm>> -> memref<1x10000x128xf32, #tpu.memory_space<hbm>>
      %dma_start3A_744 = tpu.memref_squeeze %dma_start3A_743 : memref<1x10000x128xf32, #tpu.memory_space<hbm>> -> memref<10000x128xf32, #tpu.memory_space<hbm>>
      %dma_start3A_745 = arith.constant 0 : i32
      %dma_start3A_746 = arith.constant 0 : i32
      %dma_start3A_747 = tpu.memref_slice %dma_start3A_744[%dma_start3A_745, %dma_start3A_746] : memref<10000x128xf32, #tpu.memory_space<hbm>> -> memref<10000x128xf32, #tpu.memory_space<hbm>>
      tpu.enqueue_indirect_dma source(%dma_start3A_747 : memref<10000x128xf32, #tpu.memory_space<hbm>>) target(%arg16 : memref<80x128xf32, #tpu.memory_space<vmem>>) offsets(%arg12 : memref<80xi32, #tpu.memory_space<vmem>>) semaphore(%arg28 : memref<!tpu.dma_semaphore, #tpu.memory_space<semaphore_mem>>)
      %dma_wait3A_748 = arith.constant 0 : i32
      %dma_wait3A_749 = arith.constant 0 : i32
      %dma_wait3A_750 = tpu.memref_slice %arg2[%arg0, %dma_wait3A_748, %dma_wait3A_749] : memref<2x10000x128xf32, #tpu.memory_space<hbm>> -> memref<1x10000x128xf32, #tpu.memory_space<hbm>>
      %dma_wait3A_751 = tpu.memref_squeeze %dma_wait3A_750 : memref<1x10000x128xf32, #tpu.memory_space<hbm>> -> memref<10000x128xf32, #tpu.memory_space<hbm>>
      %dma_wait3A_752 = arith.constant 0 : i32
      %dma_wait3A_753 = arith.constant 0 : i32
      %dma_wait3A_754 = tpu.memref_slice %dma_wait3A_751[%dma_wait3A_752, %dma_wait3A_753] : memref<10000x128xf32, #tpu.memory_space<hbm>> -> memref<10000x128xf32, #tpu.memory_space<hbm>>
      tpu.wait_indirect_dma semaphore(%arg29 : memref<!tpu.dma_semaphore, #tpu.memory_space<semaphore_mem>>) src(%dma_wait3A_754 : memref<10000x128xf32, #tpu.memory_space<hbm>>) dst(%arg17 : memref<80x128xf32, #tpu.memory_space<vmem>>)
      %parallel_loop3A_755 = arith.constant 0 : i32
      %parallel_loop3A_756 = arith.constant 80 : i32
      %parallel_loop3A_757 = arith.constant 1 : i32
      scf.for %parallel_loop3A_1145 = %parallel_loop3A_755 to %parallel_loop3A_756 step %parallel_loop3A_757  : i32 {
        %parallel_loop3A_1146 = vector.broadcast %parallel_loop3A_1145 : i32 to vector<16xi32>
        %parallel_loop3A_1147 = tpu.vector_load_idx %arg10[%parallel_loop3A_1146] : memref<80xf32, #tpu.memory_space<vmem>>[vector<16xi32>], vector<16xf32>,
        %parallel_loop3A_1148 = arith.index_cast %parallel_loop3A_1145 : i32 to index
        %parallel_loop3A_1149 = arith.constant 0 : index
        %parallel_loop3A_1150 = tpu.vector_load %arg17[%parallel_loop3A_1148, %parallel_loop3A_1149] {strides = array<i32>} : memref<80x128xf32, #tpu.memory_space<vmem>>, vector<16xf32>,
        %parallel_loop3A_1151 = arith.mulf %parallel_loop3A_1150, %parallel_loop3A_1147 : vector<16xf32>
        %parallel_loop3A_1152 = arith.index_cast %parallel_loop3A_1145 : i32 to index
        %parallel_loop3A_1153 = arith.constant 0 : index
        %parallel_loop3A_1154 = tpu.vector_load %arg17[%parallel_loop3A_1152, %parallel_loop3A_1153] {strides = array<i32>} : memref<80x128xf32, #tpu.memory_space<vmem>>, vector<16xf32>,
        tpu.vector_store %arg17[%parallel_loop3A_1152, %parallel_loop3A_1153], %parallel_loop3A_1151 {strides = array<i32>} : memref<80x128xf32, #tpu.memory_space<vmem>>, vector<16xf32>,
        %parallel_loop3A_1155 = arith.index_cast %parallel_loop3A_1145 : i32 to index
        %parallel_loop3A_1156 = arith.constant 16 : index
        %parallel_loop3A_1157 = tpu.vector_load %arg17[%parallel_loop3A_1155, %parallel_loop3A_1156] {strides = array<i32>} : memref<80x128xf32, #tpu.memory_space<vmem>>, vector<16xf32>,
        %parallel_loop3A_1158 = arith.mulf %parallel_loop3A_1157, %parallel_loop3A_1147 : vector<16xf32>
        %parallel_loop3A_1159 = arith.index_cast %parallel_loop3A_1145 : i32 to index
        %parallel_loop3A_1160 = arith.constant 16 : index
        %parallel_loop3A_1161 = tpu.vector_load %arg17[%parallel_loop3A_1159, %parallel_loop3A_1160] {strides = array<i32>} : memref<80x128xf32, #tpu.memory_space<vmem>>, vector<16xf32>,
        tpu.vector_store %arg17[%parallel_loop3A_1159, %parallel_loop3A_1160], %parallel_loop3A_1158 {strides = array<i32>} : memref<80x128xf32, #tpu.memory_space<vmem>>, vector<16xf32>,
        %parallel_loop3A_1162 = arith.index_cast %parallel_loop3A_1145 : i32 to index
        %parallel_loop3A_1163 = arith.constant 32 : index
        %parallel_loop3A_1164 = tpu.vector_load %arg17[%parallel_loop3A_1162, %parallel_loop3A_1163] {strides = array<i32>} : memref<80x128xf32, #tpu.memory_space<vmem>>, vector<16xf32>,
        %parallel_loop3A_1165 = arith.mulf %parallel_loop3A_1164, %parallel_loop3A_1147 : vector<16xf32>
        %parallel_loop3A_1166 = arith.index_cast %parallel_loop3A_1145 : i32 to index
        %parallel_loop3A_1167 = arith.constant 32 : index
        %parallel_loop3A_1168 = tpu.vector_load %arg17[%parallel_loop3A_1166, %parallel_loop3A_1167] {strides = array<i32>} : memref<80x128xf32, #tpu.memory_space<vmem>>, vector<16xf32>,
        tpu.vector_store %arg17[%parallel_loop3A_1166, %parallel_loop3A_1167], %parallel_loop3A_1165 {strides = array<i32>} : memref<80x128xf32, #tpu.memory_space<vmem>>, vector<16xf32>,
        %parallel_loop3A_1169 = arith.index_cast %parallel_loop3A_1145 : i32 to index
        %parallel_loop3A_1170 = arith.constant 48 : index
        %parallel_loop3A_1171 = tpu.vector_load %arg17[%parallel_loop3A_1169, %parallel_loop3A_1170] {strides = array<i32>} : memref<80x128xf32, #tpu.memory_space<vmem>>, vector<16xf32>,
        %parallel_loop3A_1172 = arith.mulf %parallel_loop3A_1171, %parallel_loop3A_1147 : vector<16xf32>
        %parallel_loop3A_1173 = arith.index_cast %parallel_loop3A_1145 : i32 to index
        %parallel_loop3A_1174 = arith.constant 48 : index
        %parallel_loop3A_1175 = tpu.vector_load %arg17[%parallel_loop3A_1173, %parallel_loop3A_1174] {strides = array<i32>} : memref<80x128xf32, #tpu.memory_space<vmem>>, vector<16xf32>,
        tpu.vector_store %arg17[%parallel_loop3A_1173, %parallel_loop3A_1174], %parallel_loop3A_1172 {strides = array<i32>} : memref<80x128xf32, #tpu.memory_space<vmem>>, vector<16xf32>,
        %parallel_loop3A_1176 = arith.index_cast %parallel_loop3A_1145 : i32 to index
        %parallel_loop3A_1177 = arith.constant 64 : index
        %parallel_loop3A_1178 = tpu.vector_load %arg17[%parallel_loop3A_1176, %parallel_loop3A_1177] {strides = array<i32>} : memref<80x128xf32, #tpu.memory_space<vmem>>, vector<16xf32>,
        %parallel_loop3A_1179 = arith.mulf %parallel_loop3A_1178, %parallel_loop3A_1147 : vector<16xf32>
        %parallel_loop3A_1180 = arith.index_cast %parallel_loop3A_1145 : i32 to index
        %parallel_loop3A_1181 = arith.constant 64 : index
        %parallel_loop3A_1182 = tpu.vector_load %arg17[%parallel_loop3A_1180, %parallel_loop3A_1181] {strides = array<i32>} : memref<80x128xf32, #tpu.memory_space<vmem>>, vector<16xf32>,
        tpu.vector_store %arg17[%parallel_loop3A_1180, %parallel_loop3A_1181], %parallel_loop3A_1179 {strides = array<i32>} : memref<80x128xf32, #tpu.memory_space<vmem>>, vector<16xf32>,
        %parallel_loop3A_1183 = arith.index_cast %parallel_loop3A_1145 : i32 to index
        %parallel_loop3A_1184 = arith.constant 80 : index
        %parallel_loop3A_1185 = tpu.vector_load %arg17[%parallel_loop3A_1183, %parallel_loop3A_1184] {strides = array<i32>} : memref<80x128xf32, #tpu.memory_space<vmem>>, vector<16xf32>,
        %parallel_loop3A_1186 = arith.mulf %parallel_loop3A_1185, %parallel_loop3A_1147 : vector<16xf32>
        %parallel_loop3A_1187 = arith.index_cast %parallel_loop3A_1145 : i32 to index
        %parallel_loop3A_1188 = arith.constant 80 : index
        %parallel_loop3A_1189 = tpu.vector_load %arg17[%parallel_loop3A_1187, %parallel_loop3A_1188] {strides = array<i32>} : memref<80x128xf32, #tpu.memory_space<vmem>>, vector<16xf32>,
        tpu.vector_store %arg17[%parallel_loop3A_1187, %parallel_loop3A_1188], %parallel_loop3A_1186 {strides = array<i32>} : memref<80x128xf32, #tpu.memory_space<vmem>>, vector<16xf32>,
        %parallel_loop3A_1190 = arith.index_cast %parallel_loop3A_1145 : i32 to index
        %parallel_loop3A_1191 = arith.constant 96 : index
        %parallel_loop3A_1192 = tpu.vector_load %arg17[%parallel_loop3A_1190, %parallel_loop3A_1191] {strides = array<i32>} : memref<80x128xf32, #tpu.memory_space<vmem>>, vector<16xf32>,
        %parallel_loop3A_1193 = arith.mulf %parallel_loop3A_1192, %parallel_loop3A_1147 : vector<16xf32>
        %parallel_loop3A_1194 = arith.index_cast %parallel_loop3A_1145 : i32 to index
        %parallel_loop3A_1195 = arith.constant 96 : index
        %parallel_loop3A_1196 = tpu.vector_load %arg17[%parallel_loop3A_1194, %parallel_loop3A_1195] {strides = array<i32>} : memref<80x128xf32, #tpu.memory_space<vmem>>, vector<16xf32>,
        tpu.vector_store %arg17[%parallel_loop3A_1194, %parallel_loop3A_1195], %parallel_loop3A_1193 {strides = array<i32>} : memref<80x128xf32, #tpu.memory_space<vmem>>, vector<16xf32>,
        %parallel_loop3A_1197 = arith.index_cast %parallel_loop3A_1145 : i32 to index
        %parallel_loop3A_1198 = arith.constant 112 : index
        %parallel_loop3A_1199 = tpu.vector_load %arg17[%parallel_loop3A_1197, %parallel_loop3A_1198] {strides = array<i32>} : memref<80x128xf32, #tpu.memory_space<vmem>>, vector<16xf32>,
        %parallel_loop3A_1200 = arith.mulf %parallel_loop3A_1199, %parallel_loop3A_1147 : vector<16xf32>
        %parallel_loop3A_1201 = arith.index_cast %parallel_loop3A_1145 : i32 to index
        %parallel_loop3A_1202 = arith.constant 112 : index
        %parallel_loop3A_1203 = tpu.vector_load %arg17[%parallel_loop3A_1201, %parallel_loop3A_1202] {strides = array<i32>} : memref<80x128xf32, #tpu.memory_space<vmem>>, vector<16xf32>,
        tpu.vector_store %arg17[%parallel_loop3A_1201, %parallel_loop3A_1202], %parallel_loop3A_1200 {strides = array<i32>} : memref<80x128xf32, #tpu.memory_space<vmem>>, vector<16xf32>,
      } {sc.loop_unroll_factor = 4 : i64, sc.parallel_access}
      %dma_start3A_758 = arith.constant 0 : i32
      %dma_start3A_759 = arith.constant 0 : i32
      %dma_start3A_760 = tpu.memref_slice %arg24[%dma_start3A_758, %dma_start3A_759] : memref<10000x128xf32, #tpu.memory_space<vmem_shared>> -> memref<10000x128xf32, #tpu.memory_space<vmem_shared>>
      tpu.enqueue_indirect_dma source(%arg17 : memref<80x128xf32, #tpu.memory_space<vmem>>) target(%dma_start3A_760 : memref<10000x128xf32, #tpu.memory_space<vmem_shared>>) offsets(%arg15 : memref<80xi32, #tpu.memory_space<vmem>>) semaphore(%arg31 : memref<!tpu.dma_semaphore, #tpu.memory_space<semaphore_mem>>) {add = true}
      %dma_start3A_761 = arith.constant 0 : i32
      %dma_start3A_762 = arith.constant 0 : i32
      %dma_start3A_763 = tpu.memref_slice %arg25[%dma_start3A_761, %dma_start3A_762] : memref<10000x8xf32, #tpu.memory_space<vmem_shared>> -> memref<10000x8xf32, #tpu.memory_space<vmem_shared>>
      tpu.enqueue_indirect_dma source(%arg19 : memref<80x8xf32, #tpu.memory_space<vmem>>) target(%dma_start3A_763 : memref<10000x8xf32, #tpu.memory_space<vmem_shared>>) offsets(%arg15 : memref<80xi32, #tpu.memory_space<vmem>>) semaphore(%arg33 : memref<!tpu.dma_semaphore, #tpu.memory_space<semaphore_mem>>) {add = true}
      %add3A_764 = arith.constant 2 : i32
      %add3A_765 = arith.addi %mul3A_389, %add3A_764 : i32
      %add3A_766 = arith.constant 4 : i32
      %add3A_767 = arith.addi %mul3A_389, %add3A_766 : i32
      %mul3A_768 = arith.constant 80 : i32
      %mul3A_769 = arith.muli %add3A_767, %mul3A_768 : i32
      %dma_start3A_770 = arith.constant 0 : i32
      %dma_start3A_771 = tpu.memref_slice %arg3[%arg0, %dma_start3A_770, %arg1, %mul3A_769] : memref<2x2x16x20000xi32, #tpu.memory_space<hbm>> -> memref<1x1x1x160xi32, #tpu.memory_space<hbm>>
      %dma_start3A_772 = tpu.memref_squeeze %dma_start3A_771 : memref<1x1x1x160xi32, #tpu.memory_space<hbm>> -> memref<160xi32, #tpu.memory_space<hbm>>
      %dma_start3A_773 = tpu.memref_slice %arg3[%arg0, %dma_start3A_770, %arg1, %mul3A_769] : memref<2x2x16x20000xi32, #tpu.memory_space<hbm>> -> memref<1x1x1x160xi32, #tpu.memory_space<hbm>>
      %dma_start3A_774 = tpu.memref_squeeze %dma_start3A_773 : memref<1x1x1x160xi32, #tpu.memory_space<hbm>> -> memref<160xi32, #tpu.memory_space<hbm>>
      tpu.enqueue_dma source(%dma_start3A_774 : memref<160xi32, #tpu.memory_space<hbm>>) target(%arg20 : memref<160xi32, #tpu.memory_space<vmem>>) target_semaphore(%arg26 : memref<!tpu.dma_semaphore, #tpu.memory_space<semaphore_mem>>)
      %dma_start3A_775 = arith.constant 1 : i32
      %dma_start3A_776 = tpu.memref_slice %arg3[%arg0, %dma_start3A_775, %arg1, %mul3A_769] : memref<2x2x16x20000xi32, #tpu.memory_space<hbm>> -> memref<1x1x1x160xi32, #tpu.memory_space<hbm>>
      %dma_start3A_777 = tpu.memref_squeeze %dma_start3A_776 : memref<1x1x1x160xi32, #tpu.memory_space<hbm>> -> memref<160xi32, #tpu.memory_space<hbm>>
      %dma_start3A_778 = tpu.memref_slice %arg3[%arg0, %dma_start3A_775, %arg1, %mul3A_769] : memref<2x2x16x20000xi32, #tpu.memory_space<hbm>> -> memref<1x1x1x160xi32, #tpu.memory_space<hbm>>
      %dma_start3A_779 = tpu.memref_squeeze %dma_start3A_778 : memref<1x1x1x160xi32, #tpu.memory_space<hbm>> -> memref<160xi32, #tpu.memory_space<hbm>>
      tpu.enqueue_dma source(%dma_start3A_779 : memref<160xi32, #tpu.memory_space<hbm>>) target(%arg22 : memref<160xi32, #tpu.memory_space<vmem>>) target_semaphore(%arg26 : memref<!tpu.dma_semaphore, #tpu.memory_space<semaphore_mem>>)
      %get3A_780 = arith.constant 0 : index
      %get3A_781 = tpu.vector_load %arg12[%get3A_780] {strides = array<i32>} : memref<80xi32, #tpu.memory_space<vmem>>, vector<16xi32>,
      %get3A_782 = arith.constant 0 : index
      %get3A_783 = tpu.vector_load %arg14[%get3A_782] {strides = array<i32>} : memref<80xi32, #tpu.memory_space<vmem>>, vector<16xi32>,
      %add3A_784 = arith.addi %get3A_781, %get3A_781 : vector<16xi32>
      %gather3A_785 = tpu.vector_load_idx %arg11[%add3A_784] : memref<20000xf32, #tpu.memory_space<vmem>>[vector<16xi32>], vector<16xf32>,
      %add3A_786 = arith.addi %get3A_783, %get3A_783 : vector<16xi32>
      %add3A_787 = arith.addi %add3A_786, %add3A_4 : vector<16xi32>
      %gather3A_788 = tpu.vector_load_idx %arg11[%add3A_787] : memref<20000xf32, #tpu.memory_space<vmem>>[vector<16xi32>], vector<16xf32>,
      %add3A_789 = arith.addf %gather3A_785, %gather3A_788 : vector<16xf32>
      %mul3A_790 = arith.constant 2.000000e-01 : f32
      %mul3A_791 = vector.broadcast %mul3A_790 : f32 to vector<16xf32>
      %mul3A_792 = arith.mulf %mul3A_791, %add3A_789 : vector<16xf32>
      %max3A_793 = arith.maximumf %add3A_789, %mul3A_792 : vector<16xf32>
      %sub3A_794 = arith.subf %max3A_793, %get3A_1 : vector<16xf32>
      %exp3A_795 = math.exp %sub3A_794 : vector<16xf32>
      %swap3A_796 = arith.constant 0 : index
      %swap3A_797 = tpu.vector_load %arg10[%swap3A_796] {strides = array<i32>} : memref<80xf32, #tpu.memory_space<vmem>>, vector<16xf32>,
      tpu.vector_store %arg10[%swap3A_796], %exp3A_795 {strides = array<i32>} : memref<80xf32, #tpu.memory_space<vmem>>, vector<16xf32>,
      %add3A_798 = arith.constant 0 : i32
      %add3A_799 = vector.broadcast %add3A_798 : i32 to vector<16xi32>
      %add3A_800 = arith.addi %iota3A, %add3A_799 : vector<16xi32>
      tpu.vector_store_idx %arg18[%add3A_800, %broadcast_in_dim3A_2], %exp3A_795 : memref<80x8xf32, #tpu.memory_space<vmem>>[vector<16xi32>, vector<16xi32>], vector<16xf32>,
      %get3A_801 = arith.constant 16 : index
      %get3A_802 = tpu.vector_load %arg12[%get3A_801] {strides = array<i32>} : memref<80xi32, #tpu.memory_space<vmem>>, vector<16xi32>,
      %get3A_803 = arith.constant 16 : index
      %get3A_804 = tpu.vector_load %arg14[%get3A_803] {strides = array<i32>} : memref<80xi32, #tpu.memory_space<vmem>>, vector<16xi32>,
      %add3A_805 = arith.addi %get3A_802, %get3A_802 : vector<16xi32>
      %gather3A_806 = tpu.vector_load_idx %arg11[%add3A_805] : memref<20000xf32, #tpu.memory_space<vmem>>[vector<16xi32>], vector<16xf32>,
      %add3A_807 = arith.addi %get3A_804, %get3A_804 : vector<16xi32>
      %add3A_808 = arith.addi %add3A_807, %add3A_4 : vector<16xi32>
      %gather3A_809 = tpu.vector_load_idx %arg11[%add3A_808] : memref<20000xf32, #tpu.memory_space<vmem>>[vector<16xi32>], vector<16xf32>,
      %add3A_810 = arith.addf %gather3A_806, %gather3A_809 : vector<16xf32>
      %mul3A_811 = arith.constant 2.000000e-01 : f32
      %mul3A_812 = vector.broadcast %mul3A_811 : f32 to vector<16xf32>
      %mul3A_813 = arith.mulf %mul3A_812, %add3A_810 : vector<16xf32>
      %max3A_814 = arith.maximumf %add3A_810, %mul3A_813 : vector<16xf32>
      %sub3A_815 = arith.subf %max3A_814, %get3A_1 : vector<16xf32>
      %exp3A_816 = math.exp %sub3A_815 : vector<16xf32>
      %swap3A_817 = arith.constant 16 : index
      %swap3A_818 = tpu.vector_load %arg10[%swap3A_817] {strides = array<i32>} : memref<80xf32, #tpu.memory_space<vmem>>, vector<16xf32>,
      tpu.vector_store %arg10[%swap3A_817], %exp3A_816 {strides = array<i32>} : memref<80xf32, #tpu.memory_space<vmem>>, vector<16xf32>,
      %add3A_819 = arith.constant 16 : i32
      %add3A_820 = vector.broadcast %add3A_819 : i32 to vector<16xi32>
      %add3A_821 = arith.addi %iota3A, %add3A_820 : vector<16xi32>
      tpu.vector_store_idx %arg18[%add3A_821, %broadcast_in_dim3A_2], %exp3A_816 : memref<80x8xf32, #tpu.memory_space<vmem>>[vector<16xi32>, vector<16xi32>], vector<16xf32>,
      %get3A_822 = arith.constant 32 : index
      %get3A_823 = tpu.vector_load %arg12[%get3A_822] {strides = array<i32>} : memref<80xi32, #tpu.memory_space<vmem>>, vector<16xi32>,
      %get3A_824 = arith.constant 32 : index
      %get3A_825 = tpu.vector_load %arg14[%get3A_824] {strides = array<i32>} : memref<80xi32, #tpu.memory_space<vmem>>, vector<16xi32>,
      %add3A_826 = arith.addi %get3A_823, %get3A_823 : vector<16xi32>
      %gather3A_827 = tpu.vector_load_idx %arg11[%add3A_826] : memref<20000xf32, #tpu.memory_space<vmem>>[vector<16xi32>], vector<16xf32>,
      %add3A_828 = arith.addi %get3A_825, %get3A_825 : vector<16xi32>
      %add3A_829 = arith.addi %add3A_828, %add3A_4 : vector<16xi32>
      %gather3A_830 = tpu.vector_load_idx %arg11[%add3A_829] : memref<20000xf32, #tpu.memory_space<vmem>>[vector<16xi32>], vector<16xf32>,
      %add3A_831 = arith.addf %gather3A_827, %gather3A_830 : vector<16xf32>
      %mul3A_832 = arith.constant 2.000000e-01 : f32
      %mul3A_833 = vector.broadcast %mul3A_832 : f32 to vector<16xf32>
      %mul3A_834 = arith.mulf %mul3A_833, %add3A_831 : vector<16xf32>
      %max3A_835 = arith.maximumf %add3A_831, %mul3A_834 : vector<16xf32>
      %sub3A_836 = arith.subf %max3A_835, %get3A_1 : vector<16xf32>
      %exp3A_837 = math.exp %sub3A_836 : vector<16xf32>
      %swap3A_838 = arith.constant 32 : index
      %swap3A_839 = tpu.vector_load %arg10[%swap3A_838] {strides = array<i32>} : memref<80xf32, #tpu.memory_space<vmem>>, vector<16xf32>,
      tpu.vector_store %arg10[%swap3A_838], %exp3A_837 {strides = array<i32>} : memref<80xf32, #tpu.memory_space<vmem>>, vector<16xf32>,
      %add3A_840 = arith.constant 32 : i32
      %add3A_841 = vector.broadcast %add3A_840 : i32 to vector<16xi32>
      %add3A_842 = arith.addi %iota3A, %add3A_841 : vector<16xi32>
      tpu.vector_store_idx %arg18[%add3A_842, %broadcast_in_dim3A_2], %exp3A_837 : memref<80x8xf32, #tpu.memory_space<vmem>>[vector<16xi32>, vector<16xi32>], vector<16xf32>,
      %get3A_843 = arith.constant 48 : index
      %get3A_844 = tpu.vector_load %arg12[%get3A_843] {strides = array<i32>} : memref<80xi32, #tpu.memory_space<vmem>>, vector<16xi32>,
      %get3A_845 = arith.constant 48 : index
      %get3A_846 = tpu.vector_load %arg14[%get3A_845] {strides = array<i32>} : memref<80xi32, #tpu.memory_space<vmem>>, vector<16xi32>,
      %add3A_847 = arith.addi %get3A_844, %get3A_844 : vector<16xi32>
      %gather3A_848 = tpu.vector_load_idx %arg11[%add3A_847] : memref<20000xf32, #tpu.memory_space<vmem>>[vector<16xi32>], vector<16xf32>,
      %add3A_849 = arith.addi %get3A_846, %get3A_846 : vector<16xi32>
      %add3A_850 = arith.addi %add3A_849, %add3A_4 : vector<16xi32>
      %gather3A_851 = tpu.vector_load_idx %arg11[%add3A_850] : memref<20000xf32, #tpu.memory_space<vmem>>[vector<16xi32>], vector<16xf32>,
      %add3A_852 = arith.addf %gather3A_848, %gather3A_851 : vector<16xf32>
      %mul3A_853 = arith.constant 2.000000e-01 : f32
      %mul3A_854 = vector.broadcast %mul3A_853 : f32 to vector<16xf32>
      %mul3A_855 = arith.mulf %mul3A_854, %add3A_852 : vector<16xf32>
      %max3A_856 = arith.maximumf %add3A_852, %mul3A_855 : vector<16xf32>
      %sub3A_857 = arith.subf %max3A_856, %get3A_1 : vector<16xf32>
      %exp3A_858 = math.exp %sub3A_857 : vector<16xf32>
      %swap3A_859 = arith.constant 48 : index
      %swap3A_860 = tpu.vector_load %arg10[%swap3A_859] {strides = array<i32>} : memref<80xf32, #tpu.memory_space<vmem>>, vector<16xf32>,
      tpu.vector_store %arg10[%swap3A_859], %exp3A_858 {strides = array<i32>} : memref<80xf32, #tpu.memory_space<vmem>>, vector<16xf32>,
      %add3A_861 = arith.constant 48 : i32
      %add3A_862 = vector.broadcast %add3A_861 : i32 to vector<16xi32>
      %add3A_863 = arith.addi %iota3A, %add3A_862 : vector<16xi32>
      tpu.vector_store_idx %arg18[%add3A_863, %broadcast_in_dim3A_2], %exp3A_858 : memref<80x8xf32, #tpu.memory_space<vmem>>[vector<16xi32>, vector<16xi32>], vector<16xf32>,
      %get3A_864 = arith.constant 64 : index
      %get3A_865 = tpu.vector_load %arg12[%get3A_864] {strides = array<i32>} : memref<80xi32, #tpu.memory_space<vmem>>, vector<16xi32>,
      %get3A_866 = arith.constant 64 : index
      %get3A_867 = tpu.vector_load %arg14[%get3A_866] {strides = array<i32>} : memref<80xi32, #tpu.memory_space<vmem>>, vector<16xi32>,
      %add3A_868 = arith.addi %get3A_865, %get3A_865 : vector<16xi32>
      %gather3A_869 = tpu.vector_load_idx %arg11[%add3A_868] : memref<20000xf32, #tpu.memory_space<vmem>>[vector<16xi32>], vector<16xf32>,
      %add3A_870 = arith.addi %get3A_867, %get3A_867 : vector<16xi32>
      %add3A_871 = arith.addi %add3A_870, %add3A_4 : vector<16xi32>
      %gather3A_872 = tpu.vector_load_idx %arg11[%add3A_871] : memref<20000xf32, #tpu.memory_space<vmem>>[vector<16xi32>], vector<16xf32>,
      %add3A_873 = arith.addf %gather3A_869, %gather3A_872 : vector<16xf32>
      %mul3A_874 = arith.constant 2.000000e-01 : f32
      %mul3A_875 = vector.broadcast %mul3A_874 : f32 to vector<16xf32>
      %mul3A_876 = arith.mulf %mul3A_875, %add3A_873 : vector<16xf32>
      %max3A_877 = arith.maximumf %add3A_873, %mul3A_876 : vector<16xf32>
      %sub3A_878 = arith.subf %max3A_877, %get3A_1 : vector<16xf32>
      %exp3A_879 = math.exp %sub3A_878 : vector<16xf32>
      %swap3A_880 = arith.constant 64 : index
      %swap3A_881 = tpu.vector_load %arg10[%swap3A_880] {strides = array<i32>} : memref<80xf32, #tpu.memory_space<vmem>>, vector<16xf32>,
      tpu.vector_store %arg10[%swap3A_880], %exp3A_879 {strides = array<i32>} : memref<80xf32, #tpu.memory_space<vmem>>, vector<16xf32>,
      %add3A_882 = arith.constant 64 : i32
      %add3A_883 = vector.broadcast %add3A_882 : i32 to vector<16xi32>
      %add3A_884 = arith.addi %iota3A, %add3A_883 : vector<16xi32>
      tpu.vector_store_idx %arg18[%add3A_884, %broadcast_in_dim3A_2], %exp3A_879 : memref<80x8xf32, #tpu.memory_space<vmem>>[vector<16xi32>, vector<16xi32>], vector<16xf32>,
      %dma_wait3A_885 = arith.constant 0 : i32
      %dma_wait3A_886 = arith.constant 0 : i32
      %dma_wait3A_887 = tpu.memref_slice %arg24[%dma_wait3A_885, %dma_wait3A_886] : memref<10000x128xf32, #tpu.memory_space<vmem_shared>> -> memref<10000x128xf32, #tpu.memory_space<vmem_shared>>
      tpu.wait_indirect_dma semaphore(%arg31 : memref<!tpu.dma_semaphore, #tpu.memory_space<semaphore_mem>>) src(%arg17 : memref<80x128xf32, #tpu.memory_space<vmem>>) dst(%dma_wait3A_887 : memref<10000x128xf32, #tpu.memory_space<vmem_shared>>)
      %dma_wait3A_888 = arith.constant 0 : i32
      %dma_wait3A_889 = arith.constant 0 : i32
      %dma_wait3A_890 = tpu.memref_slice %arg25[%dma_wait3A_888, %dma_wait3A_889] : memref<10000x8xf32, #tpu.memory_space<vmem_shared>> -> memref<10000x8xf32, #tpu.memory_space<vmem_shared>>
      tpu.wait_indirect_dma semaphore(%arg33 : memref<!tpu.dma_semaphore, #tpu.memory_space<semaphore_mem>>) src(%arg19 : memref<80x8xf32, #tpu.memory_space<vmem>>) dst(%dma_wait3A_890 : memref<10000x8xf32, #tpu.memory_space<vmem_shared>>)
      %get3A_891 = arith.constant 80 : index
      %get3A_892 = tpu.vector_load %arg21[%get3A_891] {strides = array<i32>} : memref<160xi32, #tpu.memory_space<vmem>>, vector<16xi32>,
      %swap3A_893 = arith.constant 0 : index
      %swap3A_894 = tpu.vector_load %arg13[%swap3A_893] {strides = array<i32>} : memref<80xi32, #tpu.memory_space<vmem>>, vector<16xi32>,
      tpu.vector_store %arg13[%swap3A_893], %get3A_892 {strides = array<i32>} : memref<80xi32, #tpu.memory_space<vmem>>, vector<16xi32>,
      %get3A_895 = arith.constant 80 : index
      %get3A_896 = tpu.vector_load %arg23[%get3A_895] {strides = array<i32>} : memref<160xi32, #tpu.memory_space<vmem>>, vector<16xi32>,
      %swap3A_897 = arith.constant 0 : index
      %swap3A_898 = tpu.vector_load %arg15[%swap3A_897] {strides = array<i32>} : memref<80xi32, #tpu.memory_space<vmem>>, vector<16xi32>,
      tpu.vector_store %arg15[%swap3A_897], %get3A_896 {strides = array<i32>} : memref<80xi32, #tpu.memory_space<vmem>>, vector<16xi32>,
      %get3A_899 = arith.constant 96 : index
      %get3A_900 = tpu.vector_load %arg21[%get3A_899] {strides = array<i32>} : memref<160xi32, #tpu.memory_space<vmem>>, vector<16xi32>,
      %swap3A_901 = arith.constant 16 : index
      %swap3A_902 = tpu.vector_load %arg13[%swap3A_901] {strides = array<i32>} : memref<80xi32, #tpu.memory_space<vmem>>, vector<16xi32>,
      tpu.vector_store %arg13[%swap3A_901], %get3A_900 {strides = array<i32>} : memref<80xi32, #tpu.memory_space<vmem>>, vector<16xi32>,
      %get3A_903 = arith.constant 96 : index
      %get3A_904 = tpu.vector_load %arg23[%get3A_903] {strides = array<i32>} : memref<160xi32, #tpu.memory_space<vmem>>, vector<16xi32>,
      %swap3A_905 = arith.constant 16 : index
      %swap3A_906 = tpu.vector_load %arg15[%swap3A_905] {strides = array<i32>} : memref<80xi32, #tpu.memory_space<vmem>>, vector<16xi32>,
      tpu.vector_store %arg15[%swap3A_905], %get3A_904 {strides = array<i32>} : memref<80xi32, #tpu.memory_space<vmem>>, vector<16xi32>,
      %get3A_907 = arith.constant 112 : index
      %get3A_908 = tpu.vector_load %arg21[%get3A_907] {strides = array<i32>} : memref<160xi32, #tpu.memory_space<vmem>>, vector<16xi32>,
      %swap3A_909 = arith.constant 32 : index
      %swap3A_910 = tpu.vector_load %arg13[%swap3A_909] {strides = array<i32>} : memref<80xi32, #tpu.memory_space<vmem>>, vector<16xi32>,
      tpu.vector_store %arg13[%swap3A_909], %get3A_908 {strides = array<i32>} : memref<80xi32, #tpu.memory_space<vmem>>, vector<16xi32>,
      %get3A_911 = arith.constant 112 : index
      %get3A_912 = tpu.vector_load %arg23[%get3A_911] {strides = array<i32>} : memref<160xi32, #tpu.memory_space<vmem>>, vector<16xi32>,
      %swap3A_913 = arith.constant 32 : index
      %swap3A_914 = tpu.vector_load %arg15[%swap3A_913] {strides = array<i32>} : memref<80xi32, #tpu.memory_space<vmem>>, vector<16xi32>,
      tpu.vector_store %arg15[%swap3A_913], %get3A_912 {strides = array<i32>} : memref<80xi32, #tpu.memory_space<vmem>>, vector<16xi32>,
      %get3A_915 = arith.constant 128 : index
      %get3A_916 = tpu.vector_load %arg21[%get3A_915] {strides = array<i32>} : memref<160xi32, #tpu.memory_space<vmem>>, vector<16xi32>,
      %swap3A_917 = arith.constant 48 : index
      %swap3A_918 = tpu.vector_load %arg13[%swap3A_917] {strides = array<i32>} : memref<80xi32, #tpu.memory_space<vmem>>, vector<16xi32>,
      tpu.vector_store %arg13[%swap3A_917], %get3A_916 {strides = array<i32>} : memref<80xi32, #tpu.memory_space<vmem>>, vector<16xi32>,
      %get3A_919 = arith.constant 128 : index
      %get3A_920 = tpu.vector_load %arg23[%get3A_919] {strides = array<i32>} : memref<160xi32, #tpu.memory_space<vmem>>, vector<16xi32>,
      %swap3A_921 = arith.constant 48 : index
      %swap3A_922 = tpu.vector_load %arg15[%swap3A_921] {strides = array<i32>} : memref<80xi32, #tpu.memory_space<vmem>>, vector<16xi32>,
      tpu.vector_store %arg15[%swap3A_921], %get3A_920 {strides = array<i32>} : memref<80xi32, #tpu.memory_space<vmem>>, vector<16xi32>,
      %get3A_923 = arith.constant 144 : index
      %get3A_924 = tpu.vector_load %arg21[%get3A_923] {strides = array<i32>} : memref<160xi32, #tpu.memory_space<vmem>>, vector<16xi32>,
      %swap3A_925 = arith.constant 64 : index
      %swap3A_926 = tpu.vector_load %arg13[%swap3A_925] {strides = array<i32>} : memref<80xi32, #tpu.memory_space<vmem>>, vector<16xi32>,
      tpu.vector_store %arg13[%swap3A_925], %get3A_924 {strides = array<i32>} : memref<80xi32, #tpu.memory_space<vmem>>, vector<16xi32>,
      %get3A_927 = arith.constant 144 : index
      %get3A_928 = tpu.vector_load %arg23[%get3A_927] {strides = array<i32>} : memref<160xi32, #tpu.memory_space<vmem>>, vector<16xi32>,
      %swap3A_929 = arith.constant 64 : index
      %swap3A_930 = tpu.vector_load %arg15[%swap3A_929] {strides = array<i32>} : memref<80xi32, #tpu.memory_space<vmem>>, vector<16xi32>,
      tpu.vector_store %arg15[%swap3A_929], %get3A_928 {strides = array<i32>} : memref<80xi32, #tpu.memory_space<vmem>>, vector<16xi32>,
      %dma_start3A_931 = arith.constant 0 : i32
      %dma_start3A_932 = arith.constant 0 : i32
      %dma_start3A_933 = tpu.memref_slice %arg2[%arg0, %dma_start3A_931, %dma_start3A_932] : memref<2x10000x128xf32, #tpu.memory_space<hbm>> -> memref<1x10000x128xf32, #tpu.memory_space<hbm>>
      %dma_start3A_934 = tpu.memref_squeeze %dma_start3A_933 : memref<1x10000x128xf32, #tpu.memory_space<hbm>> -> memref<10000x128xf32, #tpu.memory_space<hbm>>
      %dma_start3A_935 = arith.constant 0 : i32
      %dma_start3A_936 = arith.constant 0 : i32
      %dma_start3A_937 = tpu.memref_slice %dma_start3A_934[%dma_start3A_935, %dma_start3A_936] : memref<10000x128xf32, #tpu.memory_space<hbm>> -> memref<10000x128xf32, #tpu.memory_space<hbm>>
      tpu.enqueue_indirect_dma source(%dma_start3A_937 : memref<10000x128xf32, #tpu.memory_space<hbm>>) target(%arg17 : memref<80x128xf32, #tpu.memory_space<vmem>>) offsets(%arg13 : memref<80xi32, #tpu.memory_space<vmem>>) semaphore(%arg29 : memref<!tpu.dma_semaphore, #tpu.memory_space<semaphore_mem>>)
      %dma_wait3A_938 = arith.constant 0 : i32
      %dma_wait3A_939 = arith.constant 0 : i32
      %dma_wait3A_940 = tpu.memref_slice %arg2[%arg0, %dma_wait3A_938, %dma_wait3A_939] : memref<2x10000x128xf32, #tpu.memory_space<hbm>> -> memref<1x10000x128xf32, #tpu.memory_space<hbm>>
      %dma_wait3A_941 = tpu.memref_squeeze %dma_wait3A_940 : memref<1x10000x128xf32, #tpu.memory_space<hbm>> -> memref<10000x128xf32, #tpu.memory_space<hbm>>
      %dma_wait3A_942 = arith.constant 0 : i32
      %dma_wait3A_943 = arith.constant 0 : i32
      %dma_wait3A_944 = tpu.memref_slice %dma_wait3A_941[%dma_wait3A_942, %dma_wait3A_943] : memref<10000x128xf32, #tpu.memory_space<hbm>> -> memref<10000x128xf32, #tpu.memory_space<hbm>>
      tpu.wait_indirect_dma semaphore(%arg28 : memref<!tpu.dma_semaphore, #tpu.memory_space<semaphore_mem>>) src(%dma_wait3A_944 : memref<10000x128xf32, #tpu.memory_space<hbm>>) dst(%arg16 : memref<80x128xf32, #tpu.memory_space<vmem>>)
      %parallel_loop3A_945 = arith.constant 0 : i32
      %parallel_loop3A_946 = arith.constant 80 : i32
      %parallel_loop3A_947 = arith.constant 1 : i32
      scf.for %parallel_loop3A_1145 = %parallel_loop3A_945 to %parallel_loop3A_946 step %parallel_loop3A_947  : i32 {
        %parallel_loop3A_1146 = vector.broadcast %parallel_loop3A_1145 : i32 to vector<16xi32>
        %parallel_loop3A_1147 = tpu.vector_load_idx %arg10[%parallel_loop3A_1146] : memref<80xf32, #tpu.memory_space<vmem>>[vector<16xi32>], vector<16xf32>,
        %parallel_loop3A_1148 = arith.index_cast %parallel_loop3A_1145 : i32 to index
        %parallel_loop3A_1149 = arith.constant 0 : index
        %parallel_loop3A_1150 = tpu.vector_load %arg16[%parallel_loop3A_1148, %parallel_loop3A_1149] {strides = array<i32>} : memref<80x128xf32, #tpu.memory_space<vmem>>, vector<16xf32>,
        %parallel_loop3A_1151 = arith.mulf %parallel_loop3A_1150, %parallel_loop3A_1147 : vector<16xf32>
        %parallel_loop3A_1152 = arith.index_cast %parallel_loop3A_1145 : i32 to index
        %parallel_loop3A_1153 = arith.constant 0 : index
        %parallel_loop3A_1154 = tpu.vector_load %arg16[%parallel_loop3A_1152, %parallel_loop3A_1153] {strides = array<i32>} : memref<80x128xf32, #tpu.memory_space<vmem>>, vector<16xf32>,
        tpu.vector_store %arg16[%parallel_loop3A_1152, %parallel_loop3A_1153], %parallel_loop3A_1151 {strides = array<i32>} : memref<80x128xf32, #tpu.memory_space<vmem>>, vector<16xf32>,
        %parallel_loop3A_1155 = arith.index_cast %parallel_loop3A_1145 : i32 to index
        %parallel_loop3A_1156 = arith.constant 16 : index
        %parallel_loop3A_1157 = tpu.vector_load %arg16[%parallel_loop3A_1155, %parallel_loop3A_1156] {strides = array<i32>} : memref<80x128xf32, #tpu.memory_space<vmem>>, vector<16xf32>,
        %parallel_loop3A_1158 = arith.mulf %parallel_loop3A_1157, %parallel_loop3A_1147 : vector<16xf32>
        %parallel_loop3A_1159 = arith.index_cast %parallel_loop3A_1145 : i32 to index
        %parallel_loop3A_1160 = arith.constant 16 : index
        %parallel_loop3A_1161 = tpu.vector_load %arg16[%parallel_loop3A_1159, %parallel_loop3A_1160] {strides = array<i32>} : memref<80x128xf32, #tpu.memory_space<vmem>>, vector<16xf32>,
        tpu.vector_store %arg16[%parallel_loop3A_1159, %parallel_loop3A_1160], %parallel_loop3A_1158 {strides = array<i32>} : memref<80x128xf32, #tpu.memory_space<vmem>>, vector<16xf32>,
        %parallel_loop3A_1162 = arith.index_cast %parallel_loop3A_1145 : i32 to index
        %parallel_loop3A_1163 = arith.constant 32 : index
        %parallel_loop3A_1164 = tpu.vector_load %arg16[%parallel_loop3A_1162, %parallel_loop3A_1163] {strides = array<i32>} : memref<80x128xf32, #tpu.memory_space<vmem>>, vector<16xf32>,
        %parallel_loop3A_1165 = arith.mulf %parallel_loop3A_1164, %parallel_loop3A_1147 : vector<16xf32>
        %parallel_loop3A_1166 = arith.index_cast %parallel_loop3A_1145 : i32 to index
        %parallel_loop3A_1167 = arith.constant 32 : index
        %parallel_loop3A_1168 = tpu.vector_load %arg16[%parallel_loop3A_1166, %parallel_loop3A_1167] {strides = array<i32>} : memref<80x128xf32, #tpu.memory_space<vmem>>, vector<16xf32>,
        tpu.vector_store %arg16[%parallel_loop3A_1166, %parallel_loop3A_1167], %parallel_loop3A_1165 {strides = array<i32>} : memref<80x128xf32, #tpu.memory_space<vmem>>, vector<16xf32>,
        %parallel_loop3A_1169 = arith.index_cast %parallel_loop3A_1145 : i32 to index
        %parallel_loop3A_1170 = arith.constant 48 : index
        %parallel_loop3A_1171 = tpu.vector_load %arg16[%parallel_loop3A_1169, %parallel_loop3A_1170] {strides = array<i32>} : memref<80x128xf32, #tpu.memory_space<vmem>>, vector<16xf32>,
        %parallel_loop3A_1172 = arith.mulf %parallel_loop3A_1171, %parallel_loop3A_1147 : vector<16xf32>
        %parallel_loop3A_1173 = arith.index_cast %parallel_loop3A_1145 : i32 to index
        %parallel_loop3A_1174 = arith.constant 48 : index
        %parallel_loop3A_1175 = tpu.vector_load %arg16[%parallel_loop3A_1173, %parallel_loop3A_1174] {strides = array<i32>} : memref<80x128xf32, #tpu.memory_space<vmem>>, vector<16xf32>,
        tpu.vector_store %arg16[%parallel_loop3A_1173, %parallel_loop3A_1174], %parallel_loop3A_1172 {strides = array<i32>} : memref<80x128xf32, #tpu.memory_space<vmem>>, vector<16xf32>,
        %parallel_loop3A_1176 = arith.index_cast %parallel_loop3A_1145 : i32 to index
        %parallel_loop3A_1177 = arith.constant 64 : index
        %parallel_loop3A_1178 = tpu.vector_load %arg16[%parallel_loop3A_1176, %parallel_loop3A_1177] {strides = array<i32>} : memref<80x128xf32, #tpu.memory_space<vmem>>, vector<16xf32>,
        %parallel_loop3A_1179 = arith.mulf %parallel_loop3A_1178, %parallel_loop3A_1147 : vector<16xf32>
        %parallel_loop3A_1180 = arith.index_cast %parallel_loop3A_1145 : i32 to index
        %parallel_loop3A_1181 = arith.constant 64 : index
        %parallel_loop3A_1182 = tpu.vector_load %arg16[%parallel_loop3A_1180, %parallel_loop3A_1181] {strides = array<i32>} : memref<80x128xf32, #tpu.memory_space<vmem>>, vector<16xf32>,
        tpu.vector_store %arg16[%parallel_loop3A_1180, %parallel_loop3A_1181], %parallel_loop3A_1179 {strides = array<i32>} : memref<80x128xf32, #tpu.memory_space<vmem>>, vector<16xf32>,
        %parallel_loop3A_1183 = arith.index_cast %parallel_loop3A_1145 : i32 to index
        %parallel_loop3A_1184 = arith.constant 80 : index
        %parallel_loop3A_1185 = tpu.vector_load %arg16[%parallel_loop3A_1183, %parallel_loop3A_1184] {strides = array<i32>} : memref<80x128xf32, #tpu.memory_space<vmem>>, vector<16xf32>,
        %parallel_loop3A_1186 = arith.mulf %parallel_loop3A_1185, %parallel_loop3A_1147 : vector<16xf32>
        %parallel_loop3A_1187 = arith.index_cast %parallel_loop3A_1145 : i32 to index
        %parallel_loop3A_1188 = arith.constant 80 : index
        %parallel_loop3A_1189 = tpu.vector_load %arg16[%parallel_loop3A_1187, %parallel_loop3A_1188] {strides = array<i32>} : memref<80x128xf32, #tpu.memory_space<vmem>>, vector<16xf32>,
        tpu.vector_store %arg16[%parallel_loop3A_1187, %parallel_loop3A_1188], %parallel_loop3A_1186 {strides = array<i32>} : memref<80x128xf32, #tpu.memory_space<vmem>>, vector<16xf32>,
        %parallel_loop3A_1190 = arith.index_cast %parallel_loop3A_1145 : i32 to index
        %parallel_loop3A_1191 = arith.constant 96 : index
        %parallel_loop3A_1192 = tpu.vector_load %arg16[%parallel_loop3A_1190, %parallel_loop3A_1191] {strides = array<i32>} : memref<80x128xf32, #tpu.memory_space<vmem>>, vector<16xf32>,
        %parallel_loop3A_1193 = arith.mulf %parallel_loop3A_1192, %parallel_loop3A_1147 : vector<16xf32>
        %parallel_loop3A_1194 = arith.index_cast %parallel_loop3A_1145 : i32 to index
        %parallel_loop3A_1195 = arith.constant 96 : index
        %parallel_loop3A_1196 = tpu.vector_load %arg16[%parallel_loop3A_1194, %parallel_loop3A_1195] {strides = array<i32>} : memref<80x128xf32, #tpu.memory_space<vmem>>, vector<16xf32>,
        tpu.vector_store %arg16[%parallel_loop3A_1194, %parallel_loop3A_1195], %parallel_loop3A_1193 {strides = array<i32>} : memref<80x128xf32, #tpu.memory_space<vmem>>, vector<16xf32>,
        %parallel_loop3A_1197 = arith.index_cast %parallel_loop3A_1145 : i32 to index
        %parallel_loop3A_1198 = arith.constant 112 : index
        %parallel_loop3A_1199 = tpu.vector_load %arg16[%parallel_loop3A_1197, %parallel_loop3A_1198] {strides = array<i32>} : memref<80x128xf32, #tpu.memory_space<vmem>>, vector<16xf32>,
        %parallel_loop3A_1200 = arith.mulf %parallel_loop3A_1199, %parallel_loop3A_1147 : vector<16xf32>
        %parallel_loop3A_1201 = arith.index_cast %parallel_loop3A_1145 : i32 to index
        %parallel_loop3A_1202 = arith.constant 112 : index
        %parallel_loop3A_1203 = tpu.vector_load %arg16[%parallel_loop3A_1201, %parallel_loop3A_1202] {strides = array<i32>} : memref<80x128xf32, #tpu.memory_space<vmem>>, vector<16xf32>,
        tpu.vector_store %arg16[%parallel_loop3A_1201, %parallel_loop3A_1202], %parallel_loop3A_1200 {strides = array<i32>} : memref<80x128xf32, #tpu.memory_space<vmem>>, vector<16xf32>,
      } {sc.loop_unroll_factor = 4 : i64, sc.parallel_access}
      %dma_start3A_948 = arith.constant 0 : i32
      %dma_start3A_949 = arith.constant 0 : i32
      %dma_start3A_950 = tpu.memref_slice %arg24[%dma_start3A_948, %dma_start3A_949] : memref<10000x128xf32, #tpu.memory_space<vmem_shared>> -> memref<10000x128xf32, #tpu.memory_space<vmem_shared>>
      tpu.enqueue_indirect_dma source(%arg16 : memref<80x128xf32, #tpu.memory_space<vmem>>) target(%dma_start3A_950 : memref<10000x128xf32, #tpu.memory_space<vmem_shared>>) offsets(%arg14 : memref<80xi32, #tpu.memory_space<vmem>>) semaphore(%arg30 : memref<!tpu.dma_semaphore, #tpu.memory_space<semaphore_mem>>) {add = true}
      %dma_start3A_951 = arith.constant 0 : i32
      %dma_start3A_952 = arith.constant 0 : i32
      %dma_start3A_953 = tpu.memref_slice %arg25[%dma_start3A_951, %dma_start3A_952] : memref<10000x8xf32, #tpu.memory_space<vmem_shared>> -> memref<10000x8xf32, #tpu.memory_space<vmem_shared>>
      tpu.enqueue_indirect_dma source(%arg18 : memref<80x8xf32, #tpu.memory_space<vmem>>) target(%dma_start3A_953 : memref<10000x8xf32, #tpu.memory_space<vmem_shared>>) offsets(%arg14 : memref<80xi32, #tpu.memory_space<vmem>>) semaphore(%arg32 : memref<!tpu.dma_semaphore, #tpu.memory_space<semaphore_mem>>) {add = true}
      %add3A_954 = arith.constant 3 : i32
      %add3A_955 = arith.addi %mul3A_389, %add3A_954 : i32
      %get3A_956 = arith.constant 0 : index
      %get3A_957 = tpu.vector_load %arg13[%get3A_956] {strides = array<i32>} : memref<80xi32, #tpu.memory_space<vmem>>, vector<16xi32>,
      %get3A_958 = arith.constant 0 : index
      %get3A_959 = tpu.vector_load %arg15[%get3A_958] {strides = array<i32>} : memref<80xi32, #tpu.memory_space<vmem>>, vector<16xi32>,
      %add3A_960 = arith.addi %get3A_957, %get3A_957 : vector<16xi32>
      %gather3A_961 = tpu.vector_load_idx %arg11[%add3A_960] : memref<20000xf32, #tpu.memory_space<vmem>>[vector<16xi32>], vector<16xf32>,
      %add3A_962 = arith.addi %get3A_959, %get3A_959 : vector<16xi32>
      %add3A_963 = arith.addi %add3A_962, %add3A_4 : vector<16xi32>
      %gather3A_964 = tpu.vector_load_idx %arg11[%add3A_963] : memref<20000xf32, #tpu.memory_space<vmem>>[vector<16xi32>], vector<16xf32>,
      %add3A_965 = arith.addf %gather3A_961, %gather3A_964 : vector<16xf32>
      %mul3A_966 = arith.constant 2.000000e-01 : f32
      %mul3A_967 = vector.broadcast %mul3A_966 : f32 to vector<16xf32>
      %mul3A_968 = arith.mulf %mul3A_967, %add3A_965 : vector<16xf32>
      %max3A_969 = arith.maximumf %add3A_965, %mul3A_968 : vector<16xf32>
      %sub3A_970 = arith.subf %max3A_969, %get3A_1 : vector<16xf32>
      %exp3A_971 = math.exp %sub3A_970 : vector<16xf32>
      %swap3A_972 = arith.constant 0 : index
      %swap3A_973 = tpu.vector_load %arg10[%swap3A_972] {strides = array<i32>} : memref<80xf32, #tpu.memory_space<vmem>>, vector<16xf32>,
      tpu.vector_store %arg10[%swap3A_972], %exp3A_971 {strides = array<i32>} : memref<80xf32, #tpu.memory_space<vmem>>, vector<16xf32>,
      %add3A_974 = arith.constant 0 : i32
      %add3A_975 = vector.broadcast %add3A_974 : i32 to vector<16xi32>
      %add3A_976 = arith.addi %iota3A, %add3A_975 : vector<16xi32>
      tpu.vector_store_idx %arg19[%add3A_976, %broadcast_in_dim3A_2], %exp3A_971 : memref<80x8xf32, #tpu.memory_space<vmem>>[vector<16xi32>, vector<16xi32>], vector<16xf32>,
      %get3A_977 = arith.constant 16 : index
      %get3A_978 = tpu.vector_load %arg13[%get3A_977] {strides = array<i32>} : memref<80xi32, #tpu.memory_space<vmem>>, vector<16xi32>,
      %get3A_979 = arith.constant 16 : index
      %get3A_980 = tpu.vector_load %arg15[%get3A_979] {strides = array<i32>} : memref<80xi32, #tpu.memory_space<vmem>>, vector<16xi32>,
      %add3A_981 = arith.addi %get3A_978, %get3A_978 : vector<16xi32>
      %gather3A_982 = tpu.vector_load_idx %arg11[%add3A_981] : memref<20000xf32, #tpu.memory_space<vmem>>[vector<16xi32>], vector<16xf32>,
      %add3A_983 = arith.addi %get3A_980, %get3A_980 : vector<16xi32>
      %add3A_984 = arith.addi %add3A_983, %add3A_4 : vector<16xi32>
      %gather3A_985 = tpu.vector_load_idx %arg11[%add3A_984] : memref<20000xf32, #tpu.memory_space<vmem>>[vector<16xi32>], vector<16xf32>,
      %add3A_986 = arith.addf %gather3A_982, %gather3A_985 : vector<16xf32>
      %mul3A_987 = arith.constant 2.000000e-01 : f32
      %mul3A_988 = vector.broadcast %mul3A_987 : f32 to vector<16xf32>
      %mul3A_989 = arith.mulf %mul3A_988, %add3A_986 : vector<16xf32>
      %max3A_990 = arith.maximumf %add3A_986, %mul3A_989 : vector<16xf32>
      %sub3A_991 = arith.subf %max3A_990, %get3A_1 : vector<16xf32>
      %exp3A_992 = math.exp %sub3A_991 : vector<16xf32>
      %swap3A_993 = arith.constant 16 : index
      %swap3A_994 = tpu.vector_load %arg10[%swap3A_993] {strides = array<i32>} : memref<80xf32, #tpu.memory_space<vmem>>, vector<16xf32>,
      tpu.vector_store %arg10[%swap3A_993], %exp3A_992 {strides = array<i32>} : memref<80xf32, #tpu.memory_space<vmem>>, vector<16xf32>,
      %add3A_995 = arith.constant 16 : i32
      %add3A_996 = vector.broadcast %add3A_995 : i32 to vector<16xi32>
      %add3A_997 = arith.addi %iota3A, %add3A_996 : vector<16xi32>
      tpu.vector_store_idx %arg19[%add3A_997, %broadcast_in_dim3A_2], %exp3A_992 : memref<80x8xf32, #tpu.memory_space<vmem>>[vector<16xi32>, vector<16xi32>], vector<16xf32>,
      %get3A_998 = arith.constant 32 : index
      %get3A_999 = tpu.vector_load %arg13[%get3A_998] {strides = array<i32>} : memref<80xi32, #tpu.memory_space<vmem>>, vector<16xi32>,
      %get3A_1000 = arith.constant 32 : index
      %get3A_1001 = tpu.vector_load %arg15[%get3A_1000] {strides = array<i32>} : memref<80xi32, #tpu.memory_space<vmem>>, vector<16xi32>,
      %add3A_1002 = arith.addi %get3A_999, %get3A_999 : vector<16xi32>
      %gather3A_1003 = tpu.vector_load_idx %arg11[%add3A_1002] : memref<20000xf32, #tpu.memory_space<vmem>>[vector<16xi32>], vector<16xf32>,
      %add3A_1004 = arith.addi %get3A_1001, %get3A_1001 : vector<16xi32>
      %add3A_1005 = arith.addi %add3A_1004, %add3A_4 : vector<16xi32>
      %gather3A_1006 = tpu.vector_load_idx %arg11[%add3A_1005] : memref<20000xf32, #tpu.memory_space<vmem>>[vector<16xi32>], vector<16xf32>,
      %add3A_1007 = arith.addf %gather3A_1003, %gather3A_1006 : vector<16xf32>
      %mul3A_1008 = arith.constant 2.000000e-01 : f32
      %mul3A_1009 = vector.broadcast %mul3A_1008 : f32 to vector<16xf32>
      %mul3A_1010 = arith.mulf %mul3A_1009, %add3A_1007 : vector<16xf32>
      %max3A_1011 = arith.maximumf %add3A_1007, %mul3A_1010 : vector<16xf32>
      %sub3A_1012 = arith.subf %max3A_1011, %get3A_1 : vector<16xf32>
      %exp3A_1013 = math.exp %sub3A_1012 : vector<16xf32>
      %swap3A_1014 = arith.constant 32 : index
      %swap3A_1015 = tpu.vector_load %arg10[%swap3A_1014] {strides = array<i32>} : memref<80xf32, #tpu.memory_space<vmem>>, vector<16xf32>,
      tpu.vector_store %arg10[%swap3A_1014], %exp3A_1013 {strides = array<i32>} : memref<80xf32, #tpu.memory_space<vmem>>, vector<16xf32>,
      %add3A_1016 = arith.constant 32 : i32
      %add3A_1017 = vector.broadcast %add3A_1016 : i32 to vector<16xi32>
      %add3A_1018 = arith.addi %iota3A, %add3A_1017 : vector<16xi32>
      tpu.vector_store_idx %arg19[%add3A_1018, %broadcast_in_dim3A_2], %exp3A_1013 : memref<80x8xf32, #tpu.memory_space<vmem>>[vector<16xi32>, vector<16xi32>], vector<16xf32>,
      %get3A_1019 = arith.constant 48 : index
      %get3A_1020 = tpu.vector_load %arg13[%get3A_1019] {strides = array<i32>} : memref<80xi32, #tpu.memory_space<vmem>>, vector<16xi32>,
      %get3A_1021 = arith.constant 48 : index
      %get3A_1022 = tpu.vector_load %arg15[%get3A_1021] {strides = array<i32>} : memref<80xi32, #tpu.memory_space<vmem>>, vector<16xi32>,
      %add3A_1023 = arith.addi %get3A_1020, %get3A_1020 : vector<16xi32>
      %gather3A_1024 = tpu.vector_load_idx %arg11[%add3A_1023] : memref<20000xf32, #tpu.memory_space<vmem>>[vector<16xi32>], vector<16xf32>,
      %add3A_1025 = arith.addi %get3A_1022, %get3A_1022 : vector<16xi32>
      %add3A_1026 = arith.addi %add3A_1025, %add3A_4 : vector<16xi32>
      %gather3A_1027 = tpu.vector_load_idx %arg11[%add3A_1026] : memref<20000xf32, #tpu.memory_space<vmem>>[vector<16xi32>], vector<16xf32>,
      %add3A_1028 = arith.addf %gather3A_1024, %gather3A_1027 : vector<16xf32>
      %mul3A_1029 = arith.constant 2.000000e-01 : f32
      %mul3A_1030 = vector.broadcast %mul3A_1029 : f32 to vector<16xf32>
      %mul3A_1031 = arith.mulf %mul3A_1030, %add3A_1028 : vector<16xf32>
      %max3A_1032 = arith.maximumf %add3A_1028, %mul3A_1031 : vector<16xf32>
      %sub3A_1033 = arith.subf %max3A_1032, %get3A_1 : vector<16xf32>
      %exp3A_1034 = math.exp %sub3A_1033 : vector<16xf32>
      %swap3A_1035 = arith.constant 48 : index
      %swap3A_1036 = tpu.vector_load %arg10[%swap3A_1035] {strides = array<i32>} : memref<80xf32, #tpu.memory_space<vmem>>, vector<16xf32>,
      tpu.vector_store %arg10[%swap3A_1035], %exp3A_1034 {strides = array<i32>} : memref<80xf32, #tpu.memory_space<vmem>>, vector<16xf32>,
      %add3A_1037 = arith.constant 48 : i32
      %add3A_1038 = vector.broadcast %add3A_1037 : i32 to vector<16xi32>
      %add3A_1039 = arith.addi %iota3A, %add3A_1038 : vector<16xi32>
      tpu.vector_store_idx %arg19[%add3A_1039, %broadcast_in_dim3A_2], %exp3A_1034 : memref<80x8xf32, #tpu.memory_space<vmem>>[vector<16xi32>, vector<16xi32>], vector<16xf32>,
      %get3A_1040 = arith.constant 64 : index
      %get3A_1041 = tpu.vector_load %arg13[%get3A_1040] {strides = array<i32>} : memref<80xi32, #tpu.memory_space<vmem>>, vector<16xi32>,
      %get3A_1042 = arith.constant 64 : index
      %get3A_1043 = tpu.vector_load %arg15[%get3A_1042] {strides = array<i32>} : memref<80xi32, #tpu.memory_space<vmem>>, vector<16xi32>,
      %add3A_1044 = arith.addi %get3A_1041, %get3A_1041 : vector<16xi32>
      %gather3A_1045 = tpu.vector_load_idx %arg11[%add3A_1044] : memref<20000xf32, #tpu.memory_space<vmem>>[vector<16xi32>], vector<16xf32>,
      %add3A_1046 = arith.addi %get3A_1043, %get3A_1043 : vector<16xi32>
      %add3A_1047 = arith.addi %add3A_1046, %add3A_4 : vector<16xi32>
      %gather3A_1048 = tpu.vector_load_idx %arg11[%add3A_1047] : memref<20000xf32, #tpu.memory_space<vmem>>[vector<16xi32>], vector<16xf32>,
      %add3A_1049 = arith.addf %gather3A_1045, %gather3A_1048 : vector<16xf32>
      %mul3A_1050 = arith.constant 2.000000e-01 : f32
      %mul3A_1051 = vector.broadcast %mul3A_1050 : f32 to vector<16xf32>
      %mul3A_1052 = arith.mulf %mul3A_1051, %add3A_1049 : vector<16xf32>
      %max3A_1053 = arith.maximumf %add3A_1049, %mul3A_1052 : vector<16xf32>
      %sub3A_1054 = arith.subf %max3A_1053, %get3A_1 : vector<16xf32>
      %exp3A_1055 = math.exp %sub3A_1054 : vector<16xf32>
      %swap3A_1056 = arith.constant 64 : index
      %swap3A_1057 = tpu.vector_load %arg10[%swap3A_1056] {strides = array<i32>} : memref<80xf32, #tpu.memory_space<vmem>>, vector<16xf32>,
      tpu.vector_store %arg10[%swap3A_1056], %exp3A_1055 {strides = array<i32>} : memref<80xf32, #tpu.memory_space<vmem>>, vector<16xf32>,
      %add3A_1058 = arith.constant 64 : i32
      %add3A_1059 = vector.broadcast %add3A_1058 : i32 to vector<16xi32>
      %add3A_1060 = arith.addi %iota3A, %add3A_1059 : vector<16xi32>
      tpu.vector_store_idx %arg19[%add3A_1060, %broadcast_in_dim3A_2], %exp3A_1055 : memref<80x8xf32, #tpu.memory_space<vmem>>[vector<16xi32>, vector<16xi32>], vector<16xf32>,
      %dma_wait3A_1061 = arith.constant 0 : i32
      %dma_wait3A_1062 = arith.constant 0 : i32
      %dma_wait3A_1063 = tpu.memref_slice %arg24[%dma_wait3A_1061, %dma_wait3A_1062] : memref<10000x128xf32, #tpu.memory_space<vmem_shared>> -> memref<10000x128xf32, #tpu.memory_space<vmem_shared>>
      tpu.wait_indirect_dma semaphore(%arg30 : memref<!tpu.dma_semaphore, #tpu.memory_space<semaphore_mem>>) src(%arg16 : memref<80x128xf32, #tpu.memory_space<vmem>>) dst(%dma_wait3A_1063 : memref<10000x128xf32, #tpu.memory_space<vmem_shared>>)
      %dma_wait3A_1064 = arith.constant 0 : i32
      %dma_wait3A_1065 = arith.constant 0 : i32
      %dma_wait3A_1066 = tpu.memref_slice %arg25[%dma_wait3A_1064, %dma_wait3A_1065] : memref<10000x8xf32, #tpu.memory_space<vmem_shared>> -> memref<10000x8xf32, #tpu.memory_space<vmem_shared>>
      tpu.wait_indirect_dma semaphore(%arg32 : memref<!tpu.dma_semaphore, #tpu.memory_space<semaphore_mem>>) src(%arg18 : memref<80x8xf32, #tpu.memory_space<vmem>>) dst(%dma_wait3A_1066 : memref<10000x8xf32, #tpu.memory_space<vmem_shared>>)
      %add3A_1067 = arith.constant 1 : i32
      %add3A_1068 = arith.addi %add3A_955, %add3A_1067 : i32
      %mul3A_1069 = arith.constant 80 : i32
      %mul3A_1070 = arith.muli %add3A_1068, %mul3A_1069 : i32
      %dma_wait3A_1071 = arith.constant 0 : i32
      %dma_wait3A_1072 = tpu.memref_slice %arg3[%arg0, %dma_wait3A_1071, %arg1, %mul3A_1070] : memref<2x2x16x20000xi32, #tpu.memory_space<hbm>> -> memref<1x1x1x160xi32, #tpu.memory_space<hbm>>
      %dma_wait3A_1073 = tpu.memref_squeeze %dma_wait3A_1072 : memref<1x1x1x160xi32, #tpu.memory_space<hbm>> -> memref<160xi32, #tpu.memory_space<hbm>>
      %dma_wait3A_1074 = tpu.memref_slice %arg3[%arg0, %dma_wait3A_1071, %arg1, %mul3A_1070] : memref<2x2x16x20000xi32, #tpu.memory_space<hbm>> -> memref<1x1x1x160xi32, #tpu.memory_space<hbm>>
      %dma_wait3A_1075 = tpu.memref_squeeze %dma_wait3A_1074 : memref<1x1x1x160xi32, #tpu.memory_space<hbm>> -> memref<160xi32, #tpu.memory_space<hbm>>
      tpu.wait_dma2 semaphore(%arg26 : memref<!tpu.dma_semaphore, #tpu.memory_space<semaphore_mem>>) src(%dma_wait3A_1075 : memref<160xi32, #tpu.memory_space<hbm>>) dst(%arg20 : memref<160xi32, #tpu.memory_space<vmem>>)
      %dma_wait3A_1076 = arith.constant 1 : i32
      %dma_wait3A_1077 = tpu.memref_slice %arg3[%arg0, %dma_wait3A_1076, %arg1, %mul3A_1070] : memref<2x2x16x20000xi32, #tpu.memory_space<hbm>> -> memref<1x1x1x160xi32, #tpu.memory_space<hbm>>
      %dma_wait3A_1078 = tpu.memref_squeeze %dma_wait3A_1077 : memref<1x1x1x160xi32, #tpu.memory_space<hbm>> -> memref<160xi32, #tpu.memory_space<hbm>>
      %dma_wait3A_1079 = tpu.memref_slice %arg3[%arg0, %dma_wait3A_1076, %arg1, %mul3A_1070] : memref<2x2x16x20000xi32, #tpu.memory_space<hbm>> -> memref<1x1x1x160xi32, #tpu.memory_space<hbm>>
      %dma_wait3A_1080 = tpu.memref_squeeze %dma_wait3A_1079 : memref<1x1x1x160xi32, #tpu.memory_space<hbm>> -> memref<160xi32, #tpu.memory_space<hbm>>
      tpu.wait_dma2 semaphore(%arg26 : memref<!tpu.dma_semaphore, #tpu.memory_space<semaphore_mem>>) src(%dma_wait3A_1080 : memref<160xi32, #tpu.memory_space<hbm>>) dst(%arg22 : memref<160xi32, #tpu.memory_space<vmem>>)
      %get3A_1081 = arith.constant 0 : index
      %get3A_1082 = tpu.vector_load %arg20[%get3A_1081] {strides = array<i32>} : memref<160xi32, #tpu.memory_space<vmem>>, vector<16xi32>,
      %swap3A_1083 = arith.constant 0 : index
      %swap3A_1084 = tpu.vector_load %arg12[%swap3A_1083] {strides = array<i32>} : memref<80xi32, #tpu.memory_space<vmem>>, vector<16xi32>,
      tpu.vector_store %arg12[%swap3A_1083], %get3A_1082 {strides = array<i32>} : memref<80xi32, #tpu.memory_space<vmem>>, vector<16xi32>,
      %get3A_1085 = arith.constant 0 : index
      %get3A_1086 = tpu.vector_load %arg22[%get3A_1085] {strides = array<i32>} : memref<160xi32, #tpu.memory_space<vmem>>, vector<16xi32>,
      %swap3A_1087 = arith.constant 0 : index
      %swap3A_1088 = tpu.vector_load %arg14[%swap3A_1087] {strides = array<i32>} : memref<80xi32, #tpu.memory_space<vmem>>, vector<16xi32>,
      tpu.vector_store %arg14[%swap3A_1087], %get3A_1086 {strides = array<i32>} : memref<80xi32, #tpu.memory_space<vmem>>, vector<16xi32>,
      %get3A_1089 = arith.constant 16 : index
      %get3A_1090 = tpu.vector_load %arg20[%get3A_1089] {strides = array<i32>} : memref<160xi32, #tpu.memory_space<vmem>>, vector<16xi32>,
      %swap3A_1091 = arith.constant 16 : index
      %swap3A_1092 = tpu.vector_load %arg12[%swap3A_1091] {strides = array<i32>} : memref<80xi32, #tpu.memory_space<vmem>>, vector<16xi32>,
      tpu.vector_store %arg12[%swap3A_1091], %get3A_1090 {strides = array<i32>} : memref<80xi32, #tpu.memory_space<vmem>>, vector<16xi32>,
      %get3A_1093 = arith.constant 16 : index
      %get3A_1094 = tpu.vector_load %arg22[%get3A_1093] {strides = array<i32>} : memref<160xi32, #tpu.memory_space<vmem>>, vector<16xi32>,
      %swap3A_1095 = arith.constant 16 : index
      %swap3A_1096 = tpu.vector_load %arg14[%swap3A_1095] {strides = array<i32>} : memref<80xi32, #tpu.memory_space<vmem>>, vector<16xi32>,
      tpu.vector_store %arg14[%swap3A_1095], %get3A_1094 {strides = array<i32>} : memref<80xi32, #tpu.memory_space<vmem>>, vector<16xi32>,
      %get3A_1097 = arith.constant 32 : index
      %get3A_1098 = tpu.vector_load %arg20[%get3A_1097] {strides = array<i32>} : memref<160xi32, #tpu.memory_space<vmem>>, vector<16xi32>,
      %swap3A_1099 = arith.constant 32 : index
      %swap3A_1100 = tpu.vector_load %arg12[%swap3A_1099] {strides = array<i32>} : memref<80xi32, #tpu.memory_space<vmem>>, vector<16xi32>,
      tpu.vector_store %arg12[%swap3A_1099], %get3A_1098 {strides = array<i32>} : memref<80xi32, #tpu.memory_space<vmem>>, vector<16xi32>,
      %get3A_1101 = arith.constant 32 : index
      %get3A_1102 = tpu.vector_load %arg22[%get3A_1101] {strides = array<i32>} : memref<160xi32, #tpu.memory_space<vmem>>, vector<16xi32>,
      %swap3A_1103 = arith.constant 32 : index
      %swap3A_1104 = tpu.vector_load %arg14[%swap3A_1103] {strides = array<i32>} : memref<80xi32, #tpu.memory_space<vmem>>, vector<16xi32>,
      tpu.vector_store %arg14[%swap3A_1103], %get3A_1102 {strides = array<i32>} : memref<80xi32, #tpu.memory_space<vmem>>, vector<16xi32>,
      %get3A_1105 = arith.constant 48 : index
      %get3A_1106 = tpu.vector_load %arg20[%get3A_1105] {strides = array<i32>} : memref<160xi32, #tpu.memory_space<vmem>>, vector<16xi32>,
      %swap3A_1107 = arith.constant 48 : index
      %swap3A_1108 = tpu.vector_load %arg12[%swap3A_1107] {strides = array<i32>} : memref<80xi32, #tpu.memory_space<vmem>>, vector<16xi32>,
      tpu.vector_store %arg12[%swap3A_1107], %get3A_1106 {strides = array<i32>} : memref<80xi32, #tpu.memory_space<vmem>>, vector<16xi32>,
      %get3A_1109 = arith.constant 48 : index
      %get3A_1110 = tpu.vector_load %arg22[%get3A_1109] {strides = array<i32>} : memref<160xi32, #tpu.memory_space<vmem>>, vector<16xi32>,
      %swap3A_1111 = arith.constant 48 : index
      %swap3A_1112 = tpu.vector_load %arg14[%swap3A_1111] {strides = array<i32>} : memref<80xi32, #tpu.memory_space<vmem>>, vector<16xi32>,
      tpu.vector_store %arg14[%swap3A_1111], %get3A_1110 {strides = array<i32>} : memref<80xi32, #tpu.memory_space<vmem>>, vector<16xi32>,
      %get3A_1113 = arith.constant 64 : index
      %get3A_1114 = tpu.vector_load %arg20[%get3A_1113] {strides = array<i32>} : memref<160xi32, #tpu.memory_space<vmem>>, vector<16xi32>,
      %swap3A_1115 = arith.constant 64 : index
      %swap3A_1116 = tpu.vector_load %arg12[%swap3A_1115] {strides = array<i32>} : memref<80xi32, #tpu.memory_space<vmem>>, vector<16xi32>,
      tpu.vector_store %arg12[%swap3A_1115], %get3A_1114 {strides = array<i32>} : memref<80xi32, #tpu.memory_space<vmem>>, vector<16xi32>,
      %get3A_1117 = arith.constant 64 : index
      %get3A_1118 = tpu.vector_load %arg22[%get3A_1117] {strides = array<i32>} : memref<160xi32, #tpu.memory_space<vmem>>, vector<16xi32>,
      %swap3A_1119 = arith.constant 64 : index
      %swap3A_1120 = tpu.vector_load %arg14[%swap3A_1119] {strides = array<i32>} : memref<80xi32, #tpu.memory_space<vmem>>, vector<16xi32>,
      tpu.vector_store %arg14[%swap3A_1119], %get3A_1118 {strides = array<i32>} : memref<80xi32, #tpu.memory_space<vmem>>, vector<16xi32>,
      %dma_start3A_1121 = arith.constant 0 : i32
      %dma_start3A_1122 = arith.constant 0 : i32
      %dma_start3A_1123 = tpu.memref_slice %arg2[%arg0, %dma_start3A_1121, %dma_start3A_1122] : memref<2x10000x128xf32, #tpu.memory_space<hbm>> -> memref<1x10000x128xf32, #tpu.memory_space<hbm>>
      %dma_start3A_1124 = tpu.memref_squeeze %dma_start3A_1123 : memref<1x10000x128xf32, #tpu.memory_space<hbm>> -> memref<10000x128xf32, #tpu.memory_space<hbm>>
      %dma_start3A_1125 = arith.constant 0 : i32
      %dma_start3A_1126 = arith.constant 0 : i32
      %dma_start3A_1127 = tpu.memref_slice %dma_start3A_1124[%dma_start3A_1125, %dma_start3A_1126] : memref<10000x128xf32, #tpu.memory_space<hbm>> -> memref<10000x128xf32, #tpu.memory_space<hbm>>
      tpu.enqueue_indirect_dma source(%dma_start3A_1127 : memref<10000x128xf32, #tpu.memory_space<hbm>>) target(%arg16 : memref<80x128xf32, #tpu.memory_space<vmem>>) offsets(%arg12 : memref<80xi32, #tpu.memory_space<vmem>>) semaphore(%arg28 : memref<!tpu.dma_semaphore, #tpu.memory_space<semaphore_mem>>)
      %dma_wait3A_1128 = arith.constant 0 : i32
      %dma_wait3A_1129 = arith.constant 0 : i32
      %dma_wait3A_1130 = tpu.memref_slice %arg2[%arg0, %dma_wait3A_1128, %dma_wait3A_1129] : memref<2x10000x128xf32, #tpu.memory_space<hbm>> -> memref<1x10000x128xf32, #tpu.memory_space<hbm>>
      %dma_wait3A_1131 = tpu.memref_squeeze %dma_wait3A_1130 : memref<1x10000x128xf32, #tpu.memory_space<hbm>> -> memref<10000x128xf32, #tpu.memory_space<hbm>>
      %dma_wait3A_1132 = arith.constant 0 : i32
      %dma_wait3A_1133 = arith.constant 0 : i32
      %dma_wait3A_1134 = tpu.memref_slice %dma_wait3A_1131[%dma_wait3A_1132, %dma_wait3A_1133] : memref<10000x128xf32, #tpu.memory_space<hbm>> -> memref<10000x128xf32, #tpu.memory_space<hbm>>
      tpu.wait_indirect_dma semaphore(%arg29 : memref<!tpu.dma_semaphore, #tpu.memory_space<semaphore_mem>>) src(%dma_wait3A_1134 : memref<10000x128xf32, #tpu.memory_space<hbm>>) dst(%arg17 : memref<80x128xf32, #tpu.memory_space<vmem>>)
      %parallel_loop3A_1135 = arith.constant 0 : i32
      %parallel_loop3A_1136 = arith.constant 80 : i32
      %parallel_loop3A_1137 = arith.constant 1 : i32
      scf.for %parallel_loop3A_1145 = %parallel_loop3A_1135 to %parallel_loop3A_1136 step %parallel_loop3A_1137  : i32 {
        %parallel_loop3A_1146 = vector.broadcast %parallel_loop3A_1145 : i32 to vector<16xi32>
        %parallel_loop3A_1147 = tpu.vector_load_idx %arg10[%parallel_loop3A_1146] : memref<80xf32, #tpu.memory_space<vmem>>[vector<16xi32>], vector<16xf32>,
        %parallel_loop3A_1148 = arith.index_cast %parallel_loop3A_1145 : i32 to index
        %parallel_loop3A_1149 = arith.constant 0 : index
        %parallel_loop3A_1150 = tpu.vector_load %arg17[%parallel_loop3A_1148, %parallel_loop3A_1149] {strides = array<i32>} : memref<80x128xf32, #tpu.memory_space<vmem>>, vector<16xf32>,
        %parallel_loop3A_1151 = arith.mulf %parallel_loop3A_1150, %parallel_loop3A_1147 : vector<16xf32>
        %parallel_loop3A_1152 = arith.index_cast %parallel_loop3A_1145 : i32 to index
        %parallel_loop3A_1153 = arith.constant 0 : index
        %parallel_loop3A_1154 = tpu.vector_load %arg17[%parallel_loop3A_1152, %parallel_loop3A_1153] {strides = array<i32>} : memref<80x128xf32, #tpu.memory_space<vmem>>, vector<16xf32>,
        tpu.vector_store %arg17[%parallel_loop3A_1152, %parallel_loop3A_1153], %parallel_loop3A_1151 {strides = array<i32>} : memref<80x128xf32, #tpu.memory_space<vmem>>, vector<16xf32>,
        %parallel_loop3A_1155 = arith.index_cast %parallel_loop3A_1145 : i32 to index
        %parallel_loop3A_1156 = arith.constant 16 : index
        %parallel_loop3A_1157 = tpu.vector_load %arg17[%parallel_loop3A_1155, %parallel_loop3A_1156] {strides = array<i32>} : memref<80x128xf32, #tpu.memory_space<vmem>>, vector<16xf32>,
        %parallel_loop3A_1158 = arith.mulf %parallel_loop3A_1157, %parallel_loop3A_1147 : vector<16xf32>
        %parallel_loop3A_1159 = arith.index_cast %parallel_loop3A_1145 : i32 to index
        %parallel_loop3A_1160 = arith.constant 16 : index
        %parallel_loop3A_1161 = tpu.vector_load %arg17[%parallel_loop3A_1159, %parallel_loop3A_1160] {strides = array<i32>} : memref<80x128xf32, #tpu.memory_space<vmem>>, vector<16xf32>,
        tpu.vector_store %arg17[%parallel_loop3A_1159, %parallel_loop3A_1160], %parallel_loop3A_1158 {strides = array<i32>} : memref<80x128xf32, #tpu.memory_space<vmem>>, vector<16xf32>,
        %parallel_loop3A_1162 = arith.index_cast %parallel_loop3A_1145 : i32 to index
        %parallel_loop3A_1163 = arith.constant 32 : index
        %parallel_loop3A_1164 = tpu.vector_load %arg17[%parallel_loop3A_1162, %parallel_loop3A_1163] {strides = array<i32>} : memref<80x128xf32, #tpu.memory_space<vmem>>, vector<16xf32>,
        %parallel_loop3A_1165 = arith.mulf %parallel_loop3A_1164, %parallel_loop3A_1147 : vector<16xf32>
        %parallel_loop3A_1166 = arith.index_cast %parallel_loop3A_1145 : i32 to index
        %parallel_loop3A_1167 = arith.constant 32 : index
        %parallel_loop3A_1168 = tpu.vector_load %arg17[%parallel_loop3A_1166, %parallel_loop3A_1167] {strides = array<i32>} : memref<80x128xf32, #tpu.memory_space<vmem>>, vector<16xf32>,
        tpu.vector_store %arg17[%parallel_loop3A_1166, %parallel_loop3A_1167], %parallel_loop3A_1165 {strides = array<i32>} : memref<80x128xf32, #tpu.memory_space<vmem>>, vector<16xf32>,
        %parallel_loop3A_1169 = arith.index_cast %parallel_loop3A_1145 : i32 to index
        %parallel_loop3A_1170 = arith.constant 48 : index
        %parallel_loop3A_1171 = tpu.vector_load %arg17[%parallel_loop3A_1169, %parallel_loop3A_1170] {strides = array<i32>} : memref<80x128xf32, #tpu.memory_space<vmem>>, vector<16xf32>,
        %parallel_loop3A_1172 = arith.mulf %parallel_loop3A_1171, %parallel_loop3A_1147 : vector<16xf32>
        %parallel_loop3A_1173 = arith.index_cast %parallel_loop3A_1145 : i32 to index
        %parallel_loop3A_1174 = arith.constant 48 : index
        %parallel_loop3A_1175 = tpu.vector_load %arg17[%parallel_loop3A_1173, %parallel_loop3A_1174] {strides = array<i32>} : memref<80x128xf32, #tpu.memory_space<vmem>>, vector<16xf32>,
        tpu.vector_store %arg17[%parallel_loop3A_1173, %parallel_loop3A_1174], %parallel_loop3A_1172 {strides = array<i32>} : memref<80x128xf32, #tpu.memory_space<vmem>>, vector<16xf32>,
        %parallel_loop3A_1176 = arith.index_cast %parallel_loop3A_1145 : i32 to index
        %parallel_loop3A_1177 = arith.constant 64 : index
        %parallel_loop3A_1178 = tpu.vector_load %arg17[%parallel_loop3A_1176, %parallel_loop3A_1177] {strides = array<i32>} : memref<80x128xf32, #tpu.memory_space<vmem>>, vector<16xf32>,
        %parallel_loop3A_1179 = arith.mulf %parallel_loop3A_1178, %parallel_loop3A_1147 : vector<16xf32>
        %parallel_loop3A_1180 = arith.index_cast %parallel_loop3A_1145 : i32 to index
        %parallel_loop3A_1181 = arith.constant 64 : index
        %parallel_loop3A_1182 = tpu.vector_load %arg17[%parallel_loop3A_1180, %parallel_loop3A_1181] {strides = array<i32>} : memref<80x128xf32, #tpu.memory_space<vmem>>, vector<16xf32>,
        tpu.vector_store %arg17[%parallel_loop3A_1180, %parallel_loop3A_1181], %parallel_loop3A_1179 {strides = array<i32>} : memref<80x128xf32, #tpu.memory_space<vmem>>, vector<16xf32>,
        %parallel_loop3A_1183 = arith.index_cast %parallel_loop3A_1145 : i32 to index
        %parallel_loop3A_1184 = arith.constant 80 : index
        %parallel_loop3A_1185 = tpu.vector_load %arg17[%parallel_loop3A_1183, %parallel_loop3A_1184] {strides = array<i32>} : memref<80x128xf32, #tpu.memory_space<vmem>>, vector<16xf32>,
        %parallel_loop3A_1186 = arith.mulf %parallel_loop3A_1185, %parallel_loop3A_1147 : vector<16xf32>
        %parallel_loop3A_1187 = arith.index_cast %parallel_loop3A_1145 : i32 to index
        %parallel_loop3A_1188 = arith.constant 80 : index
        %parallel_loop3A_1189 = tpu.vector_load %arg17[%parallel_loop3A_1187, %parallel_loop3A_1188] {strides = array<i32>} : memref<80x128xf32, #tpu.memory_space<vmem>>, vector<16xf32>,
        tpu.vector_store %arg17[%parallel_loop3A_1187, %parallel_loop3A_1188], %parallel_loop3A_1186 {strides = array<i32>} : memref<80x128xf32, #tpu.memory_space<vmem>>, vector<16xf32>,
        %parallel_loop3A_1190 = arith.index_cast %parallel_loop3A_1145 : i32 to index
        %parallel_loop3A_1191 = arith.constant 96 : index
        %parallel_loop3A_1192 = tpu.vector_load %arg17[%parallel_loop3A_1190, %parallel_loop3A_1191] {strides = array<i32>} : memref<80x128xf32, #tpu.memory_space<vmem>>, vector<16xf32>,
        %parallel_loop3A_1193 = arith.mulf %parallel_loop3A_1192, %parallel_loop3A_1147 : vector<16xf32>
        %parallel_loop3A_1194 = arith.index_cast %parallel_loop3A_1145 : i32 to index
        %parallel_loop3A_1195 = arith.constant 96 : index
        %parallel_loop3A_1196 = tpu.vector_load %arg17[%parallel_loop3A_1194, %parallel_loop3A_1195] {strides = array<i32>} : memref<80x128xf32, #tpu.memory_space<vmem>>, vector<16xf32>,
        tpu.vector_store %arg17[%parallel_loop3A_1194, %parallel_loop3A_1195], %parallel_loop3A_1193 {strides = array<i32>} : memref<80x128xf32, #tpu.memory_space<vmem>>, vector<16xf32>,
        %parallel_loop3A_1197 = arith.index_cast %parallel_loop3A_1145 : i32 to index
        %parallel_loop3A_1198 = arith.constant 112 : index
        %parallel_loop3A_1199 = tpu.vector_load %arg17[%parallel_loop3A_1197, %parallel_loop3A_1198] {strides = array<i32>} : memref<80x128xf32, #tpu.memory_space<vmem>>, vector<16xf32>,
        %parallel_loop3A_1200 = arith.mulf %parallel_loop3A_1199, %parallel_loop3A_1147 : vector<16xf32>
        %parallel_loop3A_1201 = arith.index_cast %parallel_loop3A_1145 : i32 to index
        %parallel_loop3A_1202 = arith.constant 112 : index
        %parallel_loop3A_1203 = tpu.vector_load %arg17[%parallel_loop3A_1201, %parallel_loop3A_1202] {strides = array<i32>} : memref<80x128xf32, #tpu.memory_space<vmem>>, vector<16xf32>,
        tpu.vector_store %arg17[%parallel_loop3A_1201, %parallel_loop3A_1202], %parallel_loop3A_1200 {strides = array<i32>} : memref<80x128xf32, #tpu.memory_space<vmem>>, vector<16xf32>,
      } {sc.loop_unroll_factor = 4 : i64, sc.parallel_access}
      %dma_start3A_1138 = arith.constant 0 : i32
      %dma_start3A_1139 = arith.constant 0 : i32
      %dma_start3A_1140 = tpu.memref_slice %arg24[%dma_start3A_1138, %dma_start3A_1139] : memref<10000x128xf32, #tpu.memory_space<vmem_shared>> -> memref<10000x128xf32, #tpu.memory_space<vmem_shared>>
      tpu.enqueue_indirect_dma source(%arg17 : memref<80x128xf32, #tpu.memory_space<vmem>>) target(%dma_start3A_1140 : memref<10000x128xf32, #tpu.memory_space<vmem_shared>>) offsets(%arg15 : memref<80xi32, #tpu.memory_space<vmem>>) semaphore(%arg31 : memref<!tpu.dma_semaphore, #tpu.memory_space<semaphore_mem>>) {add = true}
      %dma_start3A_1141 = arith.constant 0 : i32
      %dma_start3A_1142 = arith.constant 0 : i32
      %dma_start3A_1143 = tpu.memref_slice %arg25[%dma_start3A_1141, %dma_start3A_1142] : memref<10000x8xf32, #tpu.memory_space<vmem_shared>> -> memref<10000x8xf32, #tpu.memory_space<vmem_shared>>
      tpu.enqueue_indirect_dma source(%arg19 : memref<80x8xf32, #tpu.memory_space<vmem>>) target(%dma_start3A_1143 : memref<10000x8xf32, #tpu.memory_space<vmem_shared>>) offsets(%arg15 : memref<80xi32, #tpu.memory_space<vmem>>) semaphore(%arg33 : memref<!tpu.dma_semaphore, #tpu.memory_space<semaphore_mem>>) {add = true}
      %scan3A_1144 = arith.constant 0 : i32
      scf.yield %scan3A_1144 : i32
    }
    %scan3A_82 = arith.constant 62 : i32
    %get3A_83 = arith.constant 0 : index
    %get3A_84 = tpu.vector_load %arg12[%get3A_83] {strides = array<i32>} : memref<80xi32, #tpu.memory_space<vmem>>, vector<16xi32>,
    %get3A_85 = arith.constant 0 : index
    %get3A_86 = tpu.vector_load %arg14[%get3A_85] {strides = array<i32>} : memref<80xi32, #tpu.memory_space<vmem>>, vector<16xi32>,
    %add3A_87 = arith.addi %get3A_84, %get3A_84 : vector<16xi32>
    %gather3A = tpu.vector_load_idx %arg11[%add3A_87] : memref<20000xf32, #tpu.memory_space<vmem>>[vector<16xi32>], vector<16xf32>,
    %add3A_88 = arith.addi %get3A_86, %get3A_86 : vector<16xi32>
    %add3A_89 = arith.addi %add3A_88, %add3A_4 : vector<16xi32>
    %gather3A_90 = tpu.vector_load_idx %arg11[%add3A_89] : memref<20000xf32, #tpu.memory_space<vmem>>[vector<16xi32>], vector<16xf32>,
    %add3A_91 = arith.addf %gather3A, %gather3A_90 : vector<16xf32>
    %mul3A_92 = arith.constant 2.000000e-01 : f32
    %mul3A_93 = vector.broadcast %mul3A_92 : f32 to vector<16xf32>
    %mul3A_94 = arith.mulf %mul3A_93, %add3A_91 : vector<16xf32>
    %max3A = arith.maximumf %add3A_91, %mul3A_94 : vector<16xf32>
    %sub3A = arith.subf %max3A, %get3A_1 : vector<16xf32>
    %exp3A = math.exp %sub3A : vector<16xf32>
    %swap3A_95 = arith.constant 0 : index
    %swap3A_96 = tpu.vector_load %arg10[%swap3A_95] {strides = array<i32>} : memref<80xf32, #tpu.memory_space<vmem>>, vector<16xf32>,
    tpu.vector_store %arg10[%swap3A_95], %exp3A {strides = array<i32>} : memref<80xf32, #tpu.memory_space<vmem>>, vector<16xf32>,
    %add3A_97 = arith.constant 0 : i32
    %add3A_98 = vector.broadcast %add3A_97 : i32 to vector<16xi32>
    %add3A_99 = arith.addi %iota3A, %add3A_98 : vector<16xi32>
    tpu.vector_store_idx %arg18[%add3A_99, %broadcast_in_dim3A_2], %exp3A : memref<80x8xf32, #tpu.memory_space<vmem>>[vector<16xi32>, vector<16xi32>], vector<16xf32>,
    %get3A_100 = arith.constant 16 : index
    %get3A_101 = tpu.vector_load %arg12[%get3A_100] {strides = array<i32>} : memref<80xi32, #tpu.memory_space<vmem>>, vector<16xi32>,
    %get3A_102 = arith.constant 16 : index
    %get3A_103 = tpu.vector_load %arg14[%get3A_102] {strides = array<i32>} : memref<80xi32, #tpu.memory_space<vmem>>, vector<16xi32>,
    %add3A_104 = arith.addi %get3A_101, %get3A_101 : vector<16xi32>
    %gather3A_105 = tpu.vector_load_idx %arg11[%add3A_104] : memref<20000xf32, #tpu.memory_space<vmem>>[vector<16xi32>], vector<16xf32>,
    %add3A_106 = arith.addi %get3A_103, %get3A_103 : vector<16xi32>
    %add3A_107 = arith.addi %add3A_106, %add3A_4 : vector<16xi32>
    %gather3A_108 = tpu.vector_load_idx %arg11[%add3A_107] : memref<20000xf32, #tpu.memory_space<vmem>>[vector<16xi32>], vector<16xf32>,
    %add3A_109 = arith.addf %gather3A_105, %gather3A_108 : vector<16xf32>
    %mul3A_110 = arith.constant 2.000000e-01 : f32
    %mul3A_111 = vector.broadcast %mul3A_110 : f32 to vector<16xf32>
    %mul3A_112 = arith.mulf %mul3A_111, %add3A_109 : vector<16xf32>
    %max3A_113 = arith.maximumf %add3A_109, %mul3A_112 : vector<16xf32>
    %sub3A_114 = arith.subf %max3A_113, %get3A_1 : vector<16xf32>
    %exp3A_115 = math.exp %sub3A_114 : vector<16xf32>
    %swap3A_116 = arith.constant 16 : index
    %swap3A_117 = tpu.vector_load %arg10[%swap3A_116] {strides = array<i32>} : memref<80xf32, #tpu.memory_space<vmem>>, vector<16xf32>,
    tpu.vector_store %arg10[%swap3A_116], %exp3A_115 {strides = array<i32>} : memref<80xf32, #tpu.memory_space<vmem>>, vector<16xf32>,
    %add3A_118 = arith.constant 16 : i32
    %add3A_119 = vector.broadcast %add3A_118 : i32 to vector<16xi32>
    %add3A_120 = arith.addi %iota3A, %add3A_119 : vector<16xi32>
    tpu.vector_store_idx %arg18[%add3A_120, %broadcast_in_dim3A_2], %exp3A_115 : memref<80x8xf32, #tpu.memory_space<vmem>>[vector<16xi32>, vector<16xi32>], vector<16xf32>,
    %get3A_121 = arith.constant 32 : index
    %get3A_122 = tpu.vector_load %arg12[%get3A_121] {strides = array<i32>} : memref<80xi32, #tpu.memory_space<vmem>>, vector<16xi32>,
    %get3A_123 = arith.constant 32 : index
    %get3A_124 = tpu.vector_load %arg14[%get3A_123] {strides = array<i32>} : memref<80xi32, #tpu.memory_space<vmem>>, vector<16xi32>,
    %add3A_125 = arith.addi %get3A_122, %get3A_122 : vector<16xi32>
    %gather3A_126 = tpu.vector_load_idx %arg11[%add3A_125] : memref<20000xf32, #tpu.memory_space<vmem>>[vector<16xi32>], vector<16xf32>,
    %add3A_127 = arith.addi %get3A_124, %get3A_124 : vector<16xi32>
    %add3A_128 = arith.addi %add3A_127, %add3A_4 : vector<16xi32>
    %gather3A_129 = tpu.vector_load_idx %arg11[%add3A_128] : memref<20000xf32, #tpu.memory_space<vmem>>[vector<16xi32>], vector<16xf32>,
    %add3A_130 = arith.addf %gather3A_126, %gather3A_129 : vector<16xf32>
    %mul3A_131 = arith.constant 2.000000e-01 : f32
    %mul3A_132 = vector.broadcast %mul3A_131 : f32 to vector<16xf32>
    %mul3A_133 = arith.mulf %mul3A_132, %add3A_130 : vector<16xf32>
    %max3A_134 = arith.maximumf %add3A_130, %mul3A_133 : vector<16xf32>
    %sub3A_135 = arith.subf %max3A_134, %get3A_1 : vector<16xf32>
    %exp3A_136 = math.exp %sub3A_135 : vector<16xf32>
    %swap3A_137 = arith.constant 32 : index
    %swap3A_138 = tpu.vector_load %arg10[%swap3A_137] {strides = array<i32>} : memref<80xf32, #tpu.memory_space<vmem>>, vector<16xf32>,
    tpu.vector_store %arg10[%swap3A_137], %exp3A_136 {strides = array<i32>} : memref<80xf32, #tpu.memory_space<vmem>>, vector<16xf32>,
    %add3A_139 = arith.constant 32 : i32
    %add3A_140 = vector.broadcast %add3A_139 : i32 to vector<16xi32>
    %add3A_141 = arith.addi %iota3A, %add3A_140 : vector<16xi32>
    tpu.vector_store_idx %arg18[%add3A_141, %broadcast_in_dim3A_2], %exp3A_136 : memref<80x8xf32, #tpu.memory_space<vmem>>[vector<16xi32>, vector<16xi32>], vector<16xf32>,
    %get3A_142 = arith.constant 48 : index
    %get3A_143 = tpu.vector_load %arg12[%get3A_142] {strides = array<i32>} : memref<80xi32, #tpu.memory_space<vmem>>, vector<16xi32>,
    %get3A_144 = arith.constant 48 : index
    %get3A_145 = tpu.vector_load %arg14[%get3A_144] {strides = array<i32>} : memref<80xi32, #tpu.memory_space<vmem>>, vector<16xi32>,
    %add3A_146 = arith.addi %get3A_143, %get3A_143 : vector<16xi32>
    %gather3A_147 = tpu.vector_load_idx %arg11[%add3A_146] : memref<20000xf32, #tpu.memory_space<vmem>>[vector<16xi32>], vector<16xf32>,
    %add3A_148 = arith.addi %get3A_145, %get3A_145 : vector<16xi32>
    %add3A_149 = arith.addi %add3A_148, %add3A_4 : vector<16xi32>
    %gather3A_150 = tpu.vector_load_idx %arg11[%add3A_149] : memref<20000xf32, #tpu.memory_space<vmem>>[vector<16xi32>], vector<16xf32>,
    %add3A_151 = arith.addf %gather3A_147, %gather3A_150 : vector<16xf32>
    %mul3A_152 = arith.constant 2.000000e-01 : f32
    %mul3A_153 = vector.broadcast %mul3A_152 : f32 to vector<16xf32>
    %mul3A_154 = arith.mulf %mul3A_153, %add3A_151 : vector<16xf32>
    %max3A_155 = arith.maximumf %add3A_151, %mul3A_154 : vector<16xf32>
    %sub3A_156 = arith.subf %max3A_155, %get3A_1 : vector<16xf32>
    %exp3A_157 = math.exp %sub3A_156 : vector<16xf32>
    %swap3A_158 = arith.constant 48 : index
    %swap3A_159 = tpu.vector_load %arg10[%swap3A_158] {strides = array<i32>} : memref<80xf32, #tpu.memory_space<vmem>>, vector<16xf32>,
    tpu.vector_store %arg10[%swap3A_158], %exp3A_157 {strides = array<i32>} : memref<80xf32, #tpu.memory_space<vmem>>, vector<16xf32>,
    %add3A_160 = arith.constant 48 : i32
    %add3A_161 = vector.broadcast %add3A_160 : i32 to vector<16xi32>
    %add3A_162 = arith.addi %iota3A, %add3A_161 : vector<16xi32>
    tpu.vector_store_idx %arg18[%add3A_162, %broadcast_in_dim3A_2], %exp3A_157 : memref<80x8xf32, #tpu.memory_space<vmem>>[vector<16xi32>, vector<16xi32>], vector<16xf32>,
    %get3A_163 = arith.constant 64 : index
    %get3A_164 = tpu.vector_load %arg12[%get3A_163] {strides = array<i32>} : memref<80xi32, #tpu.memory_space<vmem>>, vector<16xi32>,
    %get3A_165 = arith.constant 64 : index
    %get3A_166 = tpu.vector_load %arg14[%get3A_165] {strides = array<i32>} : memref<80xi32, #tpu.memory_space<vmem>>, vector<16xi32>,
    %add3A_167 = arith.addi %get3A_164, %get3A_164 : vector<16xi32>
    %gather3A_168 = tpu.vector_load_idx %arg11[%add3A_167] : memref<20000xf32, #tpu.memory_space<vmem>>[vector<16xi32>], vector<16xf32>,
    %add3A_169 = arith.addi %get3A_166, %get3A_166 : vector<16xi32>
    %add3A_170 = arith.addi %add3A_169, %add3A_4 : vector<16xi32>
    %gather3A_171 = tpu.vector_load_idx %arg11[%add3A_170] : memref<20000xf32, #tpu.memory_space<vmem>>[vector<16xi32>], vector<16xf32>,
    %add3A_172 = arith.addf %gather3A_168, %gather3A_171 : vector<16xf32>
    %mul3A_173 = arith.constant 2.000000e-01 : f32
    %mul3A_174 = vector.broadcast %mul3A_173 : f32 to vector<16xf32>
    %mul3A_175 = arith.mulf %mul3A_174, %add3A_172 : vector<16xf32>
    %max3A_176 = arith.maximumf %add3A_172, %mul3A_175 : vector<16xf32>
    %sub3A_177 = arith.subf %max3A_176, %get3A_1 : vector<16xf32>
    %exp3A_178 = math.exp %sub3A_177 : vector<16xf32>
    %swap3A_179 = arith.constant 64 : index
    %swap3A_180 = tpu.vector_load %arg10[%swap3A_179] {strides = array<i32>} : memref<80xf32, #tpu.memory_space<vmem>>, vector<16xf32>,
    tpu.vector_store %arg10[%swap3A_179], %exp3A_178 {strides = array<i32>} : memref<80xf32, #tpu.memory_space<vmem>>, vector<16xf32>,
    %add3A_181 = arith.constant 64 : i32
    %add3A_182 = vector.broadcast %add3A_181 : i32 to vector<16xi32>
    %add3A_183 = arith.addi %iota3A, %add3A_182 : vector<16xi32>
    tpu.vector_store_idx %arg18[%add3A_183, %broadcast_in_dim3A_2], %exp3A_178 : memref<80x8xf32, #tpu.memory_space<vmem>>[vector<16xi32>, vector<16xi32>], vector<16xf32>,
    %dma_wait3A_184 = arith.constant 0 : i32
    %dma_wait3A_185 = arith.constant 0 : i32
    %dma_wait3A_186 = tpu.memref_slice %arg24[%dma_wait3A_184, %dma_wait3A_185] : memref<10000x128xf32, #tpu.memory_space<vmem_shared>> -> memref<10000x128xf32, #tpu.memory_space<vmem_shared>>
    tpu.wait_indirect_dma semaphore(%arg31 : memref<!tpu.dma_semaphore, #tpu.memory_space<semaphore_mem>>) src(%arg17 : memref<80x128xf32, #tpu.memory_space<vmem>>) dst(%dma_wait3A_186 : memref<10000x128xf32, #tpu.memory_space<vmem_shared>>)
    %dma_wait3A_187 = arith.constant 0 : i32
    %dma_wait3A_188 = arith.constant 0 : i32
    %dma_wait3A_189 = tpu.memref_slice %arg25[%dma_wait3A_187, %dma_wait3A_188] : memref<10000x8xf32, #tpu.memory_space<vmem_shared>> -> memref<10000x8xf32, #tpu.memory_space<vmem_shared>>
    tpu.wait_indirect_dma semaphore(%arg33 : memref<!tpu.dma_semaphore, #tpu.memory_space<semaphore_mem>>) src(%arg19 : memref<80x8xf32, #tpu.memory_space<vmem>>) dst(%dma_wait3A_189 : memref<10000x8xf32, #tpu.memory_space<vmem_shared>>)
    %get3A_190 = arith.constant 80 : index
    %get3A_191 = tpu.vector_load %arg20[%get3A_190] {strides = array<i32>} : memref<160xi32, #tpu.memory_space<vmem>>, vector<16xi32>,
    %swap3A_192 = arith.constant 0 : index
    %swap3A_193 = tpu.vector_load %arg13[%swap3A_192] {strides = array<i32>} : memref<80xi32, #tpu.memory_space<vmem>>, vector<16xi32>,
    tpu.vector_store %arg13[%swap3A_192], %get3A_191 {strides = array<i32>} : memref<80xi32, #tpu.memory_space<vmem>>, vector<16xi32>,
    %get3A_194 = arith.constant 80 : index
    %get3A_195 = tpu.vector_load %arg22[%get3A_194] {strides = array<i32>} : memref<160xi32, #tpu.memory_space<vmem>>, vector<16xi32>,
    %swap3A_196 = arith.constant 0 : index
    %swap3A_197 = tpu.vector_load %arg15[%swap3A_196] {strides = array<i32>} : memref<80xi32, #tpu.memory_space<vmem>>, vector<16xi32>,
    tpu.vector_store %arg15[%swap3A_196], %get3A_195 {strides = array<i32>} : memref<80xi32, #tpu.memory_space<vmem>>, vector<16xi32>,
    %get3A_198 = arith.constant 96 : index
    %get3A_199 = tpu.vector_load %arg20[%get3A_198] {strides = array<i32>} : memref<160xi32, #tpu.memory_space<vmem>>, vector<16xi32>,
    %swap3A_200 = arith.constant 16 : index
    %swap3A_201 = tpu.vector_load %arg13[%swap3A_200] {strides = array<i32>} : memref<80xi32, #tpu.memory_space<vmem>>, vector<16xi32>,
    tpu.vector_store %arg13[%swap3A_200], %get3A_199 {strides = array<i32>} : memref<80xi32, #tpu.memory_space<vmem>>, vector<16xi32>,
    %get3A_202 = arith.constant 96 : index
    %get3A_203 = tpu.vector_load %arg22[%get3A_202] {strides = array<i32>} : memref<160xi32, #tpu.memory_space<vmem>>, vector<16xi32>,
    %swap3A_204 = arith.constant 16 : index
    %swap3A_205 = tpu.vector_load %arg15[%swap3A_204] {strides = array<i32>} : memref<80xi32, #tpu.memory_space<vmem>>, vector<16xi32>,
    tpu.vector_store %arg15[%swap3A_204], %get3A_203 {strides = array<i32>} : memref<80xi32, #tpu.memory_space<vmem>>, vector<16xi32>,
    %get3A_206 = arith.constant 112 : index
    %get3A_207 = tpu.vector_load %arg20[%get3A_206] {strides = array<i32>} : memref<160xi32, #tpu.memory_space<vmem>>, vector<16xi32>,
    %swap3A_208 = arith.constant 32 : index
    %swap3A_209 = tpu.vector_load %arg13[%swap3A_208] {strides = array<i32>} : memref<80xi32, #tpu.memory_space<vmem>>, vector<16xi32>,
    tpu.vector_store %arg13[%swap3A_208], %get3A_207 {strides = array<i32>} : memref<80xi32, #tpu.memory_space<vmem>>, vector<16xi32>,
    %get3A_210 = arith.constant 112 : index
    %get3A_211 = tpu.vector_load %arg22[%get3A_210] {strides = array<i32>} : memref<160xi32, #tpu.memory_space<vmem>>, vector<16xi32>,
    %swap3A_212 = arith.constant 32 : index
    %swap3A_213 = tpu.vector_load %arg15[%swap3A_212] {strides = array<i32>} : memref<80xi32, #tpu.memory_space<vmem>>, vector<16xi32>,
    tpu.vector_store %arg15[%swap3A_212], %get3A_211 {strides = array<i32>} : memref<80xi32, #tpu.memory_space<vmem>>, vector<16xi32>,
    %get3A_214 = arith.constant 128 : index
    %get3A_215 = tpu.vector_load %arg20[%get3A_214] {strides = array<i32>} : memref<160xi32, #tpu.memory_space<vmem>>, vector<16xi32>,
    %swap3A_216 = arith.constant 48 : index
    %swap3A_217 = tpu.vector_load %arg13[%swap3A_216] {strides = array<i32>} : memref<80xi32, #tpu.memory_space<vmem>>, vector<16xi32>,
    tpu.vector_store %arg13[%swap3A_216], %get3A_215 {strides = array<i32>} : memref<80xi32, #tpu.memory_space<vmem>>, vector<16xi32>,
    %get3A_218 = arith.constant 128 : index
    %get3A_219 = tpu.vector_load %arg22[%get3A_218] {strides = array<i32>} : memref<160xi32, #tpu.memory_space<vmem>>, vector<16xi32>,
    %swap3A_220 = arith.constant 48 : index
    %swap3A_221 = tpu.vector_load %arg15[%swap3A_220] {strides = array<i32>} : memref<80xi32, #tpu.memory_space<vmem>>, vector<16xi32>,
    tpu.vector_store %arg15[%swap3A_220], %get3A_219 {strides = array<i32>} : memref<80xi32, #tpu.memory_space<vmem>>, vector<16xi32>,
    %get3A_222 = arith.constant 144 : index
    %get3A_223 = tpu.vector_load %arg20[%get3A_222] {strides = array<i32>} : memref<160xi32, #tpu.memory_space<vmem>>, vector<16xi32>,
    %swap3A_224 = arith.constant 64 : index
    %swap3A_225 = tpu.vector_load %arg13[%swap3A_224] {strides = array<i32>} : memref<80xi32, #tpu.memory_space<vmem>>, vector<16xi32>,
    tpu.vector_store %arg13[%swap3A_224], %get3A_223 {strides = array<i32>} : memref<80xi32, #tpu.memory_space<vmem>>, vector<16xi32>,
    %get3A_226 = arith.constant 144 : index
    %get3A_227 = tpu.vector_load %arg22[%get3A_226] {strides = array<i32>} : memref<160xi32, #tpu.memory_space<vmem>>, vector<16xi32>,
    %swap3A_228 = arith.constant 64 : index
    %swap3A_229 = tpu.vector_load %arg15[%swap3A_228] {strides = array<i32>} : memref<80xi32, #tpu.memory_space<vmem>>, vector<16xi32>,
    tpu.vector_store %arg15[%swap3A_228], %get3A_227 {strides = array<i32>} : memref<80xi32, #tpu.memory_space<vmem>>, vector<16xi32>,
    %dma_start3A_230 = arith.constant 0 : i32
    %dma_start3A_231 = arith.constant 0 : i32
    %dma_start3A_232 = tpu.memref_slice %arg2[%arg0, %dma_start3A_230, %dma_start3A_231] : memref<2x10000x128xf32, #tpu.memory_space<hbm>> -> memref<1x10000x128xf32, #tpu.memory_space<hbm>>
    %dma_start3A_233 = tpu.memref_squeeze %dma_start3A_232 : memref<1x10000x128xf32, #tpu.memory_space<hbm>> -> memref<10000x128xf32, #tpu.memory_space<hbm>>
    %dma_start3A_234 = arith.constant 0 : i32
    %dma_start3A_235 = arith.constant 0 : i32
    %dma_start3A_236 = tpu.memref_slice %dma_start3A_233[%dma_start3A_234, %dma_start3A_235] : memref<10000x128xf32, #tpu.memory_space<hbm>> -> memref<10000x128xf32, #tpu.memory_space<hbm>>
    tpu.enqueue_indirect_dma source(%dma_start3A_236 : memref<10000x128xf32, #tpu.memory_space<hbm>>) target(%arg17 : memref<80x128xf32, #tpu.memory_space<vmem>>) offsets(%arg13 : memref<80xi32, #tpu.memory_space<vmem>>) semaphore(%arg29 : memref<!tpu.dma_semaphore, #tpu.memory_space<semaphore_mem>>)
    %dma_wait3A_237 = arith.constant 0 : i32
    %dma_wait3A_238 = arith.constant 0 : i32
    %dma_wait3A_239 = tpu.memref_slice %arg2[%arg0, %dma_wait3A_237, %dma_wait3A_238] : memref<2x10000x128xf32, #tpu.memory_space<hbm>> -> memref<1x10000x128xf32, #tpu.memory_space<hbm>>
    %dma_wait3A_240 = tpu.memref_squeeze %dma_wait3A_239 : memref<1x10000x128xf32, #tpu.memory_space<hbm>> -> memref<10000x128xf32, #tpu.memory_space<hbm>>
    %dma_wait3A_241 = arith.constant 0 : i32
    %dma_wait3A_242 = arith.constant 0 : i32
    %dma_wait3A_243 = tpu.memref_slice %dma_wait3A_240[%dma_wait3A_241, %dma_wait3A_242] : memref<10000x128xf32, #tpu.memory_space<hbm>> -> memref<10000x128xf32, #tpu.memory_space<hbm>>
    tpu.wait_indirect_dma semaphore(%arg28 : memref<!tpu.dma_semaphore, #tpu.memory_space<semaphore_mem>>) src(%dma_wait3A_243 : memref<10000x128xf32, #tpu.memory_space<hbm>>) dst(%arg16 : memref<80x128xf32, #tpu.memory_space<vmem>>)
    %parallel_loop3A = arith.constant 0 : i32
    %parallel_loop3A_244 = arith.constant 80 : i32
    %parallel_loop3A_245 = arith.constant 1 : i32
    scf.for %parallel_loop3A_386 = %parallel_loop3A to %parallel_loop3A_244 step %parallel_loop3A_245  : i32 {
      %parallel_loop3A_387 = vector.broadcast %parallel_loop3A_386 : i32 to vector<16xi32>
      %parallel_loop3A_388 = tpu.vector_load_idx %arg10[%parallel_loop3A_387] : memref<80xf32, #tpu.memory_space<vmem>>[vector<16xi32>], vector<16xf32>,
      %parallel_loop3A_389 = arith.index_cast %parallel_loop3A_386 : i32 to index
      %parallel_loop3A_390 = arith.constant 0 : index
      %parallel_loop3A_391 = tpu.vector_load %arg16[%parallel_loop3A_389, %parallel_loop3A_390] {strides = array<i32>} : memref<80x128xf32, #tpu.memory_space<vmem>>, vector<16xf32>,
      %parallel_loop3A_392 = arith.mulf %parallel_loop3A_391, %parallel_loop3A_388 : vector<16xf32>
      %parallel_loop3A_393 = arith.index_cast %parallel_loop3A_386 : i32 to index
      %parallel_loop3A_394 = arith.constant 0 : index
      %parallel_loop3A_395 = tpu.vector_load %arg16[%parallel_loop3A_393, %parallel_loop3A_394] {strides = array<i32>} : memref<80x128xf32, #tpu.memory_space<vmem>>, vector<16xf32>,
      tpu.vector_store %arg16[%parallel_loop3A_393, %parallel_loop3A_394], %parallel_loop3A_392 {strides = array<i32>} : memref<80x128xf32, #tpu.memory_space<vmem>>, vector<16xf32>,
      %parallel_loop3A_396 = arith.index_cast %parallel_loop3A_386 : i32 to index
      %parallel_loop3A_397 = arith.constant 16 : index
      %parallel_loop3A_398 = tpu.vector_load %arg16[%parallel_loop3A_396, %parallel_loop3A_397] {strides = array<i32>} : memref<80x128xf32, #tpu.memory_space<vmem>>, vector<16xf32>,
      %parallel_loop3A_399 = arith.mulf %parallel_loop3A_398, %parallel_loop3A_388 : vector<16xf32>
      %parallel_loop3A_400 = arith.index_cast %parallel_loop3A_386 : i32 to index
      %parallel_loop3A_401 = arith.constant 16 : index
      %parallel_loop3A_402 = tpu.vector_load %arg16[%parallel_loop3A_400, %parallel_loop3A_401] {strides = array<i32>} : memref<80x128xf32, #tpu.memory_space<vmem>>, vector<16xf32>,
      tpu.vector_store %arg16[%parallel_loop3A_400, %parallel_loop3A_401], %parallel_loop3A_399 {strides = array<i32>} : memref<80x128xf32, #tpu.memory_space<vmem>>, vector<16xf32>,
      %parallel_loop3A_403 = arith.index_cast %parallel_loop3A_386 : i32 to index
      %parallel_loop3A_404 = arith.constant 32 : index
      %parallel_loop3A_405 = tpu.vector_load %arg16[%parallel_loop3A_403, %parallel_loop3A_404] {strides = array<i32>} : memref<80x128xf32, #tpu.memory_space<vmem>>, vector<16xf32>,
      %parallel_loop3A_406 = arith.mulf %parallel_loop3A_405, %parallel_loop3A_388 : vector<16xf32>
      %parallel_loop3A_407 = arith.index_cast %parallel_loop3A_386 : i32 to index
      %parallel_loop3A_408 = arith.constant 32 : index
      %parallel_loop3A_409 = tpu.vector_load %arg16[%parallel_loop3A_407, %parallel_loop3A_408] {strides = array<i32>} : memref<80x128xf32, #tpu.memory_space<vmem>>, vector<16xf32>,
      tpu.vector_store %arg16[%parallel_loop3A_407, %parallel_loop3A_408], %parallel_loop3A_406 {strides = array<i32>} : memref<80x128xf32, #tpu.memory_space<vmem>>, vector<16xf32>,
      %parallel_loop3A_410 = arith.index_cast %parallel_loop3A_386 : i32 to index
      %parallel_loop3A_411 = arith.constant 48 : index
      %parallel_loop3A_412 = tpu.vector_load %arg16[%parallel_loop3A_410, %parallel_loop3A_411] {strides = array<i32>} : memref<80x128xf32, #tpu.memory_space<vmem>>, vector<16xf32>,
      %parallel_loop3A_413 = arith.mulf %parallel_loop3A_412, %parallel_loop3A_388 : vector<16xf32>
      %parallel_loop3A_414 = arith.index_cast %parallel_loop3A_386 : i32 to index
      %parallel_loop3A_415 = arith.constant 48 : index
      %parallel_loop3A_416 = tpu.vector_load %arg16[%parallel_loop3A_414, %parallel_loop3A_415] {strides = array<i32>} : memref<80x128xf32, #tpu.memory_space<vmem>>, vector<16xf32>,
      tpu.vector_store %arg16[%parallel_loop3A_414, %parallel_loop3A_415], %parallel_loop3A_413 {strides = array<i32>} : memref<80x128xf32, #tpu.memory_space<vmem>>, vector<16xf32>,
      %parallel_loop3A_417 = arith.index_cast %parallel_loop3A_386 : i32 to index
      %parallel_loop3A_418 = arith.constant 64 : index
      %parallel_loop3A_419 = tpu.vector_load %arg16[%parallel_loop3A_417, %parallel_loop3A_418] {strides = array<i32>} : memref<80x128xf32, #tpu.memory_space<vmem>>, vector<16xf32>,
      %parallel_loop3A_420 = arith.mulf %parallel_loop3A_419, %parallel_loop3A_388 : vector<16xf32>
      %parallel_loop3A_421 = arith.index_cast %parallel_loop3A_386 : i32 to index
      %parallel_loop3A_422 = arith.constant 64 : index
      %parallel_loop3A_423 = tpu.vector_load %arg16[%parallel_loop3A_421, %parallel_loop3A_422] {strides = array<i32>} : memref<80x128xf32, #tpu.memory_space<vmem>>, vector<16xf32>,
      tpu.vector_store %arg16[%parallel_loop3A_421, %parallel_loop3A_422], %parallel_loop3A_420 {strides = array<i32>} : memref<80x128xf32, #tpu.memory_space<vmem>>, vector<16xf32>,
      %parallel_loop3A_424 = arith.index_cast %parallel_loop3A_386 : i32 to index
      %parallel_loop3A_425 = arith.constant 80 : index
      %parallel_loop3A_426 = tpu.vector_load %arg16[%parallel_loop3A_424, %parallel_loop3A_425] {strides = array<i32>} : memref<80x128xf32, #tpu.memory_space<vmem>>, vector<16xf32>,
      %parallel_loop3A_427 = arith.mulf %parallel_loop3A_426, %parallel_loop3A_388 : vector<16xf32>
      %parallel_loop3A_428 = arith.index_cast %parallel_loop3A_386 : i32 to index
      %parallel_loop3A_429 = arith.constant 80 : index
      %parallel_loop3A_430 = tpu.vector_load %arg16[%parallel_loop3A_428, %parallel_loop3A_429] {strides = array<i32>} : memref<80x128xf32, #tpu.memory_space<vmem>>, vector<16xf32>,
      tpu.vector_store %arg16[%parallel_loop3A_428, %parallel_loop3A_429], %parallel_loop3A_427 {strides = array<i32>} : memref<80x128xf32, #tpu.memory_space<vmem>>, vector<16xf32>,
      %parallel_loop3A_431 = arith.index_cast %parallel_loop3A_386 : i32 to index
      %parallel_loop3A_432 = arith.constant 96 : index
      %parallel_loop3A_433 = tpu.vector_load %arg16[%parallel_loop3A_431, %parallel_loop3A_432] {strides = array<i32>} : memref<80x128xf32, #tpu.memory_space<vmem>>, vector<16xf32>,
      %parallel_loop3A_434 = arith.mulf %parallel_loop3A_433, %parallel_loop3A_388 : vector<16xf32>
      %parallel_loop3A_435 = arith.index_cast %parallel_loop3A_386 : i32 to index
      %parallel_loop3A_436 = arith.constant 96 : index
      %parallel_loop3A_437 = tpu.vector_load %arg16[%parallel_loop3A_435, %parallel_loop3A_436] {strides = array<i32>} : memref<80x128xf32, #tpu.memory_space<vmem>>, vector<16xf32>,
      tpu.vector_store %arg16[%parallel_loop3A_435, %parallel_loop3A_436], %parallel_loop3A_434 {strides = array<i32>} : memref<80x128xf32, #tpu.memory_space<vmem>>, vector<16xf32>,
      %parallel_loop3A_438 = arith.index_cast %parallel_loop3A_386 : i32 to index
      %parallel_loop3A_439 = arith.constant 112 : index
      %parallel_loop3A_440 = tpu.vector_load %arg16[%parallel_loop3A_438, %parallel_loop3A_439] {strides = array<i32>} : memref<80x128xf32, #tpu.memory_space<vmem>>, vector<16xf32>,
      %parallel_loop3A_441 = arith.mulf %parallel_loop3A_440, %parallel_loop3A_388 : vector<16xf32>
      %parallel_loop3A_442 = arith.index_cast %parallel_loop3A_386 : i32 to index
      %parallel_loop3A_443 = arith.constant 112 : index
      %parallel_loop3A_444 = tpu.vector_load %arg16[%parallel_loop3A_442, %parallel_loop3A_443] {strides = array<i32>} : memref<80x128xf32, #tpu.memory_space<vmem>>, vector<16xf32>,
      tpu.vector_store %arg16[%parallel_loop3A_442, %parallel_loop3A_443], %parallel_loop3A_441 {strides = array<i32>} : memref<80x128xf32, #tpu.memory_space<vmem>>, vector<16xf32>,
    } {sc.loop_unroll_factor = 4 : i64, sc.parallel_access}
    %dma_start3A_246 = arith.constant 0 : i32
    %dma_start3A_247 = arith.constant 0 : i32
    %dma_start3A_248 = tpu.memref_slice %arg24[%dma_start3A_246, %dma_start3A_247] : memref<10000x128xf32, #tpu.memory_space<vmem_shared>> -> memref<10000x128xf32, #tpu.memory_space<vmem_shared>>
    tpu.enqueue_indirect_dma source(%arg16 : memref<80x128xf32, #tpu.memory_space<vmem>>) target(%dma_start3A_248 : memref<10000x128xf32, #tpu.memory_space<vmem_shared>>) offsets(%arg14 : memref<80xi32, #tpu.memory_space<vmem>>) semaphore(%arg30 : memref<!tpu.dma_semaphore, #tpu.memory_space<semaphore_mem>>) {add = true}
    %dma_start3A_249 = arith.constant 0 : i32
    %dma_start3A_250 = arith.constant 0 : i32
    %dma_start3A_251 = tpu.memref_slice %arg25[%dma_start3A_249, %dma_start3A_250] : memref<10000x8xf32, #tpu.memory_space<vmem_shared>> -> memref<10000x8xf32, #tpu.memory_space<vmem_shared>>
    tpu.enqueue_indirect_dma source(%arg18 : memref<80x8xf32, #tpu.memory_space<vmem>>) target(%dma_start3A_251 : memref<10000x8xf32, #tpu.memory_space<vmem_shared>>) offsets(%arg14 : memref<80xi32, #tpu.memory_space<vmem>>) semaphore(%arg32 : memref<!tpu.dma_semaphore, #tpu.memory_space<semaphore_mem>>) {add = true}
    %get3A_252 = arith.constant 0 : index
    %get3A_253 = tpu.vector_load %arg13[%get3A_252] {strides = array<i32>} : memref<80xi32, #tpu.memory_space<vmem>>, vector<16xi32>,
    %get3A_254 = arith.constant 0 : index
    %get3A_255 = tpu.vector_load %arg15[%get3A_254] {strides = array<i32>} : memref<80xi32, #tpu.memory_space<vmem>>, vector<16xi32>,
    %add3A_256 = arith.addi %get3A_253, %get3A_253 : vector<16xi32>
    %gather3A_257 = tpu.vector_load_idx %arg11[%add3A_256] : memref<20000xf32, #tpu.memory_space<vmem>>[vector<16xi32>], vector<16xf32>,
    %add3A_258 = arith.addi %get3A_255, %get3A_255 : vector<16xi32>
    %add3A_259 = arith.addi %add3A_258, %add3A_4 : vector<16xi32>
    %gather3A_260 = tpu.vector_load_idx %arg11[%add3A_259] : memref<20000xf32, #tpu.memory_space<vmem>>[vector<16xi32>], vector<16xf32>,
    %add3A_261 = arith.addf %gather3A_257, %gather3A_260 : vector<16xf32>
    %mul3A_262 = arith.constant 2.000000e-01 : f32
    %mul3A_263 = vector.broadcast %mul3A_262 : f32 to vector<16xf32>
    %mul3A_264 = arith.mulf %mul3A_263, %add3A_261 : vector<16xf32>
    %max3A_265 = arith.maximumf %add3A_261, %mul3A_264 : vector<16xf32>
    %sub3A_266 = arith.subf %max3A_265, %get3A_1 : vector<16xf32>
    %exp3A_267 = math.exp %sub3A_266 : vector<16xf32>
    %swap3A_268 = arith.constant 0 : index
    %swap3A_269 = tpu.vector_load %arg10[%swap3A_268] {strides = array<i32>} : memref<80xf32, #tpu.memory_space<vmem>>, vector<16xf32>,
    tpu.vector_store %arg10[%swap3A_268], %exp3A_267 {strides = array<i32>} : memref<80xf32, #tpu.memory_space<vmem>>, vector<16xf32>,
    %add3A_270 = arith.constant 0 : i32
    %add3A_271 = vector.broadcast %add3A_270 : i32 to vector<16xi32>
    %add3A_272 = arith.addi %iota3A, %add3A_271 : vector<16xi32>
    tpu.vector_store_idx %arg19[%add3A_272, %broadcast_in_dim3A_2], %exp3A_267 : memref<80x8xf32, #tpu.memory_space<vmem>>[vector<16xi32>, vector<16xi32>], vector<16xf32>,
    %get3A_273 = arith.constant 16 : index
    %get3A_274 = tpu.vector_load %arg13[%get3A_273] {strides = array<i32>} : memref<80xi32, #tpu.memory_space<vmem>>, vector<16xi32>,
    %get3A_275 = arith.constant 16 : index
    %get3A_276 = tpu.vector_load %arg15[%get3A_275] {strides = array<i32>} : memref<80xi32, #tpu.memory_space<vmem>>, vector<16xi32>,
    %add3A_277 = arith.addi %get3A_274, %get3A_274 : vector<16xi32>
    %gather3A_278 = tpu.vector_load_idx %arg11[%add3A_277] : memref<20000xf32, #tpu.memory_space<vmem>>[vector<16xi32>], vector<16xf32>,
    %add3A_279 = arith.addi %get3A_276, %get3A_276 : vector<16xi32>
    %add3A_280 = arith.addi %add3A_279, %add3A_4 : vector<16xi32>
    %gather3A_281 = tpu.vector_load_idx %arg11[%add3A_280] : memref<20000xf32, #tpu.memory_space<vmem>>[vector<16xi32>], vector<16xf32>,
    %add3A_282 = arith.addf %gather3A_278, %gather3A_281 : vector<16xf32>
    %mul3A_283 = arith.constant 2.000000e-01 : f32
    %mul3A_284 = vector.broadcast %mul3A_283 : f32 to vector<16xf32>
    %mul3A_285 = arith.mulf %mul3A_284, %add3A_282 : vector<16xf32>
    %max3A_286 = arith.maximumf %add3A_282, %mul3A_285 : vector<16xf32>
    %sub3A_287 = arith.subf %max3A_286, %get3A_1 : vector<16xf32>
    %exp3A_288 = math.exp %sub3A_287 : vector<16xf32>
    %swap3A_289 = arith.constant 16 : index
    %swap3A_290 = tpu.vector_load %arg10[%swap3A_289] {strides = array<i32>} : memref<80xf32, #tpu.memory_space<vmem>>, vector<16xf32>,
    tpu.vector_store %arg10[%swap3A_289], %exp3A_288 {strides = array<i32>} : memref<80xf32, #tpu.memory_space<vmem>>, vector<16xf32>,
    %add3A_291 = arith.constant 16 : i32
    %add3A_292 = vector.broadcast %add3A_291 : i32 to vector<16xi32>
    %add3A_293 = arith.addi %iota3A, %add3A_292 : vector<16xi32>
    tpu.vector_store_idx %arg19[%add3A_293, %broadcast_in_dim3A_2], %exp3A_288 : memref<80x8xf32, #tpu.memory_space<vmem>>[vector<16xi32>, vector<16xi32>], vector<16xf32>,
    %get3A_294 = arith.constant 32 : index
    %get3A_295 = tpu.vector_load %arg13[%get3A_294] {strides = array<i32>} : memref<80xi32, #tpu.memory_space<vmem>>, vector<16xi32>,
    %get3A_296 = arith.constant 32 : index
    %get3A_297 = tpu.vector_load %arg15[%get3A_296] {strides = array<i32>} : memref<80xi32, #tpu.memory_space<vmem>>, vector<16xi32>,
    %add3A_298 = arith.addi %get3A_295, %get3A_295 : vector<16xi32>
    %gather3A_299 = tpu.vector_load_idx %arg11[%add3A_298] : memref<20000xf32, #tpu.memory_space<vmem>>[vector<16xi32>], vector<16xf32>,
    %add3A_300 = arith.addi %get3A_297, %get3A_297 : vector<16xi32>
    %add3A_301 = arith.addi %add3A_300, %add3A_4 : vector<16xi32>
    %gather3A_302 = tpu.vector_load_idx %arg11[%add3A_301] : memref<20000xf32, #tpu.memory_space<vmem>>[vector<16xi32>], vector<16xf32>,
    %add3A_303 = arith.addf %gather3A_299, %gather3A_302 : vector<16xf32>
    %mul3A_304 = arith.constant 2.000000e-01 : f32
    %mul3A_305 = vector.broadcast %mul3A_304 : f32 to vector<16xf32>
    %mul3A_306 = arith.mulf %mul3A_305, %add3A_303 : vector<16xf32>
    %max3A_307 = arith.maximumf %add3A_303, %mul3A_306 : vector<16xf32>
    %sub3A_308 = arith.subf %max3A_307, %get3A_1 : vector<16xf32>
    %exp3A_309 = math.exp %sub3A_308 : vector<16xf32>
    %swap3A_310 = arith.constant 32 : index
    %swap3A_311 = tpu.vector_load %arg10[%swap3A_310] {strides = array<i32>} : memref<80xf32, #tpu.memory_space<vmem>>, vector<16xf32>,
    tpu.vector_store %arg10[%swap3A_310], %exp3A_309 {strides = array<i32>} : memref<80xf32, #tpu.memory_space<vmem>>, vector<16xf32>,
    %add3A_312 = arith.constant 32 : i32
    %add3A_313 = vector.broadcast %add3A_312 : i32 to vector<16xi32>
    %add3A_314 = arith.addi %iota3A, %add3A_313 : vector<16xi32>
    tpu.vector_store_idx %arg19[%add3A_314, %broadcast_in_dim3A_2], %exp3A_309 : memref<80x8xf32, #tpu.memory_space<vmem>>[vector<16xi32>, vector<16xi32>], vector<16xf32>,
    %get3A_315 = arith.constant 48 : index
    %get3A_316 = tpu.vector_load %arg13[%get3A_315] {strides = array<i32>} : memref<80xi32, #tpu.memory_space<vmem>>, vector<16xi32>,
    %get3A_317 = arith.constant 48 : index
    %get3A_318 = tpu.vector_load %arg15[%get3A_317] {strides = array<i32>} : memref<80xi32, #tpu.memory_space<vmem>>, vector<16xi32>,
    %add3A_319 = arith.addi %get3A_316, %get3A_316 : vector<16xi32>
    %gather3A_320 = tpu.vector_load_idx %arg11[%add3A_319] : memref<20000xf32, #tpu.memory_space<vmem>>[vector<16xi32>], vector<16xf32>,
    %add3A_321 = arith.addi %get3A_318, %get3A_318 : vector<16xi32>
    %add3A_322 = arith.addi %add3A_321, %add3A_4 : vector<16xi32>
    %gather3A_323 = tpu.vector_load_idx %arg11[%add3A_322] : memref<20000xf32, #tpu.memory_space<vmem>>[vector<16xi32>], vector<16xf32>,
    %add3A_324 = arith.addf %gather3A_320, %gather3A_323 : vector<16xf32>
    %mul3A_325 = arith.constant 2.000000e-01 : f32
    %mul3A_326 = vector.broadcast %mul3A_325 : f32 to vector<16xf32>
    %mul3A_327 = arith.mulf %mul3A_326, %add3A_324 : vector<16xf32>
    %max3A_328 = arith.maximumf %add3A_324, %mul3A_327 : vector<16xf32>
    %sub3A_329 = arith.subf %max3A_328, %get3A_1 : vector<16xf32>
    %exp3A_330 = math.exp %sub3A_329 : vector<16xf32>
    %swap3A_331 = arith.constant 48 : index
    %swap3A_332 = tpu.vector_load %arg10[%swap3A_331] {strides = array<i32>} : memref<80xf32, #tpu.memory_space<vmem>>, vector<16xf32>,
    tpu.vector_store %arg10[%swap3A_331], %exp3A_330 {strides = array<i32>} : memref<80xf32, #tpu.memory_space<vmem>>, vector<16xf32>,
    %add3A_333 = arith.constant 48 : i32
    %add3A_334 = vector.broadcast %add3A_333 : i32 to vector<16xi32>
    %add3A_335 = arith.addi %iota3A, %add3A_334 : vector<16xi32>
    tpu.vector_store_idx %arg19[%add3A_335, %broadcast_in_dim3A_2], %exp3A_330 : memref<80x8xf32, #tpu.memory_space<vmem>>[vector<16xi32>, vector<16xi32>], vector<16xf32>,
    %get3A_336 = arith.constant 64 : index
    %get3A_337 = tpu.vector_load %arg13[%get3A_336] {strides = array<i32>} : memref<80xi32, #tpu.memory_space<vmem>>, vector<16xi32>,
    %get3A_338 = arith.constant 64 : index
    %get3A_339 = tpu.vector_load %arg15[%get3A_338] {strides = array<i32>} : memref<80xi32, #tpu.memory_space<vmem>>, vector<16xi32>,
    %add3A_340 = arith.addi %get3A_337, %get3A_337 : vector<16xi32>
    %gather3A_341 = tpu.vector_load_idx %arg11[%add3A_340] : memref<20000xf32, #tpu.memory_space<vmem>>[vector<16xi32>], vector<16xf32>,
    %add3A_342 = arith.addi %get3A_339, %get3A_339 : vector<16xi32>
    %add3A_343 = arith.addi %add3A_342, %add3A_4 : vector<16xi32>
    %gather3A_344 = tpu.vector_load_idx %arg11[%add3A_343] : memref<20000xf32, #tpu.memory_space<vmem>>[vector<16xi32>], vector<16xf32>,
    %add3A_345 = arith.addf %gather3A_341, %gather3A_344 : vector<16xf32>
    %mul3A_346 = arith.constant 2.000000e-01 : f32
    %mul3A_347 = vector.broadcast %mul3A_346 : f32 to vector<16xf32>
    %mul3A_348 = arith.mulf %mul3A_347, %add3A_345 : vector<16xf32>
    %max3A_349 = arith.maximumf %add3A_345, %mul3A_348 : vector<16xf32>
    %sub3A_350 = arith.subf %max3A_349, %get3A_1 : vector<16xf32>
    %exp3A_351 = math.exp %sub3A_350 : vector<16xf32>
    %swap3A_352 = arith.constant 64 : index
    %swap3A_353 = tpu.vector_load %arg10[%swap3A_352] {strides = array<i32>} : memref<80xf32, #tpu.memory_space<vmem>>, vector<16xf32>,
    tpu.vector_store %arg10[%swap3A_352], %exp3A_351 {strides = array<i32>} : memref<80xf32, #tpu.memory_space<vmem>>, vector<16xf32>,
    %add3A_354 = arith.constant 64 : i32
    %add3A_355 = vector.broadcast %add3A_354 : i32 to vector<16xi32>
    %add3A_356 = arith.addi %iota3A, %add3A_355 : vector<16xi32>
    tpu.vector_store_idx %arg19[%add3A_356, %broadcast_in_dim3A_2], %exp3A_351 : memref<80x8xf32, #tpu.memory_space<vmem>>[vector<16xi32>, vector<16xi32>], vector<16xf32>,
    %dma_wait3A_357 = arith.constant 0 : i32
    %dma_wait3A_358 = arith.constant 0 : i32
    %dma_wait3A_359 = tpu.memref_slice %arg24[%dma_wait3A_357, %dma_wait3A_358] : memref<10000x128xf32, #tpu.memory_space<vmem_shared>> -> memref<10000x128xf32, #tpu.memory_space<vmem_shared>>
    tpu.wait_indirect_dma semaphore(%arg30 : memref<!tpu.dma_semaphore, #tpu.memory_space<semaphore_mem>>) src(%arg16 : memref<80x128xf32, #tpu.memory_space<vmem>>) dst(%dma_wait3A_359 : memref<10000x128xf32, #tpu.memory_space<vmem_shared>>)
    %dma_wait3A_360 = arith.constant 0 : i32
    %dma_wait3A_361 = arith.constant 0 : i32
    %dma_wait3A_362 = tpu.memref_slice %arg25[%dma_wait3A_360, %dma_wait3A_361] : memref<10000x8xf32, #tpu.memory_space<vmem_shared>> -> memref<10000x8xf32, #tpu.memory_space<vmem_shared>>
    tpu.wait_indirect_dma semaphore(%arg32 : memref<!tpu.dma_semaphore, #tpu.memory_space<semaphore_mem>>) src(%arg18 : memref<80x8xf32, #tpu.memory_space<vmem>>) dst(%dma_wait3A_362 : memref<10000x8xf32, #tpu.memory_space<vmem_shared>>)
    %dma_wait3A_363 = arith.constant 0 : i32
    %dma_wait3A_364 = arith.constant 0 : i32
    %dma_wait3A_365 = tpu.memref_slice %arg2[%arg0, %dma_wait3A_363, %dma_wait3A_364] : memref<2x10000x128xf32, #tpu.memory_space<hbm>> -> memref<1x10000x128xf32, #tpu.memory_space<hbm>>
    %dma_wait3A_366 = tpu.memref_squeeze %dma_wait3A_365 : memref<1x10000x128xf32, #tpu.memory_space<hbm>> -> memref<10000x128xf32, #tpu.memory_space<hbm>>
    %dma_wait3A_367 = arith.constant 0 : i32
    %dma_wait3A_368 = arith.constant 0 : i32
    %dma_wait3A_369 = tpu.memref_slice %dma_wait3A_366[%dma_wait3A_367, %dma_wait3A_368] : memref<10000x128xf32, #tpu.memory_space<hbm>> -> memref<10000x128xf32, #tpu.memory_space<hbm>>
    tpu.wait_indirect_dma semaphore(%arg29 : memref<!tpu.dma_semaphore, #tpu.memory_space<semaphore_mem>>) src(%dma_wait3A_369 : memref<10000x128xf32, #tpu.memory_space<hbm>>) dst(%arg17 : memref<80x128xf32, #tpu.memory_space<vmem>>)
    %parallel_loop3A_370 = arith.constant 0 : i32
    %parallel_loop3A_371 = arith.constant 80 : i32
    %parallel_loop3A_372 = arith.constant 1 : i32
    scf.for %parallel_loop3A_386 = %parallel_loop3A_370 to %parallel_loop3A_371 step %parallel_loop3A_372  : i32 {
      %parallel_loop3A_387 = vector.broadcast %parallel_loop3A_386 : i32 to vector<16xi32>
      %parallel_loop3A_388 = tpu.vector_load_idx %arg10[%parallel_loop3A_387] : memref<80xf32, #tpu.memory_space<vmem>>[vector<16xi32>], vector<16xf32>,
      %parallel_loop3A_389 = arith.index_cast %parallel_loop3A_386 : i32 to index
      %parallel_loop3A_390 = arith.constant 0 : index
      %parallel_loop3A_391 = tpu.vector_load %arg17[%parallel_loop3A_389, %parallel_loop3A_390] {strides = array<i32>} : memref<80x128xf32, #tpu.memory_space<vmem>>, vector<16xf32>,
      %parallel_loop3A_392 = arith.mulf %parallel_loop3A_391, %parallel_loop3A_388 : vector<16xf32>
      %parallel_loop3A_393 = arith.index_cast %parallel_loop3A_386 : i32 to index
      %parallel_loop3A_394 = arith.constant 0 : index
      %parallel_loop3A_395 = tpu.vector_load %arg17[%parallel_loop3A_393, %parallel_loop3A_394] {strides = array<i32>} : memref<80x128xf32, #tpu.memory_space<vmem>>, vector<16xf32>,
      tpu.vector_store %arg17[%parallel_loop3A_393, %parallel_loop3A_394], %parallel_loop3A_392 {strides = array<i32>} : memref<80x128xf32, #tpu.memory_space<vmem>>, vector<16xf32>,
      %parallel_loop3A_396 = arith.index_cast %parallel_loop3A_386 : i32 to index
      %parallel_loop3A_397 = arith.constant 16 : index
      %parallel_loop3A_398 = tpu.vector_load %arg17[%parallel_loop3A_396, %parallel_loop3A_397] {strides = array<i32>} : memref<80x128xf32, #tpu.memory_space<vmem>>, vector<16xf32>,
      %parallel_loop3A_399 = arith.mulf %parallel_loop3A_398, %parallel_loop3A_388 : vector<16xf32>
      %parallel_loop3A_400 = arith.index_cast %parallel_loop3A_386 : i32 to index
      %parallel_loop3A_401 = arith.constant 16 : index
      %parallel_loop3A_402 = tpu.vector_load %arg17[%parallel_loop3A_400, %parallel_loop3A_401] {strides = array<i32>} : memref<80x128xf32, #tpu.memory_space<vmem>>, vector<16xf32>,
      tpu.vector_store %arg17[%parallel_loop3A_400, %parallel_loop3A_401], %parallel_loop3A_399 {strides = array<i32>} : memref<80x128xf32, #tpu.memory_space<vmem>>, vector<16xf32>,
      %parallel_loop3A_403 = arith.index_cast %parallel_loop3A_386 : i32 to index
      %parallel_loop3A_404 = arith.constant 32 : index
      %parallel_loop3A_405 = tpu.vector_load %arg17[%parallel_loop3A_403, %parallel_loop3A_404] {strides = array<i32>} : memref<80x128xf32, #tpu.memory_space<vmem>>, vector<16xf32>,
      %parallel_loop3A_406 = arith.mulf %parallel_loop3A_405, %parallel_loop3A_388 : vector<16xf32>
      %parallel_loop3A_407 = arith.index_cast %parallel_loop3A_386 : i32 to index
      %parallel_loop3A_408 = arith.constant 32 : index
      %parallel_loop3A_409 = tpu.vector_load %arg17[%parallel_loop3A_407, %parallel_loop3A_408] {strides = array<i32>} : memref<80x128xf32, #tpu.memory_space<vmem>>, vector<16xf32>,
      tpu.vector_store %arg17[%parallel_loop3A_407, %parallel_loop3A_408], %parallel_loop3A_406 {strides = array<i32>} : memref<80x128xf32, #tpu.memory_space<vmem>>, vector<16xf32>,
      %parallel_loop3A_410 = arith.index_cast %parallel_loop3A_386 : i32 to index
      %parallel_loop3A_411 = arith.constant 48 : index
      %parallel_loop3A_412 = tpu.vector_load %arg17[%parallel_loop3A_410, %parallel_loop3A_411] {strides = array<i32>} : memref<80x128xf32, #tpu.memory_space<vmem>>, vector<16xf32>,
      %parallel_loop3A_413 = arith.mulf %parallel_loop3A_412, %parallel_loop3A_388 : vector<16xf32>
      %parallel_loop3A_414 = arith.index_cast %parallel_loop3A_386 : i32 to index
      %parallel_loop3A_415 = arith.constant 48 : index
      %parallel_loop3A_416 = tpu.vector_load %arg17[%parallel_loop3A_414, %parallel_loop3A_415] {strides = array<i32>} : memref<80x128xf32, #tpu.memory_space<vmem>>, vector<16xf32>,
      tpu.vector_store %arg17[%parallel_loop3A_414, %parallel_loop3A_415], %parallel_loop3A_413 {strides = array<i32>} : memref<80x128xf32, #tpu.memory_space<vmem>>, vector<16xf32>,
      %parallel_loop3A_417 = arith.index_cast %parallel_loop3A_386 : i32 to index
      %parallel_loop3A_418 = arith.constant 64 : index
      %parallel_loop3A_419 = tpu.vector_load %arg17[%parallel_loop3A_417, %parallel_loop3A_418] {strides = array<i32>} : memref<80x128xf32, #tpu.memory_space<vmem>>, vector<16xf32>,
      %parallel_loop3A_420 = arith.mulf %parallel_loop3A_419, %parallel_loop3A_388 : vector<16xf32>
      %parallel_loop3A_421 = arith.index_cast %parallel_loop3A_386 : i32 to index
      %parallel_loop3A_422 = arith.constant 64 : index
      %parallel_loop3A_423 = tpu.vector_load %arg17[%parallel_loop3A_421, %parallel_loop3A_422] {strides = array<i32>} : memref<80x128xf32, #tpu.memory_space<vmem>>, vector<16xf32>,
      tpu.vector_store %arg17[%parallel_loop3A_421, %parallel_loop3A_422], %parallel_loop3A_420 {strides = array<i32>} : memref<80x128xf32, #tpu.memory_space<vmem>>, vector<16xf32>,
      %parallel_loop3A_424 = arith.index_cast %parallel_loop3A_386 : i32 to index
      %parallel_loop3A_425 = arith.constant 80 : index
      %parallel_loop3A_426 = tpu.vector_load %arg17[%parallel_loop3A_424, %parallel_loop3A_425] {strides = array<i32>} : memref<80x128xf32, #tpu.memory_space<vmem>>, vector<16xf32>,
      %parallel_loop3A_427 = arith.mulf %parallel_loop3A_426, %parallel_loop3A_388 : vector<16xf32>
      %parallel_loop3A_428 = arith.index_cast %parallel_loop3A_386 : i32 to index
      %parallel_loop3A_429 = arith.constant 80 : index
      %parallel_loop3A_430 = tpu.vector_load %arg17[%parallel_loop3A_428, %parallel_loop3A_429] {strides = array<i32>} : memref<80x128xf32, #tpu.memory_space<vmem>>, vector<16xf32>,
      tpu.vector_store %arg17[%parallel_loop3A_428, %parallel_loop3A_429], %parallel_loop3A_427 {strides = array<i32>} : memref<80x128xf32, #tpu.memory_space<vmem>>, vector<16xf32>,
      %parallel_loop3A_431 = arith.index_cast %parallel_loop3A_386 : i32 to index
      %parallel_loop3A_432 = arith.constant 96 : index
      %parallel_loop3A_433 = tpu.vector_load %arg17[%parallel_loop3A_431, %parallel_loop3A_432] {strides = array<i32>} : memref<80x128xf32, #tpu.memory_space<vmem>>, vector<16xf32>,
      %parallel_loop3A_434 = arith.mulf %parallel_loop3A_433, %parallel_loop3A_388 : vector<16xf32>
      %parallel_loop3A_435 = arith.index_cast %parallel_loop3A_386 : i32 to index
      %parallel_loop3A_436 = arith.constant 96 : index
      %parallel_loop3A_437 = tpu.vector_load %arg17[%parallel_loop3A_435, %parallel_loop3A_436] {strides = array<i32>} : memref<80x128xf32, #tpu.memory_space<vmem>>, vector<16xf32>,
      tpu.vector_store %arg17[%parallel_loop3A_435, %parallel_loop3A_436], %parallel_loop3A_434 {strides = array<i32>} : memref<80x128xf32, #tpu.memory_space<vmem>>, vector<16xf32>,
      %parallel_loop3A_438 = arith.index_cast %parallel_loop3A_386 : i32 to index
      %parallel_loop3A_439 = arith.constant 112 : index
      %parallel_loop3A_440 = tpu.vector_load %arg17[%parallel_loop3A_438, %parallel_loop3A_439] {strides = array<i32>} : memref<80x128xf32, #tpu.memory_space<vmem>>, vector<16xf32>,
      %parallel_loop3A_441 = arith.mulf %parallel_loop3A_440, %parallel_loop3A_388 : vector<16xf32>
      %parallel_loop3A_442 = arith.index_cast %parallel_loop3A_386 : i32 to index
      %parallel_loop3A_443 = arith.constant 112 : index
      %parallel_loop3A_444 = tpu.vector_load %arg17[%parallel_loop3A_442, %parallel_loop3A_443] {strides = array<i32>} : memref<80x128xf32, #tpu.memory_space<vmem>>, vector<16xf32>,
      tpu.vector_store %arg17[%parallel_loop3A_442, %parallel_loop3A_443], %parallel_loop3A_441 {strides = array<i32>} : memref<80x128xf32, #tpu.memory_space<vmem>>, vector<16xf32>,
    } {sc.loop_unroll_factor = 4 : i64, sc.parallel_access}
    %dma_start3A_373 = arith.constant 0 : i32
    %dma_start3A_374 = arith.constant 0 : i32
    %dma_start3A_375 = tpu.memref_slice %arg24[%dma_start3A_373, %dma_start3A_374] : memref<10000x128xf32, #tpu.memory_space<vmem_shared>> -> memref<10000x128xf32, #tpu.memory_space<vmem_shared>>
    tpu.enqueue_indirect_dma source(%arg17 : memref<80x128xf32, #tpu.memory_space<vmem>>) target(%dma_start3A_375 : memref<10000x128xf32, #tpu.memory_space<vmem_shared>>) offsets(%arg15 : memref<80xi32, #tpu.memory_space<vmem>>) semaphore(%arg31 : memref<!tpu.dma_semaphore, #tpu.memory_space<semaphore_mem>>) {add = true}
    %dma_start3A_376 = arith.constant 0 : i32
    %dma_start3A_377 = arith.constant 0 : i32
    %dma_start3A_378 = tpu.memref_slice %arg25[%dma_start3A_376, %dma_start3A_377] : memref<10000x8xf32, #tpu.memory_space<vmem_shared>> -> memref<10000x8xf32, #tpu.memory_space<vmem_shared>>
    tpu.enqueue_indirect_dma source(%arg19 : memref<80x8xf32, #tpu.memory_space<vmem>>) target(%dma_start3A_378 : memref<10000x8xf32, #tpu.memory_space<vmem_shared>>) offsets(%arg15 : memref<80xi32, #tpu.memory_space<vmem>>) semaphore(%arg33 : memref<!tpu.dma_semaphore, #tpu.memory_space<semaphore_mem>>) {add = true}
    %dma_wait3A_379 = arith.constant 0 : i32
    %dma_wait3A_380 = arith.constant 0 : i32
    %dma_wait3A_381 = tpu.memref_slice %arg24[%dma_wait3A_379, %dma_wait3A_380] : memref<10000x128xf32, #tpu.memory_space<vmem_shared>> -> memref<10000x128xf32, #tpu.memory_space<vmem_shared>>
    tpu.wait_indirect_dma semaphore(%arg31 : memref<!tpu.dma_semaphore, #tpu.memory_space<semaphore_mem>>) src(%arg17 : memref<80x128xf32, #tpu.memory_space<vmem>>) dst(%dma_wait3A_381 : memref<10000x128xf32, #tpu.memory_space<vmem_shared>>)
    %dma_wait3A_382 = arith.constant 0 : i32
    %dma_wait3A_383 = arith.constant 0 : i32
    %dma_wait3A_384 = tpu.memref_slice %arg25[%dma_wait3A_382, %dma_wait3A_383] : memref<10000x8xf32, #tpu.memory_space<vmem_shared>> -> memref<10000x8xf32, #tpu.memory_space<vmem_shared>>
    tpu.wait_indirect_dma semaphore(%arg33 : memref<!tpu.dma_semaphore, #tpu.memory_space<semaphore_mem>>) src(%arg19 : memref<80x8xf32, #tpu.memory_space<vmem>>) dst(%dma_wait3A_384 : memref<10000x8xf32, #tpu.memory_space<vmem_shared>>)
    %barrier3A_385 = arith.constant 0 : index
    tpu.barrier barrier_id(%barrier3A_385)
    "tpu.region"() ({
      %run_scoped3A = tpu.sem_alloc : memref<!tpu.dma_semaphore, #tpu.memory_space<semaphore_mem>>
      %dma_start3A_386 = arith.constant 0 : i32
      %dma_start3A_387 = tpu.memref_slice %arg7[%arg0, %mul3A_0, %dma_start3A_386] : memref<2x10000x128xf32, #tpu.memory_space<hbm>> -> memref<1x625x128xf32, #tpu.memory_space<hbm>>
      %dma_start3A_388 = tpu.memref_squeeze %dma_start3A_387 : memref<1x625x128xf32, #tpu.memory_space<hbm>> -> memref<625x128xf32, #tpu.memory_space<hbm>>
      %dma_start3A_389 = arith.constant 0 : i32
      %dma_start3A_390 = tpu.memref_slice %arg24[%mul3A_0, %dma_start3A_389] : memref<10000x128xf32, #tpu.memory_space<vmem_shared>> -> memref<625x128xf32, #tpu.memory_space<vmem_shared>>
      tpu.enqueue_dma source(%dma_start3A_390 : memref<625x128xf32, #tpu.memory_space<vmem_shared>>) target(%dma_start3A_388 : memref<625x128xf32, #tpu.memory_space<hbm>>) target_semaphore(%run_scoped3A : memref<!tpu.dma_semaphore, #tpu.memory_space<semaphore_mem>>)
      %dma_wait3A_391 = arith.constant 0 : i32
      %dma_wait3A_392 = tpu.memref_slice %arg7[%arg0, %mul3A_0, %dma_wait3A_391] : memref<2x10000x128xf32, #tpu.memory_space<hbm>> -> memref<1x625x128xf32, #tpu.memory_space<hbm>>
      %dma_wait3A_393 = tpu.memref_squeeze %dma_wait3A_392 : memref<1x625x128xf32, #tpu.memory_space<hbm>> -> memref<625x128xf32, #tpu.memory_space<hbm>>
      %dma_wait3A_394 = arith.constant 0 : i32
      %dma_wait3A_395 = tpu.memref_slice %arg24[%mul3A_0, %dma_wait3A_394] : memref<10000x128xf32, #tpu.memory_space<vmem_shared>> -> memref<625x128xf32, #tpu.memory_space<vmem_shared>>
      tpu.wait_dma2 semaphore(%run_scoped3A : memref<!tpu.dma_semaphore, #tpu.memory_space<semaphore_mem>>) src(%dma_wait3A_395 : memref<625x128xf32, #tpu.memory_space<vmem_shared>>) dst(%dma_wait3A_393 : memref<625x128xf32, #tpu.memory_space<hbm>>)
      tpu.yield
    }) : () -> ()
    "tpu.region"() ({
      %run_scoped3A = tpu.sem_alloc : memref<!tpu.dma_semaphore, #tpu.memory_space<semaphore_mem>>
      %dma_start3A_386 = arith.constant 0 : i32
      %dma_start3A_387 = tpu.memref_slice %arg8[%arg0, %mul3A_0, %dma_start3A_386] : memref<2x10000x8xf32, #tpu.memory_space<hbm>> -> memref<1x625x8xf32, #tpu.memory_space<hbm>>
      %dma_start3A_388 = tpu.memref_squeeze %dma_start3A_387 : memref<1x625x8xf32, #tpu.memory_space<hbm>> -> memref<625x8xf32, #tpu.memory_space<hbm>>
      %dma_start3A_389 = arith.constant 0 : i32
      %dma_start3A_390 = tpu.memref_slice %arg25[%mul3A_0, %dma_start3A_389] : memref<10000x8xf32, #tpu.memory_space<vmem_shared>> -> memref<625x8xf32, #tpu.memory_space<vmem_shared>>
      tpu.enqueue_dma source(%dma_start3A_390 : memref<625x8xf32, #tpu.memory_space<vmem_shared>>) target(%dma_start3A_388 : memref<625x8xf32, #tpu.memory_space<hbm>>) target_semaphore(%run_scoped3A : memref<!tpu.dma_semaphore, #tpu.memory_space<semaphore_mem>>)
      %dma_wait3A_391 = arith.constant 0 : i32
      %dma_wait3A_392 = tpu.memref_slice %arg8[%arg0, %mul3A_0, %dma_wait3A_391] : memref<2x10000x8xf32, #tpu.memory_space<hbm>> -> memref<1x625x8xf32, #tpu.memory_space<hbm>>
      %dma_wait3A_393 = tpu.memref_squeeze %dma_wait3A_392 : memref<1x625x8xf32, #tpu.memory_space<hbm>> -> memref<625x8xf32, #tpu.memory_space<hbm>>
      %dma_wait3A_394 = arith.constant 0 : i32
      %dma_wait3A_395 = tpu.memref_slice %arg25[%mul3A_0, %dma_wait3A_394] : memref<10000x8xf32, #tpu.memory_space<vmem_shared>> -> memref<625x8xf32, #tpu.memory_space<vmem_shared>>
      tpu.wait_dma2 semaphore(%run_scoped3A : memref<!tpu.dma_semaphore, #tpu.memory_space<semaphore_mem>>) src(%dma_wait3A_395 : memref<625x8xf32, #tpu.memory_space<vmem_shared>>) dst(%dma_wait3A_393 : memref<625x8xf32, #tpu.memory_space<hbm>>)
      tpu.yield
    }) : () -> ()
    return
  }
}

module attributes {stable_mosaic.version = 14 : i64} {
  func.func @_dense_pre_body(%arg0: i32, %arg1: memref<1000x128xf32, #tpu.memory_space<vmem>>, %arg2: memref<128x128xf32, #tpu.memory_space<vmem>>, %arg3: memref<128x128xf32, #tpu.memory_space<vmem>>, %arg4: memref<128x128xf32, #tpu.memory_space<vmem>>, %arg5: memref<1x128xf32, #tpu.memory_space<vmem>>, %arg6: memref<1x128xf32, #tpu.memory_space<vmem>>, %arg7: memref<1x128xf32, #tpu.memory_space<vmem>>, %arg8: memref<1x128xf32, #tpu.memory_space<vmem>>, %arg9: memref<2x1000x128xf32, #tpu.memory_space<vmem>>, %arg10: memref<2x1000x2xf32, #tpu.memory_space<vmem>>, %arg11: memref<2x16xf32, #tpu.memory_space<vmem>>, %arg12: memref<1x4xf32, #tpu.memory_space<vmem>>) attributes {dimension_semantics = [#tpu.dimension_semantics<arbitrary>], iteration_bounds = array<i64: 10>, scalar_prefetch = 0 : i64, scratch_operands = 1 : i64, tpu.core_type = #tpu.core_type<tc>, window_params = [{transform_indices = @transform_0, window_bounds = array<i64: 1000, 128>}, {pipeline_mode = #tpu.pipeline_mode<synchronous>, transform_indices = @transform_1, window_bounds = array<i64: 128, 128>}, {pipeline_mode = #tpu.pipeline_mode<synchronous>, transform_indices = @transform_2, window_bounds = array<i64: 128, 128>}, {pipeline_mode = #tpu.pipeline_mode<synchronous>, transform_indices = @transform_3, window_bounds = array<i64: 128, 128>}, {pipeline_mode = #tpu.pipeline_mode<synchronous>, transform_indices = @transform_4, window_bounds = array<i64: 1, 128>}, {pipeline_mode = #tpu.pipeline_mode<synchronous>, transform_indices = @transform_5, window_bounds = array<i64: 1, 128>}, {pipeline_mode = #tpu.pipeline_mode<synchronous>, transform_indices = @transform_6, window_bounds = array<i64: 1, 128>}, {pipeline_mode = #tpu.pipeline_mode<synchronous>, transform_indices = @transform_7, window_bounds = array<i64: 1, 128>}, {transform_indices = @transform_8, window_bounds = array<i64: 2, 1000, 128>}, {transform_indices = @transform_9, window_bounds = array<i64: 2, 1000, 2>}, {pipeline_mode = #tpu.pipeline_mode<synchronous>, transform_indices = @transform_10, window_bounds = array<i64: 2, 16>}]} {
    %get3A = arith.constant 0 : index
    %get3A_0 = arith.constant 0 : index
    %get3A_1 = vector.load %arg1[%get3A, %get3A_0] : memref<1000x128xf32, #tpu.memory_space<vmem>>, vector<1000x128xf32>
    %get3A_2 = arith.constant 0 : index
    %get3A_3 = arith.constant 0 : index
    %get3A_4 = vector.load %arg2[%get3A_2, %get3A_3] : memref<128x128xf32, #tpu.memory_space<vmem>>, vector<128x128xf32>
    %dot_general3A = arith.constant dense<0.000000e+00> : vector<1000x128xf32>
    %dot_general3A_5 = tpu.matmul %get3A_1, %get3A_4, %dot_general3A {dimension_numbers = #tpu.dot_dimension_numbers<[1], [0], [0], [1], [0, 0, 1, 1], [], []>, transpose_lhs_hint = false} : vector<1000x128xf32>, vector<128x128xf32>, vector<1000x128xf32> -> vector<1000x128xf32>
    %get3A_6 = arith.constant 0 : index
    %get3A_7 = arith.constant 0 : index
    %get3A_8 = vector.load %arg3[%get3A_6, %get3A_7] : memref<128x128xf32, #tpu.memory_space<vmem>>, vector<128x128xf32>
    %dot_general3A_9 = arith.constant dense<0.000000e+00> : vector<1000x128xf32>
    %dot_general3A_10 = tpu.matmul %dot_general3A_5, %get3A_8, %dot_general3A_9 {dimension_numbers = #tpu.dot_dimension_numbers<[1], [0], [0], [1], [0, 0, 1, 1], [], []>, transpose_lhs_hint = false} : vector<1000x128xf32>, vector<128x128xf32>, vector<1000x128xf32> -> vector<1000x128xf32>
    %get3A_11 = arith.constant 0 : index
    %get3A_12 = arith.constant 0 : index
    %get3A_13 = vector.load %arg4[%get3A_11, %get3A_12] : memref<128x128xf32, #tpu.memory_space<vmem>>, vector<128x128xf32>
    %dot_general3A_14 = arith.constant dense<0.000000e+00> : vector<1000x128xf32>
    %dot_general3A_15 = tpu.matmul %dot_general3A_5, %get3A_13, %dot_general3A_14 {dimension_numbers = #tpu.dot_dimension_numbers<[1], [0], [0], [1], [0, 0, 1, 1], [], []>, transpose_lhs_hint = false} : vector<1000x128xf32>, vector<128x128xf32>, vector<1000x128xf32> -> vector<1000x128xf32>
    %swap3A = arith.constant 0 : index
    %swap3A_16 = arith.constant 0 : index
    %swap3A_17 = arith.constant 0 : index
    %swap3A_18 = vector.load %arg9[%swap3A, %swap3A_16, %swap3A_17] : memref<2x1000x128xf32, #tpu.memory_space<vmem>>, vector<1x1000x128xf32>
    %swap3A_19 = vector.shape_cast %swap3A_18 : vector<1x1000x128xf32> to vector<1000x128xf32>
    %swap3A_20 = vector.shape_cast %dot_general3A_10 : vector<1000x128xf32> to vector<1x1000x128xf32>
    tpu.vector_store %arg9[%swap3A, %swap3A_16, %swap3A_17], %swap3A_20 {strides = array<i32>} : memref<2x1000x128xf32, #tpu.memory_space<vmem>>, vector<1x1000x128xf32>,
    %swap3A_21 = arith.constant 1 : index
    %swap3A_22 = arith.constant 0 : index
    %swap3A_23 = arith.constant 0 : index
    %swap3A_24 = vector.load %arg9[%swap3A_21, %swap3A_22, %swap3A_23] : memref<2x1000x128xf32, #tpu.memory_space<vmem>>, vector<1x1000x128xf32>
    %swap3A_25 = vector.shape_cast %swap3A_24 : vector<1x1000x128xf32> to vector<1000x128xf32>
    %swap3A_26 = vector.shape_cast %dot_general3A_15 : vector<1000x128xf32> to vector<1x1000x128xf32>
    tpu.vector_store %arg9[%swap3A_21, %swap3A_22, %swap3A_23], %swap3A_26 {strides = array<i32>} : memref<2x1000x128xf32, #tpu.memory_space<vmem>>, vector<1x1000x128xf32>,
    %get3A_27 = arith.constant 0 : index
    %get3A_28 = arith.constant 0 : index
    %get3A_29 = vector.load %arg5[%get3A_27, %get3A_28] : memref<1x128xf32, #tpu.memory_space<vmem>>, vector<1x128xf32>
    %transpose3A = tpu.transpose %get3A_29, [1, 0] : vector<1x128xf32> -> vector<128x1xf32>
    %dot_general3A_30 = arith.constant dense<0.000000e+00> : vector<1000x1xf32>
    %dot_general3A_31 = tpu.matmul %dot_general3A_10, %transpose3A, %dot_general3A_30 {dimension_numbers = #tpu.dot_dimension_numbers<[1], [0], [0], [1], [0, 0, 1, 1], [], []>, transpose_lhs_hint = false} : vector<1000x128xf32>, vector<128x1xf32>, vector<1000x1xf32> -> vector<1000x1xf32>
    %get3A_32 = arith.constant 0 : index
    %get3A_33 = arith.constant 0 : index
    %get3A_34 = vector.load %arg6[%get3A_32, %get3A_33] : memref<1x128xf32, #tpu.memory_space<vmem>>, vector<1x128xf32>
    %transpose3A_35 = tpu.transpose %get3A_34, [1, 0] : vector<1x128xf32> -> vector<128x1xf32>
    %dot_general3A_36 = arith.constant dense<0.000000e+00> : vector<1000x1xf32>
    %dot_general3A_37 = tpu.matmul %dot_general3A_10, %transpose3A_35, %dot_general3A_36 {dimension_numbers = #tpu.dot_dimension_numbers<[1], [0], [0], [1], [0, 0, 1, 1], [], []>, transpose_lhs_hint = false} : vector<1000x128xf32>, vector<128x1xf32>, vector<1000x1xf32> -> vector<1000x1xf32>
    %get3A_38 = arith.constant 0 : index
    %get3A_39 = arith.constant 0 : index
    %get3A_40 = vector.load %arg7[%get3A_38, %get3A_39] : memref<1x128xf32, #tpu.memory_space<vmem>>, vector<1x128xf32>
    %transpose3A_41 = tpu.transpose %get3A_40, [1, 0] : vector<1x128xf32> -> vector<128x1xf32>
    %dot_general3A_42 = arith.constant dense<0.000000e+00> : vector<1000x1xf32>
    %dot_general3A_43 = tpu.matmul %dot_general3A_15, %transpose3A_41, %dot_general3A_42 {dimension_numbers = #tpu.dot_dimension_numbers<[1], [0], [0], [1], [0, 0, 1, 1], [], []>, transpose_lhs_hint = false} : vector<1000x128xf32>, vector<128x1xf32>, vector<1000x1xf32> -> vector<1000x1xf32>
    %get3A_44 = arith.constant 0 : index
    %get3A_45 = arith.constant 0 : index
    %get3A_46 = vector.load %arg8[%get3A_44, %get3A_45] : memref<1x128xf32, #tpu.memory_space<vmem>>, vector<1x128xf32>
    %transpose3A_47 = tpu.transpose %get3A_46, [1, 0] : vector<1x128xf32> -> vector<128x1xf32>
    %dot_general3A_48 = arith.constant dense<0.000000e+00> : vector<1000x1xf32>
    %dot_general3A_49 = tpu.matmul %dot_general3A_15, %transpose3A_47, %dot_general3A_48 {dimension_numbers = #tpu.dot_dimension_numbers<[1], [0], [0], [1], [0, 0, 1, 1], [], []>, transpose_lhs_hint = false} : vector<1000x128xf32>, vector<128x1xf32>, vector<1000x1xf32> -> vector<1000x1xf32>
    %concatenate3A = tpu.concatenate %dot_general3A_31, %dot_general3A_37 in 1 : vector<1000x1xf32>, vector<1000x1xf32> -> vector<1000x2xf32>
    %swap3A_50 = arith.constant 0 : index
    %swap3A_51 = arith.constant 0 : index
    %swap3A_52 = arith.constant 0 : index
    %swap3A_53 = vector.load %arg10[%swap3A_50, %swap3A_51, %swap3A_52] : memref<2x1000x2xf32, #tpu.memory_space<vmem>>, vector<1x1000x2xf32>
    %swap3A_54 = vector.shape_cast %swap3A_53 : vector<1x1000x2xf32> to vector<1000x2xf32>
    %swap3A_55 = vector.shape_cast %concatenate3A : vector<1000x2xf32> to vector<1x1000x2xf32>
    tpu.vector_store %arg10[%swap3A_50, %swap3A_51, %swap3A_52], %swap3A_55 {strides = array<i32>} : memref<2x1000x2xf32, #tpu.memory_space<vmem>>, vector<1x1000x2xf32>,
    %concatenate3A_56 = tpu.concatenate %dot_general3A_43, %dot_general3A_49 in 1 : vector<1000x1xf32>, vector<1000x1xf32> -> vector<1000x2xf32>
    %swap3A_57 = arith.constant 1 : index
    %swap3A_58 = arith.constant 0 : index
    %swap3A_59 = arith.constant 0 : index
    %swap3A_60 = vector.load %arg10[%swap3A_57, %swap3A_58, %swap3A_59] : memref<2x1000x2xf32, #tpu.memory_space<vmem>>, vector<1x1000x2xf32>
    %swap3A_61 = vector.shape_cast %swap3A_60 : vector<1x1000x2xf32> to vector<1000x2xf32>
    %swap3A_62 = vector.shape_cast %concatenate3A_56 : vector<1000x2xf32> to vector<1x1000x2xf32>
    tpu.vector_store %arg10[%swap3A_57, %swap3A_58, %swap3A_59], %swap3A_62 {strides = array<i32>} : memref<2x1000x2xf32, #tpu.memory_space<vmem>>, vector<1x1000x2xf32>,
    %concatenate3A_63 = tpu.concatenate %dot_general3A_31, %dot_general3A_37, %dot_general3A_43, %dot_general3A_49 in 1 : vector<1000x1xf32>, vector<1000x1xf32>, vector<1000x1xf32>, vector<1000x1xf32> -> vector<1000x4xf32>
    %reduce_max3A = arith.constant dense<0xFF800000> : vector<4xf32>
    %reduce_max3A_64 = vector.multi_reduction <maximumf>, %concatenate3A_63, %reduce_max3A [0] : vector<1000x4xf32> to vector<4xf32>
    %broadcast_in_dim3A = vector.shape_cast %reduce_max3A_64 : vector<4xf32> to vector<1x4xf32>
    %eq3A = arith.constant 0 : i32
    %eq3A_65 = arith.cmpi eq, %arg0, %eq3A : i32
    %broadcast_in_dim3A_66 = arith.constant 0xFF800000 : f32
    %broadcast_in_dim3A_67 = vector.broadcast %broadcast_in_dim3A_66 : f32 to vector<1x4xf32>
    %get3A_68 = arith.constant 0 : index
    %get3A_69 = arith.constant 0 : index
    %get3A_70 = vector.load %arg12[%get3A_68, %get3A_69] : memref<1x4xf32, #tpu.memory_space<vmem>>, vector<1x4xf32>
    %select_n3A = arith.select %eq3A_65, %broadcast_in_dim3A_67, %get3A_70 : vector<1x4xf32>
    %max3A = arith.maximumf %broadcast_in_dim3A, %select_n3A : vector<1x4xf32>
    %swap3A_71 = arith.constant 0 : index
    %swap3A_72 = arith.constant 0 : index
    %swap3A_73 = vector.load %arg12[%swap3A_71, %swap3A_72] : memref<1x4xf32, #tpu.memory_space<vmem>>, vector<1x4xf32>
    tpu.vector_store %arg12[%swap3A_71, %swap3A_72], %max3A {strides = array<i32>} : memref<1x4xf32, #tpu.memory_space<vmem>>, vector<1x4xf32>,
    %slice3A = vector.extract_strided_slice %max3A {offsets = [0, 0], sizes = [1, 1], strides = [1, 1]} : vector<1x4xf32> to vector<1x1xf32>
    %squeeze3A = vector.extract %slice3A[0, 0] : f32 from vector<1x1xf32>
    %slice3A_74 = vector.extract_strided_slice %max3A {offsets = [0, 1], sizes = [1, 1], strides = [1, 1]} : vector<1x4xf32> to vector<1x1xf32>
    %squeeze3A_75 = vector.extract %slice3A_74[0, 0] : f32 from vector<1x1xf32>
    %add3A = arith.addf %squeeze3A, %squeeze3A_75 : f32
    %slice3A_76 = vector.extract_strided_slice %max3A {offsets = [0, 2], sizes = [1, 1], strides = [1, 1]} : vector<1x4xf32> to vector<1x1xf32>
    %squeeze3A_77 = vector.extract %slice3A_76[0, 0] : f32 from vector<1x1xf32>
    %slice3A_78 = vector.extract_strided_slice %max3A {offsets = [0, 3], sizes = [1, 1], strides = [1, 1]} : vector<1x4xf32> to vector<1x1xf32>
    %squeeze3A_79 = vector.extract %slice3A_78[0, 0] : f32 from vector<1x1xf32>
    %add3A_80 = arith.addf %squeeze3A_77, %squeeze3A_79 : f32
    %mul3A = arith.constant 2.000000e-01 : f32
    %mul3A_81 = arith.mulf %mul3A, %add3A : f32
    %max3A_82 = arith.maximumf %add3A, %mul3A_81 : f32
    %mul3A_83 = arith.constant 2.000000e-01 : f32
    %mul3A_84 = arith.mulf %mul3A_83, %add3A_80 : f32
    %max3A_85 = arith.maximumf %add3A_80, %mul3A_84 : f32
    %broadcast_in_dim3A_86 = vector.broadcast %max3A_82 : f32 to vector<16xf32>
    %broadcast_in_dim3A_87 = vector.broadcast %max3A_85 : f32 to vector<16xf32>
    %stack3A = vector.shape_cast %broadcast_in_dim3A_86 : vector<16xf32> to vector<1x16xf32>
    %stack3A_88 = vector.shape_cast %broadcast_in_dim3A_87 : vector<16xf32> to vector<1x16xf32>
    %stack3A_89 = tpu.concatenate %stack3A, %stack3A_88 in 0 : vector<1x16xf32>, vector<1x16xf32> -> vector<2x16xf32>
    %swap3A_90 = arith.constant 0 : index
    %swap3A_91 = arith.constant 0 : index
    %swap3A_92 = vector.load %arg11[%swap3A_90, %swap3A_91] : memref<2x16xf32, #tpu.memory_space<vmem>>, vector<2x16xf32>
    tpu.vector_store %arg11[%swap3A_90, %swap3A_91], %stack3A_89 {strides = array<i32>} : memref<2x16xf32, #tpu.memory_space<vmem>>, vector<2x16xf32>,
    return
  }
  func.func @transform_0(%arg0: i32) -> (i32, i32) {
    %c0_i32 = arith.constant 0 : i32
    %c0_i32_0 = arith.constant 0 : i32
    return %arg0, %c0_i32 : i32, i32
  }
  func.func @transform_1(%arg0: i32) -> (i32, i32) {
    %c0_i32 = arith.constant 0 : i32
    %c0_i32_0 = arith.constant 0 : i32
    %c0_i32_1 = arith.constant 0 : i32
    return %c0_i32, %c0_i32_0 : i32, i32
  }
  func.func @transform_2(%arg0: i32) -> (i32, i32) {
    %c0_i32 = arith.constant 0 : i32
    %c0_i32_0 = arith.constant 0 : i32
    %c0_i32_1 = arith.constant 0 : i32
    return %c0_i32, %c0_i32_0 : i32, i32
  }
  func.func @transform_3(%arg0: i32) -> (i32, i32) {
    %c0_i32 = arith.constant 0 : i32
    %c0_i32_0 = arith.constant 0 : i32
    %c0_i32_1 = arith.constant 0 : i32
    return %c0_i32, %c0_i32_0 : i32, i32
  }
  func.func @transform_4(%arg0: i32) -> (i32, i32) {
    %c0_i32 = arith.constant 0 : i32
    %c0_i32_0 = arith.constant 0 : i32
    %c0_i32_1 = arith.constant 0 : i32
    return %c0_i32, %c0_i32_0 : i32, i32
  }
  func.func @transform_5(%arg0: i32) -> (i32, i32) {
    %c0_i32 = arith.constant 0 : i32
    %c0_i32_0 = arith.constant 0 : i32
    %c0_i32_1 = arith.constant 0 : i32
    return %c0_i32, %c0_i32_0 : i32, i32
  }
  func.func @transform_6(%arg0: i32) -> (i32, i32) {
    %c0_i32 = arith.constant 0 : i32
    %c0_i32_0 = arith.constant 0 : i32
    %c0_i32_1 = arith.constant 0 : i32
    return %c0_i32, %c0_i32_0 : i32, i32
  }
  func.func @transform_7(%arg0: i32) -> (i32, i32) {
    %c0_i32 = arith.constant 0 : i32
    %c0_i32_0 = arith.constant 0 : i32
    %c0_i32_1 = arith.constant 0 : i32
    return %c0_i32, %c0_i32_0 : i32, i32
  }
  func.func @transform_8(%arg0: i32) -> (i32, i32, i32) {
    %c0_i32 = arith.constant 0 : i32
    %c0_i32_0 = arith.constant 0 : i32
    %c0_i32_1 = arith.constant 0 : i32
    return %c0_i32, %arg0, %c0_i32_0 : i32, i32, i32
  }
  func.func @transform_9(%arg0: i32) -> (i32, i32, i32) {
    %c0_i32 = arith.constant 0 : i32
    %c0_i32_0 = arith.constant 0 : i32
    %c0_i32_1 = arith.constant 0 : i32
    return %c0_i32, %arg0, %c0_i32_0 : i32, i32, i32
  }
  func.func @transform_10(%arg0: i32) -> (i32, i32) {
    %c0_i32 = arith.constant 0 : i32
    %c0_i32_0 = arith.constant 0 : i32
    %c0_i32_1 = arith.constant 0 : i32
    return %c0_i32, %c0_i32_0 : i32, i32
  }
}

module attributes {stable_mosaic.version = 14 : i64} {
  func.func @_sem_w_body(%arg0: i32, %arg1: memref<2x1000x128xf32, #tpu.memory_space<vmem>>, %arg2: memref<2x1000x8xf32, #tpu.memory_space<vmem>>, %arg3: memref<128x128xf32, #tpu.memory_space<vmem>>, %arg4: memref<1x128xf32, #tpu.memory_space<vmem>>, %arg5: memref<1x128xf32, #tpu.memory_space<vmem>>, %arg6: memref<1x2xf32, #tpu.memory_space<vmem>>, %arg7: memref<1x2xf32, #tpu.memory_space<vmem>>) attributes {dimension_semantics = [#tpu.dimension_semantics<arbitrary>], iteration_bounds = array<i64: 10>, scalar_prefetch = 0 : i64, scratch_operands = 1 : i64, tpu.core_type = #tpu.core_type<tc>, window_params = [{transform_indices = @transform_0, window_bounds = array<i64: 2, 1000, 128>}, {transform_indices = @transform_1, window_bounds = array<i64: 2, 1000, 8>}, {pipeline_mode = #tpu.pipeline_mode<synchronous>, transform_indices = @transform_2, window_bounds = array<i64: 128, 128>}, {pipeline_mode = #tpu.pipeline_mode<synchronous>, transform_indices = @transform_3, window_bounds = array<i64: 1, 128>}, {pipeline_mode = #tpu.pipeline_mode<synchronous>, transform_indices = @transform_4, window_bounds = array<i64: 1, 128>}, {pipeline_mode = #tpu.pipeline_mode<synchronous>, transform_indices = @transform_5, window_bounds = array<i64: 1, 2>}]} {
    %get3A = arith.constant 0 : index
    %get3A_0 = arith.constant 0 : index
    %get3A_1 = arith.constant 0 : index
    %get3A_2 = vector.load %arg1[%get3A, %get3A_0, %get3A_1] : memref<2x1000x128xf32, #tpu.memory_space<vmem>>, vector<1x1000x128xf32>
    %get3A_3 = vector.shape_cast %get3A_2 : vector<1x1000x128xf32> to vector<1000x128xf32>
    %get3A_4 = arith.constant 0 : index
    %get3A_5 = arith.constant 0 : index
    %get3A_6 = arith.constant 0 : index
    %get3A_7 = vector.load %arg2[%get3A_4, %get3A_5, %get3A_6] : memref<2x1000x8xf32, #tpu.memory_space<vmem>>, vector<1x1000x1xf32>
    %get3A_8 = vector.shape_cast %get3A_7 : vector<1x1000x1xf32> to vector<1000xf32>
    %broadcast_in_dim3A = vector.shape_cast %get3A_8 : vector<1000xf32> to vector<1000x1xf32>
    %add3A = arith.constant 9.99999971E-10 : f32
    %add3A_9 = vector.broadcast %add3A : f32 to vector<1000x1xf32>
    %add3A_10 = arith.addf %broadcast_in_dim3A, %add3A_9 : vector<1000x1xf32>
    %div3A = vector.broadcast %add3A_10 : vector<1000x1xf32> to vector<1000x128xf32>
    %div3A_11 = arith.divf %get3A_3, %div3A : vector<1000x128xf32>
    %gt3A = arith.constant 0.000000e+00 : f32
    %gt3A_12 = vector.broadcast %gt3A : f32 to vector<1000x128xf32>
    %gt3A_13 = arith.cmpf ogt, %div3A_11, %gt3A_12 : vector<1000x128xf32>
    %min3A = arith.constant 0.000000e+00 : f32
    %min3A_14 = vector.broadcast %min3A : f32 to vector<1000x128xf32>
    %min3A_15 = arith.minimumf %div3A_11, %min3A_14 : vector<1000x128xf32>
    %exp3A = math.exp %min3A_15 : vector<1000x128xf32>
    %sub3A = arith.constant 1.000000e+00 : f32
    %sub3A_16 = vector.broadcast %sub3A : f32 to vector<1000x128xf32>
    %sub3A_17 = arith.subf %exp3A, %sub3A_16 : vector<1000x128xf32>
    %select_n3A = arith.select %gt3A_13, %div3A_11, %sub3A_17 : vector<1000x128xi1>, vector<1000x128xf32>
    %get3A_18 = arith.constant 1 : index
    %get3A_19 = arith.constant 0 : index
    %get3A_20 = arith.constant 0 : index
    %get3A_21 = vector.load %arg1[%get3A_18, %get3A_19, %get3A_20] : memref<2x1000x128xf32, #tpu.memory_space<vmem>>, vector<1x1000x128xf32>
    %get3A_22 = vector.shape_cast %get3A_21 : vector<1x1000x128xf32> to vector<1000x128xf32>
    %get3A_23 = arith.constant 1 : index
    %get3A_24 = arith.constant 0 : index
    %get3A_25 = arith.constant 0 : index
    %get3A_26 = vector.load %arg2[%get3A_23, %get3A_24, %get3A_25] : memref<2x1000x8xf32, #tpu.memory_space<vmem>>, vector<1x1000x1xf32>
    %get3A_27 = vector.shape_cast %get3A_26 : vector<1x1000x1xf32> to vector<1000xf32>
    %broadcast_in_dim3A_28 = vector.shape_cast %get3A_27 : vector<1000xf32> to vector<1000x1xf32>
    %add3A_29 = arith.constant 9.99999971E-10 : f32
    %add3A_30 = vector.broadcast %add3A_29 : f32 to vector<1000x1xf32>
    %add3A_31 = arith.addf %broadcast_in_dim3A_28, %add3A_30 : vector<1000x1xf32>
    %div3A_32 = vector.broadcast %add3A_31 : vector<1000x1xf32> to vector<1000x128xf32>
    %div3A_33 = arith.divf %get3A_22, %div3A_32 : vector<1000x128xf32>
    %gt3A_34 = arith.constant 0.000000e+00 : f32
    %gt3A_35 = vector.broadcast %gt3A_34 : f32 to vector<1000x128xf32>
    %gt3A_36 = arith.cmpf ogt, %div3A_33, %gt3A_35 : vector<1000x128xf32>
    %min3A_37 = arith.constant 0.000000e+00 : f32
    %min3A_38 = vector.broadcast %min3A_37 : f32 to vector<1000x128xf32>
    %min3A_39 = arith.minimumf %div3A_33, %min3A_38 : vector<1000x128xf32>
    %exp3A_40 = math.exp %min3A_39 : vector<1000x128xf32>
    %sub3A_41 = arith.constant 1.000000e+00 : f32
    %sub3A_42 = vector.broadcast %sub3A_41 : f32 to vector<1000x128xf32>
    %sub3A_43 = arith.subf %exp3A_40, %sub3A_42 : vector<1000x128xf32>
    %select_n3A_44 = arith.select %gt3A_36, %div3A_33, %sub3A_43 : vector<1000x128xi1>, vector<1000x128xf32>
    %get3A_45 = arith.constant 0 : index
    %get3A_46 = arith.constant 0 : index
    %get3A_47 = vector.load %arg3[%get3A_45, %get3A_46] : memref<128x128xf32, #tpu.memory_space<vmem>>, vector<128x128xf32>
    %dot_general3A = arith.constant dense<0.000000e+00> : vector<1000x128xf32>
    %dot_general3A_48 = tpu.matmul %select_n3A, %get3A_47, %dot_general3A {dimension_numbers = #tpu.dot_dimension_numbers<[1], [0], [0], [1], [0, 0, 1, 1], [], []>, transpose_lhs_hint = false} : vector<1000x128xf32>, vector<128x128xf32>, vector<1000x128xf32> -> vector<1000x128xf32>
    %get3A_49 = arith.constant 0 : index
    %get3A_50 = arith.constant 0 : index
    %get3A_51 = vector.load %arg4[%get3A_49, %get3A_50] : memref<1x128xf32, #tpu.memory_space<vmem>>, vector<1x128xf32>
    %add3A_52 = vector.broadcast %get3A_51 : vector<1x128xf32> to vector<1000x128xf32>
    %add3A_53 = arith.addf %dot_general3A_48, %add3A_52 : vector<1000x128xf32>
    %tanh3A = math.tanh %add3A_53 : vector<1000x128xf32>
    %get3A_54 = arith.constant 0 : index
    %get3A_55 = arith.constant 0 : index
    %get3A_56 = vector.load %arg5[%get3A_54, %get3A_55] : memref<1x128xf32, #tpu.memory_space<vmem>>, vector<1x128xf32>
    %mul3A = vector.broadcast %get3A_56 : vector<1x128xf32> to vector<1000x128xf32>
    %mul3A_57 = arith.mulf %tanh3A, %mul3A : vector<1000x128xf32>
    %reduce_sum3A = vector.shape_cast %mul3A_57 : vector<1000x128xf32> to vector<1x1000x128xf32>
    %reduce_sum3A_58 = arith.constant dense<0.000000e+00> : vector<1xf32>
    %reduce_sum3A_59 = vector.multi_reduction <add>, %reduce_sum3A, %reduce_sum3A_58 [1, 2] : vector<1x1000x128xf32> to vector<1xf32>
    %reduce_sum3A_60 = vector.shape_cast %reduce_sum3A_59 : vector<1xf32> to vector<1x1x1xf32>
    %reduce_sum3A_61 = vector.extract %reduce_sum3A_60[0, 0, 0] : f32 from vector<1x1x1xf32>
    %get3A_62 = arith.constant 0 : index
    %get3A_63 = arith.constant 0 : index
    %get3A_64 = vector.load %arg3[%get3A_62, %get3A_63] : memref<128x128xf32, #tpu.memory_space<vmem>>, vector<128x128xf32>
    %dot_general3A_65 = arith.constant dense<0.000000e+00> : vector<1000x128xf32>
    %dot_general3A_66 = tpu.matmul %select_n3A_44, %get3A_64, %dot_general3A_65 {dimension_numbers = #tpu.dot_dimension_numbers<[1], [0], [0], [1], [0, 0, 1, 1], [], []>, transpose_lhs_hint = false} : vector<1000x128xf32>, vector<128x128xf32>, vector<1000x128xf32> -> vector<1000x128xf32>
    %get3A_67 = arith.constant 0 : index
    %get3A_68 = arith.constant 0 : index
    %get3A_69 = vector.load %arg4[%get3A_67, %get3A_68] : memref<1x128xf32, #tpu.memory_space<vmem>>, vector<1x128xf32>
    %add3A_70 = vector.broadcast %get3A_69 : vector<1x128xf32> to vector<1000x128xf32>
    %add3A_71 = arith.addf %dot_general3A_66, %add3A_70 : vector<1000x128xf32>
    %tanh3A_72 = math.tanh %add3A_71 : vector<1000x128xf32>
    %get3A_73 = arith.constant 0 : index
    %get3A_74 = arith.constant 0 : index
    %get3A_75 = vector.load %arg5[%get3A_73, %get3A_74] : memref<1x128xf32, #tpu.memory_space<vmem>>, vector<1x128xf32>
    %mul3A_76 = vector.broadcast %get3A_75 : vector<1x128xf32> to vector<1000x128xf32>
    %mul3A_77 = arith.mulf %tanh3A_72, %mul3A_76 : vector<1000x128xf32>
    %reduce_sum3A_78 = vector.shape_cast %mul3A_77 : vector<1000x128xf32> to vector<1x1000x128xf32>
    %reduce_sum3A_79 = arith.constant dense<0.000000e+00> : vector<1xf32>
    %reduce_sum3A_80 = vector.multi_reduction <add>, %reduce_sum3A_78, %reduce_sum3A_79 [1, 2] : vector<1x1000x128xf32> to vector<1xf32>
    %reduce_sum3A_81 = vector.shape_cast %reduce_sum3A_80 : vector<1xf32> to vector<1x1x1xf32>
    %reduce_sum3A_82 = vector.extract %reduce_sum3A_81[0, 0, 0] : f32 from vector<1x1x1xf32>
    %stack3A = vector.broadcast %reduce_sum3A_61 : f32 to vector<1xf32>
    %stack3A_83 = vector.broadcast %reduce_sum3A_82 : f32 to vector<1xf32>
    %stack3A_84 = tpu.concatenate %stack3A, %stack3A_83 in 0 : vector<1xf32>, vector<1xf32> -> vector<2xf32>
    %broadcast_in_dim3A_85 = vector.shape_cast %stack3A_84 : vector<2xf32> to vector<1x2xf32>
    %eq3A = arith.constant 0 : i32
    %eq3A_86 = arith.cmpi eq, %arg0, %eq3A : i32
    %broadcast_in_dim3A_87 = arith.constant 0.000000e+00 : f32
    %broadcast_in_dim3A_88 = vector.broadcast %broadcast_in_dim3A_87 : f32 to vector<1x2xf32>
    %get3A_89 = arith.constant 0 : index
    %get3A_90 = arith.constant 0 : index
    %get3A_91 = vector.load %arg7[%get3A_89, %get3A_90] : memref<1x2xf32, #tpu.memory_space<vmem>>, vector<1x2xf32>
    %select_n3A_92 = arith.select %eq3A_86, %broadcast_in_dim3A_88, %get3A_91 : vector<1x2xf32>
    %add3A_93 = arith.addf %select_n3A_92, %broadcast_in_dim3A_85 : vector<1x2xf32>
    %swap3A = arith.constant 0 : index
    %swap3A_94 = arith.constant 0 : index
    %swap3A_95 = vector.load %arg7[%swap3A, %swap3A_94] : memref<1x2xf32, #tpu.memory_space<vmem>>, vector<1x2xf32>
    tpu.vector_store %arg7[%swap3A, %swap3A_94], %add3A_93 {strides = array<i32>} : memref<1x2xf32, #tpu.memory_space<vmem>>, vector<1x2xf32>,
    %div3A_96 = arith.constant 1.000000e+04 : f32
    %div3A_97 = vector.broadcast %div3A_96 : f32 to vector<1x2xf32>
    %div3A_98 = arith.divf %add3A_93, %div3A_97 : vector<1x2xf32>
    %swap3A_99 = arith.constant 0 : index
    %swap3A_100 = arith.constant 0 : index
    %swap3A_101 = vector.load %arg6[%swap3A_99, %swap3A_100] : memref<1x2xf32, #tpu.memory_space<vmem>>, vector<1x2xf32>
    tpu.vector_store %arg6[%swap3A_99, %swap3A_100], %div3A_98 {strides = array<i32>} : memref<1x2xf32, #tpu.memory_space<vmem>>, vector<1x2xf32>,
    return
  }
  func.func @transform_0(%arg0: i32) -> (i32, i32, i32) {
    %c0_i32 = arith.constant 0 : i32
    %c0_i32_0 = arith.constant 0 : i32
    %c0_i32_1 = arith.constant 0 : i32
    return %c0_i32, %arg0, %c0_i32_0 : i32, i32, i32
  }
  func.func @transform_1(%arg0: i32) -> (i32, i32, i32) {
    %c0_i32 = arith.constant 0 : i32
    %c0_i32_0 = arith.constant 0 : i32
    %c0_i32_1 = arith.constant 0 : i32
    return %c0_i32, %arg0, %c0_i32_0 : i32, i32, i32
  }
  func.func @transform_2(%arg0: i32) -> (i32, i32) {
    %c0_i32 = arith.constant 0 : i32
    %c0_i32_0 = arith.constant 0 : i32
    %c0_i32_1 = arith.constant 0 : i32
    return %c0_i32, %c0_i32_0 : i32, i32
  }
  func.func @transform_3(%arg0: i32) -> (i32, i32) {
    %c0_i32 = arith.constant 0 : i32
    %c0_i32_0 = arith.constant 0 : i32
    %c0_i32_1 = arith.constant 0 : i32
    return %c0_i32, %c0_i32_0 : i32, i32
  }
  func.func @transform_4(%arg0: i32) -> (i32, i32) {
    %c0_i32 = arith.constant 0 : i32
    %c0_i32_0 = arith.constant 0 : i32
    %c0_i32_1 = arith.constant 0 : i32
    return %c0_i32, %c0_i32_0 : i32, i32
  }
  func.func @transform_5(%arg0: i32) -> (i32, i32) {
    %c0_i32 = arith.constant 0 : i32
    %c0_i32_0 = arith.constant 0 : i32
    %c0_i32_1 = arith.constant 0 : i32
    return %c0_i32, %c0_i32_0 : i32, i32
  }
}

module attributes {stable_mosaic.version = 14 : i64} {
  func.func @_combine_body(%arg0: i32, %arg1: memref<2x1000x128xf32, #tpu.memory_space<vmem>>, %arg2: memref<2x1000x8xf32, #tpu.memory_space<vmem>>, %arg3: memref<1x2xf32, #tpu.memory_space<vmem>>, %arg4: memref<1000x128xf32, #tpu.memory_space<vmem>>) attributes {dimension_semantics = [#tpu.dimension_semantics<arbitrary>], iteration_bounds = array<i64: 10>, scalar_prefetch = 0 : i64, scratch_operands = 0 : i64, tpu.core_type = #tpu.core_type<tc>, window_params = [{transform_indices = @transform_0, window_bounds = array<i64: 2, 1000, 128>}, {transform_indices = @transform_1, window_bounds = array<i64: 2, 1000, 8>}, {pipeline_mode = #tpu.pipeline_mode<synchronous>, transform_indices = @transform_2, window_bounds = array<i64: 1, 2>}, {transform_indices = @transform_3, window_bounds = array<i64: 1000, 128>}]} {
    %get3A = arith.constant 0 : index
    %get3A_0 = arith.constant 0 : index
    %get3A_1 = arith.constant 0 : index
    %get3A_2 = vector.load %arg1[%get3A, %get3A_0, %get3A_1] : memref<2x1000x128xf32, #tpu.memory_space<vmem>>, vector<1x1000x128xf32>
    %get3A_3 = vector.shape_cast %get3A_2 : vector<1x1000x128xf32> to vector<1000x128xf32>
    %get3A_4 = arith.constant 0 : index
    %get3A_5 = arith.constant 0 : index
    %get3A_6 = arith.constant 0 : index
    %get3A_7 = vector.load %arg2[%get3A_4, %get3A_5, %get3A_6] : memref<2x1000x8xf32, #tpu.memory_space<vmem>>, vector<1x1000x1xf32>
    %get3A_8 = vector.shape_cast %get3A_7 : vector<1x1000x1xf32> to vector<1000xf32>
    %broadcast_in_dim3A = vector.shape_cast %get3A_8 : vector<1000xf32> to vector<1000x1xf32>
    %add3A = arith.constant 9.99999971E-10 : f32
    %add3A_9 = vector.broadcast %add3A : f32 to vector<1000x1xf32>
    %add3A_10 = arith.addf %broadcast_in_dim3A, %add3A_9 : vector<1000x1xf32>
    %div3A = vector.broadcast %add3A_10 : vector<1000x1xf32> to vector<1000x128xf32>
    %div3A_11 = arith.divf %get3A_3, %div3A : vector<1000x128xf32>
    %gt3A = arith.constant 0.000000e+00 : f32
    %gt3A_12 = vector.broadcast %gt3A : f32 to vector<1000x128xf32>
    %gt3A_13 = arith.cmpf ogt, %div3A_11, %gt3A_12 : vector<1000x128xf32>
    %min3A = arith.constant 0.000000e+00 : f32
    %min3A_14 = vector.broadcast %min3A : f32 to vector<1000x128xf32>
    %min3A_15 = arith.minimumf %div3A_11, %min3A_14 : vector<1000x128xf32>
    %exp3A = math.exp %min3A_15 : vector<1000x128xf32>
    %sub3A = arith.constant 1.000000e+00 : f32
    %sub3A_16 = vector.broadcast %sub3A : f32 to vector<1000x128xf32>
    %sub3A_17 = arith.subf %exp3A, %sub3A_16 : vector<1000x128xf32>
    %select_n3A = arith.select %gt3A_13, %div3A_11, %sub3A_17 : vector<1000x128xi1>, vector<1000x128xf32>
    %get3A_18 = arith.constant 1 : index
    %get3A_19 = arith.constant 0 : index
    %get3A_20 = arith.constant 0 : index
    %get3A_21 = vector.load %arg1[%get3A_18, %get3A_19, %get3A_20] : memref<2x1000x128xf32, #tpu.memory_space<vmem>>, vector<1x1000x128xf32>
    %get3A_22 = vector.shape_cast %get3A_21 : vector<1x1000x128xf32> to vector<1000x128xf32>
    %get3A_23 = arith.constant 1 : index
    %get3A_24 = arith.constant 0 : index
    %get3A_25 = arith.constant 0 : index
    %get3A_26 = vector.load %arg2[%get3A_23, %get3A_24, %get3A_25] : memref<2x1000x8xf32, #tpu.memory_space<vmem>>, vector<1x1000x1xf32>
    %get3A_27 = vector.shape_cast %get3A_26 : vector<1x1000x1xf32> to vector<1000xf32>
    %broadcast_in_dim3A_28 = vector.shape_cast %get3A_27 : vector<1000xf32> to vector<1000x1xf32>
    %add3A_29 = arith.constant 9.99999971E-10 : f32
    %add3A_30 = vector.broadcast %add3A_29 : f32 to vector<1000x1xf32>
    %add3A_31 = arith.addf %broadcast_in_dim3A_28, %add3A_30 : vector<1000x1xf32>
    %div3A_32 = vector.broadcast %add3A_31 : vector<1000x1xf32> to vector<1000x128xf32>
    %div3A_33 = arith.divf %get3A_22, %div3A_32 : vector<1000x128xf32>
    %gt3A_34 = arith.constant 0.000000e+00 : f32
    %gt3A_35 = vector.broadcast %gt3A_34 : f32 to vector<1000x128xf32>
    %gt3A_36 = arith.cmpf ogt, %div3A_33, %gt3A_35 : vector<1000x128xf32>
    %min3A_37 = arith.constant 0.000000e+00 : f32
    %min3A_38 = vector.broadcast %min3A_37 : f32 to vector<1000x128xf32>
    %min3A_39 = arith.minimumf %div3A_33, %min3A_38 : vector<1000x128xf32>
    %exp3A_40 = math.exp %min3A_39 : vector<1000x128xf32>
    %sub3A_41 = arith.constant 1.000000e+00 : f32
    %sub3A_42 = vector.broadcast %sub3A_41 : f32 to vector<1000x128xf32>
    %sub3A_43 = arith.subf %exp3A_40, %sub3A_42 : vector<1000x128xf32>
    %select_n3A_44 = arith.select %gt3A_36, %div3A_33, %sub3A_43 : vector<1000x128xi1>, vector<1000x128xf32>
    %get3A_45 = arith.constant 0 : index
    %get3A_46 = arith.constant 0 : index
    %get3A_47 = vector.load %arg3[%get3A_45, %get3A_46] : memref<1x2xf32, #tpu.memory_space<vmem>>, vector<1x1xf32>
    %get3A_48 = vector.extract %get3A_47[0, 0] : f32 from vector<1x1xf32>
    %get3A_49 = arith.constant 0 : index
    %get3A_50 = arith.constant 1 : index
    %get3A_51 = vector.load %arg3[%get3A_49, %get3A_50] : memref<1x2xf32, #tpu.memory_space<vmem>>, vector<1x1xf32>
    %get3A_52 = vector.extract %get3A_51[0, 0] : f32 from vector<1x1xf32>
    %max3A = arith.maximumf %get3A_48, %get3A_52 : f32
    %sub3A_53 = arith.subf %get3A_48, %max3A : f32
    %exp3A_54 = math.exp %sub3A_53 : f32
    %sub3A_55 = arith.subf %get3A_52, %max3A : f32
    %exp3A_56 = math.exp %sub3A_55 : f32
    %add3A_57 = arith.addf %exp3A_54, %exp3A_56 : f32
    %div3A_58 = arith.divf %exp3A_54, %add3A_57 : f32
    %mul3A = vector.broadcast %div3A_58 : f32 to vector<1000x128xf32>
    %mul3A_59 = arith.mulf %mul3A, %select_n3A : vector<1000x128xf32>
    %div3A_60 = arith.divf %exp3A_56, %add3A_57 : f32
    %mul3A_61 = vector.broadcast %div3A_60 : f32 to vector<1000x128xf32>
    %mul3A_62 = arith.mulf %mul3A_61, %select_n3A_44 : vector<1000x128xf32>
    %add3A_63 = arith.addf %mul3A_59, %mul3A_62 : vector<1000x128xf32>
    %swap3A = arith.constant 0 : index
    %swap3A_64 = arith.constant 0 : index
    %swap3A_65 = vector.load %arg4[%swap3A, %swap3A_64] : memref<1000x128xf32, #tpu.memory_space<vmem>>, vector<1000x128xf32>
    tpu.vector_store %arg4[%swap3A, %swap3A_64], %add3A_63 {strides = array<i32>} : memref<1000x128xf32, #tpu.memory_space<vmem>>, vector<1000x128xf32>,
    return
  }
  func.func @transform_0(%arg0: i32) -> (i32, i32, i32) {
    %c0_i32 = arith.constant 0 : i32
    %c0_i32_0 = arith.constant 0 : i32
    %c0_i32_1 = arith.constant 0 : i32
    return %c0_i32, %arg0, %c0_i32_0 : i32, i32, i32
  }
  func.func @transform_1(%arg0: i32) -> (i32, i32, i32) {
    %c0_i32 = arith.constant 0 : i32
    %c0_i32_0 = arith.constant 0 : i32
    %c0_i32_1 = arith.constant 0 : i32
    return %c0_i32, %arg0, %c0_i32_0 : i32, i32, i32
  }
  func.func @transform_2(%arg0: i32) -> (i32, i32) {
    %c0_i32 = arith.constant 0 : i32
    %c0_i32_0 = arith.constant 0 : i32
    %c0_i32_1 = arith.constant 0 : i32
    return %c0_i32, %c0_i32_0 : i32, i32
  }
  func.func @transform_3(%arg0: i32) -> (i32, i32) {
    %c0_i32 = arith.constant 0 : i32
    %c0_i32_0 = arith.constant 0 : i32
    return %arg0, %c0_i32 : i32, i32
  }
}

</mosaic_0001>

<sc_bundles>
// kernel: kernel.6.cloned.1.call-start
scs
__scs_entry_jumppad:
0x0: {  	(pc) =	sbr.rel $0x88, $3  }
0x1: {  	(tag) =	ssettag $0x0;
	lr =	simm.s32 $0x1  }
0x2: {  	[smem:$0x3F94] =	sst lr;
	_ =	strace $0xD0000000  }
0x3: {  	_ = 	snop  }
0x4: {  	_ = 	snop  }
0x5: {  	_ = 	snop  }
0x6: {  	_ = 	snop  }
0x7: {  	_ = 	snop  }
__scs_overlays_trampoline_lowered:
0x8: {  	[smem:$0x3FA3] =	sst s0  }
0x9: {  	[smem:$0x3FA4] =	sst s1  }
0xa: {  	[smem:$0x3FA5] =	sst s2  }
0xb: {  	[smem:$0x3FA6] =	sst s3  }
0xc: {  	[smem:$0x3FA7] =	sst s4  }
0xd: {  	[smem:$0x3FA8] =	sst s5  }
0xe: {  	[smem:$0x3FA9] =	sst s6  }
0xf: {  	[smem:$0x3FAA] =	sst s7  }
0x10: {  	[smem:$0x3FAB] =	sst s8  }
0x11: {  	[smem:$0x3FAC] =	sst s9;
	s0 =	simm.s32 @!p0 $0x0  }
0x12: {  	s1 =	sld [smem:$0x3F92];
	s0 =	simm.s32 @p0 $0x1  }
0x13: {  	[smem:$0x3FAD] =	sst s0;
	s0 =	simm.s32 @!p1 $0x0  }
0x14: {  	s2 =	sld [smem:$0x3F91];
	s0 =	simm.s32 @p1 $0x1  }
0x15: {  	[smem:$0x3FAE] =	sst s0;
	s0 =	simm.s32 @!p2 $0x0  }
0x16: {  	s3 =	sld [smem:$0x3FDB];
	s0 =	simm.s32 @p2 $0x1  }
0x17: {  	s4 =	simm.s32 $0x1BF5;
	[smem:$0x3FB0] =	sst s0  }
0x18: {  	s0 =	sld [smem:$0x3F93];
	_ =	swait.ge [sflag:s4], $0x0  }
0x19: {  	s7 =	sld [smem:$0x3F94]  }
0x1a: {  	s8 =	sadd.s32 $0xFFFFE003, lr  }
0x1b: {  	s9 =	sadd.s32 $0xFFFFFEF7, lr;
	s5 =	simm.s32 $0xFFFFFFFF;
	p2 =	slt.u32 s8, $0xFFFFF086  }
0x1c: {  	p1 =	slt.u32 s9, $0xF7A;
	s5 =	simm.s32 @!p2 $0x0  }
0x1d: {  	s5 =	simm.s32 @p1 $0x1;
	p0 =	seq.s32 s7, s2  }
0x1e: {  	s7 =	smul.u32 @!p0 $0xF7A, s2;
	p2 =	seq.s32 @!p0 s5, $0x0  }
0x1f: {  	s9 =	smul.u32 $0xF7A, s1;
	s8 =	simm.s32 @!p0 $0x1BF5;
	p2 =	por !p2, p0  }
0x20: {  	[sflag:s8] =	ssyncset.s32 @!p0 $0xFFFFF086;
	s6 =	sadd.s32 @!p0 s3, s7;
	s7 =	simm.s32 @!p0 $0x108  }
0x21: {  	s3 =	sadd.s32 s3, s9;
	s6 =	sadd.s32 @!p0 $0x88, s6;
	s7 =	simm.s32 @p2 $0x1082  }
0x22: {  	[simem:s7], [sflag:s8] =	dma.local @!p0 [hbm:s6], $0xF7A  }
0x23: {  	s9 =	sor.u32 $0xD0000000, s2;
	s6 =	simm.s32 $0x108;
	_ =	swait.ge @!p0 [sflag:s8], $0x0  }
0x24: {  	s3 =	sadd.s32 $0x88, s3;
	s6 =	simm.s32 @!p1 $0x1082;
	[sflag:s4] =	ssyncset.s32 $0xFFFFF086  }
0x25: {  	[simem:s6], [sflag:s4] =	dma.local [hbm:s3], $0xF7A  }
0x26: {  	[smem:$0x3F94] =	sst s1;
	(tag) =	ssettag s2;
	_ =	strace s9  }
0x27: {  	s1 =	sld [smem:$0x3FA4]  }
0x28: {  	s2 =	sld [smem:$0x3FA5]  }
0x29: {  	s4 =	sld [smem:$0x3FA7]  }
0x2a: {  	p0 =	seq.s32 s5, $0x0;
	s5 =	sld [smem:$0x3FA8]  }
0x2b: {  	s6 =	sld [smem:$0x3FA9]  }
0x2c: {  	s7 =	sld [smem:$0x3FAA]  }
0x2d: {  	s3 =	simm.s32 $0x108;
	s8 =	sld [smem:$0x3FAB]  }
0x2e: {  	s3 =	simm.s32 @!p0 $0x1082;
	s9 =	sld [smem:$0x3FAC]  }
0x2f: {  	lr =	sadd.s32 s0, s3;
	s0 =	sld [smem:$0x3FA3]  }
0x30: {  	s3 =	sld [smem:$0x3FA6]  }
0x31: {  	[smem:$0x3FAF] =	sst s10  }
0x32: {  	s10 =	sld [smem:$0x3FAD];
	_ =	sdelay $0x3  }
0x33: {  	p0 =	seq.s32 s10, $0x1;
	s10 =	sld [smem:$0x3FAF];
	_ =	sdelay $0x3  }
0x34: {  	[smem:$0x3FAF] =	sst s10  }
0x35: {  	s10 =	sld [smem:$0x3FAE];
	_ =	sdelay $0x3  }
0x36: {  	p1 =	seq.s32 s10, $0x1;
	s10 =	sld [smem:$0x3FAF];
	_ =	sdelay $0x3  }
0x37: {  	[smem:$0x3FAF] =	sst s10  }
0x38: {  	s10 =	sld [smem:$0x3FB0]  }
0x39: {  	_ = 	snop;
	(pc) =	sbr.ind lr, $3  }
0x3a: {  	_ = 	snop  }
0x3b: {  	_ = 	snop  }
0x3c: {  	p2 =	seq.s32 s10, $0x1;
	s10 =	sld [smem:$0x3FAF]  }
0x3d: {  	_ =	shalt  }
0x3e: {  	_ =	shalt  }
0x3f: {  	_ =	shalt  }
0x40: {  	_ =	shalt  }
0x41: {  	_ =	shalt  }
0x42: {  	_ =	shalt  }
0x43: {  	_ =	shalt  }
0x44: {  	_ =	shalt  }
0x45: {  	_ =	shalt  }
0x46: {  	_ =	shalt  }
0x47: {  	_ =	shalt  }
0x48: {  	_ =	shalt  }
0x49: {  	_ =	shalt  }
0x4a: {  	_ =	shalt  }
0x4b: {  	_ =	shalt  }
0x4c: {  	_ =	shalt  }
0x4d: {  	_ =	shalt  }
0x4e: {  	_ =	shalt  }
0x4f: {  	_ =	shalt  }
0x50: {  	_ =	shalt  }
0x51: {  	_ =	shalt  }
0x52: {  	_ =	shalt  }
0x53: {  	_ =	shalt  }
0x54: {  	_ =	shalt  }
0x55: {  	_ =	shalt  }
0x56: {  	_ =	shalt  }
0x57: {  	_ =	shalt  }
0x58: {  	_ =	shalt  }
0x59: {  	_ =	shalt  }
0x5a: {  	_ =	shalt  }
0x5b: {  	_ =	shalt  }
0x5c: {  	_ =	shalt  }
0x5d: {  	_ =	shalt  }
0x5e: {  	_ =	shalt  }
0x5f: {  	_ =	shalt  }
0x60: {  	_ =	shalt  }
0x61: {  	_ =	shalt  }
0x62: {  	_ =	shalt  }
0x63: {  	_ =	shalt  }
0x64: {  	_ =	shalt  }
0x65: {  	_ =	shalt  }
0x66: {  	_ =	shalt  }
0x67: {  	_ =	shalt  }
0x68: {  	_ =	shalt  }
0x69: {  	_ =	shalt  }
0x6a: {  	_ =	shalt  }
0x6b: {  	_ =	shalt  }
0x6c: {  	_ =	shalt  }
0x6d: {  	_ =	shalt  }
0x6e: {  	_ =	shalt  }
0x6f: {  	_ =	shalt  }
0x70: {  	_ =	shalt  }
0x71: {  	_ =	shalt  }
0x72: {  	_ =	shalt  }
0x73: {  	_ =	shalt  }
0x74: {  	_ =	shalt  }
0x75: {  	_ =	shalt  }
0x76: {  	_ =	shalt  }
0x77: {  	_ =	shalt  }
0x78: {  	_ =	shalt  }
0x79: {  	_ =	shalt  }
0x7a: {  	_ =	shalt  }
0x7b: {  	_ =	shalt  }
0x7c: {  	_ =	shalt  }
0x7d: {  	_ =	shalt  }
0x7e: {  	_ =	shalt  }
0x7f: {  	_ =	shalt  }
0x80: {  	_ =	shalt  }
0x81: {  	_ =	shalt  }
0x82: {  	_ =	shalt  }
0x83: {  	_ =	shalt  }
0x84: {  	_ =	shalt  }
0x85: {  	_ =	shalt  }
0x86: {  	_ =	shalt  }
0x87: {  	_ =	shalt  }
.Lfunc_end0:
.L_simem_size_0:
called_computation_lowered:
.L_overlay_start_0:
0x88: {  	s2 =	sld [smem:$0x3FD9]  }
0x89: {  	s3 =	sld [smem:$0x3FFE];
	_ =	sdelay $0x1  }
0x8a: {  	s1 =	srdreg.scid  }
0x8b: {  	s0 =	sand.u32 $0x1, s1  }
0x8c: {  	s17 =	sshll.u32 s0, $0xA;
	s2 =	sadd.s32 s3, s2  }
0x8d: {  	s2 =	sadd.s32 s2, s17  }
0x8e: {  	[smem:$0x3FBB] =	sst s2  }
0x8f: {  	_ = 	snop  }
0x90: {  	s2 =	sld [smem:$0x3FD0];
	(tm) =	ssettm $0x1  }
0x91: {  	s18 =	sld [smem:$0x3FFB];
	_ =	sdelay $0x3  }
0x92: {  	_ =	strace s18  }
0x93: {  	s3 =	sld [smem:$0x3FFC];
	_ =	sdelay $0x3  }
0x94: {  	_ =	strace s3  }
0x95: {  	s3 =	sld [smem:$0x3FFD];
	_ =	sdelay $0x3  }
0x96: {  	_ =	strace s3  }
0x97: {  	_ =	strace $0x8FFFFFFF  }
0x98: {  	s19 =	sld [smem:$0x3FDB];
	_ =	sdelay $0x1  }
0x99: {  	s4 =	simm.s32 $_scs_section_size  }
0x9a: {  	s5 =	simm.s32 $_size__tile_overlayer_lowered;
	s6 =	simm.s32 $_tile_overlayer_lowered  }
0x9b: {  	s22 =	simm.s32 $0x1BFF;
	s21 =	sshll.u32 s6, $0x1;
	s3 =	sadd.s32 s4, s19  }
0x9c: {  	s7 =	simm.s32 $0x0;
	s20 =	sshll.u32 s5, $0x1;
	s5 =	sadd.s32 s21, s3  }
0x9d: {  	[timem:s7], [sflag:s22] =	dma.local [hbm:s5], s20  }
0x9e: {  	_ =	swait.ge [sflag:s22], s20  }
0x9f: {  	s4 =	ssub.s32 $0x0, s20;
	[sflag:s22] =	ssyncset.done $0x0  }
0xa0: {  	[sflag:s22] =	ssyncadd.s32 s4;
	_ =	sdelay $0x1  }
0xa1: {  	s23 =	simm.s32 $0x1B8B  }
0xa2: {  	_ =	swait.ge [sflag:s23], $0x1  }
0xa3: {  	[sflag:s23] =	ssyncset.done $0x0  }
0xa4: {  	s25 =	simm.s32 $0x1B8E;
	s24 =	sld [smem:$0x3FFE];
	[sflag:s23] =	ssyncadd.s32 $0xFFFFFFFF  }
0xa5: {  	s26 =	simm.s32 $execute0_lowered;
	[smem:$0x3FD2] =	sst s25  }
0xa6: {  	s5 =	sshll.u32 s26, $0x1;
	_ =	strace $0x80000046;
	[dreg:$0x1] =	wrdreg $0xFFFFFFFF  }
0xa7: {  	s28 =	simm.s32 $_size_execute0_lowered;
	s3 =	sadd.s32 s3, s5;
	[dreg:$0x0] =	wrdreg $0x0  }
0xa8: {  	s5 =	sshll.u32 s28, $0x1;
	[dreg:$0x2] =	wrdreg s3  }
0xa9: {  	[dreg:$0x3] =	wrdreg s5  }
0xaa: {  	[dreg:$0x4] =	wrdreg $0xC0  }
0xab: {  	_ =	task [dreg:s7], $0x5FFFF  }
0xac: {  	[dreg:$0x1] =	wrdreg $0xFFFFFFFF  }
0xad: {  	[dreg:$0x0] =	wrdreg $0x60  }
0xae: {  	[dreg:$0x2] =	wrdreg s24  }
0xaf: {  	[dreg:$0x3] =	wrdreg s2  }
0xb0: {  	[dreg:$0x4] =	wrdreg $0xA7400  }
0xb1: {  	[dreg:$0x5] =	wrdreg $0x1DFC00  }
0xb2: {  	[dreg:$0x6] =	wrdreg $0x9  }
0xb3: {  	_ =	task.clear_ibuf [dreg:s7], $0x7FFFF;
	_ =	strace $0x90000046  }
0xb4: {  	s29 =	simm.s32 $0x9;
	_ =	strace $0x80000048  }
0xb5: {  	_ =	swait.ge [sflag:s29], $0x1  }
0xb6: {  	[sflag:s29] =	ssyncadd.s32 $0xFFFFFFFF  }
0xb7: {  	_ =	strace $0x90000048  }
0xb8: {  	_ =	sfence  }
0xb9: {  	s30 =	sld [smem:$0x0];
	_ =	sdelay $0x2  }
0xba: {  	s31 =	sshll.u32 s1, $0xD;
	s1 =	sshrl.u32 s1, $0x2  }
0xbb: {  	s3 =	sand.u32 $0x4000, s31;
	s1 =	sadd.s32 s1, s30  }
0xbc: {  	s0 =	sor.u32 s3, s0;
	s1 =	sshll.u32 s1, $0x11  }
0xbd: {  	s0 =	sor.u32 s1, s0  }
0xbe: {  	s0 =	sadd.s32 $0x8F2B, s0  }
0xbf: {  	[sflag:s0] =	ssyncadd.remote.s32 $0x1  }
0xc0: {  	_ =	sfence.sel $0xFFFF  }
0xc1: {  	[dreg:$0x0] =	wrdreg $0xFFFFFFFF;
	(pc) =	sbr.abs _section_cstart, $3  }
0xc2: {  	[dreg:$0x1] =	wrdreg $0xFFFFFFFF  }
0xc3: {  	_ =	task.clear_ibuf [dreg:s7], $0x2FFFF;
	_ =	strace $0x9FFFFFFF  }
0xc4: {  	(tm) =	ssettm $0x7FFFFFFF  }
0xc5: {  	_ =	shalt  }
tec
execute0_lowered:
.L_overlay_start_1:
0x0: {  	(tag) =	ssettag $0x1  }
0x1: {  	s0 =	rddreg [dreg:$0x0]  }
0x2: {  	s31 =	rddreg [dreg:$0x1]  }
0x3: {  	s2 =	rddreg [dreg:$0x2]  }
0x4: {  	s3 =	rddreg [dreg:$0x3];
	s15 =	stileid.u32  }
0x5: {  	s1 =	srdreg.scid;
	s4 =	simm.s32 $0x0;
	s8 =	smul.u32 $0x13880, s15  }
0x6: {  	s20 =	simm.s32 $0x60;
	s28 =	simm.s32 $0x9FC0;
	s9 =	smul.u32 $0x1388, s15  }
0x7: {  	s29 =	simm.s32 $0xA240;
	s1 =	sand.u32 $0x1, s1;
	s14 =	smul.u32 $0x4E20, s15  }
0x8: {  	s17 =	simm.s32 $0x4F20;
	[smem:$0x7FF] =	sst s4;
	s5 =	smul.u32 $0x138800, s1  }
0x9: {  	s16 =	sadd.s32 $0x2C00, s0;
	s30 =	sshll.u32 s15, $0x6;
	s6 =	smul.u32 $0x9C4, s1  }
0xa: {  	s15 =	simm.s32 $0x0;
	_ =	strace $0x80000047;
	s11 =	smul.u32 $0x13880, s1  }
0xb: {  	s10 =	sshll.u32 s1, $0x1;
	s12 =	ssub.s32 $0x2, s1;
	s1 =	smul.u32 $0x9C400, s1  }
0xc: {  	[dreg:$0x5] =	wrdreg s16;
	s10 =	sadd.s32 s10, s0;
	s13 =	sshrl.u32 s12, $0x1  }
0xd: {  	s19 =	sadd.s32 s8, s2;
	s22 =	sadd.s32 s9, s3;
	s7 =	sshrl.u32 s5, $0x3  }
0xe: {  	s6 =	sadd.s32 s6, s0;
	s5 =	sadd.s32 s8, s5;
	s11 =	sadd.s32 s9, s11  }
0xf: {  	s18 =	ssub.s32 s12, s13;
	s10 =	sadd.s32 $0x9F000, s10;
	s1 =	sadd.s32 s14, s1  }
0x10: {  	s8 =	sshrl.u32 s8, $0x3;
	[dreg:$0x9] =	wrdreg s22;
	s14 =	sor.u32 $0x1C09, s30  }
0x11: {  	s12 =	simm.s32 $0x77C0;
	s9 =	simm.s32 $0x2;
	s22 =	simm.s32 $0x4  }
0x12: {  	s7 =	sadd.s32 s7, s0;
	s5 =	sshrl.u32 s5, $0x3;
	s11 =	sshrl.u32 s11, $0x3  }
0x13: {  	[dreg:$0x6] =	wrdreg s10;
	s6 =	sadd.s32 $0x9F200, s6;
	s21 =	sshrl.u32 s1, $0x3  }
0x14: {  	s8 =	sadd.s32 s16, s8;
	s24 =	sadd.s32 $0xA0, s1;
	[dreg:$0x11] =	wrdreg s14  }
0x15: {  	s1 =	sadd.s32 $0x140, s1;
	s26 =	smax.u32 s18, $0x1;
	[dreg:$0x7] =	wrdreg s6  }
0x16: {  	s10 =	simm.s32 $0x4ED0;
	s16 =	simm.s32 $0x3;
	[dreg:$0x8] =	wrdreg s8  }
0x17: {  	s18 =	simm.s32 $0x5;
	s5 =	sadd.s32 s5, s0;
	[dreg:$0xc] =	wrdreg s24  }
0x18: {  	s0 =	sadd.s32 s11, s0;
	s23 =	sadd.s32 s31, s21;
	[dreg:$0xd] =	wrdreg s1  }
0x19: {  	s13 =	sadd.s32 $0x50E00, s7;
	[dreg:$0x10] =	wrdreg s26;
	s7 =	sshrl.u32 s19, $0x3  }
0x1a: {  	s24 =	simm.s32 $0x10;
	s26 =	simm.s32 $0x4FC0;
	[dreg:$0xa] =	wrdreg s23  }
0x1b: {  	v0 =	vlaneseq.u32;
	s11 =	simm.s32 $0x7;
	s8 =	sadd.s32 $0x9C40, s23;
	[dreg:$0x12] =	wrdreg s7  }
0x1c: {  	v0 =	vmul.u32 $0x8, v0;
	s6 =	simm.s32 $0x4F70;
	s25 =	sadd.s32 $0xA0600, s5;
	[dreg:$0xb] =	wrdreg s8  }
0x1d: {  	s21 =	simm.s32 $0x6;
	s0 =	sadd.s32 $0x29E00, s0;
	[dreg:$0xe] =	wrdreg s25  }
0x1e: {  	v1 =	vor.u32 $0x80, v0;
	s23 =	simm.s32 $0x1;
	s5 =	simm.s32 $0x4E80;
	[dreg:$0xf] =	wrdreg s0  }
0x1f: {  	v2 =	vor.u32 $0x100, v0;
	v3 =	vor.u32 $0x180, v0;
	v4 =	vor.u32 $0x200, v0;
	s8 =	simm.s32 $0x9;
	s25 =	simm.s32 $0x8;
	s0 =	simm.s32 $0x50  }
.LBB2_1:
0x20: {  	[dreg:$0x13] =	wrdreg s15  }
0x21: {  	s1 =	rddreg [dreg:$0x6]  }
0x22: {  	[tilespmem:s4], [sflag:$0x9] =	stream.linear.gather [hbm4b:s1+s4], $0x10, $0x38;
	[tilespmem:$0x1F348] =	vst v63  }
0x23: {  	_ =	swait.ge [sflag:s8], $0x10  }
0x24: {  	[sflag:s8] =	ssyncset.done $0x0  }
0x25: {  	s19 =	rddreg [dreg:$0x7];
	[sflag:s8] =	ssyncadd.s32 $0xFFFFFFF0  }
0x26: {  	[tilespmem:s20], [sflag:$0x9] =	stream.linear.gather [hbm4b:s19+s4], $0x4E20, $0x38;
	[tilespmem:$0x1F348] =	vst v63  }
0x27: {  	_ =	swait.ge [sflag:s8], $0x4E20  }
0x28: {  	[sflag:s8] =	ssyncset.done $0x0  }
0x29: {  	s30 =	rddreg [dreg:$0x8];
	[sflag:s8] =	ssyncadd.s32 $0xFFFFB1E0  }
0x2a: {  	[spmem:s7], [sflag:s14] =	dma.local [hbm:s30], $0x2710  }
0x2b: {  	_ =	swait.ge [sflag:s8], $0x2710  }
0x2c: {  	s15 =	rddreg [dreg:$0x9]  }
0x2d: {  	[sflag:s8] =	ssyncset.done $0x0;
	s7 =	sshrl.u32 s15, $0x3  }
0x2e: {  	[sflag:s8] =	ssyncadd.s32 $0xFFFFD8F0;
	[dreg:$0x14] =	wrdreg s7  }
0x2f: {  	[spmem:s7@s23], [sflag:s14] =	dma.strided [hbm:s30@s24], $0x271, s23, $0x1   }
0x30: {  	_ =	swait.ge [sflag:s8], $0x271  }
0x31: {  	[sflag:s8] =	ssyncset.done $0x0  }
0x32: {  	s30 =	simm.s32 $0x80;
	s19 =	rddreg [dreg:$0x5];
	[sflag:s8] =	ssyncadd.s32 $0xFFFFFD8F  }
0x33: {  	[tilespmem:s28], [sflag:$0x9] =	stream.strided.gather [hbm4b:s19+s25], $0x280, s30, s25, $0x38;
	[tilespmem:$0x1F348] =	vst v63  }
0x34: {  	_ =	swait.ge [sflag:s8], $0x280  }
0x35: {  	[sflag:s8] =	ssyncset.done $0x0  }
0x36: {  	[sflag:s8] =	ssyncadd.s32 $0xFFFFFD80  }
0x37: {  	[tilespmem:s29], [sflag:$0x9] =	stream.strided.gather [hbm4b:s19+s25], $0x280, s30, s25, $0x38;
	[tilespmem:$0x1F348] =	vst v63  }
0x38: {  	_ =	swait.ge [sflag:s8], $0x280  }
0x39: {  	[sflag:s8] =	ssyncset.done $0x0  }
0x3a: {  	[sflag:s8] =	ssyncadd.s32 $0xFFFFFD80  }
0x3b: {  	v5 =	vld [tilespmem:$0x0];
	[bflag:$0x0] =	sbarrier.arrive $0xFFFF  }
0x3c: {  	s15 =	simm.s32 $0xA4C0;
	s14 =	rddreg [dreg:$0xa]  }
0x3d: {  	[tilespmem:s15], [sflag:$0x1] =	stream.linear.gather [hbm4b:s14+s4], $0xA0, $0x38;
	[tilespmem:$0x1F348] =	vst v63  }
0x3e: {  	s30 =	simm.s32 $0xA600;
	s19 =	rddreg [dreg:$0xb]  }
0x3f: {  	[tilespmem:s30], [sflag:$0x1] =	stream.linear.gather [hbm4b:s19+s4], $0xA0, $0x38;
	[tilespmem:$0x1F348] =	vst v63  }
0x40: {  	_ =	swait.ge [sflag:s23], $0xA0  }
0x41: {  	[sflag:s23] =	ssyncset.done $0x0  }
0x42: {  	[sflag:s23] =	ssyncadd.s32 $0xFFFFFF60  }
0x43: {  	_ =	swait.ge [sflag:s23], $0xA0  }
0x44: {  	[sflag:s23] =	ssyncset.done $0x0  }
0x45: {  	[sflag:s23] =	ssyncadd.s32 $0xFFFFFF60  }
0x46: {  	v6 =	vld [tilespmem:$0xA4C0]  }
0x47: {  	v7 =	vld [tilespmem:$0xA600]  }
0x48: {  	v8 =	vld [tilespmem:$0xA4D0]  }
0x49: {  	v9 =	vld [tilespmem:$0xA610]  }
0x4a: {  	v10 =	vld [tilespmem:$0xA4E0]  }
0x4b: {  	v61 =	vld [tilespmem:$0xA630];
	[tilespmem:$0x4E80] =	vst v6  }
0x4c: {  	v62 =	vld [tilespmem:$0xA500];
	[tilespmem:$0x4F20] =	vst v7  }
0x4d: {  	v63 =	vld [tilespmem:$0xA640];
	[tilespmem:$0x4E90] =	vst v8  }
0x4e: {  	v6 =	vld [tilespmem:$0xA620];
	[tilespmem:$0x4F30] =	vst v9  }
0x4f: {  	v7 =	vld [tilespmem:$0xA4F0];
	[tilespmem:$0x4EA0] =	vst v10  }
0x50: {  	[tilespmem:$0x4F50] =	vst v61  }
0x51: {  	[tilespmem:$0x4EC0] =	vst v62  }
0x52: {  	[tilespmem:$0x4F60] =	vst v63  }
0x53: {  	[tilespmem:$0x4F40] =	vst v6  }
0x54: {  	s19 =	simm.s32 $0x0;
	[tilespmem:$0x4EB0] =	vst v7  }
0x55: {  	[tilespmem:s26], [sflag:$0x3] =	stream.indirect.gather [hbm4b:s13+s0], $0x80, s5, s0, $0xb8;
	[tilespmem:$0x1F348] =	vst v63  }
.LBB2_2:
0x56: {  	s7 =	smul.u32 $0x140, s19  }
0x57: {  	s1 =	rddreg [dreg:$0xc]  }
0x58: {  	s1 =	sadd.s32 s7, s1  }
0x59: {  	s1 =	sshrl.u32 s1, $0x3  }
0x5a: {  	s8 =	simm.s32 $0xA560;
	s1 =	sadd.s32 s31, s1  }
0x5b: {  	[tilespmem:s8], [sflag:$0x2] =	stream.linear.gather [hbm4b:s1+s4], $0xA0, $0x38;
	[tilespmem:$0x1F348] =	vst v63  }
0x5c: {  	s14 =	simm.s32 $0xA6A0;
	s1 =	sadd.s32 $0x9C40, s1  }
0x5d: {  	[tilespmem:s14], [sflag:$0x2] =	stream.linear.gather [hbm4b:s1+s4], $0xA0, $0x38;
	[tilespmem:$0x1F348] =	vst v63  }
0x5e: {  	v6 =	vld [tilespmem:$0x4E80]  }
0x5f: {  	v7 =	vld [tilespmem:$0x4F20];
	_ =	sdelay $0x4  }
0x60: {  	v6 =	vshll.u32 v6, $0x1;
	v7 =	vshll.u32 v7, $0x1  }
0x61: {  	v7 =	vor.u32 $0x1, v7;
	_ =	sdelay $0x3  }
0x62: {  	v6 =	vld.idx.msk [tilespmem:v6+s20+$0x0], $0xffff  }
0x63: {  	v7 =	vld.idx.msk [tilespmem:v7+s20+$0x0], $0xffff;
	_ =	sdelay $0x4  }
0x64: {  	v6 =	vadd.f32 v7, v6;
	_ =	sdelay $0x1  }
0x65: {  	v7 =	vmul.f32 $2.000000030e-01, v6;
	_ =	sdelay $0x1  }
0x66: {  	v6 =	vmax.f32 v6, v7  }
0x67: {  	v6 =	vsub.f32 v6, v5;
	_ =	sdelay $0x1  }
0x68: {  	v6 =	vmul.f32 $1.442695020e+00, v6;
	_ =	sdelay $0x1  }
0x69: {  	(erf) = vpow2.f32 v6;
	_ =	sdelay $0x8  }
0x6a: {  	v6 =	vpop (erf)  }
0x6b: {  	[tilespmem:$0x10] =	vst v6  }
0x6c: {  	[tilespmem:v0+s28+$0x0] =	vst.idx.msk $0xffff, v6  }
0x6d: {  	v6 =	vld [tilespmem:$0x4E90]  }
0x6e: {  	v7 =	vld [tilespmem:$0x4F30];
	_ =	sdelay $0x4  }
0x6f: {  	v6 =	vshll.u32 v6, $0x1;
	v7 =	vshll.u32 v7, $0x1  }
0x70: {  	v7 =	vor.u32 $0x1, v7;
	_ =	sdelay $0x3  }
0x71: {  	v6 =	vld.idx.msk [tilespmem:v6+s20+$0x0], $0xffff  }
0x72: {  	v7 =	vld.idx.msk [tilespmem:v7+s20+$0x0], $0xffff;
	_ =	sdelay $0x4  }
0x73: {  	v6 =	vadd.f32 v7, v6;
	_ =	sdelay $0x1  }
0x74: {  	v7 =	vmul.f32 $2.000000030e-01, v6;
	_ =	sdelay $0x1  }
0x75: {  	v6 =	vmax.f32 v6, v7  }
0x76: {  	v6 =	vsub.f32 v6, v5;
	_ =	sdelay $0x1  }
0x77: {  	v6 =	vmul.f32 $1.442695020e+00, v6;
	_ =	sdelay $0x1  }
0x78: {  	(erf) = vpow2.f32 v6;
	_ =	sdelay $0x8  }
0x79: {  	v6 =	vpop (erf)  }
0x7a: {  	[tilespmem:$0x20] =	vst v6  }
0x7b: {  	[tilespmem:v1+s28+$0x0] =	vst.idx.msk $0xffff, v6  }
0x7c: {  	v6 =	vld [tilespmem:$0x4EA0]  }
0x7d: {  	v7 =	vld [tilespmem:$0x4F40];
	_ =	sdelay $0x4  }
0x7e: {  	v6 =	vshll.u32 v6, $0x1;
	v7 =	vshll.u32 v7, $0x1  }
0x7f: {  	v7 =	vor.u32 $0x1, v7;
	_ =	sdelay $0x3  }
0x80: {  	v6 =	vld.idx.msk [tilespmem:v6+s20+$0x0], $0xffff  }
0x81: {  	v7 =	vld.idx.msk [tilespmem:v7+s20+$0x0], $0xffff;
	_ =	sdelay $0x4  }
0x82: {  	v6 =	vadd.f32 v7, v6;
	_ =	sdelay $0x1  }
0x83: {  	v7 =	vmul.f32 $2.000000030e-01, v6;
	_ =	sdelay $0x1  }
0x84: {  	v6 =	vmax.f32 v6, v7  }
0x85: {  	v6 =	vsub.f32 v6, v5;
	_ =	sdelay $0x1  }
0x86: {  	v6 =	vmul.f32 $1.442695020e+00, v6;
	_ =	sdelay $0x1  }
0x87: {  	(erf) = vpow2.f32 v6;
	_ =	sdelay $0x8  }
0x88: {  	v6 =	vpop (erf)  }
0x89: {  	[tilespmem:$0x30] =	vst v6  }
0x8a: {  	[tilespmem:v2+s28+$0x0] =	vst.idx.msk $0xffff, v6  }
0x8b: {  	v6 =	vld [tilespmem:$0x4EB0]  }
0x8c: {  	v7 =	vld [tilespmem:$0x4F50];
	_ =	sdelay $0x4  }
0x8d: {  	v6 =	vshll.u32 v6, $0x1;
	v7 =	vshll.u32 v7, $0x1  }
0x8e: {  	v7 =	vor.u32 $0x1, v7;
	_ =	sdelay $0x3  }
0x8f: {  	v6 =	vld.idx.msk [tilespmem:v6+s20+$0x0], $0xffff  }
0x90: {  	v7 =	vld.idx.msk [tilespmem:v7+s20+$0x0], $0xffff;
	_ =	sdelay $0x4  }
0x91: {  	v6 =	vadd.f32 v7, v6;
	_ =	sdelay $0x1  }
0x92: {  	v7 =	vmul.f32 $2.000000030e-01, v6;
	_ =	sdelay $0x1  }
0x93: {  	v6 =	vmax.f32 v6, v7  }
0x94: {  	v6 =	vsub.f32 v6, v5;
	_ =	sdelay $0x1  }
0x95: {  	v6 =	vmul.f32 $1.442695020e+00, v6;
	_ =	sdelay $0x1  }
0x96: {  	(erf) = vpow2.f32 v6;
	_ =	sdelay $0x8  }
0x97: {  	v6 =	vpop (erf)  }
0x98: {  	[tilespmem:$0x40] =	vst v6  }
0x99: {  	[tilespmem:v3+s28+$0x0] =	vst.idx.msk $0xffff, v6  }
0x9a: {  	v6 =	vld [tilespmem:$0x4EC0]  }
0x9b: {  	v7 =	vld [tilespmem:$0x4F60];
	_ =	sdelay $0x4  }
0x9c: {  	v6 =	vshll.u32 v6, $0x1;
	v7 =	vshll.u32 v7, $0x1  }
0x9d: {  	v7 =	vor.u32 $0x1, v7;
	_ =	sdelay $0x3  }
0x9e: {  	v6 =	vld.idx.msk [tilespmem:v6+s20+$0x0], $0xffff  }
0x9f: {  	v7 =	vld.idx.msk [tilespmem:v7+s20+$0x0], $0xffff;
	_ =	sdelay $0x4  }
0xa0: {  	v6 =	vadd.f32 v7, v6;
	_ =	sdelay $0x1  }
0xa1: {  	v7 =	vmul.f32 $2.000000030e-01, v6;
	_ =	sdelay $0x1  }
0xa2: {  	v6 =	vmax.f32 v6, v7  }
0xa3: {  	v6 =	vsub.f32 v6, v5;
	_ =	sdelay $0x1  }
0xa4: {  	v6 =	vmul.f32 $1.442695020e+00, v6;
	_ =	sdelay $0x1  }
0xa5: {  	(erf) = vpow2.f32 v6;
	_ =	sdelay $0x8  }
0xa6: {  	v6 =	vpop (erf)  }
0xa7: {  	p0 =	seq.s32 s19, $0x0;
	[tilespmem:$0x50] =	vst v6  }
0xa8: {  	s1 =	simm.s32 @!p0 $0x6;
	[tilespmem:v4+s28+$0x0] =	vst.idx.msk $0xffff, v6  }
0xa9: {  	_ =	swait.ge @!p0 [sflag:s1], $0x2800  }
0xaa: {  	[sflag:s1] =	ssyncset.done @!p0 $0x0  }
0xab: {  	[sflag:s1] =	ssyncadd.s32 @!p0 $0xFFFFD800;
	s1 =	simm.s32 @!p0 $0x8  }
0xac: {  	_ =	swait.ge @!p0 [sflag:s1], $0x280  }
0xad: {  	[sflag:s1] =	ssyncset.done @!p0 $0x0  }
0xae: {  	[sflag:s1] =	ssyncadd.s32 @!p0 $0xFFFFFD80  }
0xaf: {  	v6 =	vld [tilespmem:$0xA510]  }
0xb0: {  	v7 =	vld [tilespmem:$0xA650]  }
0xb1: {  	v8 =	vld [tilespmem:$0xA520]  }
0xb2: {  	v9 =	vld [tilespmem:$0xA660]  }
0xb3: {  	v10 =	vld [tilespmem:$0xA530]  }
0xb4: {  	[tilespmem:$0x4ED0] =	vst v6;
	v6 =	vld [tilespmem:$0xA670]  }
0xb5: {  	[tilespmem:$0x4F70] =	vst v7;
	v7 =	vld [tilespmem:$0xA540]  }
0xb6: {  	[tilespmem:$0x4EE0] =	vst v8;
	v8 =	vld [tilespmem:$0xA680]  }
0xb7: {  	[tilespmem:$0x4F80] =	vst v9;
	v9 =	vld [tilespmem:$0xA550]  }
0xb8: {  	[tilespmem:$0x4EF0] =	vst v10;
	v10 =	vld [tilespmem:$0xA690]  }
0xb9: {  	[tilespmem:$0x4F90] =	vst v6  }
0xba: {  	[tilespmem:$0x4F00] =	vst v7  }
0xbb: {  	[tilespmem:$0x4FA0] =	vst v8  }
0xbc: {  	[tilespmem:$0x4F10] =	vst v9  }
0xbd: {  	s8 =	simm.s32 $0x2;
	s14 =	simm.s32 $0x0;
	[tilespmem:$0x4FB0] =	vst v10  }
0xbe: {  	v6 =	vmov s14;
	[tilespmem:s12], [sflag:$0x4] =	stream.indirect.gather [hbm4b:s13+s0], $0x80, s10, s0, $0xb8;
	[tilespmem:$0x1F348] =	vst v63  }
0xbf: {  	v7 =	vmov s8;
	v6 =	vand.u32 $0xFFFFFFFC, v6;
	_ =	swait.ge [sflag:s16], $0x2800  }
0xc0: {  	v7 =	vand.u32 $0xFFFFFFFE, v7;
	v6 =	vbroadcast v6, $0x0;
	[sflag:s16] =	ssyncset.done $0x0  }
0xc1: {  	s8 =	simm.s32 $0x50C0;
	v7 =	vbroadcast v7, $0x0;
	[sflag:s16] =	ssyncadd.s32 $0xFFFFD800  }
0xc2: {  	v9 =	vld [tilespmem:s8+$0x70]  }
0xc3: {  	v10 =	vld [tilespmem:s8+$0xFFFFFF00]  }
0xc4: {  	s14 =	simm.s32 $0x1;
	v11 =	vld [tilespmem:s8+$0xFFFFFF10]  }
0xc5: {  	v8 =	vmov s14;
	v12 =	vld [tilespmem:s8+$0xFFFFFF20]  }
0xc6: {  	v8 =	vand.u32 $0xFFFFFFFD, v8;
	v6 =	vld.idx.msk [tilespmem:v6+s24+$0x0], $0xffff  }
0xc7: {  	v8 =	vbroadcast v8, $0x0;
	v7 =	vld.idx.msk [tilespmem:v7+s24+$0x0], $0xffff  }
0xc8: {  	v13 =	vld [tilespmem:s8+$0xFFFFFF30]  }
0xc9: {  	v14 =	vld [tilespmem:s8+$0xFFFFFF40]  }
0xca: {  	v15 =	vld [tilespmem:s8+$0xFFFFFF50]  }
0xcb: {  	v16 =	vld [tilespmem:s8+$0xFFFFFF60];
	v10 =	vmul.f32 v10, v6  }
0xcc: {  	v18 =	vld [tilespmem:s8+$0x40];
	v9 =	vmul.f32 v9, v7  }
0xcd: {  	v8 =	vld.idx.msk [tilespmem:v8+s24+$0x0], $0xffff;
	[tilespmem:s8+$0xFFFFFF00] =	vst v10;
	v10 =	vmul.f32 v11, v6  }
0xce: {  	v11 =	vld [tilespmem:s8+$0xFFFFFF70];
	[tilespmem:s8+$0x70] =	vst v9;
	v9 =	vmul.f32 v12, v6  }
0xcf: {  	v12 =	vld [tilespmem:s8+$0xFFFFFF80];
	[tilespmem:s8+$0xFFFFFF10] =	vst v10;
	v10 =	vmul.f32 v13, v6  }
0xd0: {  	v13 =	vld [tilespmem:s8+$0xFFFFFF90];
	[tilespmem:s8+$0xFFFFFF20] =	vst v9;
	v9 =	vmul.f32 v14, v6  }
0xd1: {  	v14 =	vld [tilespmem:s8+$0xFFFFFFA0];
	[tilespmem:s8+$0xFFFFFF30] =	vst v10;
	v10 =	vmul.f32 v15, v6  }
0xd2: {  	v15 =	vld [tilespmem:s8+$0xFFFFFFB0];
	[tilespmem:s8+$0xFFFFFF40] =	vst v9;
	v9 =	vmul.f32 v16, v6  }
0xd3: {  	v16 =	vld [tilespmem:s8+$0xFFFFFFC0];
	v11 =	vmul.f32 v11, v6;
	[tilespmem:s8+$0xFFFFFF50] =	vst v10  }
0xd4: {  	v10 =	vmul.f32 v12, v8;
	v12 =	vld [tilespmem:s8+$0xFFFFFFD0];
	[tilespmem:s8+$0xFFFFFF60] =	vst v9  }
0xd5: {  	s14 =	simm.s32 $0x3;
	v9 =	vld [tilespmem:s8+$0xFFFFFFE0];
	v13 =	vmul.f32 v13, v8;
	[tilespmem:s8+$0xFFFFFF70] =	vst v11  }
0xd6: {  	v17 =	vmov s14;
	v11 =	vld [tilespmem:s8+$0xFFFFFFF0];
	[tilespmem:s8+$0xFFFFFF80] =	vst v10;
	v10 =	vmul.f32 v14, v8  }
0xd7: {  	v14 =	vld [tilespmem:s8+$0x0];
	[tilespmem:s8+$0xFFFFFF90] =	vst v13;
	v13 =	vmul.f32 v15, v8  }
0xd8: {  	v15 =	vld [tilespmem:s8+$0x10];
	[tilespmem:s8+$0xFFFFFFA0] =	vst v10;
	v10 =	vmul.f32 v16, v8  }
0xd9: {  	[tilespmem:s8+$0xFFFFFFB0] =	vst v13;
	v12 =	vmul.f32 v12, v8;
	v13 =	vld [tilespmem:s8+$0x20]  }
0xda: {  	v16 =	vld [tilespmem:s8+$0x30];
	v9 =	vmul.f32 v9, v8;
	[tilespmem:s8+$0xFFFFFFC0] =	vst v10  }
0xdb: {  	v6 =	vld.idx.msk [tilespmem:v17+s24+$0x0], $0xffff;
	v8 =	vmul.f32 v11, v8;
	[tilespmem:s8+$0xFFFFFFD0] =	vst v12  }
0xdc: {  	[tilespmem:s8+$0xFFFFFFE0] =	vst v9;
	v10 =	vmul.f32 v14, v7;
	v9 =	vld [tilespmem:s8+$0x50]  }
0xdd: {  	s14 =	simm.s32 $0x4;
	[tilespmem:s8+$0xFFFFFFF0] =	vst v8;
	v11 =	vmul.f32 v15, v7;
	v8 =	vld [tilespmem:s8+$0x60]  }
0xde: {  	v12 =	vmov s14;
	s14 =	simm.s32 $0x7;
	[tilespmem:s8+$0x0] =	vst v10;
	v14 =	vmul.f32 v13, v7;
	v13 =	vld [tilespmem:s8+$0x80]  }
0xdf: {  	s15 =	smov.u32 s31;
	s30 =	simm.s32 $0x5;
	v17 =	vand.u32 $0xFFFFFFFC, v12;
	v12 =	vld [tilespmem:s8+$0x90];
	v10 =	vmov s14;
	v15 =	vmul.f32 v16, v7;
	[tilespmem:s8+$0x10] =	vst v11  }
0xe0: {  	s31 =	simm.s32 $0x8;
	s1 =	simm.s32 $0x6;
	v16 =	vmul.f32 v18, v7;
	v11 =	vbroadcast v17, $0x0;
	v17 =	vmov s30;
	s30 =	simm.s32 $0x50C0;
	[tilespmem:s8+$0x20] =	vst v14;
	v14 =	vld [tilespmem:s8+$0xA0]  }
.LBB2_3:
0xe1: {  	p0 =	slt.u32 s31, $0x4C;
	v17 =	vand.u32 $0xFFFFFFFD, v17;
	v18 =	vmov s1;
	[tilespmem:s8+$0x30] =	vst v15;
	v9 =	vmul.f32 v9, v7;
	v15 =	vld [tilespmem:s8+$0xB0]  }
0xe2: {  	v17 =	vbroadcast v17, $0x0;
	v18 =	vand.u32 $0xFFFFFFFE, v18;
	[tilespmem:s8+$0x40] =	vst v16;
	v7 =	vmul.f32 v8, v7;
	v8 =	vld [tilespmem:s8+$0xC0]  }
0xe3: {  	v16 =	vbroadcast v18, $0x0;
	[tilespmem:s8+$0x50] =	vst v9;
	v9 =	vmul.f32 v13, v6;
	v13 =	vld [tilespmem:s8+$0xD0]  }
0xe4: {  	[tilespmem:s8+$0x60] =	vst v7;
	v7 =	vmul.f32 v12, v6;
	v12 =	vld [tilespmem:s8+$0xE0]  }
0xe5: {  	[tilespmem:s8+$0x80] =	vst v9;
	v9 =	vmul.f32 v14, v6;
	v14 =	vld [tilespmem:s8+$0xF0]  }
0xe6: {  	v10 =	vld.idx.msk [tilespmem:v10+s24+$0x0], $0xffff;
	[tilespmem:s8+$0x90] =	vst v7;
	v7 =	vmul.f32 v15, v6  }
0xe7: {  	v11 =	vld.idx.msk [tilespmem:v11+s24+$0x0], $0xffff;
	[tilespmem:s8+$0xA0] =	vst v9;
	v8 =	vmul.f32 v8, v6  }
0xe8: {  	v9 =	vld.idx.msk [tilespmem:v17+s24+$0x0], $0xffff;
	[tilespmem:s8+$0xB0] =	vst v7;
	v13 =	vmul.f32 v13, v6  }
0xe9: {  	s8 =	sadd.s32 $0x200, s8;
	v7 =	vld.idx.msk [tilespmem:v16+s24+$0x0], $0xffff;
	[tilespmem:s30+$0xC0] =	vst v8;
	v8 =	vmul.f32 v12, v6  }
0xea: {  	v12 =	vld [tilespmem:s8+$0x70];
	[tilespmem:s30+$0xD0] =	vst v13;
	v14 =	vmul.f32 v14, v6  }
0xeb: {  	v13 =	vld [tilespmem:s8+$0xFFFFFF00];
	[tilespmem:s30+$0xE0] =	vst v8  }
0xec: {  	v6 =	vmov v10;
	v8 =	vld [tilespmem:s8+$0xFFFFFF10];
	[tilespmem:s30+$0xF0] =	vst v14;
	s30 =	smov.u32 s8  }
0xed: {  	v10 =	vld [tilespmem:s8+$0xFFFFFF20]  }
0xee: {  	v14 =	vld [tilespmem:s8+$0xFFFFFF30]  }
0xef: {  	v15 =	vld [tilespmem:s8+$0xFFFFFF40];
	v12 =	vmul.f32 v12, v7  }
0xf0: {  	v13 =	vmul.f32 v13, v11;
	v16 =	vld [tilespmem:s8+$0xFFFFFF50]  }
0xf1: {  	v8 =	vmul.f32 v8, v11;
	v17 =	vld [tilespmem:s8+$0xFFFFFF60];
	[tilespmem:s8+$0x70] =	vst v12  }
0xf2: {  	[tilespmem:s8+$0xFFFFFF00] =	vst v13;
	v10 =	vmul.f32 v10, v11;
	v12 =	vld [tilespmem:s8+$0xFFFFFF70]  }
0xf3: {  	[tilespmem:s8+$0xFFFFFF10] =	vst v8;
	v8 =	vmul.f32 v14, v11;
	v13 =	vld [tilespmem:s8+$0xFFFFFF80]  }
0xf4: {  	[tilespmem:s8+$0xFFFFFF20] =	vst v10;
	v10 =	vmul.f32 v15, v11;
	v14 =	vld [tilespmem:s8+$0xFFFFFF90]  }
0xf5: {  	[tilespmem:s8+$0xFFFFFF30] =	vst v8;
	v8 =	vmul.f32 v16, v11;
	v15 =	vld [tilespmem:s8+$0xFFFFFFA0]  }
0xf6: {  	[tilespmem:s8+$0xFFFFFF40] =	vst v10;
	v10 =	vmul.f32 v17, v11;
	v16 =	vld [tilespmem:s8+$0xFFFFFFB0]  }
0xf7: {  	[tilespmem:s8+$0xFFFFFF50] =	vst v8;
	v8 =	vmul.f32 v12, v11;
	v11 =	vld [tilespmem:s8+$0xFFFFFFC0]  }
0xf8: {  	[tilespmem:s8+$0xFFFFFF60] =	vst v10;
	v10 =	vmul.f32 v13, v9;
	v12 =	vld [tilespmem:s8+$0xFFFFFFD0]  }
0xf9: {  	[tilespmem:s8+$0xFFFFFF70] =	vst v8;
	v8 =	vmul.f32 v14, v9;
	v13 =	vld [tilespmem:s8+$0xFFFFFFE0]  }
0xfa: {  	[tilespmem:s8+$0xFFFFFF80] =	vst v10;
	v10 =	vmul.f32 v15, v9;
	v14 =	vld [tilespmem:s8+$0xFFFFFFF0]  }
0xfb: {  	[tilespmem:s8+$0xFFFFFF90] =	vst v8;
	v8 =	vmul.f32 v16, v9;
	v15 =	vld [tilespmem:s8+$0x0]  }
0xfc: {  	[tilespmem:s8+$0xFFFFFFA0] =	vst v10;
	v10 =	vmul.f32 v11, v9;
	v11 =	vld [tilespmem:s8+$0x10]  }
0xfd: {  	[tilespmem:s8+$0xFFFFFFB0] =	vst v8;
	v8 =	vmul.f32 v12, v9;
	v12 =	vld [tilespmem:s8+$0x20]  }
0xfe: {  	[tilespmem:s8+$0xFFFFFFC0] =	vst v10;
	v10 =	vmul.f32 v13, v9;
	v16 =	vld [tilespmem:s8+$0x30]  }
0xff: {  	[tilespmem:s8+$0xFFFFFFD0] =	vst v8;
	v8 =	vmul.f32 v14, v9;
	v14 =	vld [tilespmem:s8+$0x40]  }
.Ltmp0:
0x100: {  	[tilespmem:s8+$0xFFFFFFE0] =	vst v10;
	v10 =	vmul.f32 v15, v7;
	v9 =	vld [tilespmem:s8+$0x50];
	(pc) =	sbr.rel @p0 .LBB2_3-.Ltmp0, $4  }
0x101: {  	[tilespmem:s8+$0xFFFFFFF0] =	vst v8;
	v11 =	vmul.f32 v11, v7;
	v8 =	vld [tilespmem:s8+$0x60]  }
0x102: {  	s1 =	sadd.s32 $0x3, s31;
	v15 =	vmov s31;
	[tilespmem:s8+$0x0] =	vst v10;
	v18 =	vmul.f32 v12, v7;
	v13 =	vld [tilespmem:s8+$0x80]  }
0x103: {  	s14 =	sadd.s32 $0x1, s31;
	v17 =	vand.u32 $0xFFFFFFFC, v15;
	v10 =	vmov s1;
	[tilespmem:s8+$0x10] =	vst v11;
	v15 =	vmul.f32 v16, v7;
	v12 =	vld [tilespmem:s8+$0x90]  }
0x104: {  	s1 =	sadd.s32 $0x2, s31;
	s31 =	sadd.s32 $0x4, s31;
	v11 =	vbroadcast v17, $0x0;
	v17 =	vmov s14;
	[tilespmem:s8+$0x20] =	vst v18;
	v16 =	vmul.f32 v14, v7;
	v14 =	vld [tilespmem:s8+$0xA0]  }
0x105: {  	v18 =	vld [tilespmem:s8+$0xB0]  }
0x106: {  	v20 =	vld [tilespmem:s8+$0xC0]  }
0x107: {  	v19 =	vmov s1;
	v21 =	vld [tilespmem:s8+$0xD0]  }
0x108: {  	v22 =	vld [tilespmem:s8+$0xE0];
	[tilespmem:s8+$0x30] =	vst v15;
	v9 =	vmul.f32 v9, v7;
	v19 =	vand.u32 $0xFFFFFFFE, v19  }
0x109: {  	v17 =	vand.u32 $0xFFFFFFFD, v17;
	v10 =	vld.idx.msk [tilespmem:v10+s24+$0x0], $0xffff;
	[tilespmem:s8+$0x40] =	vst v16;
	v7 =	vmul.f32 v8, v7;
	v19 =	vbroadcast v19, $0x0  }
0x10a: {  	s31 =	sadd.s32 $0x200, s8;
	v17 =	vbroadcast v17, $0x0;
	v8 =	vld.idx.msk [tilespmem:v11+s24+$0x0], $0xffff;
	v13 =	vmul.f32 v13, v6;
	[tilespmem:s8+$0x50] =	vst v9  }
0x10b: {  	v15 =	vld [tilespmem:s31+$0xFFFFFF00];
	v9 =	vmul.f32 v12, v6;
	[tilespmem:s8+$0x60] =	vst v7  }
0x10c: {  	[tilespmem:s8+$0x80] =	vst v13;
	v13 =	vld [tilespmem:s8+$0xF0];
	v7 =	vmul.f32 v14, v6  }
0x10d: {  	v16 =	vld [tilespmem:s31+$0xFFFFFF10];
	[tilespmem:s8+$0x90] =	vst v9;
	v9 =	vmul.f32 v18, v6  }
0x10e: {  	v14 =	vld [tilespmem:s31+$0x70];
	[tilespmem:s8+$0xA0] =	vst v7;
	v7 =	vmul.f32 v20, v6  }
0x10f: {  	[tilespmem:s8+$0xB0] =	vst v9;
	v9 =	vmul.f32 v21, v6;
	v12 =	vld.idx.msk [tilespmem:v19+s24+$0x0], $0xffff  }
0x110: {  	v11 =	vld.idx.msk [tilespmem:v17+s24+$0x0], $0xffff;
	[tilespmem:s30+$0xC0] =	vst v7;
	v7 =	vmul.f32 v22, v6  }
0x111: {  	v17 =	vld [tilespmem:s31+$0xFFFFFF20];
	[tilespmem:s30+$0xD0] =	vst v9;
	v6 =	vmul.f32 v13, v6  }
0x112: {  	v9 =	vld [tilespmem:s31+$0xFFFFFF30];
	[tilespmem:s30+$0xE0] =	vst v7  }
0x113: {  	v7 =	vld [tilespmem:s31+$0xFFFFFF40];
	[tilespmem:s30+$0xF0] =	vst v6;
	v6 =	vmul.f32 v15, v8  }
0x114: {  	v13 =	vmul.f32 v14, v12;
	v14 =	vld [tilespmem:s31+$0xFFFFFF50]  }
0x115: {  	v15 =	vmul.f32 v16, v8;
	v16 =	vld [tilespmem:s31+$0xFFFFFF60];
	[tilespmem:s31+$0xFFFFFF00] =	vst v6  }
0x116: {  	v6 =	vmul.f32 v17, v8;
	[tilespmem:s31+$0x70] =	vst v13;
	v13 =	vld [tilespmem:s31+$0xFFFFFF70]  }
0x117: {  	[tilespmem:s31+$0xFFFFFF10] =	vst v15;
	v15 =	vld [tilespmem:s31+$0xFFFFFF80];
	v9 =	vmul.f32 v9, v8  }
0x118: {  	[tilespmem:s31+$0xFFFFFF20] =	vst v6;
	v6 =	vmul.f32 v7, v8;
	v7 =	vld [tilespmem:s31+$0xFFFFFF90]  }
0x119: {  	[tilespmem:s31+$0xFFFFFF30] =	vst v9;
	v9 =	vmul.f32 v14, v8;
	v14 =	vld [tilespmem:s31+$0xFFFFFFA0]  }
0x11a: {  	[tilespmem:s31+$0xFFFFFF40] =	vst v6;
	v6 =	vmul.f32 v16, v8;
	v16 =	vld [tilespmem:s31+$0xFFFFFFB0]  }
0x11b: {  	[tilespmem:s31+$0xFFFFFF50] =	vst v9;
	v8 =	vmul.f32 v13, v8;
	v9 =	vld [tilespmem:s31+$0xFFFFFFC0]  }
0x11c: {  	[tilespmem:s31+$0xFFFFFF60] =	vst v6;
	v6 =	vmul.f32 v15, v11;
	v13 =	vld [tilespmem:s31+$0xFFFFFFD0]  }
0x11d: {  	v7 =	vmul.f32 v7, v11;
	[tilespmem:s31+$0xFFFFFF70] =	vst v8;
	v8 =	vld [tilespmem:s31+$0xFFFFFFE0]  }
0x11e: {  	[tilespmem:s31+$0xFFFFFF80] =	vst v6;
	v6 =	vmul.f32 v14, v11;
	v14 =	vld [tilespmem:s31+$0xFFFFFFF0]  }
0x11f: {  	v15 =	vld [tilespmem:s31+$0x0];
	[tilespmem:s31+$0xFFFFFF90] =	vst v7;
	v7 =	vmul.f32 v16, v11  }
0x120: {  	[tilespmem:s31+$0xFFFFFFA0] =	vst v6;
	v6 =	vmul.f32 v9, v11;
	v9 =	vld [tilespmem:s31+$0x10]  }
0x121: {  	[tilespmem:s31+$0xFFFFFFB0] =	vst v7;
	v7 =	vmul.f32 v13, v11;
	v13 =	vld [tilespmem:s31+$0x20]  }
0x122: {  	[tilespmem:s31+$0xFFFFFFC0] =	vst v6;
	v6 =	vmul.f32 v8, v11;
	v8 =	vld [tilespmem:s31+$0x30]  }
0x123: {  	[tilespmem:s31+$0xFFFFFFD0] =	vst v7;
	v7 =	vmul.f32 v14, v11;
	v11 =	vld [tilespmem:s31+$0x40]  }
0x124: {  	v14 =	vld [tilespmem:s31+$0x50];
	[tilespmem:s31+$0xFFFFFFE0] =	vst v6;
	v6 =	vmul.f32 v15, v12  }
0x125: {  	[tilespmem:s31+$0xFFFFFFF0] =	vst v7;
	v7 =	vmul.f32 v9, v12;
	v9 =	vld [tilespmem:s31+$0x60]  }
0x126: {  	[tilespmem:s31+$0x0] =	vst v6;
	v6 =	vmul.f32 v13, v12;
	v13 =	vld [tilespmem:s31+$0x80]  }
0x127: {  	[tilespmem:s31+$0x10] =	vst v7;
	v7 =	vmul.f32 v8, v12;
	v8 =	vld [tilespmem:s31+$0x90]  }
0x128: {  	[tilespmem:s31+$0x20] =	vst v6;
	v6 =	vmul.f32 v11, v12;
	v11 =	vld [tilespmem:s31+$0xA0]  }
0x129: {  	[tilespmem:s31+$0x30] =	vst v7;
	v7 =	vmul.f32 v14, v12;
	v14 =	vld [tilespmem:s31+$0xB0]  }
0x12a: {  	[tilespmem:s31+$0x40] =	vst v6;
	v6 =	vmul.f32 v9, v12;
	v9 =	vld [tilespmem:s31+$0xC0]  }
0x12b: {  	v12 =	vld [tilespmem:s31+$0xD0];
	[tilespmem:s31+$0x50] =	vst v7;
	v7 =	vmul.f32 v13, v10  }
0x12c: {  	[tilespmem:s31+$0x60] =	vst v6;
	v6 =	vmul.f32 v8, v10;
	v8 =	vld [tilespmem:s31+$0xE0]  }
0x12d: {  	[tilespmem:s31+$0x80] =	vst v7;
	v7 =	vmul.f32 v11, v10;
	v11 =	vld [tilespmem:s31+$0xF0]  }
0x12e: {  	[tilespmem:s31+$0x90] =	vst v6;
	v6 =	vmul.f32 v14, v10  }
0x12f: {  	[tilespmem:s31+$0xA0] =	vst v7;
	v7 =	vmul.f32 v9, v10  }
0x130: {  	[tilespmem:s31+$0xB0] =	vst v6;
	v6 =	vmul.f32 v12, v10  }
0x131: {  	[tilespmem:s31+$0xC0] =	vst v7;
	v7 =	vmul.f32 v8, v10  }
0x132: {  	[tilespmem:s31+$0xD0] =	vst v6;
	v6 =	vmul.f32 v11, v10  }
0x133: {  	[tilespmem:s31+$0xE0] =	vst v7  }
0x134: {  	[tilespmem:s31+$0xF0] =	vst v6  }
0x135: {  	[spmem:s2] =	stream.indirect.scatter.add.f32 [tilespmem:s26], [sflag:$0x5], $0x80, s17, s0, $0xb8;
	[tilespmem:$0x1F348] =	vst v63  }
0x136: {  	_ = 	snop  }
0x137: {  	[spmem:s3] =	stream.indirect.scatter.add.f32 [tilespmem:s28], [sflag:$0x7], $0x8, s17, s0, $0xb8;
	[tilespmem:$0x1F348] =	vst v63  }
0x138: {  	v6 =	vld [tilespmem:$0x4ED0]  }
0x139: {  	v7 =	vld [tilespmem:$0x4F70];
	_ =	sdelay $0x4  }
0x13a: {  	v6 =	vshll.u32 v6, $0x1;
	v7 =	vshll.u32 v7, $0x1  }
0x13b: {  	v7 =	vor.u32 $0x1, v7;
	_ =	sdelay $0x3  }
0x13c: {  	v6 =	vld.idx.msk [tilespmem:v6+s20+$0x0], $0xffff  }
0x13d: {  	v7 =	vld.idx.msk [tilespmem:v7+s20+$0x0], $0xffff;
	_ =	sdelay $0x4  }
0x13e: {  	v6 =	vadd.f32 v7, v6;
	_ =	sdelay $0x1  }
0x13f: {  	v7 =	vmul.f32 $2.000000030e-01, v6;
	_ =	sdelay $0x1  }
0x140: {  	v6 =	vmax.f32 v6, v7  }
0x141: {  	v6 =	vsub.f32 v6, v5;
	_ =	sdelay $0x1  }
0x142: {  	v6 =	vmul.f32 $1.442695020e+00, v6;
	_ =	sdelay $0x1  }
0x143: {  	(erf) = vpow2.f32 v6;
	_ =	sdelay $0x8  }
0x144: {  	v6 =	vpop (erf)  }
0x145: {  	[tilespmem:$0x10] =	vst v6  }
0x146: {  	[tilespmem:v0+s29+$0x0] =	vst.idx.msk $0xffff, v6  }
0x147: {  	v6 =	vld [tilespmem:$0x4EE0]  }
0x148: {  	v7 =	vld [tilespmem:$0x4F80];
	_ =	sdelay $0x4  }
0x149: {  	v6 =	vshll.u32 v6, $0x1;
	v7 =	vshll.u32 v7, $0x1  }
0x14a: {  	v7 =	vor.u32 $0x1, v7;
	_ =	sdelay $0x3  }
0x14b: {  	v6 =	vld.idx.msk [tilespmem:v6+s20+$0x0], $0xffff  }
0x14c: {  	v7 =	vld.idx.msk [tilespmem:v7+s20+$0x0], $0xffff;
	_ =	sdelay $0x4  }
0x14d: {  	v6 =	vadd.f32 v7, v6;
	_ =	sdelay $0x1  }
0x14e: {  	v7 =	vmul.f32 $2.000000030e-01, v6;
	_ =	sdelay $0x1  }
0x14f: {  	v6 =	vmax.f32 v6, v7  }
0x150: {  	v6 =	vsub.f32 v6, v5;
	_ =	sdelay $0x1  }
0x151: {  	v6 =	vmul.f32 $1.442695020e+00, v6;
	_ =	sdelay $0x1  }
0x152: {  	(erf) = vpow2.f32 v6;
	_ =	sdelay $0x8  }
0x153: {  	v6 =	vpop (erf)  }
0x154: {  	[tilespmem:$0x20] =	vst v6  }
0x155: {  	[tilespmem:v1+s29+$0x0] =	vst.idx.msk $0xffff, v6  }
0x156: {  	v6 =	vld [tilespmem:$0x4EF0]  }
0x157: {  	v7 =	vld [tilespmem:$0x4F90];
	_ =	sdelay $0x4  }
0x158: {  	v6 =	vshll.u32 v6, $0x1;
	v7 =	vshll.u32 v7, $0x1  }
0x159: {  	v7 =	vor.u32 $0x1, v7;
	_ =	sdelay $0x3  }
0x15a: {  	v6 =	vld.idx.msk [tilespmem:v6+s20+$0x0], $0xffff  }
0x15b: {  	v7 =	vld.idx.msk [tilespmem:v7+s20+$0x0], $0xffff;
	_ =	sdelay $0x4  }
0x15c: {  	v6 =	vadd.f32 v7, v6;
	_ =	sdelay $0x1  }
0x15d: {  	v7 =	vmul.f32 $2.000000030e-01, v6;
	_ =	sdelay $0x1  }
0x15e: {  	v6 =	vmax.f32 v6, v7  }
0x15f: {  	v6 =	vsub.f32 v6, v5;
	_ =	sdelay $0x1  }
0x160: {  	v6 =	vmul.f32 $1.442695020e+00, v6;
	_ =	sdelay $0x1  }
0x161: {  	(erf) = vpow2.f32 v6;
	_ =	sdelay $0x8  }
0x162: {  	v6 =	vpop (erf)  }
0x163: {  	[tilespmem:$0x30] =	vst v6  }
0x164: {  	[tilespmem:v2+s29+$0x0] =	vst.idx.msk $0xffff, v6  }
0x165: {  	v6 =	vld [tilespmem:$0x4F00]  }
0x166: {  	v7 =	vld [tilespmem:$0x4FA0];
	_ =	sdelay $0x4  }
0x167: {  	v6 =	vshll.u32 v6, $0x1;
	v7 =	vshll.u32 v7, $0x1  }
0x168: {  	v7 =	vor.u32 $0x1, v7;
	_ =	sdelay $0x3  }
0x169: {  	v6 =	vld.idx.msk [tilespmem:v6+s20+$0x0], $0xffff  }
0x16a: {  	v7 =	vld.idx.msk [tilespmem:v7+s20+$0x0], $0xffff;
	_ =	sdelay $0x4  }
0x16b: {  	v6 =	vadd.f32 v7, v6;
	_ =	sdelay $0x1  }
0x16c: {  	v7 =	vmul.f32 $2.000000030e-01, v6;
	_ =	sdelay $0x1  }
0x16d: {  	v6 =	vmax.f32 v6, v7  }
0x16e: {  	v6 =	vsub.f32 v6, v5;
	_ =	sdelay $0x1  }
0x16f: {  	v6 =	vmul.f32 $1.442695020e+00, v6;
	_ =	sdelay $0x1  }
0x170: {  	(erf) = vpow2.f32 v6;
	_ =	sdelay $0x8  }
0x171: {  	v6 =	vpop (erf)  }
0x172: {  	[tilespmem:$0x40] =	vst v6  }
0x173: {  	[tilespmem:v3+s29+$0x0] =	vst.idx.msk $0xffff, v6  }
0x174: {  	v6 =	vld [tilespmem:$0x4F10]  }
0x175: {  	v7 =	vld [tilespmem:$0x4FB0];
	_ =	sdelay $0x4  }
0x176: {  	v6 =	vshll.u32 v6, $0x1;
	v7 =	vshll.u32 v7, $0x1  }
0x177: {  	v7 =	vor.u32 $0x1, v7;
	_ =	sdelay $0x3  }
0x178: {  	v6 =	vld.idx.msk [tilespmem:v6+s20+$0x0], $0xffff  }
0x179: {  	v7 =	vld.idx.msk [tilespmem:v7+s20+$0x0], $0xffff;
	_ =	sdelay $0x4  }
0x17a: {  	v6 =	vadd.f32 v7, v6;
	_ =	sdelay $0x1  }
0x17b: {  	v7 =	vmul.f32 $2.000000030e-01, v6;
	_ =	sdelay $0x1  }
0x17c: {  	v6 =	vmax.f32 v6, v7  }
0x17d: {  	v6 =	vsub.f32 v6, v5;
	_ =	sdelay $0x1  }
0x17e: {  	v6 =	vmul.f32 $1.442695020e+00, v6;
	_ =	sdelay $0x1  }
0x17f: {  	(erf) = vpow2.f32 v6;
	_ =	sdelay $0x8  }
0x180: {  	v6 =	vpop (erf)  }
0x181: {  	[tilespmem:$0x50] =	vst v6  }
0x182: {  	[tilespmem:v4+s29+$0x0] =	vst.idx.msk $0xffff, v6  }
0x183: {  	_ =	swait.ge [sflag:s18], $0x2800  }
0x184: {  	[sflag:s18] =	ssyncset.done $0x0  }
0x185: {  	[sflag:s18] =	ssyncadd.s32 $0xFFFFD800  }
0x186: {  	_ =	swait.ge [sflag:s11], $0x280  }
0x187: {  	[sflag:s11] =	ssyncset.done $0x0  }
0x188: {  	[sflag:s11] =	ssyncadd.s32 $0xFFFFFD80  }
0x189: {  	_ =	swait.ge [sflag:s9], $0xA0  }
0x18a: {  	[sflag:s9] =	ssyncset.done $0x0  }
0x18b: {  	[sflag:s9] =	ssyncadd.s32 $0xFFFFFF60  }
0x18c: {  	_ =	swait.ge [sflag:s9], $0xA0  }
0x18d: {  	[sflag:s9] =	ssyncset.done $0x0  }
0x18e: {  	[sflag:s9] =	ssyncadd.s32 $0xFFFFFF60  }
0x18f: {  	v6 =	vld [tilespmem:$0xA560]  }
0x190: {  	v7 =	vld [tilespmem:$0xA6A0]  }
0x191: {  	v8 =	vld [tilespmem:$0xA570]  }
0x192: {  	v9 =	vld [tilespmem:$0xA6B0]  }
0x193: {  	v10 =	vld [tilespmem:$0xA580]  }
0x194: {  	[tilespmem:$0x4E80] =	vst v6;
	v6 =	vld [tilespmem:$0xA6C0]  }
0x195: {  	[tilespmem:$0x4F20] =	vst v7;
	v7 =	vld [tilespmem:$0xA590]  }
0x196: {  	[tilespmem:$0x4E90] =	vst v8;
	v8 =	vld [tilespmem:$0xA6D0]  }
0x197: {  	[tilespmem:$0x4F30] =	vst v9;
	v9 =	vld [tilespmem:$0xA5A0]  }
0x198: {  	[tilespmem:$0x4EA0] =	vst v10;
	v10 =	vld [tilespmem:$0xA6E0]  }
0x199: {  	[tilespmem:$0x4F40] =	vst v6  }
0x19a: {  	[tilespmem:$0x4EB0] =	vst v7  }
0x19b: {  	[tilespmem:$0x4F50] =	vst v8  }
0x19c: {  	[tilespmem:$0x4EC0] =	vst v9  }
0x19d: {  	s14 =	simm.s32 $0x0;
	s8 =	simm.s32 $0x2;
	[tilespmem:$0x4F60] =	vst v10  }
0x19e: {  	v6 =	vmov s14;
	[tilespmem:s26], [sflag:$0x3] =	stream.indirect.gather [hbm4b:s13+s0], $0x80, s5, s0, $0xb8;
	[tilespmem:$0x1F348] =	vst v63  }
0x19f: {  	v7 =	vmov s8;
	v6 =	vand.u32 $0xFFFFFFFC, v6;
	_ =	swait.ge [sflag:s22], $0x2800  }
0x1a0: {  	v7 =	vand.u32 $0xFFFFFFFE, v7;
	v6 =	vbroadcast v6, $0x0;
	[sflag:s22] =	ssyncset.done $0x0  }
0x1a1: {  	s8 =	simm.s32 $0x78C0;
	v7 =	vbroadcast v7, $0x0;
	[sflag:s22] =	ssyncadd.s32 $0xFFFFD800  }
0x1a2: {  	v9 =	vld [tilespmem:s8+$0x70]  }
0x1a3: {  	v10 =	vld [tilespmem:s8+$0xFFFFFF00]  }
0x1a4: {  	s14 =	simm.s32 $0x1;
	v11 =	vld [tilespmem:s8+$0xFFFFFF10]  }
0x1a5: {  	v8 =	vmov s14;
	v12 =	vld [tilespmem:s8+$0xFFFFFF20]  }
0x1a6: {  	v8 =	vand.u32 $0xFFFFFFFD, v8;
	v6 =	vld.idx.msk [tilespmem:v6+s24+$0x0], $0xffff  }
0x1a7: {  	v8 =	vbroadcast v8, $0x0;
	v7 =	vld.idx.msk [tilespmem:v7+s24+$0x0], $0xffff  }
0x1a8: {  	v13 =	vld [tilespmem:s8+$0xFFFFFF30]  }
0x1a9: {  	v14 =	vld [tilespmem:s8+$0xFFFFFF40]  }
0x1aa: {  	v15 =	vld [tilespmem:s8+$0xFFFFFF50]  }
0x1ab: {  	v16 =	vld [tilespmem:s8+$0xFFFFFF60];
	v10 =	vmul.f32 v10, v6  }
0x1ac: {  	v18 =	vld [tilespmem:s8+$0x40];
	v9 =	vmul.f32 v9, v7  }
0x1ad: {  	v8 =	vld.idx.msk [tilespmem:v8+s24+$0x0], $0xffff;
	[tilespmem:s8+$0xFFFFFF00] =	vst v10;
	v10 =	vmul.f32 v11, v6  }
0x1ae: {  	v11 =	vld [tilespmem:s8+$0xFFFFFF70];
	[tilespmem:s8+$0x70] =	vst v9;
	v9 =	vmul.f32 v12, v6  }
0x1af: {  	v12 =	vld [tilespmem:s8+$0xFFFFFF80];
	[tilespmem:s8+$0xFFFFFF10] =	vst v10;
	v10 =	vmul.f32 v13, v6  }
0x1b0: {  	v13 =	vld [tilespmem:s8+$0xFFFFFF90];
	[tilespmem:s8+$0xFFFFFF20] =	vst v9;
	v9 =	vmul.f32 v14, v6  }
0x1b1: {  	v14 =	vld [tilespmem:s8+$0xFFFFFFA0];
	[tilespmem:s8+$0xFFFFFF30] =	vst v10;
	v10 =	vmul.f32 v15, v6  }
0x1b2: {  	v15 =	vld [tilespmem:s8+$0xFFFFFFB0];
	[tilespmem:s8+$0xFFFFFF40] =	vst v9;
	v9 =	vmul.f32 v16, v6  }
0x1b3: {  	v16 =	vld [tilespmem:s8+$0xFFFFFFC0];
	v11 =	vmul.f32 v11, v6;
	[tilespmem:s8+$0xFFFFFF50] =	vst v10  }
0x1b4: {  	v10 =	vmul.f32 v12, v8;
	v12 =	vld [tilespmem:s8+$0xFFFFFFD0];
	[tilespmem:s8+$0xFFFFFF60] =	vst v9  }
0x1b5: {  	s14 =	simm.s32 $0x3;
	v9 =	vld [tilespmem:s8+$0xFFFFFFE0];
	v13 =	vmul.f32 v13, v8;
	[tilespmem:s8+$0xFFFFFF70] =	vst v11  }
0x1b6: {  	v17 =	vmov s14;
	v11 =	vld [tilespmem:s8+$0xFFFFFFF0];
	[tilespmem:s8+$0xFFFFFF80] =	vst v10;
	v10 =	vmul.f32 v14, v8  }
0x1b7: {  	v14 =	vld [tilespmem:s8+$0x0];
	[tilespmem:s8+$0xFFFFFF90] =	vst v13;
	v13 =	vmul.f32 v15, v8  }
0x1b8: {  	v15 =	vld [tilespmem:s8+$0x10];
	[tilespmem:s8+$0xFFFFFFA0] =	vst v10;
	v10 =	vmul.f32 v16, v8  }
0x1b9: {  	[tilespmem:s8+$0xFFFFFFB0] =	vst v13;
	v12 =	vmul.f32 v12, v8;
	v13 =	vld [tilespmem:s8+$0x20]  }
0x1ba: {  	v16 =	vld [tilespmem:s8+$0x30];
	v9 =	vmul.f32 v9, v8;
	[tilespmem:s8+$0xFFFFFFC0] =	vst v10  }
0x1bb: {  	v6 =	vld.idx.msk [tilespmem:v17+s24+$0x0], $0xffff;
	v8 =	vmul.f32 v11, v8;
	[tilespmem:s8+$0xFFFFFFD0] =	vst v12  }
0x1bc: {  	[tilespmem:s8+$0xFFFFFFE0] =	vst v9;
	v10 =	vmul.f32 v14, v7;
	v9 =	vld [tilespmem:s8+$0x50]  }
0x1bd: {  	s14 =	simm.s32 $0x4;
	[tilespmem:s8+$0xFFFFFFF0] =	vst v8;
	v11 =	vmul.f32 v15, v7;
	v8 =	vld [tilespmem:s8+$0x60]  }
0x1be: {  	s1 =	simm.s32 $0x7;
	v12 =	vmov s14;
	[tilespmem:s8+$0x0] =	vst v10;
	v14 =	vmul.f32 v13, v7;
	v13 =	vld [tilespmem:s8+$0x80]  }
0x1bf: {  	s14 =	simm.s32 $0x5;
	v17 =	vand.u32 $0xFFFFFFFC, v12;
	v12 =	vld [tilespmem:s8+$0x90];
	v10 =	vmov s1;
	v15 =	vmul.f32 v16, v7;
	[tilespmem:s8+$0x10] =	vst v11  }
0x1c0: {  	s30 =	simm.s32 $0x78C0;
	s31 =	simm.s32 $0x8;
	s1 =	simm.s32 $0x6;
	v16 =	vmul.f32 v18, v7;
	v11 =	vbroadcast v17, $0x0;
	v17 =	vmov s14;
	[tilespmem:s8+$0x20] =	vst v14;
	v14 =	vld [tilespmem:s8+$0xA0]  }
.LBB2_5:
0x1c1: {  	p0 =	slt.u32 s31, $0x4C;
	v17 =	vand.u32 $0xFFFFFFFD, v17;
	v18 =	vmov s1;
	[tilespmem:s8+$0x30] =	vst v15;
	v9 =	vmul.f32 v9, v7;
	v15 =	vld [tilespmem:s8+$0xB0]  }
0x1c2: {  	v17 =	vbroadcast v17, $0x0;
	v18 =	vand.u32 $0xFFFFFFFE, v18;
	[tilespmem:s8+$0x40] =	vst v16;
	v7 =	vmul.f32 v8, v7;
	v8 =	vld [tilespmem:s8+$0xC0]  }
0x1c3: {  	v16 =	vbroadcast v18, $0x0;
	[tilespmem:s8+$0x50] =	vst v9;
	v9 =	vmul.f32 v13, v6;
	v13 =	vld [tilespmem:s8+$0xD0]  }
0x1c4: {  	[tilespmem:s8+$0x60] =	vst v7;
	v7 =	vmul.f32 v12, v6;
	v12 =	vld [tilespmem:s8+$0xE0]  }
0x1c5: {  	[tilespmem:s8+$0x80] =	vst v9;
	v9 =	vmul.f32 v14, v6;
	v14 =	vld [tilespmem:s8+$0xF0]  }
0x1c6: {  	v10 =	vld.idx.msk [tilespmem:v10+s24+$0x0], $0xffff;
	[tilespmem:s8+$0x90] =	vst v7;
	v7 =	vmul.f32 v15, v6  }
0x1c7: {  	v11 =	vld.idx.msk [tilespmem:v11+s24+$0x0], $0xffff;
	[tilespmem:s8+$0xA0] =	vst v9;
	v8 =	vmul.f32 v8, v6  }
0x1c8: {  	v9 =	vld.idx.msk [tilespmem:v17+s24+$0x0], $0xffff;
	[tilespmem:s8+$0xB0] =	vst v7;
	v13 =	vmul.f32 v13, v6  }
0x1c9: {  	s8 =	sadd.s32 $0x200, s8;
	v7 =	vld.idx.msk [tilespmem:v16+s24+$0x0], $0xffff;
	[tilespmem:s30+$0xC0] =	vst v8;
	v8 =	vmul.f32 v12, v6  }
0x1ca: {  	v12 =	vld [tilespmem:s8+$0x70];
	[tilespmem:s30+$0xD0] =	vst v13;
	v14 =	vmul.f32 v14, v6  }
0x1cb: {  	v13 =	vld [tilespmem:s8+$0xFFFFFF00];
	[tilespmem:s30+$0xE0] =	vst v8  }
0x1cc: {  	v6 =	vmov v10;
	v8 =	vld [tilespmem:s8+$0xFFFFFF10];
	[tilespmem:s30+$0xF0] =	vst v14;
	s30 =	smov.u32 s8  }
0x1cd: {  	v10 =	vld [tilespmem:s8+$0xFFFFFF20]  }
0x1ce: {  	v14 =	vld [tilespmem:s8+$0xFFFFFF30]  }
0x1cf: {  	v15 =	vld [tilespmem:s8+$0xFFFFFF40];
	v12 =	vmul.f32 v12, v7  }
0x1d0: {  	v13 =	vmul.f32 v13, v11;
	v16 =	vld [tilespmem:s8+$0xFFFFFF50]  }
0x1d1: {  	v8 =	vmul.f32 v8, v11;
	v17 =	vld [tilespmem:s8+$0xFFFFFF60];
	[tilespmem:s8+$0x70] =	vst v12  }
0x1d2: {  	[tilespmem:s8+$0xFFFFFF00] =	vst v13;
	v10 =	vmul.f32 v10, v11;
	v12 =	vld [tilespmem:s8+$0xFFFFFF70]  }
0x1d3: {  	[tilespmem:s8+$0xFFFFFF10] =	vst v8;
	v8 =	vmul.f32 v14, v11;
	v13 =	vld [tilespmem:s8+$0xFFFFFF80]  }
0x1d4: {  	[tilespmem:s8+$0xFFFFFF20] =	vst v10;
	v10 =	vmul.f32 v15, v11;
	v14 =	vld [tilespmem:s8+$0xFFFFFF90]  }
0x1d5: {  	[tilespmem:s8+$0xFFFFFF30] =	vst v8;
	v8 =	vmul.f32 v16, v11;
	v15 =	vld [tilespmem:s8+$0xFFFFFFA0]  }
0x1d6: {  	[tilespmem:s8+$0xFFFFFF40] =	vst v10;
	v10 =	vmul.f32 v17, v11;
	v16 =	vld [tilespmem:s8+$0xFFFFFFB0]  }
0x1d7: {  	[tilespmem:s8+$0xFFFFFF50] =	vst v8;
	v8 =	vmul.f32 v12, v11;
	v11 =	vld [tilespmem:s8+$0xFFFFFFC0]  }
0x1d8: {  	[tilespmem:s8+$0xFFFFFF60] =	vst v10;
	v10 =	vmul.f32 v13, v9;
	v12 =	vld [tilespmem:s8+$0xFFFFFFD0]  }
0x1d9: {  	[tilespmem:s8+$0xFFFFFF70] =	vst v8;
	v8 =	vmul.f32 v14, v9;
	v13 =	vld [tilespmem:s8+$0xFFFFFFE0]  }
0x1da: {  	[tilespmem:s8+$0xFFFFFF80] =	vst v10;
	v10 =	vmul.f32 v15, v9;
	v14 =	vld [tilespmem:s8+$0xFFFFFFF0]  }
0x1db: {  	[tilespmem:s8+$0xFFFFFF90] =	vst v8;
	v8 =	vmul.f32 v16, v9;
	v15 =	vld [tilespmem:s8+$0x0]  }
0x1dc: {  	[tilespmem:s8+$0xFFFFFFA0] =	vst v10;
	v10 =	vmul.f32 v11, v9;
	v11 =	vld [tilespmem:s8+$0x10]  }
0x1dd: {  	[tilespmem:s8+$0xFFFFFFB0] =	vst v8;
	v8 =	vmul.f32 v12, v9;
	v12 =	vld [tilespmem:s8+$0x20]  }
0x1de: {  	[tilespmem:s8+$0xFFFFFFC0] =	vst v10;
	v10 =	vmul.f32 v13, v9;
	v16 =	vld [tilespmem:s8+$0x30]  }
0x1df: {  	[tilespmem:s8+$0xFFFFFFD0] =	vst v8;
	v8 =	vmul.f32 v14, v9;
	v14 =	vld [tilespmem:s8+$0x40]  }
.Ltmp1:
0x1e0: {  	[tilespmem:s8+$0xFFFFFFE0] =	vst v10;
	v10 =	vmul.f32 v15, v7;
	v9 =	vld [tilespmem:s8+$0x50];
	(pc) =	sbr.rel @p0 .LBB2_5-.Ltmp1, $4  }
0x1e1: {  	[tilespmem:s8+$0xFFFFFFF0] =	vst v8;
	v11 =	vmul.f32 v11, v7;
	v8 =	vld [tilespmem:s8+$0x60]  }
0x1e2: {  	s1 =	sadd.s32 $0x3, s31;
	v15 =	vmov s31;
	[tilespmem:s8+$0x0] =	vst v10;
	v18 =	vmul.f32 v12, v7;
	v13 =	vld [tilespmem:s8+$0x80]  }
0x1e3: {  	s14 =	sadd.s32 $0x1, s31;
	v17 =	vand.u32 $0xFFFFFFFC, v15;
	v10 =	vmov s1;
	[tilespmem:s8+$0x10] =	vst v11;
	v15 =	vmul.f32 v16, v7;
	v12 =	vld [tilespmem:s8+$0x90]  }
0x1e4: {  	s1 =	sadd.s32 $0x2, s31;
	s31 =	sadd.s32 $0x4, s31;
	v11 =	vbroadcast v17, $0x0;
	v17 =	vmov s14;
	[tilespmem:s8+$0x20] =	vst v18;
	v16 =	vmul.f32 v14, v7;
	v14 =	vld [tilespmem:s8+$0xA0]  }
0x1e5: {  	v18 =	vld [tilespmem:s8+$0xB0]  }
0x1e6: {  	v20 =	vld [tilespmem:s8+$0xC0]  }
0x1e7: {  	v19 =	vmov s1;
	v21 =	vld [tilespmem:s8+$0xD0]  }
0x1e8: {  	v22 =	vld [tilespmem:s8+$0xE0];
	[tilespmem:s8+$0x30] =	vst v15;
	v9 =	vmul.f32 v9, v7;
	v19 =	vand.u32 $0xFFFFFFFE, v19  }
0x1e9: {  	v17 =	vand.u32 $0xFFFFFFFD, v17;
	v10 =	vld.idx.msk [tilespmem:v10+s24+$0x0], $0xffff;
	[tilespmem:s8+$0x40] =	vst v16;
	v7 =	vmul.f32 v8, v7;
	v19 =	vbroadcast v19, $0x0  }
0x1ea: {  	s31 =	sadd.s32 $0x200, s8;
	v17 =	vbroadcast v17, $0x0;
	v8 =	vld.idx.msk [tilespmem:v11+s24+$0x0], $0xffff;
	v13 =	vmul.f32 v13, v6;
	[tilespmem:s8+$0x50] =	vst v9  }
0x1eb: {  	v15 =	vld [tilespmem:s31+$0xFFFFFF00];
	v9 =	vmul.f32 v12, v6;
	[tilespmem:s8+$0x60] =	vst v7  }
0x1ec: {  	[tilespmem:s8+$0x80] =	vst v13;
	v13 =	vld [tilespmem:s8+$0xF0];
	v7 =	vmul.f32 v14, v6  }
0x1ed: {  	v16 =	vld [tilespmem:s31+$0xFFFFFF10];
	[tilespmem:s8+$0x90] =	vst v9;
	v9 =	vmul.f32 v18, v6  }
0x1ee: {  	v14 =	vld [tilespmem:s31+$0x70];
	[tilespmem:s8+$0xA0] =	vst v7;
	v7 =	vmul.f32 v20, v6  }
0x1ef: {  	[tilespmem:s8+$0xB0] =	vst v9;
	v9 =	vmul.f32 v21, v6;
	v12 =	vld.idx.msk [tilespmem:v19+s24+$0x0], $0xffff  }
0x1f0: {  	v11 =	vld.idx.msk [tilespmem:v17+s24+$0x0], $0xffff;
	[tilespmem:s30+$0xC0] =	vst v7;
	v7 =	vmul.f32 v22, v6  }
0x1f1: {  	v17 =	vld [tilespmem:s31+$0xFFFFFF20];
	[tilespmem:s30+$0xD0] =	vst v9;
	v6 =	vmul.f32 v13, v6  }
0x1f2: {  	v9 =	vld [tilespmem:s31+$0xFFFFFF30];
	[tilespmem:s30+$0xE0] =	vst v7  }
0x1f3: {  	v7 =	vld [tilespmem:s31+$0xFFFFFF40];
	[tilespmem:s30+$0xF0] =	vst v6;
	v6 =	vmul.f32 v15, v8  }
0x1f4: {  	v13 =	vmul.f32 v14, v12;
	v14 =	vld [tilespmem:s31+$0xFFFFFF50]  }
0x1f5: {  	v15 =	vmul.f32 v16, v8;
	v16 =	vld [tilespmem:s31+$0xFFFFFF60];
	[tilespmem:s31+$0xFFFFFF00] =	vst v6  }
0x1f6: {  	v6 =	vmul.f32 v17, v8;
	[tilespmem:s31+$0x70] =	vst v13;
	v13 =	vld [tilespmem:s31+$0xFFFFFF70]  }
0x1f7: {  	[tilespmem:s31+$0xFFFFFF10] =	vst v15;
	v15 =	vld [tilespmem:s31+$0xFFFFFF80];
	v9 =	vmul.f32 v9, v8  }
0x1f8: {  	[tilespmem:s31+$0xFFFFFF20] =	vst v6;
	v6 =	vmul.f32 v7, v8;
	v7 =	vld [tilespmem:s31+$0xFFFFFF90]  }
0x1f9: {  	[tilespmem:s31+$0xFFFFFF30] =	vst v9;
	v9 =	vmul.f32 v14, v8;
	v14 =	vld [tilespmem:s31+$0xFFFFFFA0]  }
0x1fa: {  	[tilespmem:s31+$0xFFFFFF40] =	vst v6;
	v6 =	vmul.f32 v16, v8;
	v16 =	vld [tilespmem:s31+$0xFFFFFFB0]  }
0x1fb: {  	[tilespmem:s31+$0xFFFFFF50] =	vst v9;
	v8 =	vmul.f32 v13, v8;
	v9 =	vld [tilespmem:s31+$0xFFFFFFC0]  }
0x1fc: {  	[tilespmem:s31+$0xFFFFFF60] =	vst v6;
	v6 =	vmul.f32 v15, v11;
	v13 =	vld [tilespmem:s31+$0xFFFFFFD0]  }
0x1fd: {  	v7 =	vmul.f32 v7, v11;
	[tilespmem:s31+$0xFFFFFF70] =	vst v8;
	v8 =	vld [tilespmem:s31+$0xFFFFFFE0]  }
0x1fe: {  	[tilespmem:s31+$0xFFFFFF80] =	vst v6;
	v6 =	vmul.f32 v14, v11;
	v14 =	vld [tilespmem:s31+$0xFFFFFFF0]  }
0x1ff: {  	v15 =	vld [tilespmem:s31+$0x0];
	[tilespmem:s31+$0xFFFFFF90] =	vst v7;
	v7 =	vmul.f32 v16, v11  }
0x200: {  	[tilespmem:s31+$0xFFFFFFA0] =	vst v6;
	v6 =	vmul.f32 v9, v11;
	v9 =	vld [tilespmem:s31+$0x10]  }
0x201: {  	[tilespmem:s31+$0xFFFFFFB0] =	vst v7;
	v7 =	vmul.f32 v13, v11;
	v13 =	vld [tilespmem:s31+$0x20]  }
0x202: {  	[tilespmem:s31+$0xFFFFFFC0] =	vst v6;
	v6 =	vmul.f32 v8, v11;
	v8 =	vld [tilespmem:s31+$0x30]  }
0x203: {  	[tilespmem:s31+$0xFFFFFFD0] =	vst v7;
	v7 =	vmul.f32 v14, v11;
	v11 =	vld [tilespmem:s31+$0x40]  }
0x204: {  	v14 =	vld [tilespmem:s31+$0x50];
	[tilespmem:s31+$0xFFFFFFE0] =	vst v6;
	v6 =	vmul.f32 v15, v12  }
0x205: {  	[tilespmem:s31+$0xFFFFFFF0] =	vst v7;
	v7 =	vmul.f32 v9, v12;
	v9 =	vld [tilespmem:s31+$0x60]  }
0x206: {  	[tilespmem:s31+$0x0] =	vst v6;
	v6 =	vmul.f32 v13, v12;
	v13 =	vld [tilespmem:s31+$0x80]  }
0x207: {  	[tilespmem:s31+$0x10] =	vst v7;
	v7 =	vmul.f32 v8, v12;
	v8 =	vld [tilespmem:s31+$0x90]  }
0x208: {  	[tilespmem:s31+$0x20] =	vst v6;
	v6 =	vmul.f32 v11, v12;
	v11 =	vld [tilespmem:s31+$0xA0]  }
0x209: {  	[tilespmem:s31+$0x30] =	vst v7;
	v7 =	vmul.f32 v14, v12;
	v14 =	vld [tilespmem:s31+$0xB0]  }
0x20a: {  	[tilespmem:s31+$0x40] =	vst v6;
	v6 =	vmul.f32 v9, v12;
	v9 =	vld [tilespmem:s31+$0xC0]  }
0x20b: {  	v12 =	vld [tilespmem:s31+$0xD0];
	[tilespmem:s31+$0x50] =	vst v7;
	v7 =	vmul.f32 v13, v10  }
0x20c: {  	[tilespmem:s31+$0x60] =	vst v6;
	v6 =	vmul.f32 v8, v10;
	v8 =	vld [tilespmem:s31+$0xE0]  }
0x20d: {  	[tilespmem:s31+$0x80] =	vst v7;
	v7 =	vmul.f32 v11, v10;
	v11 =	vld [tilespmem:s31+$0xF0]  }
0x20e: {  	[tilespmem:s31+$0x90] =	vst v6;
	v6 =	vmul.f32 v14, v10  }
0x20f: {  	[tilespmem:s31+$0xA0] =	vst v7;
	v7 =	vmul.f32 v9, v10  }
0x210: {  	[tilespmem:s31+$0xB0] =	vst v6;
	v6 =	vmul.f32 v12, v10  }
0x211: {  	[tilespmem:s31+$0xC0] =	vst v7;
	v7 =	vmul.f32 v8, v10  }
0x212: {  	[tilespmem:s31+$0xD0] =	vst v6;
	v6 =	vmul.f32 v11, v10  }
0x213: {  	[tilespmem:s31+$0xE0] =	vst v7  }
0x214: {  	[tilespmem:s31+$0xF0] =	vst v6  }
0x215: {  	[spmem:s2] =	stream.indirect.scatter.add.f32 [tilespmem:s12], [sflag:$0x6], $0x80, s6, s0, $0xb8;
	[tilespmem:$0x1F348] =	vst v63  }
0x216: {  	s8 =	rddreg [dreg:$0xd]  }
0x217: {  	s1 =	sadd.s32 s7, s8  }
0x218: {  	[spmem:s3] =	stream.indirect.scatter.add.f32 [tilespmem:s29], [sflag:$0x8], $0x8, s6, s0, $0xb8;
	[tilespmem:$0x1F348] =	vst v63  }
0x219: {  	s1 =	sshrl.u32 s1, $0x3  }
0x21a: {  	s14 =	simm.s32 $0xA4C0;
	s7 =	simm.s32 $0x0;
	s1 =	sadd.s32 s15, s1  }
0x21b: {  	[tilespmem:s14], [sflag:$0x1] =	stream.linear.gather [hbm4b:s1+s7], $0xA0, $0x38;
	[tilespmem:$0x1F348] =	vst v63  }
0x21c: {  	s31 =	smov.u32 s15;
	s15 =	simm.s32 $0xA600;
	s1 =	sadd.s32 $0x9C40, s1  }
0x21d: {  	[tilespmem:s15], [sflag:$0x1] =	stream.linear.gather [hbm4b:s1+s7], $0xA0, $0x38;
	[tilespmem:$0x1F348] =	vst v63  }
0x21e: {  	v6 =	vld [tilespmem:$0x4E80]  }
0x21f: {  	v7 =	vld [tilespmem:$0x4F20];
	_ =	sdelay $0x4  }
0x220: {  	v6 =	vshll.u32 v6, $0x1;
	v7 =	vshll.u32 v7, $0x1  }
0x221: {  	v7 =	vor.u32 $0x1, v7;
	_ =	sdelay $0x3  }
0x222: {  	v6 =	vld.idx.msk [tilespmem:v6+s20+$0x0], $0xffff  }
0x223: {  	v7 =	vld.idx.msk [tilespmem:v7+s20+$0x0], $0xffff;
	_ =	sdelay $0x4  }
0x224: {  	v6 =	vadd.f32 v7, v6;
	_ =	sdelay $0x1  }
0x225: {  	v7 =	vmul.f32 $2.000000030e-01, v6;
	_ =	sdelay $0x1  }
0x226: {  	v6 =	vmax.f32 v6, v7  }
0x227: {  	v6 =	vsub.f32 v6, v5;
	_ =	sdelay $0x1  }
0x228: {  	v6 =	vmul.f32 $1.442695020e+00, v6;
	_ =	sdelay $0x1  }
0x229: {  	(erf) = vpow2.f32 v6;
	_ =	sdelay $0x8  }
0x22a: {  	v6 =	vpop (erf)  }
0x22b: {  	[tilespmem:$0x10] =	vst v6  }
0x22c: {  	[tilespmem:v0+s28+$0x0] =	vst.idx.msk $0xffff, v6  }
0x22d: {  	v6 =	vld [tilespmem:$0x4E90]  }
0x22e: {  	v7 =	vld [tilespmem:$0x4F30];
	_ =	sdelay $0x4  }
0x22f: {  	v6 =	vshll.u32 v6, $0x1;
	v7 =	vshll.u32 v7, $0x1  }
0x230: {  	v7 =	vor.u32 $0x1, v7;
	_ =	sdelay $0x3  }
0x231: {  	v6 =	vld.idx.msk [tilespmem:v6+s20+$0x0], $0xffff  }
0x232: {  	v7 =	vld.idx.msk [tilespmem:v7+s20+$0x0], $0xffff;
	_ =	sdelay $0x4  }
0x233: {  	v6 =	vadd.f32 v7, v6;
	_ =	sdelay $0x1  }
0x234: {  	v7 =	vmul.f32 $2.000000030e-01, v6;
	_ =	sdelay $0x1  }
0x235: {  	v6 =	vmax.f32 v6, v7  }
0x236: {  	v6 =	vsub.f32 v6, v5;
	_ =	sdelay $0x1  }
0x237: {  	v6 =	vmul.f32 $1.442695020e+00, v6;
	_ =	sdelay $0x1  }
0x238: {  	(erf) = vpow2.f32 v6;
	_ =	sdelay $0x8  }
0x239: {  	v6 =	vpop (erf)  }
0x23a: {  	[tilespmem:$0x20] =	vst v6  }
0x23b: {  	[tilespmem:v1+s28+$0x0] =	vst.idx.msk $0xffff, v6  }
0x23c: {  	v6 =	vld [tilespmem:$0x4EA0]  }
0x23d: {  	v7 =	vld [tilespmem:$0x4F40];
	_ =	sdelay $0x4  }
0x23e: {  	v6 =	vshll.u32 v6, $0x1;
	v7 =	vshll.u32 v7, $0x1  }
0x23f: {  	v7 =	vor.u32 $0x1, v7;
	_ =	sdelay $0x3  }
0x240: {  	v6 =	vld.idx.msk [tilespmem:v6+s20+$0x0], $0xffff  }
0x241: {  	v7 =	vld.idx.msk [tilespmem:v7+s20+$0x0], $0xffff;
	_ =	sdelay $0x4  }
0x242: {  	v6 =	vadd.f32 v7, v6;
	_ =	sdelay $0x1  }
0x243: {  	v7 =	vmul.f32 $2.000000030e-01, v6;
	_ =	sdelay $0x1  }
0x244: {  	v6 =	vmax.f32 v6, v7  }
0x245: {  	v6 =	vsub.f32 v6, v5;
	_ =	sdelay $0x1  }
0x246: {  	v6 =	vmul.f32 $1.442695020e+00, v6;
	_ =	sdelay $0x1  }
0x247: {  	(erf) = vpow2.f32 v6;
	_ =	sdelay $0x8  }
0x248: {  	v6 =	vpop (erf)  }
0x249: {  	[tilespmem:$0x30] =	vst v6  }
0x24a: {  	[tilespmem:v2+s28+$0x0] =	vst.idx.msk $0xffff, v6  }
0x24b: {  	v6 =	vld [tilespmem:$0x4EB0]  }
0x24c: {  	v7 =	vld [tilespmem:$0x4F50];
	_ =	sdelay $0x4  }
0x24d: {  	v6 =	vshll.u32 v6, $0x1;
	v7 =	vshll.u32 v7, $0x1  }
0x24e: {  	v7 =	vor.u32 $0x1, v7;
	_ =	sdelay $0x3  }
0x24f: {  	v6 =	vld.idx.msk [tilespmem:v6+s20+$0x0], $0xffff  }
0x250: {  	v7 =	vld.idx.msk [tilespmem:v7+s20+$0x0], $0xffff;
	_ =	sdelay $0x4  }
0x251: {  	v6 =	vadd.f32 v7, v6;
	_ =	sdelay $0x1  }
0x252: {  	v7 =	vmul.f32 $2.000000030e-01, v6;
	_ =	sdelay $0x1  }
0x253: {  	v6 =	vmax.f32 v6, v7  }
0x254: {  	v6 =	vsub.f32 v6, v5;
	_ =	sdelay $0x1  }
0x255: {  	v6 =	vmul.f32 $1.442695020e+00, v6;
	_ =	sdelay $0x1  }
0x256: {  	(erf) = vpow2.f32 v6;
	_ =	sdelay $0x8  }
0x257: {  	v6 =	vpop (erf)  }
0x258: {  	[tilespmem:$0x40] =	vst v6  }
0x259: {  	[tilespmem:v3+s28+$0x0] =	vst.idx.msk $0xffff, v6  }
0x25a: {  	v6 =	vld [tilespmem:$0x4EC0]  }
0x25b: {  	v7 =	vld [tilespmem:$0x4F60];
	_ =	sdelay $0x4  }
0x25c: {  	v6 =	vshll.u32 v6, $0x1;
	v7 =	vshll.u32 v7, $0x1  }
0x25d: {  	v7 =	vor.u32 $0x1, v7;
	_ =	sdelay $0x3  }
0x25e: {  	v6 =	vld.idx.msk [tilespmem:v6+s20+$0x0], $0xffff  }
0x25f: {  	v7 =	vld.idx.msk [tilespmem:v7+s20+$0x0], $0xffff;
	_ =	sdelay $0x4  }
0x260: {  	v6 =	vadd.f32 v7, v6;
	_ =	sdelay $0x1  }
0x261: {  	v7 =	vmul.f32 $2.000000030e-01, v6;
	_ =	sdelay $0x1  }
0x262: {  	v6 =	vmax.f32 v6, v7  }
0x263: {  	v6 =	vsub.f32 v6, v5;
	_ =	sdelay $0x1  }
0x264: {  	v6 =	vmul.f32 $1.442695020e+00, v6;
	_ =	sdelay $0x1  }
0x265: {  	(erf) = vpow2.f32 v6;
	_ =	sdelay $0x8  }
0x266: {  	v6 =	vpop (erf)  }
0x267: {  	[tilespmem:$0x50] =	vst v6  }
0x268: {  	[tilespmem:v4+s28+$0x0] =	vst.idx.msk $0xffff, v6  }
0x269: {  	_ =	swait.ge [sflag:s21], $0x2800  }
0x26a: {  	[sflag:s21] =	ssyncset.done $0x0  }
0x26b: {  	[sflag:s21] =	ssyncadd.s32 $0xFFFFD800  }
0x26c: {  	_ =	swait.ge [sflag:s25], $0x280  }
0x26d: {  	[sflag:s25] =	ssyncset.done $0x0  }
0x26e: {  	[sflag:s25] =	ssyncadd.s32 $0xFFFFFD80  }
0x26f: {  	v6 =	vld [tilespmem:$0xA5B0]  }
0x270: {  	v7 =	vld [tilespmem:$0xA6F0]  }
0x271: {  	v8 =	vld [tilespmem:$0xA5C0]  }
0x272: {  	v9 =	vld [tilespmem:$0xA700]  }
0x273: {  	v10 =	vld [tilespmem:$0xA5D0]  }
0x274: {  	[tilespmem:$0x4ED0] =	vst v6;
	v6 =	vld [tilespmem:$0xA710]  }
0x275: {  	[tilespmem:$0x4F70] =	vst v7;
	v7 =	vld [tilespmem:$0xA5E0]  }
0x276: {  	[tilespmem:$0x4EE0] =	vst v8;
	v8 =	vld [tilespmem:$0xA720]  }
0x277: {  	[tilespmem:$0x4F80] =	vst v9;
	v9 =	vld [tilespmem:$0xA5F0]  }
0x278: {  	[tilespmem:$0x4EF0] =	vst v10;
	v10 =	vld [tilespmem:$0xA730]  }
0x279: {  	[tilespmem:$0x4F90] =	vst v6  }
0x27a: {  	[tilespmem:$0x4F00] =	vst v7  }
0x27b: {  	[tilespmem:$0x4FA0] =	vst v8  }
0x27c: {  	[tilespmem:$0x4F10] =	vst v9  }
0x27d: {  	s8 =	simm.s32 $0x2;
	[tilespmem:$0x4FB0] =	vst v10  }
0x27e: {  	v6 =	vmov s7;
	[tilespmem:s12], [sflag:$0x4] =	stream.indirect.gather [hbm4b:s13+s0], $0x80, s10, s0, $0xb8;
	[tilespmem:$0x1F348] =	vst v63  }
0x27f: {  	v7 =	vmov s8;
	v6 =	vand.u32 $0xFFFFFFFC, v6;
	_ =	swait.ge [sflag:s16], $0x2800  }
0x280: {  	v7 =	vand.u32 $0xFFFFFFFE, v7;
	v6 =	vbroadcast v6, $0x0;
	[sflag:s16] =	ssyncset.done $0x0  }
0x281: {  	s7 =	simm.s32 $0x50C0;
	v7 =	vbroadcast v7, $0x0;
	[sflag:s16] =	ssyncadd.s32 $0xFFFFD800  }
0x282: {  	v9 =	vld [tilespmem:s7+$0x70]  }
0x283: {  	v10 =	vld [tilespmem:s7+$0xFFFFFF00]  }
0x284: {  	s14 =	simm.s32 $0x1;
	v11 =	vld [tilespmem:s7+$0xFFFFFF10]  }
0x285: {  	v8 =	vmov s14;
	v12 =	vld [tilespmem:s7+$0xFFFFFF20]  }
0x286: {  	v8 =	vand.u32 $0xFFFFFFFD, v8;
	v6 =	vld.idx.msk [tilespmem:v6+s24+$0x0], $0xffff  }
0x287: {  	v8 =	vbroadcast v8, $0x0;
	v7 =	vld.idx.msk [tilespmem:v7+s24+$0x0], $0xffff  }
0x288: {  	v13 =	vld [tilespmem:s7+$0xFFFFFF30]  }
0x289: {  	v14 =	vld [tilespmem:s7+$0xFFFFFF40]  }
0x28a: {  	v15 =	vld [tilespmem:s7+$0xFFFFFF50]  }
0x28b: {  	v16 =	vld [tilespmem:s7+$0xFFFFFF60];
	v10 =	vmul.f32 v10, v6  }
0x28c: {  	v18 =	vld [tilespmem:s7+$0x40];
	v9 =	vmul.f32 v9, v7  }
0x28d: {  	v8 =	vld.idx.msk [tilespmem:v8+s24+$0x0], $0xffff;
	[tilespmem:s7+$0xFFFFFF00] =	vst v10;
	v10 =	vmul.f32 v11, v6  }
0x28e: {  	v11 =	vld [tilespmem:s7+$0xFFFFFF70];
	[tilespmem:s7+$0x70] =	vst v9;
	v9 =	vmul.f32 v12, v6  }
0x28f: {  	v12 =	vld [tilespmem:s7+$0xFFFFFF80];
	[tilespmem:s7+$0xFFFFFF10] =	vst v10;
	v10 =	vmul.f32 v13, v6  }
0x290: {  	v13 =	vld [tilespmem:s7+$0xFFFFFF90];
	[tilespmem:s7+$0xFFFFFF20] =	vst v9;
	v9 =	vmul.f32 v14, v6  }
0x291: {  	v14 =	vld [tilespmem:s7+$0xFFFFFFA0];
	[tilespmem:s7+$0xFFFFFF30] =	vst v10;
	v10 =	vmul.f32 v15, v6  }
0x292: {  	v15 =	vld [tilespmem:s7+$0xFFFFFFB0];
	[tilespmem:s7+$0xFFFFFF40] =	vst v9;
	v9 =	vmul.f32 v16, v6  }
0x293: {  	v16 =	vld [tilespmem:s7+$0xFFFFFFC0];
	v11 =	vmul.f32 v11, v6;
	[tilespmem:s7+$0xFFFFFF50] =	vst v10  }
0x294: {  	v10 =	vmul.f32 v12, v8;
	v12 =	vld [tilespmem:s7+$0xFFFFFFD0];
	[tilespmem:s7+$0xFFFFFF60] =	vst v9  }
0x295: {  	s15 =	simm.s32 $0x3;
	v9 =	vld [tilespmem:s7+$0xFFFFFFE0];
	v13 =	vmul.f32 v13, v8;
	[tilespmem:s7+$0xFFFFFF70] =	vst v11  }
0x296: {  	v17 =	vmov s15;
	v11 =	vld [tilespmem:s7+$0xFFFFFFF0];
	[tilespmem:s7+$0xFFFFFF80] =	vst v10;
	v10 =	vmul.f32 v14, v8  }
0x297: {  	v14 =	vld [tilespmem:s7+$0x0];
	[tilespmem:s7+$0xFFFFFF90] =	vst v13;
	v13 =	vmul.f32 v15, v8  }
0x298: {  	v15 =	vld [tilespmem:s7+$0x10];
	[tilespmem:s7+$0xFFFFFFA0] =	vst v10;
	v10 =	vmul.f32 v16, v8  }
0x299: {  	[tilespmem:s7+$0xFFFFFFB0] =	vst v13;
	v12 =	vmul.f32 v12, v8;
	v13 =	vld [tilespmem:s7+$0x20]  }
0x29a: {  	v16 =	vld [tilespmem:s7+$0x30];
	v9 =	vmul.f32 v9, v8;
	[tilespmem:s7+$0xFFFFFFC0] =	vst v10  }
0x29b: {  	v6 =	vld.idx.msk [tilespmem:v17+s24+$0x0], $0xffff;
	v8 =	vmul.f32 v11, v8;
	[tilespmem:s7+$0xFFFFFFD0] =	vst v12  }
0x29c: {  	[tilespmem:s7+$0xFFFFFFE0] =	vst v9;
	v10 =	vmul.f32 v14, v7;
	v9 =	vld [tilespmem:s7+$0x50]  }
0x29d: {  	s8 =	simm.s32 $0x4;
	[tilespmem:s7+$0xFFFFFFF0] =	vst v8;
	v11 =	vmul.f32 v15, v7;
	v8 =	vld [tilespmem:s7+$0x60]  }
0x29e: {  	s14 =	simm.s32 $0x7;
	v12 =	vmov s8;
	[tilespmem:s7+$0x0] =	vst v10;
	v14 =	vmul.f32 v13, v7;
	v13 =	vld [tilespmem:s7+$0x80]  }
0x29f: {  	s15 =	simm.s32 $0x5;
	v17 =	vand.u32 $0xFFFFFFFC, v12;
	v12 =	vld [tilespmem:s7+$0x90];
	v10 =	vmov s14;
	v15 =	vmul.f32 v16, v7;
	[tilespmem:s7+$0x10] =	vst v11  }
0x2a0: {  	s30 =	simm.s32 $0x8;
	s1 =	simm.s32 $0x6;
	s8 =	simm.s32 $0x50C0;
	v16 =	vmul.f32 v18, v7;
	v11 =	vbroadcast v17, $0x0;
	v17 =	vmov s15;
	[tilespmem:s7+$0x20] =	vst v14;
	v14 =	vld [tilespmem:s7+$0xA0]  }
.LBB2_7:
0x2a1: {  	p0 =	slt.u32 s30, $0x4C;
	v17 =	vand.u32 $0xFFFFFFFD, v17;
	v18 =	vmov s1;
	[tilespmem:s7+$0x30] =	vst v15;
	v9 =	vmul.f32 v9, v7;
	v15 =	vld [tilespmem:s7+$0xB0]  }
0x2a2: {  	v17 =	vbroadcast v17, $0x0;
	v18 =	vand.u32 $0xFFFFFFFE, v18;
	[tilespmem:s7+$0x40] =	vst v16;
	v7 =	vmul.f32 v8, v7;
	v8 =	vld [tilespmem:s7+$0xC0]  }
0x2a3: {  	v16 =	vbroadcast v18, $0x0;
	[tilespmem:s7+$0x50] =	vst v9;
	v9 =	vmul.f32 v13, v6;
	v13 =	vld [tilespmem:s7+$0xD0]  }
0x2a4: {  	[tilespmem:s7+$0x60] =	vst v7;
	v7 =	vmul.f32 v12, v6;
	v12 =	vld [tilespmem:s7+$0xE0]  }
0x2a5: {  	[tilespmem:s7+$0x80] =	vst v9;
	v9 =	vmul.f32 v14, v6;
	v14 =	vld [tilespmem:s7+$0xF0]  }
0x2a6: {  	v10 =	vld.idx.msk [tilespmem:v10+s24+$0x0], $0xffff;
	[tilespmem:s7+$0x90] =	vst v7;
	v7 =	vmul.f32 v15, v6  }
0x2a7: {  	v11 =	vld.idx.msk [tilespmem:v11+s24+$0x0], $0xffff;
	[tilespmem:s7+$0xA0] =	vst v9;
	v8 =	vmul.f32 v8, v6  }
0x2a8: {  	v9 =	vld.idx.msk [tilespmem:v17+s24+$0x0], $0xffff;
	[tilespmem:s7+$0xB0] =	vst v7;
	v13 =	vmul.f32 v13, v6  }
0x2a9: {  	s7 =	sadd.s32 $0x200, s7;
	v7 =	vld.idx.msk [tilespmem:v16+s24+$0x0], $0xffff;
	[tilespmem:s8+$0xC0] =	vst v8;
	v8 =	vmul.f32 v12, v6  }
0x2aa: {  	v12 =	vld [tilespmem:s7+$0x70];
	[tilespmem:s8+$0xD0] =	vst v13;
	v14 =	vmul.f32 v14, v6  }
0x2ab: {  	v13 =	vld [tilespmem:s7+$0xFFFFFF00];
	[tilespmem:s8+$0xE0] =	vst v8  }
0x2ac: {  	v6 =	vmov v10;
	v8 =	vld [tilespmem:s7+$0xFFFFFF10];
	[tilespmem:s8+$0xF0] =	vst v14;
	s8 =	smov.u32 s7  }
0x2ad: {  	v10 =	vld [tilespmem:s7+$0xFFFFFF20]  }
0x2ae: {  	v14 =	vld [tilespmem:s7+$0xFFFFFF30]  }
0x2af: {  	v15 =	vld [tilespmem:s7+$0xFFFFFF40];
	v12 =	vmul.f32 v12, v7  }
0x2b0: {  	v13 =	vmul.f32 v13, v11;
	v16 =	vld [tilespmem:s7+$0xFFFFFF50]  }
0x2b1: {  	v8 =	vmul.f32 v8, v11;
	v17 =	vld [tilespmem:s7+$0xFFFFFF60];
	[tilespmem:s7+$0x70] =	vst v12  }
0x2b2: {  	[tilespmem:s7+$0xFFFFFF00] =	vst v13;
	v10 =	vmul.f32 v10, v11;
	v12 =	vld [tilespmem:s7+$0xFFFFFF70]  }
0x2b3: {  	[tilespmem:s7+$0xFFFFFF10] =	vst v8;
	v8 =	vmul.f32 v14, v11;
	v13 =	vld [tilespmem:s7+$0xFFFFFF80]  }
0x2b4: {  	[tilespmem:s7+$0xFFFFFF20] =	vst v10;
	v10 =	vmul.f32 v15, v11;
	v14 =	vld [tilespmem:s7+$0xFFFFFF90]  }
0x2b5: {  	[tilespmem:s7+$0xFFFFFF30] =	vst v8;
	v8 =	vmul.f32 v16, v11;
	v15 =	vld [tilespmem:s7+$0xFFFFFFA0]  }
0x2b6: {  	[tilespmem:s7+$0xFFFFFF40] =	vst v10;
	v10 =	vmul.f32 v17, v11;
	v16 =	vld [tilespmem:s7+$0xFFFFFFB0]  }
0x2b7: {  	[tilespmem:s7+$0xFFFFFF50] =	vst v8;
	v8 =	vmul.f32 v12, v11;
	v11 =	vld [tilespmem:s7+$0xFFFFFFC0]  }
0x2b8: {  	[tilespmem:s7+$0xFFFFFF60] =	vst v10;
	v10 =	vmul.f32 v13, v9;
	v12 =	vld [tilespmem:s7+$0xFFFFFFD0]  }
0x2b9: {  	[tilespmem:s7+$0xFFFFFF70] =	vst v8;
	v8 =	vmul.f32 v14, v9;
	v13 =	vld [tilespmem:s7+$0xFFFFFFE0]  }
0x2ba: {  	[tilespmem:s7+$0xFFFFFF80] =	vst v10;
	v10 =	vmul.f32 v15, v9;
	v14 =	vld [tilespmem:s7+$0xFFFFFFF0]  }
0x2bb: {  	[tilespmem:s7+$0xFFFFFF90] =	vst v8;
	v8 =	vmul.f32 v16, v9;
	v15 =	vld [tilespmem:s7+$0x0]  }
0x2bc: {  	[tilespmem:s7+$0xFFFFFFA0] =	vst v10;
	v10 =	vmul.f32 v11, v9;
	v11 =	vld [tilespmem:s7+$0x10]  }
0x2bd: {  	[tilespmem:s7+$0xFFFFFFB0] =	vst v8;
	v8 =	vmul.f32 v12, v9;
	v12 =	vld [tilespmem:s7+$0x20]  }
0x2be: {  	[tilespmem:s7+$0xFFFFFFC0] =	vst v10;
	v10 =	vmul.f32 v13, v9;
	v16 =	vld [tilespmem:s7+$0x30]  }
0x2bf: {  	[tilespmem:s7+$0xFFFFFFD0] =	vst v8;
	v8 =	vmul.f32 v14, v9;
	v14 =	vld [tilespmem:s7+$0x40]  }
.Ltmp2:
0x2c0: {  	[tilespmem:s7+$0xFFFFFFE0] =	vst v10;
	v10 =	vmul.f32 v15, v7;
	v9 =	vld [tilespmem:s7+$0x50];
	(pc) =	sbr.rel @p0 .LBB2_7-.Ltmp2, $4  }
0x2c1: {  	[tilespmem:s7+$0xFFFFFFF0] =	vst v8;
	v11 =	vmul.f32 v11, v7;
	v8 =	vld [tilespmem:s7+$0x60]  }
0x2c2: {  	s1 =	sadd.s32 $0x3, s30;
	v15 =	vmov s30;
	[tilespmem:s7+$0x0] =	vst v10;
	v18 =	vmul.f32 v12, v7;
	v13 =	vld [tilespmem:s7+$0x80]  }
0x2c3: {  	s14 =	sadd.s32 $0x1, s30;
	v17 =	vand.u32 $0xFFFFFFFC, v15;
	v10 =	vmov s1;
	[tilespmem:s7+$0x10] =	vst v11;
	v15 =	vmul.f32 v16, v7;
	v12 =	vld [tilespmem:s7+$0x90]  }
0x2c4: {  	s1 =	sadd.s32 $0x2, s30;
	s30 =	sadd.s32 $0x4, s30;
	v11 =	vbroadcast v17, $0x0;
	v17 =	vmov s14;
	[tilespmem:s7+$0x20] =	vst v18;
	v16 =	vmul.f32 v14, v7;
	v14 =	vld [tilespmem:s7+$0xA0]  }
0x2c5: {  	v18 =	vld [tilespmem:s7+$0xB0]  }
0x2c6: {  	v20 =	vld [tilespmem:s7+$0xC0]  }
0x2c7: {  	v19 =	vmov s1;
	v21 =	vld [tilespmem:s7+$0xD0]  }
0x2c8: {  	v22 =	vld [tilespmem:s7+$0xE0];
	[tilespmem:s7+$0x30] =	vst v15;
	v9 =	vmul.f32 v9, v7;
	v19 =	vand.u32 $0xFFFFFFFE, v19  }
0x2c9: {  	v17 =	vand.u32 $0xFFFFFFFD, v17;
	v10 =	vld.idx.msk [tilespmem:v10+s24+$0x0], $0xffff;
	[tilespmem:s7+$0x40] =	vst v16;
	v7 =	vmul.f32 v8, v7;
	v19 =	vbroadcast v19, $0x0  }
0x2ca: {  	s30 =	sadd.s32 $0x200, s7;
	v17 =	vbroadcast v17, $0x0;
	v8 =	vld.idx.msk [tilespmem:v11+s24+$0x0], $0xffff;
	v13 =	vmul.f32 v13, v6;
	[tilespmem:s7+$0x50] =	vst v9  }
0x2cb: {  	v15 =	vld [tilespmem:s30+$0xFFFFFF00];
	v9 =	vmul.f32 v12, v6;
	[tilespmem:s7+$0x60] =	vst v7  }
0x2cc: {  	[tilespmem:s7+$0x80] =	vst v13;
	v13 =	vld [tilespmem:s7+$0xF0];
	v7 =	vmul.f32 v14, v6  }
0x2cd: {  	v16 =	vld [tilespmem:s30+$0xFFFFFF10];
	[tilespmem:s7+$0x90] =	vst v9;
	v9 =	vmul.f32 v18, v6  }
0x2ce: {  	v14 =	vld [tilespmem:s30+$0x70];
	[tilespmem:s7+$0xA0] =	vst v7;
	v7 =	vmul.f32 v20, v6  }
0x2cf: {  	[tilespmem:s7+$0xB0] =	vst v9;
	v9 =	vmul.f32 v21, v6;
	v12 =	vld.idx.msk [tilespmem:v19+s24+$0x0], $0xffff  }
0x2d0: {  	v11 =	vld.idx.msk [tilespmem:v17+s24+$0x0], $0xffff;
	[tilespmem:s8+$0xC0] =	vst v7;
	v7 =	vmul.f32 v22, v6  }
0x2d1: {  	v17 =	vld [tilespmem:s30+$0xFFFFFF20];
	[tilespmem:s8+$0xD0] =	vst v9;
	v6 =	vmul.f32 v13, v6  }
0x2d2: {  	v9 =	vld [tilespmem:s30+$0xFFFFFF30];
	[tilespmem:s8+$0xE0] =	vst v7  }
0x2d3: {  	v7 =	vld [tilespmem:s30+$0xFFFFFF40];
	[tilespmem:s8+$0xF0] =	vst v6;
	v6 =	vmul.f32 v15, v8  }
0x2d4: {  	v13 =	vmul.f32 v14, v12;
	v14 =	vld [tilespmem:s30+$0xFFFFFF50]  }
0x2d5: {  	v15 =	vmul.f32 v16, v8;
	v16 =	vld [tilespmem:s30+$0xFFFFFF60];
	[tilespmem:s30+$0xFFFFFF00] =	vst v6  }
0x2d6: {  	v6 =	vmul.f32 v17, v8;
	[tilespmem:s30+$0x70] =	vst v13;
	v13 =	vld [tilespmem:s30+$0xFFFFFF70]  }
0x2d7: {  	[tilespmem:s30+$0xFFFFFF10] =	vst v15;
	v15 =	vld [tilespmem:s30+$0xFFFFFF80];
	v9 =	vmul.f32 v9, v8  }
0x2d8: {  	[tilespmem:s30+$0xFFFFFF20] =	vst v6;
	v6 =	vmul.f32 v7, v8;
	v7 =	vld [tilespmem:s30+$0xFFFFFF90]  }
0x2d9: {  	[tilespmem:s30+$0xFFFFFF30] =	vst v9;
	v9 =	vmul.f32 v14, v8;
	v14 =	vld [tilespmem:s30+$0xFFFFFFA0]  }
0x2da: {  	[tilespmem:s30+$0xFFFFFF40] =	vst v6;
	v6 =	vmul.f32 v16, v8;
	v16 =	vld [tilespmem:s30+$0xFFFFFFB0]  }
0x2db: {  	[tilespmem:s30+$0xFFFFFF50] =	vst v9;
	v8 =	vmul.f32 v13, v8;
	v9 =	vld [tilespmem:s30+$0xFFFFFFC0]  }
0x2dc: {  	[tilespmem:s30+$0xFFFFFF60] =	vst v6;
	v6 =	vmul.f32 v15, v11;
	v13 =	vld [tilespmem:s30+$0xFFFFFFD0]  }
0x2dd: {  	v7 =	vmul.f32 v7, v11;
	[tilespmem:s30+$0xFFFFFF70] =	vst v8;
	v8 =	vld [tilespmem:s30+$0xFFFFFFE0]  }
0x2de: {  	[tilespmem:s30+$0xFFFFFF80] =	vst v6;
	v6 =	vmul.f32 v14, v11;
	v14 =	vld [tilespmem:s30+$0xFFFFFFF0]  }
0x2df: {  	v15 =	vld [tilespmem:s30+$0x0];
	[tilespmem:s30+$0xFFFFFF90] =	vst v7;
	v7 =	vmul.f32 v16, v11  }
0x2e0: {  	[tilespmem:s30+$0xFFFFFFA0] =	vst v6;
	v6 =	vmul.f32 v9, v11;
	v9 =	vld [tilespmem:s30+$0x10]  }
0x2e1: {  	[tilespmem:s30+$0xFFFFFFB0] =	vst v7;
	v7 =	vmul.f32 v13, v11;
	v13 =	vld [tilespmem:s30+$0x20]  }
0x2e2: {  	[tilespmem:s30+$0xFFFFFFC0] =	vst v6;
	v6 =	vmul.f32 v8, v11;
	v8 =	vld [tilespmem:s30+$0x30]  }
0x2e3: {  	[tilespmem:s30+$0xFFFFFFD0] =	vst v7;
	v7 =	vmul.f32 v14, v11;
	v11 =	vld [tilespmem:s30+$0x40]  }
0x2e4: {  	v14 =	vld [tilespmem:s30+$0x50];
	[tilespmem:s30+$0xFFFFFFE0] =	vst v6;
	v6 =	vmul.f32 v15, v12  }
0x2e5: {  	[tilespmem:s30+$0xFFFFFFF0] =	vst v7;
	v7 =	vmul.f32 v9, v12;
	v9 =	vld [tilespmem:s30+$0x60]  }
0x2e6: {  	[tilespmem:s30+$0x0] =	vst v6;
	v6 =	vmul.f32 v13, v12;
	v13 =	vld [tilespmem:s30+$0x80]  }
0x2e7: {  	[tilespmem:s30+$0x10] =	vst v7;
	v7 =	vmul.f32 v8, v12;
	v8 =	vld [tilespmem:s30+$0x90]  }
0x2e8: {  	[tilespmem:s30+$0x20] =	vst v6;
	v6 =	vmul.f32 v11, v12;
	v11 =	vld [tilespmem:s30+$0xA0]  }
0x2e9: {  	[tilespmem:s30+$0x30] =	vst v7;
	v7 =	vmul.f32 v14, v12;
	v14 =	vld [tilespmem:s30+$0xB0]  }
0x2ea: {  	[tilespmem:s30+$0x40] =	vst v6;
	v6 =	vmul.f32 v9, v12;
	v9 =	vld [tilespmem:s30+$0xC0]  }
0x2eb: {  	v12 =	vld [tilespmem:s30+$0xD0];
	[tilespmem:s30+$0x50] =	vst v7;
	v7 =	vmul.f32 v13, v10  }
0x2ec: {  	[tilespmem:s30+$0x60] =	vst v6;
	v6 =	vmul.f32 v8, v10;
	v8 =	vld [tilespmem:s30+$0xE0]  }
0x2ed: {  	[tilespmem:s30+$0x80] =	vst v7;
	v7 =	vmul.f32 v11, v10;
	v11 =	vld [tilespmem:s30+$0xF0]  }
0x2ee: {  	[tilespmem:s30+$0x90] =	vst v6;
	v6 =	vmul.f32 v14, v10  }
0x2ef: {  	[tilespmem:s30+$0xA0] =	vst v7;
	v7 =	vmul.f32 v9, v10  }
0x2f0: {  	[tilespmem:s30+$0xB0] =	vst v6;
	v6 =	vmul.f32 v12, v10  }
0x2f1: {  	[tilespmem:s30+$0xC0] =	vst v7;
	v7 =	vmul.f32 v8, v10  }
0x2f2: {  	[tilespmem:s30+$0xD0] =	vst v6;
	v6 =	vmul.f32 v11, v10  }
0x2f3: {  	[tilespmem:s30+$0xE0] =	vst v7  }
0x2f4: {  	[tilespmem:s30+$0xF0] =	vst v6  }
0x2f5: {  	[spmem:s2] =	stream.indirect.scatter.add.f32 [tilespmem:s26], [sflag:$0x5], $0x80, s17, s0, $0xb8;
	[tilespmem:$0x1F348] =	vst v63  }
0x2f6: {  	_ = 	snop  }
0x2f7: {  	[spmem:s3] =	stream.indirect.scatter.add.f32 [tilespmem:s28], [sflag:$0x7], $0x8, s17, s0, $0xb8;
	[tilespmem:$0x1F348] =	vst v63  }
0x2f8: {  	v6 =	vld [tilespmem:$0x4ED0]  }
0x2f9: {  	v7 =	vld [tilespmem:$0x4F70];
	_ =	sdelay $0x4  }
0x2fa: {  	v6 =	vshll.u32 v6, $0x1;
	v7 =	vshll.u32 v7, $0x1  }
0x2fb: {  	v7 =	vor.u32 $0x1, v7;
	_ =	sdelay $0x3  }
0x2fc: {  	v6 =	vld.idx.msk [tilespmem:v6+s20+$0x0], $0xffff  }
0x2fd: {  	v7 =	vld.idx.msk [tilespmem:v7+s20+$0x0], $0xffff;
	_ =	sdelay $0x4  }
0x2fe: {  	v6 =	vadd.f32 v7, v6;
	_ =	sdelay $0x1  }
0x2ff: {  	v7 =	vmul.f32 $2.000000030e-01, v6;
	_ =	sdelay $0x1  }
0x300: {  	v6 =	vmax.f32 v6, v7  }
0x301: {  	v6 =	vsub.f32 v6, v5;
	_ =	sdelay $0x1  }
0x302: {  	v6 =	vmul.f32 $1.442695020e+00, v6;
	_ =	sdelay $0x1  }
0x303: {  	(erf) = vpow2.f32 v6;
	_ =	sdelay $0x8  }
0x304: {  	v6 =	vpop (erf)  }
0x305: {  	[tilespmem:$0x10] =	vst v6  }
0x306: {  	[tilespmem:v0+s29+$0x0] =	vst.idx.msk $0xffff, v6  }
0x307: {  	v6 =	vld [tilespmem:$0x4EE0]  }
0x308: {  	v7 =	vld [tilespmem:$0x4F80];
	_ =	sdelay $0x4  }
0x309: {  	v6 =	vshll.u32 v6, $0x1;
	v7 =	vshll.u32 v7, $0x1  }
0x30a: {  	v7 =	vor.u32 $0x1, v7;
	_ =	sdelay $0x3  }
0x30b: {  	v6 =	vld.idx.msk [tilespmem:v6+s20+$0x0], $0xffff  }
0x30c: {  	v7 =	vld.idx.msk [tilespmem:v7+s20+$0x0], $0xffff;
	_ =	sdelay $0x4  }
0x30d: {  	v6 =	vadd.f32 v7, v6;
	_ =	sdelay $0x1  }
0x30e: {  	v7 =	vmul.f32 $2.000000030e-01, v6;
	_ =	sdelay $0x1  }
0x30f: {  	v6 =	vmax.f32 v6, v7  }
0x310: {  	v6 =	vsub.f32 v6, v5;
	_ =	sdelay $0x1  }
0x311: {  	v6 =	vmul.f32 $1.442695020e+00, v6;
	_ =	sdelay $0x1  }
0x312: {  	(erf) = vpow2.f32 v6;
	_ =	sdelay $0x8  }
0x313: {  	v6 =	vpop (erf)  }
0x314: {  	[tilespmem:$0x20] =	vst v6  }
0x315: {  	[tilespmem:v1+s29+$0x0] =	vst.idx.msk $0xffff, v6  }
0x316: {  	v6 =	vld [tilespmem:$0x4EF0]  }
0x317: {  	v7 =	vld [tilespmem:$0x4F90];
	_ =	sdelay $0x4  }
0x318: {  	v6 =	vshll.u32 v6, $0x1;
	v7 =	vshll.u32 v7, $0x1  }
0x319: {  	v7 =	vor.u32 $0x1, v7;
	_ =	sdelay $0x3  }
0x31a: {  	v6 =	vld.idx.msk [tilespmem:v6+s20+$0x0], $0xffff  }
0x31b: {  	v7 =	vld.idx.msk [tilespmem:v7+s20+$0x0], $0xffff;
	_ =	sdelay $0x4  }
0x31c: {  	v6 =	vadd.f32 v7, v6;
	_ =	sdelay $0x1  }
0x31d: {  	v7 =	vmul.f32 $2.000000030e-01, v6;
	_ =	sdelay $0x1  }
0x31e: {  	v6 =	vmax.f32 v6, v7  }
0x31f: {  	v6 =	vsub.f32 v6, v5;
	_ =	sdelay $0x1  }
0x320: {  	v6 =	vmul.f32 $1.442695020e+00, v6;
	_ =	sdelay $0x1  }
0x321: {  	(erf) = vpow2.f32 v6;
	_ =	sdelay $0x8  }
0x322: {  	v6 =	vpop (erf)  }
0x323: {  	[tilespmem:$0x30] =	vst v6  }
0x324: {  	[tilespmem:v2+s29+$0x0] =	vst.idx.msk $0xffff, v6  }
0x325: {  	v6 =	vld [tilespmem:$0x4F00]  }
0x326: {  	v7 =	vld [tilespmem:$0x4FA0];
	_ =	sdelay $0x4  }
0x327: {  	v6 =	vshll.u32 v6, $0x1;
	v7 =	vshll.u32 v7, $0x1  }
0x328: {  	v7 =	vor.u32 $0x1, v7;
	_ =	sdelay $0x3  }
0x329: {  	v6 =	vld.idx.msk [tilespmem:v6+s20+$0x0], $0xffff  }
0x32a: {  	v7 =	vld.idx.msk [tilespmem:v7+s20+$0x0], $0xffff;
	_ =	sdelay $0x4  }
0x32b: {  	v6 =	vadd.f32 v7, v6;
	_ =	sdelay $0x1  }
0x32c: {  	v7 =	vmul.f32 $2.000000030e-01, v6;
	_ =	sdelay $0x1  }
0x32d: {  	v6 =	vmax.f32 v6, v7  }
0x32e: {  	v6 =	vsub.f32 v6, v5;
	_ =	sdelay $0x1  }
0x32f: {  	v6 =	vmul.f32 $1.442695020e+00, v6;
	_ =	sdelay $0x1  }
0x330: {  	(erf) = vpow2.f32 v6;
	_ =	sdelay $0x8  }
0x331: {  	v6 =	vpop (erf)  }
0x332: {  	[tilespmem:$0x40] =	vst v6  }
0x333: {  	[tilespmem:v3+s29+$0x0] =	vst.idx.msk $0xffff, v6  }
0x334: {  	v6 =	vld [tilespmem:$0x4F10]  }
0x335: {  	v7 =	vld [tilespmem:$0x4FB0];
	_ =	sdelay $0x4  }
0x336: {  	v6 =	vshll.u32 v6, $0x1;
	v7 =	vshll.u32 v7, $0x1  }
0x337: {  	v7 =	vor.u32 $0x1, v7;
	_ =	sdelay $0x3  }
0x338: {  	v6 =	vld.idx.msk [tilespmem:v6+s20+$0x0], $0xffff  }
0x339: {  	v7 =	vld.idx.msk [tilespmem:v7+s20+$0x0], $0xffff;
	_ =	sdelay $0x4  }
0x33a: {  	v6 =	vadd.f32 v7, v6;
	_ =	sdelay $0x1  }
0x33b: {  	v7 =	vmul.f32 $2.000000030e-01, v6;
	_ =	sdelay $0x1  }
0x33c: {  	v6 =	vmax.f32 v6, v7  }
0x33d: {  	v6 =	vsub.f32 v6, v5;
	_ =	sdelay $0x1  }
0x33e: {  	v6 =	vmul.f32 $1.442695020e+00, v6;
	_ =	sdelay $0x1  }
0x33f: {  	(erf) = vpow2.f32 v6;
	_ =	sdelay $0x8  }
0x340: {  	v6 =	vpop (erf)  }
0x341: {  	[tilespmem:$0x50] =	vst v6  }
0x342: {  	[tilespmem:v4+s29+$0x0] =	vst.idx.msk $0xffff, v6  }
0x343: {  	_ =	swait.ge [sflag:s18], $0x2800  }
0x344: {  	[sflag:s18] =	ssyncset.done $0x0  }
0x345: {  	[sflag:s18] =	ssyncadd.s32 $0xFFFFD800  }
0x346: {  	_ =	swait.ge [sflag:s11], $0x280  }
0x347: {  	[sflag:s11] =	ssyncset.done $0x0  }
0x348: {  	[sflag:s11] =	ssyncadd.s32 $0xFFFFFD80  }
0x349: {  	_ =	swait.ge [sflag:s23], $0xA0  }
0x34a: {  	[sflag:s23] =	ssyncset.done $0x0  }
0x34b: {  	[sflag:s23] =	ssyncadd.s32 $0xFFFFFF60  }
0x34c: {  	_ =	swait.ge [sflag:s23], $0xA0  }
0x34d: {  	[sflag:s23] =	ssyncset.done $0x0  }
0x34e: {  	[sflag:s23] =	ssyncadd.s32 $0xFFFFFF60  }
0x34f: {  	v6 =	vld [tilespmem:$0xA4C0]  }
0x350: {  	v7 =	vld [tilespmem:$0xA600]  }
0x351: {  	v8 =	vld [tilespmem:$0xA4D0]  }
0x352: {  	v9 =	vld [tilespmem:$0xA610]  }
0x353: {  	v10 =	vld [tilespmem:$0xA4E0]  }
0x354: {  	[tilespmem:$0x4E80] =	vst v6;
	v6 =	vld [tilespmem:$0xA620]  }
0x355: {  	[tilespmem:$0x4F20] =	vst v7;
	v7 =	vld [tilespmem:$0xA4F0]  }
0x356: {  	[tilespmem:$0x4E90] =	vst v8;
	v8 =	vld [tilespmem:$0xA630]  }
0x357: {  	[tilespmem:$0x4F30] =	vst v9;
	v9 =	vld [tilespmem:$0xA500]  }
0x358: {  	[tilespmem:$0x4EA0] =	vst v10;
	v10 =	vld [tilespmem:$0xA640]  }
0x359: {  	[tilespmem:$0x4F40] =	vst v6  }
0x35a: {  	[tilespmem:$0x4EB0] =	vst v7  }
0x35b: {  	[tilespmem:$0x4F50] =	vst v8  }
0x35c: {  	[tilespmem:$0x4EC0] =	vst v9  }
0x35d: {  	s7 =	simm.s32 $0x0;
	s8 =	simm.s32 $0x2;
	[tilespmem:$0x4F60] =	vst v10  }
0x35e: {  	v6 =	vmov s7;
	[tilespmem:s26], [sflag:$0x3] =	stream.indirect.gather [hbm4b:s13+s0], $0x80, s5, s0, $0xb8;
	[tilespmem:$0x1F348] =	vst v63  }
0x35f: {  	v7 =	vmov s8;
	v6 =	vand.u32 $0xFFFFFFFC, v6;
	_ =	swait.ge [sflag:s22], $0x2800  }
0x360: {  	v7 =	vand.u32 $0xFFFFFFFE, v7;
	v6 =	vbroadcast v6, $0x0;
	[sflag:s22] =	ssyncset.done $0x0  }
0x361: {  	s7 =	simm.s32 $0x78C0;
	v7 =	vbroadcast v7, $0x0;
	[sflag:s22] =	ssyncadd.s32 $0xFFFFD800  }
0x362: {  	v9 =	vld [tilespmem:s7+$0x70]  }
0x363: {  	v10 =	vld [tilespmem:s7+$0xFFFFFF00]  }
0x364: {  	s14 =	simm.s32 $0x1;
	v11 =	vld [tilespmem:s7+$0xFFFFFF10]  }
0x365: {  	v8 =	vmov s14;
	v12 =	vld [tilespmem:s7+$0xFFFFFF20]  }
0x366: {  	v8 =	vand.u32 $0xFFFFFFFD, v8;
	v6 =	vld.idx.msk [tilespmem:v6+s24+$0x0], $0xffff  }
0x367: {  	v8 =	vbroadcast v8, $0x0;
	v7 =	vld.idx.msk [tilespmem:v7+s24+$0x0], $0xffff  }
0x368: {  	v13 =	vld [tilespmem:s7+$0xFFFFFF30]  }
0x369: {  	v14 =	vld [tilespmem:s7+$0xFFFFFF40]  }
0x36a: {  	v15 =	vld [tilespmem:s7+$0xFFFFFF50]  }
0x36b: {  	v16 =	vld [tilespmem:s7+$0xFFFFFF60];
	v10 =	vmul.f32 v10, v6  }
0x36c: {  	v18 =	vld [tilespmem:s7+$0x40];
	v9 =	vmul.f32 v9, v7  }
0x36d: {  	v8 =	vld.idx.msk [tilespmem:v8+s24+$0x0], $0xffff;
	[tilespmem:s7+$0xFFFFFF00] =	vst v10;
	v10 =	vmul.f32 v11, v6  }
0x36e: {  	v11 =	vld [tilespmem:s7+$0xFFFFFF70];
	[tilespmem:s7+$0x70] =	vst v9;
	v9 =	vmul.f32 v12, v6  }
0x36f: {  	v12 =	vld [tilespmem:s7+$0xFFFFFF80];
	[tilespmem:s7+$0xFFFFFF10] =	vst v10;
	v10 =	vmul.f32 v13, v6  }
0x370: {  	v13 =	vld [tilespmem:s7+$0xFFFFFF90];
	[tilespmem:s7+$0xFFFFFF20] =	vst v9;
	v9 =	vmul.f32 v14, v6  }
0x371: {  	v14 =	vld [tilespmem:s7+$0xFFFFFFA0];
	[tilespmem:s7+$0xFFFFFF30] =	vst v10;
	v10 =	vmul.f32 v15, v6  }
0x372: {  	v15 =	vld [tilespmem:s7+$0xFFFFFFB0];
	[tilespmem:s7+$0xFFFFFF40] =	vst v9;
	v9 =	vmul.f32 v16, v6  }
0x373: {  	v16 =	vld [tilespmem:s7+$0xFFFFFFC0];
	v11 =	vmul.f32 v11, v6;
	[tilespmem:s7+$0xFFFFFF50] =	vst v10  }
0x374: {  	v10 =	vmul.f32 v12, v8;
	v12 =	vld [tilespmem:s7+$0xFFFFFFD0];
	[tilespmem:s7+$0xFFFFFF60] =	vst v9  }
0x375: {  	s15 =	simm.s32 $0x3;
	v9 =	vld [tilespmem:s7+$0xFFFFFFE0];
	v13 =	vmul.f32 v13, v8;
	[tilespmem:s7+$0xFFFFFF70] =	vst v11  }
0x376: {  	v17 =	vmov s15;
	v11 =	vld [tilespmem:s7+$0xFFFFFFF0];
	[tilespmem:s7+$0xFFFFFF80] =	vst v10;
	v10 =	vmul.f32 v14, v8  }
0x377: {  	v14 =	vld [tilespmem:s7+$0x0];
	[tilespmem:s7+$0xFFFFFF90] =	vst v13;
	v13 =	vmul.f32 v15, v8  }
0x378: {  	v15 =	vld [tilespmem:s7+$0x10];
	[tilespmem:s7+$0xFFFFFFA0] =	vst v10;
	v10 =	vmul.f32 v16, v8  }
0x379: {  	[tilespmem:s7+$0xFFFFFFB0] =	vst v13;
	v12 =	vmul.f32 v12, v8;
	v13 =	vld [tilespmem:s7+$0x20]  }
0x37a: {  	v16 =	vld [tilespmem:s7+$0x30];
	v9 =	vmul.f32 v9, v8;
	[tilespmem:s7+$0xFFFFFFC0] =	vst v10  }
0x37b: {  	v6 =	vld.idx.msk [tilespmem:v17+s24+$0x0], $0xffff;
	v8 =	vmul.f32 v11, v8;
	[tilespmem:s7+$0xFFFFFFD0] =	vst v12  }
0x37c: {  	[tilespmem:s7+$0xFFFFFFE0] =	vst v9;
	v10 =	vmul.f32 v14, v7;
	v9 =	vld [tilespmem:s7+$0x50]  }
0x37d: {  	s8 =	simm.s32 $0x4;
	[tilespmem:s7+$0xFFFFFFF0] =	vst v8;
	v11 =	vmul.f32 v15, v7;
	v8 =	vld [tilespmem:s7+$0x60]  }
0x37e: {  	s14 =	simm.s32 $0x7;
	v12 =	vmov s8;
	[tilespmem:s7+$0x0] =	vst v10;
	v14 =	vmul.f32 v13, v7;
	v13 =	vld [tilespmem:s7+$0x80]  }
0x37f: {  	s15 =	simm.s32 $0x5;
	v17 =	vand.u32 $0xFFFFFFFC, v12;
	v12 =	vld [tilespmem:s7+$0x90];
	v10 =	vmov s14;
	v15 =	vmul.f32 v16, v7;
	[tilespmem:s7+$0x10] =	vst v11  }
0x380: {  	s1 =	simm.s32 $0x6;
	s30 =	simm.s32 $0x8;
	s8 =	simm.s32 $0x78C0;
	v16 =	vmul.f32 v18, v7;
	v11 =	vbroadcast v17, $0x0;
	v17 =	vmov s15;
	[tilespmem:s7+$0x20] =	vst v14;
	v14 =	vld [tilespmem:s7+$0xA0]  }
.LBB2_9:
0x381: {  	p0 =	slt.u32 s30, $0x4C;
	v17 =	vand.u32 $0xFFFFFFFD, v17;
	v18 =	vmov s1;
	[tilespmem:s7+$0x30] =	vst v15;
	v9 =	vmul.f32 v9, v7;
	v15 =	vld [tilespmem:s7+$0xB0]  }
0x382: {  	v17 =	vbroadcast v17, $0x0;
	v18 =	vand.u32 $0xFFFFFFFE, v18;
	[tilespmem:s7+$0x40] =	vst v16;
	v7 =	vmul.f32 v8, v7;
	v8 =	vld [tilespmem:s7+$0xC0]  }
0x383: {  	v16 =	vbroadcast v18, $0x0;
	[tilespmem:s7+$0x50] =	vst v9;
	v9 =	vmul.f32 v13, v6;
	v13 =	vld [tilespmem:s7+$0xD0]  }
0x384: {  	[tilespmem:s7+$0x60] =	vst v7;
	v7 =	vmul.f32 v12, v6;
	v12 =	vld [tilespmem:s7+$0xE0]  }
0x385: {  	[tilespmem:s7+$0x80] =	vst v9;
	v9 =	vmul.f32 v14, v6;
	v14 =	vld [tilespmem:s7+$0xF0]  }
0x386: {  	v10 =	vld.idx.msk [tilespmem:v10+s24+$0x0], $0xffff;
	[tilespmem:s7+$0x90] =	vst v7;
	v7 =	vmul.f32 v15, v6  }
0x387: {  	v11 =	vld.idx.msk [tilespmem:v11+s24+$0x0], $0xffff;
	[tilespmem:s7+$0xA0] =	vst v9;
	v8 =	vmul.f32 v8, v6  }
0x388: {  	v9 =	vld.idx.msk [tilespmem:v17+s24+$0x0], $0xffff;
	[tilespmem:s7+$0xB0] =	vst v7;
	v13 =	vmul.f32 v13, v6  }
0x389: {  	s7 =	sadd.s32 $0x200, s7;
	v7 =	vld.idx.msk [tilespmem:v16+s24+$0x0], $0xffff;
	[tilespmem:s8+$0xC0] =	vst v8;
	v8 =	vmul.f32 v12, v6  }
0x38a: {  	v12 =	vld [tilespmem:s7+$0x70];
	[tilespmem:s8+$0xD0] =	vst v13;
	v14 =	vmul.f32 v14, v6  }
0x38b: {  	v13 =	vld [tilespmem:s7+$0xFFFFFF00];
	[tilespmem:s8+$0xE0] =	vst v8  }
0x38c: {  	v6 =	vmov v10;
	v8 =	vld [tilespmem:s7+$0xFFFFFF10];
	[tilespmem:s8+$0xF0] =	vst v14;
	s8 =	smov.u32 s7  }
0x38d: {  	v10 =	vld [tilespmem:s7+$0xFFFFFF20]  }
0x38e: {  	v14 =	vld [tilespmem:s7+$0xFFFFFF30]  }
0x38f: {  	v15 =	vld [tilespmem:s7+$0xFFFFFF40];
	v12 =	vmul.f32 v12, v7  }
0x390: {  	v13 =	vmul.f32 v13, v11;
	v16 =	vld [tilespmem:s7+$0xFFFFFF50]  }
0x391: {  	v8 =	vmul.f32 v8, v11;
	v17 =	vld [tilespmem:s7+$0xFFFFFF60];
	[tilespmem:s7+$0x70] =	vst v12  }
0x392: {  	[tilespmem:s7+$0xFFFFFF00] =	vst v13;
	v10 =	vmul.f32 v10, v11;
	v12 =	vld [tilespmem:s7+$0xFFFFFF70]  }
0x393: {  	[tilespmem:s7+$0xFFFFFF10] =	vst v8;
	v8 =	vmul.f32 v14, v11;
	v13 =	vld [tilespmem:s7+$0xFFFFFF80]  }
0x394: {  	[tilespmem:s7+$0xFFFFFF20] =	vst v10;
	v10 =	vmul.f32 v15, v11;
	v14 =	vld [tilespmem:s7+$0xFFFFFF90]  }
0x395: {  	[tilespmem:s7+$0xFFFFFF30] =	vst v8;
	v8 =	vmul.f32 v16, v11;
	v15 =	vld [tilespmem:s7+$0xFFFFFFA0]  }
0x396: {  	[tilespmem:s7+$0xFFFFFF40] =	vst v10;
	v10 =	vmul.f32 v17, v11;
	v16 =	vld [tilespmem:s7+$0xFFFFFFB0]  }
0x397: {  	[tilespmem:s7+$0xFFFFFF50] =	vst v8;
	v8 =	vmul.f32 v12, v11;
	v11 =	vld [tilespmem:s7+$0xFFFFFFC0]  }
0x398: {  	[tilespmem:s7+$0xFFFFFF60] =	vst v10;
	v10 =	vmul.f32 v13, v9;
	v12 =	vld [tilespmem:s7+$0xFFFFFFD0]  }
0x399: {  	[tilespmem:s7+$0xFFFFFF70] =	vst v8;
	v8 =	vmul.f32 v14, v9;
	v13 =	vld [tilespmem:s7+$0xFFFFFFE0]  }
0x39a: {  	[tilespmem:s7+$0xFFFFFF80] =	vst v10;
	v10 =	vmul.f32 v15, v9;
	v14 =	vld [tilespmem:s7+$0xFFFFFFF0]  }
0x39b: {  	[tilespmem:s7+$0xFFFFFF90] =	vst v8;
	v8 =	vmul.f32 v16, v9;
	v15 =	vld [tilespmem:s7+$0x0]  }
0x39c: {  	[tilespmem:s7+$0xFFFFFFA0] =	vst v10;
	v10 =	vmul.f32 v11, v9;
	v11 =	vld [tilespmem:s7+$0x10]  }
0x39d: {  	[tilespmem:s7+$0xFFFFFFB0] =	vst v8;
	v8 =	vmul.f32 v12, v9;
	v12 =	vld [tilespmem:s7+$0x20]  }
0x39e: {  	[tilespmem:s7+$0xFFFFFFC0] =	vst v10;
	v10 =	vmul.f32 v13, v9;
	v16 =	vld [tilespmem:s7+$0x30]  }
0x39f: {  	[tilespmem:s7+$0xFFFFFFD0] =	vst v8;
	v8 =	vmul.f32 v14, v9;
	v14 =	vld [tilespmem:s7+$0x40]  }
.Ltmp3:
0x3a0: {  	[tilespmem:s7+$0xFFFFFFE0] =	vst v10;
	v10 =	vmul.f32 v15, v7;
	v9 =	vld [tilespmem:s7+$0x50];
	(pc) =	sbr.rel @p0 .LBB2_9-.Ltmp3, $4  }
0x3a1: {  	[tilespmem:s7+$0xFFFFFFF0] =	vst v8;
	v11 =	vmul.f32 v11, v7;
	v8 =	vld [tilespmem:s7+$0x60]  }
0x3a2: {  	s1 =	sadd.s32 $0x3, s30;
	v15 =	vmov s30;
	[tilespmem:s7+$0x0] =	vst v10;
	v18 =	vmul.f32 v12, v7;
	v13 =	vld [tilespmem:s7+$0x80]  }
0x3a3: {  	s14 =	sadd.s32 $0x1, s30;
	v17 =	vand.u32 $0xFFFFFFFC, v15;
	v10 =	vmov s1;
	[tilespmem:s7+$0x10] =	vst v11;
	v15 =	vmul.f32 v16, v7;
	v12 =	vld [tilespmem:s7+$0x90]  }
0x3a4: {  	s1 =	sadd.s32 $0x2, s30;
	s30 =	sadd.s32 $0x4, s30;
	v11 =	vbroadcast v17, $0x0;
	v17 =	vmov s14;
	[tilespmem:s7+$0x20] =	vst v18;
	v16 =	vmul.f32 v14, v7;
	v14 =	vld [tilespmem:s7+$0xA0]  }
0x3a5: {  	v18 =	vld [tilespmem:s7+$0xB0]  }
0x3a6: {  	v20 =	vld [tilespmem:s7+$0xC0]  }
0x3a7: {  	v21 =	vld [tilespmem:s7+$0xD0]  }
0x3a8: {  	v22 =	vld [tilespmem:s7+$0xE0]  }
0x3a9: {  	v24 =	vld [tilespmem:s7+$0xF0];
	[tilespmem:s7+$0x30] =	vst v15;
	v9 =	vmul.f32 v9, v7  }
0x3aa: {  	v10 =	vld.idx.msk [tilespmem:v10+s24+$0x0], $0xffff;
	[tilespmem:s7+$0x40] =	vst v16;
	v7 =	vmul.f32 v8, v7  }
0x3ab: {  	s30 =	sadd.s32 $0x200, s7;
	v25 =	vld.idx.msk [tilespmem:v11+s24+$0x0], $0xffff;
	v13 =	vmul.f32 v13, v6;
	[tilespmem:s7+$0x50] =	vst v9  }
0x3ac: {  	v30 =	vld [tilespmem:s30+$0x70];
	v26 =	vmul.f32 v12, v6;
	[tilespmem:s7+$0x60] =	vst v7  }
0x3ad: {  	v31 =	vld [tilespmem:s30+$0xFFFFFF00];
	[tilespmem:s7+$0x80] =	vst v13;
	v7 =	vmul.f32 v14, v6  }
0x3ae: {  	v19 =	vmov s1;
	v33 =	vld [tilespmem:s30+$0xFFFFFF10];
	[tilespmem:s7+$0x90] =	vst v26;
	v29 =	vmul.f32 v18, v6  }
0x3af: {  	v19 =	vand.u32 $0xFFFFFFFE, v19;
	v34 =	vld [tilespmem:s30+$0xFFFFFF20];
	[tilespmem:s7+$0xA0] =	vst v7;
	v7 =	vmul.f32 v20, v6  }
0x3b0: {  	v17 =	vand.u32 $0xFFFFFFFD, v17;
	v35 =	vld [tilespmem:s30+$0xFFFFFF30];
	v19 =	vbroadcast v19, $0x0;
	v32 =	vmul.f32 v21, v6;
	[tilespmem:s7+$0xB0] =	vst v29  }
0x3b1: {  	v17 =	vbroadcast v17, $0x0;
	v37 =	vld [tilespmem:s30+$0xFFFFFF50];
	[tilespmem:s8+$0xC0] =	vst v7;
	v7 =	vmul.f32 v22, v6  }
0x3b2: {  	v39 =	vld [tilespmem:s30+$0xFFFFFF60];
	[tilespmem:s8+$0xD0] =	vst v32;
	v6 =	vmul.f32 v24, v6  }
0x3b3: {  	v38 =	vmul.f32 v33, v25;
	[tilespmem:s8+$0xE0] =	vst v7;
	v7 =	vld [tilespmem:s30+$0xFFFFFF40]  }
0x3b4: {  	v40 =	vld [tilespmem:s30+$0xFFFFFF70];
	[tilespmem:s8+$0xF0] =	vst v6;
	v6 =	vmul.f32 v31, v25  }
0x3b5: {  	v41 =	vld [tilespmem:s30+$0xFFFFFF80];
	v9 =	vmul.f32 v35, v25;
	[tilespmem:s30+$0xFFFFFF10] =	vst v38  }
0x3b6: {  	v28 =	vld.idx.msk [tilespmem:v19+s24+$0x0], $0xffff;
	[tilespmem:s30+$0xFFFFFF00] =	vst v6;
	v6 =	vmul.f32 v34, v25  }
0x3b7: {  	v42 =	vmul.f32 v37, v25;
	v27 =	vld.idx.msk [tilespmem:v17+s24+$0x0], $0xffff;
	[tilespmem:s30+$0xFFFFFF30] =	vst v9  }
0x3b8: {  	[tilespmem:s30+$0xFFFFFF20] =	vst v6;
	v6 =	vmul.f32 v7, v25;
	v7 =	vld [tilespmem:s30+$0xFFFFFF90]  }
0x3b9: {  	v43 =	vld [tilespmem:s30+$0xFFFFFFA0];
	v8 =	vmul.f32 v40, v25;
	[tilespmem:s30+$0xFFFFFF50] =	vst v42  }
0x3ba: {  	v44 =	vld [tilespmem:s30+$0xFFFFFFB0];
	[tilespmem:s30+$0xFFFFFF40] =	vst v6;
	v6 =	vmul.f32 v39, v25  }
0x3bb: {  	v45 =	vld [tilespmem:s30+$0xFFFFFFC0];
	[tilespmem:s30+$0xFFFFFF70] =	vst v8;
	v36 =	vmul.f32 v30, v28  }
0x3bc: {  	v46 =	vld [tilespmem:s30+$0xFFFFFFD0];
	[tilespmem:s30+$0xFFFFFF60] =	vst v6;
	v6 =	vmul.f32 v41, v27  }
0x3bd: {  	v47 =	vld [tilespmem:s30+$0xFFFFFFE0];
	[tilespmem:s30+$0x70] =	vst v36;
	v7 =	vmul.f32 v7, v27  }
0x3be: {  	v48 =	vld [tilespmem:s30+$0xFFFFFFF0];
	[tilespmem:s30+$0xFFFFFF80] =	vst v6;
	v6 =	vmul.f32 v43, v27  }
0x3bf: {  	v49 =	vld [tilespmem:s30+$0x0];
	[tilespmem:s30+$0xFFFFFF90] =	vst v7;
	v7 =	vmul.f32 v44, v27  }
0x3c0: {  	v50 =	vld [tilespmem:s30+$0x10];
	[tilespmem:s30+$0xFFFFFFA0] =	vst v6;
	v6 =	vmul.f32 v45, v27  }
0x3c1: {  	v51 =	vld [tilespmem:s30+$0x20];
	[tilespmem:s30+$0xFFFFFFB0] =	vst v7;
	v7 =	vmul.f32 v46, v27  }
0x3c2: {  	v52 =	vld [tilespmem:s30+$0x30];
	[tilespmem:s30+$0xFFFFFFC0] =	vst v6;
	v6 =	vmul.f32 v47, v27  }
0x3c3: {  	v53 =	vld [tilespmem:s30+$0x40];
	[tilespmem:s30+$0xFFFFFFD0] =	vst v7;
	v7 =	vmul.f32 v48, v27  }
0x3c4: {  	v54 =	vld [tilespmem:s30+$0x50];
	[tilespmem:s30+$0xFFFFFFE0] =	vst v6;
	v6 =	vmul.f32 v49, v28  }
0x3c5: {  	v55 =	vld [tilespmem:s30+$0x60];
	[tilespmem:s30+$0xFFFFFFF0] =	vst v7;
	v7 =	vmul.f32 v50, v28  }
0x3c6: {  	v56 =	vld [tilespmem:s30+$0x80];
	[tilespmem:s30+$0x0] =	vst v6;
	v6 =	vmul.f32 v51, v28  }
0x3c7: {  	v57 =	vld [tilespmem:s30+$0x90];
	[tilespmem:s30+$0x10] =	vst v7;
	v7 =	vmul.f32 v52, v28  }
0x3c8: {  	v58 =	vld [tilespmem:s30+$0xA0];
	[tilespmem:s30+$0x20] =	vst v6;
	v6 =	vmul.f32 v53, v28  }
0x3c9: {  	v59 =	vld [tilespmem:s30+$0xB0];
	[tilespmem:s30+$0x30] =	vst v7;
	v7 =	vmul.f32 v54, v28  }
0x3ca: {  	v60 =	vld [tilespmem:s30+$0xC0];
	[tilespmem:s30+$0x40] =	vst v6;
	v6 =	vmul.f32 v55, v28  }
0x3cb: {  	v61 =	vld [tilespmem:s30+$0xD0];
	[tilespmem:s30+$0x50] =	vst v7;
	v7 =	vmul.f32 v56, v10  }
0x3cc: {  	v62 =	vld [tilespmem:s30+$0xE0];
	[tilespmem:s30+$0x60] =	vst v6;
	v6 =	vmul.f32 v57, v10  }
0x3cd: {  	v63 =	vld [tilespmem:s30+$0xF0];
	[tilespmem:s30+$0x80] =	vst v7;
	v7 =	vmul.f32 v58, v10  }
0x3ce: {  	[tilespmem:s30+$0x90] =	vst v6;
	v6 =	vmul.f32 v59, v10  }
0x3cf: {  	[tilespmem:s30+$0xA0] =	vst v7;
	v7 =	vmul.f32 v60, v10  }
0x3d0: {  	[tilespmem:s30+$0xB0] =	vst v6;
	v6 =	vmul.f32 v61, v10  }
0x3d1: {  	s19 =	sadd.s32 $0x1, s19;
	[tilespmem:s30+$0xC0] =	vst v7;
	v7 =	vmul.f32 v62, v10  }
0x3d2: {  	p0 =	sne.s32 s19, $0x3E;
	[tilespmem:s30+$0xD0] =	vst v6;
	v6 =	vmul.f32 v63, v10  }
.Ltmp4:
0x3d3: {  	[tilespmem:s30+$0xE0] =	vst v7;
	(pc) =	sbr.rel @p0 .LBB2_2-.Ltmp4, $4  }
0x3d4: {  	[tilespmem:s30+$0xF0] =	vst v6  }
0x3d5: {  	[spmem:s2] =	stream.indirect.scatter.add.f32 [tilespmem:s12], [sflag:$0x6], $0x80, s6, s0, $0xb8;
	[tilespmem:$0x1F348] =	vst v63  }
0x3d6: {  	_ = 	snop  }
0x3d7: {  	[spmem:s3] =	stream.indirect.scatter.add.f32 [tilespmem:s29], [sflag:$0x8], $0x8, s6, s0, $0xb8;
	[tilespmem:$0x1F348] =	vst v63  }
0x3d8: {  	v6 =	vld [tilespmem:$0x4E80]  }
0x3d9: {  	v7 =	vld [tilespmem:$0x4F20];
	_ =	sdelay $0x4  }
0x3da: {  	v6 =	vshll.u32 v6, $0x1;
	v7 =	vshll.u32 v7, $0x1  }
0x3db: {  	v7 =	vor.u32 $0x1, v7;
	_ =	sdelay $0x3  }
0x3dc: {  	v6 =	vld.idx.msk [tilespmem:v6+s20+$0x0], $0xffff  }
0x3dd: {  	v7 =	vld.idx.msk [tilespmem:v7+s20+$0x0], $0xffff;
	_ =	sdelay $0x4  }
0x3de: {  	v6 =	vadd.f32 v7, v6;
	_ =	sdelay $0x1  }
0x3df: {  	v7 =	vmul.f32 $2.000000030e-01, v6;
	_ =	sdelay $0x1  }
0x3e0: {  	v6 =	vmax.f32 v6, v7  }
0x3e1: {  	v6 =	vsub.f32 v6, v5;
	_ =	sdelay $0x1  }
0x3e2: {  	v6 =	vmul.f32 $1.442695020e+00, v6;
	_ =	sdelay $0x1  }
0x3e3: {  	(erf) = vpow2.f32 v6;
	_ =	sdelay $0x8  }
0x3e4: {  	v6 =	vpop (erf)  }
0x3e5: {  	[tilespmem:$0x10] =	vst v6  }
0x3e6: {  	[tilespmem:v0+s28+$0x0] =	vst.idx.msk $0xffff, v6  }
0x3e7: {  	v6 =	vld [tilespmem:$0x4E90]  }
0x3e8: {  	v7 =	vld [tilespmem:$0x4F30];
	_ =	sdelay $0x4  }
0x3e9: {  	v6 =	vshll.u32 v6, $0x1;
	v7 =	vshll.u32 v7, $0x1  }
0x3ea: {  	v7 =	vor.u32 $0x1, v7;
	_ =	sdelay $0x3  }
0x3eb: {  	v6 =	vld.idx.msk [tilespmem:v6+s20+$0x0], $0xffff  }
0x3ec: {  	v7 =	vld.idx.msk [tilespmem:v7+s20+$0x0], $0xffff;
	_ =	sdelay $0x4  }
0x3ed: {  	v6 =	vadd.f32 v7, v6;
	_ =	sdelay $0x1  }
0x3ee: {  	v7 =	vmul.f32 $2.000000030e-01, v6;
	_ =	sdelay $0x1  }
0x3ef: {  	v6 =	vmax.f32 v6, v7  }
0x3f0: {  	v6 =	vsub.f32 v6, v5;
	_ =	sdelay $0x1  }
0x3f1: {  	v6 =	vmul.f32 $1.442695020e+00, v6;
	_ =	sdelay $0x1  }
0x3f2: {  	(erf) = vpow2.f32 v6;
	_ =	sdelay $0x8  }
0x3f3: {  	v6 =	vpop (erf)  }
0x3f4: {  	[tilespmem:$0x20] =	vst v6  }
0x3f5: {  	[tilespmem:v1+s28+$0x0] =	vst.idx.msk $0xffff, v6  }
0x3f6: {  	v6 =	vld [tilespmem:$0x4EA0]  }
0x3f7: {  	v7 =	vld [tilespmem:$0x4F40];
	_ =	sdelay $0x4  }
0x3f8: {  	v6 =	vshll.u32 v6, $0x1;
	v7 =	vshll.u32 v7, $0x1  }
0x3f9: {  	v7 =	vor.u32 $0x1, v7;
	_ =	sdelay $0x3  }
0x3fa: {  	v6 =	vld.idx.msk [tilespmem:v6+s20+$0x0], $0xffff  }
0x3fb: {  	v7 =	vld.idx.msk [tilespmem:v7+s20+$0x0], $0xffff;
	_ =	sdelay $0x4  }
0x3fc: {  	v6 =	vadd.f32 v7, v6;
	_ =	sdelay $0x1  }
0x3fd: {  	v7 =	vmul.f32 $2.000000030e-01, v6;
	_ =	sdelay $0x1  }
0x3fe: {  	v6 =	vmax.f32 v6, v7  }
0x3ff: {  	v6 =	vsub.f32 v6, v5;
	_ =	sdelay $0x1  }
0x400: {  	v6 =	vmul.f32 $1.442695020e+00, v6;
	_ =	sdelay $0x1  }
0x401: {  	(erf) = vpow2.f32 v6;
	_ =	sdelay $0x8  }
0x402: {  	v6 =	vpop (erf)  }
0x403: {  	[tilespmem:$0x30] =	vst v6  }
0x404: {  	[tilespmem:v2+s28+$0x0] =	vst.idx.msk $0xffff, v6  }
0x405: {  	v6 =	vld [tilespmem:$0x4EB0]  }
0x406: {  	v7 =	vld [tilespmem:$0x4F50];
	_ =	sdelay $0x4  }
0x407: {  	v6 =	vshll.u32 v6, $0x1;
	v7 =	vshll.u32 v7, $0x1  }
0x408: {  	v7 =	vor.u32 $0x1, v7;
	_ =	sdelay $0x3  }
0x409: {  	v6 =	vld.idx.msk [tilespmem:v6+s20+$0x0], $0xffff  }
0x40a: {  	v7 =	vld.idx.msk [tilespmem:v7+s20+$0x0], $0xffff;
	_ =	sdelay $0x4  }
0x40b: {  	v6 =	vadd.f32 v7, v6;
	_ =	sdelay $0x1  }
0x40c: {  	v7 =	vmul.f32 $2.000000030e-01, v6;
	_ =	sdelay $0x1  }
0x40d: {  	v6 =	vmax.f32 v6, v7  }
0x40e: {  	v6 =	vsub.f32 v6, v5;
	_ =	sdelay $0x1  }
0x40f: {  	v6 =	vmul.f32 $1.442695020e+00, v6;
	_ =	sdelay $0x1  }
0x410: {  	(erf) = vpow2.f32 v6;
	_ =	sdelay $0x8  }
0x411: {  	v6 =	vpop (erf)  }
0x412: {  	[tilespmem:$0x40] =	vst v6  }
0x413: {  	[tilespmem:v3+s28+$0x0] =	vst.idx.msk $0xffff, v6  }
0x414: {  	v6 =	vld [tilespmem:$0x4EC0]  }
0x415: {  	v7 =	vld [tilespmem:$0x4F60];
	_ =	sdelay $0x4  }
0x416: {  	v6 =	vshll.u32 v6, $0x1;
	v7 =	vshll.u32 v7, $0x1  }
0x417: {  	v7 =	vor.u32 $0x1, v7;
	_ =	sdelay $0x3  }
0x418: {  	v6 =	vld.idx.msk [tilespmem:v6+s20+$0x0], $0xffff  }
0x419: {  	v7 =	vld.idx.msk [tilespmem:v7+s20+$0x0], $0xffff;
	_ =	sdelay $0x4  }
0x41a: {  	v6 =	vadd.f32 v7, v6;
	_ =	sdelay $0x1  }
0x41b: {  	v7 =	vmul.f32 $2.000000030e-01, v6;
	_ =	sdelay $0x1  }
0x41c: {  	v6 =	vmax.f32 v6, v7  }
0x41d: {  	v6 =	vsub.f32 v6, v5;
	_ =	sdelay $0x1  }
0x41e: {  	v6 =	vmul.f32 $1.442695020e+00, v6;
	_ =	sdelay $0x1  }
0x41f: {  	(erf) = vpow2.f32 v6;
	_ =	sdelay $0x8  }
0x420: {  	v6 =	vpop (erf)  }
0x421: {  	[tilespmem:$0x50] =	vst v6  }
0x422: {  	[tilespmem:v4+s28+$0x0] =	vst.idx.msk $0xffff, v6  }
0x423: {  	_ =	swait.ge [sflag:s21], $0x2800  }
0x424: {  	[sflag:s21] =	ssyncset.done $0x0  }
0x425: {  	[sflag:s21] =	ssyncadd.s32 $0xFFFFD800  }
0x426: {  	_ =	swait.ge [sflag:s25], $0x280  }
0x427: {  	[sflag:s25] =	ssyncset.done $0x0  }
0x428: {  	[sflag:s25] =	ssyncadd.s32 $0xFFFFFD80  }
0x429: {  	v6 =	vld [tilespmem:$0xA510]  }
0x42a: {  	v7 =	vld [tilespmem:$0xA650]  }
0x42b: {  	v8 =	vld [tilespmem:$0xA520]  }
0x42c: {  	v9 =	vld [tilespmem:$0xA660]  }
0x42d: {  	v10 =	vld [tilespmem:$0xA530]  }
0x42e: {  	[tilespmem:$0x4ED0] =	vst v6;
	v6 =	vld [tilespmem:$0xA670]  }
0x42f: {  	[tilespmem:$0x4F70] =	vst v7;
	v7 =	vld [tilespmem:$0xA540]  }
0x430: {  	[tilespmem:$0x4EE0] =	vst v8;
	v8 =	vld [tilespmem:$0xA680]  }
0x431: {  	[tilespmem:$0x4F80] =	vst v9;
	v9 =	vld [tilespmem:$0xA550]  }
0x432: {  	[tilespmem:$0x4EF0] =	vst v10;
	v10 =	vld [tilespmem:$0xA690]  }
0x433: {  	[tilespmem:$0x4F90] =	vst v6  }
0x434: {  	[tilespmem:$0x4F00] =	vst v7  }
0x435: {  	[tilespmem:$0x4FA0] =	vst v8  }
0x436: {  	[tilespmem:$0x4F10] =	vst v9  }
0x437: {  	s1 =	simm.s32 $0x0;
	s8 =	simm.s32 $0x2;
	[tilespmem:$0x4FB0] =	vst v10  }
0x438: {  	v6 =	vmov s1;
	[tilespmem:s12], [sflag:$0x4] =	stream.indirect.gather [hbm4b:s13+s0], $0x80, s10, s0, $0xb8;
	[tilespmem:$0x1F348] =	vst v63  }
0x439: {  	v7 =	vmov s8;
	v6 =	vand.u32 $0xFFFFFFFC, v6;
	_ =	swait.ge [sflag:s16], $0x2800  }
0x43a: {  	v7 =	vand.u32 $0xFFFFFFFE, v7;
	v6 =	vbroadcast v6, $0x0;
	[sflag:s16] =	ssyncset.done $0x0  }
0x43b: {  	s7 =	simm.s32 $0x50C0;
	v7 =	vbroadcast v7, $0x0;
	[sflag:s16] =	ssyncadd.s32 $0xFFFFD800  }
0x43c: {  	v9 =	vld [tilespmem:s7+$0x70]  }
0x43d: {  	v10 =	vld [tilespmem:s7+$0xFFFFFF00]  }
0x43e: {  	s14 =	simm.s32 $0x1;
	v11 =	vld [tilespmem:s7+$0xFFFFFF10]  }
0x43f: {  	v8 =	vmov s14;
	v12 =	vld [tilespmem:s7+$0xFFFFFF20]  }
0x440: {  	v8 =	vand.u32 $0xFFFFFFFD, v8;
	v6 =	vld.idx.msk [tilespmem:v6+s24+$0x0], $0xffff  }
0x441: {  	v8 =	vbroadcast v8, $0x0;
	v7 =	vld.idx.msk [tilespmem:v7+s24+$0x0], $0xffff  }
0x442: {  	v13 =	vld [tilespmem:s7+$0xFFFFFF30]  }
0x443: {  	v14 =	vld [tilespmem:s7+$0xFFFFFF40]  }
0x444: {  	v15 =	vld [tilespmem:s7+$0xFFFFFF50]  }
0x445: {  	v16 =	vld [tilespmem:s7+$0xFFFFFF60];
	v10 =	vmul.f32 v10, v6  }
0x446: {  	v18 =	vld [tilespmem:s7+$0x40];
	v9 =	vmul.f32 v9, v7  }
0x447: {  	v8 =	vld.idx.msk [tilespmem:v8+s24+$0x0], $0xffff;
	[tilespmem:s7+$0xFFFFFF00] =	vst v10;
	v10 =	vmul.f32 v11, v6  }
0x448: {  	v11 =	vld [tilespmem:s7+$0xFFFFFF70];
	[tilespmem:s7+$0x70] =	vst v9;
	v9 =	vmul.f32 v12, v6  }
0x449: {  	v12 =	vld [tilespmem:s7+$0xFFFFFF80];
	[tilespmem:s7+$0xFFFFFF10] =	vst v10;
	v10 =	vmul.f32 v13, v6  }
0x44a: {  	v13 =	vld [tilespmem:s7+$0xFFFFFF90];
	[tilespmem:s7+$0xFFFFFF20] =	vst v9;
	v9 =	vmul.f32 v14, v6  }
0x44b: {  	v14 =	vld [tilespmem:s7+$0xFFFFFFA0];
	[tilespmem:s7+$0xFFFFFF30] =	vst v10;
	v10 =	vmul.f32 v15, v6  }
0x44c: {  	v15 =	vld [tilespmem:s7+$0xFFFFFFB0];
	[tilespmem:s7+$0xFFFFFF40] =	vst v9;
	v9 =	vmul.f32 v16, v6  }
0x44d: {  	v16 =	vld [tilespmem:s7+$0xFFFFFFC0];
	v11 =	vmul.f32 v11, v6;
	[tilespmem:s7+$0xFFFFFF50] =	vst v10  }
0x44e: {  	v10 =	vmul.f32 v12, v8;
	v12 =	vld [tilespmem:s7+$0xFFFFFFD0];
	[tilespmem:s7+$0xFFFFFF60] =	vst v9  }
0x44f: {  	s15 =	simm.s32 $0x3;
	v9 =	vld [tilespmem:s7+$0xFFFFFFE0];
	v13 =	vmul.f32 v13, v8;
	[tilespmem:s7+$0xFFFFFF70] =	vst v11  }
0x450: {  	v17 =	vmov s15;
	v11 =	vld [tilespmem:s7+$0xFFFFFFF0];
	[tilespmem:s7+$0xFFFFFF80] =	vst v10;
	v10 =	vmul.f32 v14, v8  }
0x451: {  	v14 =	vld [tilespmem:s7+$0x0];
	[tilespmem:s7+$0xFFFFFF90] =	vst v13;
	v13 =	vmul.f32 v15, v8  }
0x452: {  	v15 =	vld [tilespmem:s7+$0x10];
	[tilespmem:s7+$0xFFFFFFA0] =	vst v10;
	v10 =	vmul.f32 v16, v8  }
0x453: {  	[tilespmem:s7+$0xFFFFFFB0] =	vst v13;
	v12 =	vmul.f32 v12, v8;
	v13 =	vld [tilespmem:s7+$0x20]  }
0x454: {  	v16 =	vld [tilespmem:s7+$0x30];
	v9 =	vmul.f32 v9, v8;
	[tilespmem:s7+$0xFFFFFFC0] =	vst v10  }
0x455: {  	v6 =	vld.idx.msk [tilespmem:v17+s24+$0x0], $0xffff;
	v8 =	vmul.f32 v11, v8;
	[tilespmem:s7+$0xFFFFFFD0] =	vst v12  }
0x456: {  	[tilespmem:s7+$0xFFFFFFE0] =	vst v9;
	v10 =	vmul.f32 v14, v7;
	v9 =	vld [tilespmem:s7+$0x50]  }
0x457: {  	s19 =	simm.s32 $0x4;
	[tilespmem:s7+$0xFFFFFFF0] =	vst v8;
	v11 =	vmul.f32 v15, v7;
	v8 =	vld [tilespmem:s7+$0x60]  }
0x458: {  	s30 =	simm.s32 $0x7;
	v12 =	vmov s19;
	[tilespmem:s7+$0x0] =	vst v10;
	v14 =	vmul.f32 v13, v7;
	v13 =	vld [tilespmem:s7+$0x80]  }
0x459: {  	s8 =	simm.s32 $0x5;
	v17 =	vand.u32 $0xFFFFFFFC, v12;
	v12 =	vld [tilespmem:s7+$0x90];
	v10 =	vmov s30;
	v15 =	vmul.f32 v16, v7;
	[tilespmem:s7+$0x10] =	vst v11  }
0x45a: {  	s1 =	simm.s32 $0x6;
	s19 =	simm.s32 $0x8;
	v16 =	vmul.f32 v18, v7;
	v11 =	vbroadcast v17, $0x0;
	v17 =	vmov s8;
	s8 =	simm.s32 $0x50C0;
	[tilespmem:s7+$0x20] =	vst v14;
	v14 =	vld [tilespmem:s7+$0xA0]  }
.LBB2_12:
0x45b: {  	p0 =	slt.u32 s19, $0x4C;
	v17 =	vand.u32 $0xFFFFFFFD, v17;
	v18 =	vmov s1;
	[tilespmem:s7+$0x30] =	vst v15;
	v9 =	vmul.f32 v9, v7;
	v15 =	vld [tilespmem:s7+$0xB0]  }
0x45c: {  	v17 =	vbroadcast v17, $0x0;
	v18 =	vand.u32 $0xFFFFFFFE, v18;
	[tilespmem:s7+$0x40] =	vst v16;
	v7 =	vmul.f32 v8, v7;
	v8 =	vld [tilespmem:s7+$0xC0]  }
0x45d: {  	v16 =	vbroadcast v18, $0x0;
	[tilespmem:s7+$0x50] =	vst v9;
	v9 =	vmul.f32 v13, v6;
	v13 =	vld [tilespmem:s7+$0xD0]  }
0x45e: {  	[tilespmem:s7+$0x60] =	vst v7;
	v7 =	vmul.f32 v12, v6;
	v12 =	vld [tilespmem:s7+$0xE0]  }
0x45f: {  	[tilespmem:s7+$0x80] =	vst v9;
	v9 =	vmul.f32 v14, v6;
	v14 =	vld [tilespmem:s7+$0xF0]  }
0x460: {  	v10 =	vld.idx.msk [tilespmem:v10+s24+$0x0], $0xffff;
	[tilespmem:s7+$0x90] =	vst v7;
	v7 =	vmul.f32 v15, v6  }
0x461: {  	v11 =	vld.idx.msk [tilespmem:v11+s24+$0x0], $0xffff;
	[tilespmem:s7+$0xA0] =	vst v9;
	v8 =	vmul.f32 v8, v6  }
0x462: {  	v9 =	vld.idx.msk [tilespmem:v17+s24+$0x0], $0xffff;
	[tilespmem:s7+$0xB0] =	vst v7;
	v13 =	vmul.f32 v13, v6  }
0x463: {  	s7 =	sadd.s32 $0x200, s7;
	v7 =	vld.idx.msk [tilespmem:v16+s24+$0x0], $0xffff;
	[tilespmem:s8+$0xC0] =	vst v8;
	v8 =	vmul.f32 v12, v6  }
0x464: {  	v12 =	vld [tilespmem:s7+$0x70];
	[tilespmem:s8+$0xD0] =	vst v13;
	v14 =	vmul.f32 v14, v6  }
0x465: {  	v13 =	vld [tilespmem:s7+$0xFFFFFF00];
	[tilespmem:s8+$0xE0] =	vst v8  }
0x466: {  	v6 =	vmov v10;
	v8 =	vld [tilespmem:s7+$0xFFFFFF10];
	[tilespmem:s8+$0xF0] =	vst v14;
	s8 =	smov.u32 s7  }
0x467: {  	v10 =	vld [tilespmem:s7+$0xFFFFFF20]  }
0x468: {  	v14 =	vld [tilespmem:s7+$0xFFFFFF30]  }
0x469: {  	v15 =	vld [tilespmem:s7+$0xFFFFFF40];
	v12 =	vmul.f32 v12, v7  }
0x46a: {  	v13 =	vmul.f32 v13, v11;
	v16 =	vld [tilespmem:s7+$0xFFFFFF50]  }
0x46b: {  	v8 =	vmul.f32 v8, v11;
	v17 =	vld [tilespmem:s7+$0xFFFFFF60];
	[tilespmem:s7+$0x70] =	vst v12  }
0x46c: {  	[tilespmem:s7+$0xFFFFFF00] =	vst v13;
	v10 =	vmul.f32 v10, v11;
	v12 =	vld [tilespmem:s7+$0xFFFFFF70]  }
0x46d: {  	[tilespmem:s7+$0xFFFFFF10] =	vst v8;
	v8 =	vmul.f32 v14, v11;
	v13 =	vld [tilespmem:s7+$0xFFFFFF80]  }
0x46e: {  	[tilespmem:s7+$0xFFFFFF20] =	vst v10;
	v10 =	vmul.f32 v15, v11;
	v14 =	vld [tilespmem:s7+$0xFFFFFF90]  }
0x46f: {  	[tilespmem:s7+$0xFFFFFF30] =	vst v8;
	v8 =	vmul.f32 v16, v11;
	v15 =	vld [tilespmem:s7+$0xFFFFFFA0]  }
0x470: {  	[tilespmem:s7+$0xFFFFFF40] =	vst v10;
	v10 =	vmul.f32 v17, v11;
	v16 =	vld [tilespmem:s7+$0xFFFFFFB0]  }
0x471: {  	[tilespmem:s7+$0xFFFFFF50] =	vst v8;
	v8 =	vmul.f32 v12, v11;
	v11 =	vld [tilespmem:s7+$0xFFFFFFC0]  }
0x472: {  	[tilespmem:s7+$0xFFFFFF60] =	vst v10;
	v10 =	vmul.f32 v13, v9;
	v12 =	vld [tilespmem:s7+$0xFFFFFFD0]  }
0x473: {  	[tilespmem:s7+$0xFFFFFF70] =	vst v8;
	v8 =	vmul.f32 v14, v9;
	v13 =	vld [tilespmem:s7+$0xFFFFFFE0]  }
0x474: {  	[tilespmem:s7+$0xFFFFFF80] =	vst v10;
	v10 =	vmul.f32 v15, v9;
	v14 =	vld [tilespmem:s7+$0xFFFFFFF0]  }
0x475: {  	[tilespmem:s7+$0xFFFFFF90] =	vst v8;
	v8 =	vmul.f32 v16, v9;
	v15 =	vld [tilespmem:s7+$0x0]  }
0x476: {  	[tilespmem:s7+$0xFFFFFFA0] =	vst v10;
	v10 =	vmul.f32 v11, v9;
	v11 =	vld [tilespmem:s7+$0x10]  }
0x477: {  	[tilespmem:s7+$0xFFFFFFB0] =	vst v8;
	v8 =	vmul.f32 v12, v9;
	v12 =	vld [tilespmem:s7+$0x20]  }
0x478: {  	[tilespmem:s7+$0xFFFFFFC0] =	vst v10;
	v10 =	vmul.f32 v13, v9;
	v16 =	vld [tilespmem:s7+$0x30]  }
0x479: {  	[tilespmem:s7+$0xFFFFFFD0] =	vst v8;
	v8 =	vmul.f32 v14, v9;
	v14 =	vld [tilespmem:s7+$0x40]  }
.Ltmp5:
0x47a: {  	[tilespmem:s7+$0xFFFFFFE0] =	vst v10;
	v10 =	vmul.f32 v15, v7;
	v9 =	vld [tilespmem:s7+$0x50];
	(pc) =	sbr.rel @p0 .LBB2_12-.Ltmp5, $4  }
0x47b: {  	[tilespmem:s7+$0xFFFFFFF0] =	vst v8;
	v11 =	vmul.f32 v11, v7;
	v8 =	vld [tilespmem:s7+$0x60]  }
0x47c: {  	s1 =	sadd.s32 $0x3, s19;
	v15 =	vmov s19;
	[tilespmem:s7+$0x0] =	vst v10;
	v18 =	vmul.f32 v12, v7;
	v13 =	vld [tilespmem:s7+$0x80]  }
0x47d: {  	s14 =	sadd.s32 $0x1, s19;
	v17 =	vand.u32 $0xFFFFFFFC, v15;
	v10 =	vmov s1;
	[tilespmem:s7+$0x10] =	vst v11;
	v15 =	vmul.f32 v16, v7;
	v12 =	vld [tilespmem:s7+$0x90]  }
0x47e: {  	s1 =	sadd.s32 $0x2, s19;
	s19 =	sadd.s32 $0x4, s19;
	v11 =	vbroadcast v17, $0x0;
	v17 =	vmov s14;
	[tilespmem:s7+$0x20] =	vst v18;
	v16 =	vmul.f32 v14, v7;
	v14 =	vld [tilespmem:s7+$0xA0]  }
0x47f: {  	v18 =	vld [tilespmem:s7+$0xB0]  }
0x480: {  	v20 =	vld [tilespmem:s7+$0xC0]  }
0x481: {  	v19 =	vmov s1;
	v21 =	vld [tilespmem:s7+$0xD0]  }
0x482: {  	v22 =	vld [tilespmem:s7+$0xE0];
	[tilespmem:s7+$0x30] =	vst v15;
	v9 =	vmul.f32 v9, v7;
	v19 =	vand.u32 $0xFFFFFFFE, v19  }
0x483: {  	v17 =	vand.u32 $0xFFFFFFFD, v17;
	v10 =	vld.idx.msk [tilespmem:v10+s24+$0x0], $0xffff;
	[tilespmem:s7+$0x40] =	vst v16;
	v7 =	vmul.f32 v8, v7;
	v19 =	vbroadcast v19, $0x0  }
0x484: {  	s19 =	sadd.s32 $0x200, s7;
	v17 =	vbroadcast v17, $0x0;
	v8 =	vld.idx.msk [tilespmem:v11+s24+$0x0], $0xffff;
	v13 =	vmul.f32 v13, v6;
	[tilespmem:s7+$0x50] =	vst v9  }
0x485: {  	v15 =	vld [tilespmem:s19+$0xFFFFFF00];
	v9 =	vmul.f32 v12, v6;
	[tilespmem:s7+$0x60] =	vst v7  }
0x486: {  	[tilespmem:s7+$0x80] =	vst v13;
	v13 =	vld [tilespmem:s7+$0xF0];
	v7 =	vmul.f32 v14, v6  }
0x487: {  	v16 =	vld [tilespmem:s19+$0xFFFFFF10];
	[tilespmem:s7+$0x90] =	vst v9;
	v9 =	vmul.f32 v18, v6  }
0x488: {  	v14 =	vld [tilespmem:s19+$0x70];
	[tilespmem:s7+$0xA0] =	vst v7;
	v7 =	vmul.f32 v20, v6  }
0x489: {  	[tilespmem:s7+$0xB0] =	vst v9;
	v9 =	vmul.f32 v21, v6;
	v12 =	vld.idx.msk [tilespmem:v19+s24+$0x0], $0xffff  }
0x48a: {  	v11 =	vld.idx.msk [tilespmem:v17+s24+$0x0], $0xffff;
	[tilespmem:s8+$0xC0] =	vst v7;
	v7 =	vmul.f32 v22, v6  }
0x48b: {  	v17 =	vld [tilespmem:s19+$0xFFFFFF20];
	[tilespmem:s8+$0xD0] =	vst v9;
	v6 =	vmul.f32 v13, v6  }
0x48c: {  	v9 =	vld [tilespmem:s19+$0xFFFFFF30];
	[tilespmem:s8+$0xE0] =	vst v7  }
0x48d: {  	v7 =	vld [tilespmem:s19+$0xFFFFFF40];
	[tilespmem:s8+$0xF0] =	vst v6;
	v6 =	vmul.f32 v15, v8  }
0x48e: {  	v13 =	vmul.f32 v14, v12;
	v14 =	vld [tilespmem:s19+$0xFFFFFF50]  }
0x48f: {  	v15 =	vmul.f32 v16, v8;
	v16 =	vld [tilespmem:s19+$0xFFFFFF60];
	[tilespmem:s19+$0xFFFFFF00] =	vst v6  }
0x490: {  	v6 =	vmul.f32 v17, v8;
	[tilespmem:s19+$0x70] =	vst v13;
	v13 =	vld [tilespmem:s19+$0xFFFFFF70]  }
0x491: {  	[tilespmem:s19+$0xFFFFFF10] =	vst v15;
	v15 =	vld [tilespmem:s19+$0xFFFFFF80];
	v9 =	vmul.f32 v9, v8  }
0x492: {  	[tilespmem:s19+$0xFFFFFF20] =	vst v6;
	v6 =	vmul.f32 v7, v8;
	v7 =	vld [tilespmem:s19+$0xFFFFFF90]  }
0x493: {  	[tilespmem:s19+$0xFFFFFF30] =	vst v9;
	v9 =	vmul.f32 v14, v8;
	v14 =	vld [tilespmem:s19+$0xFFFFFFA0]  }
0x494: {  	[tilespmem:s19+$0xFFFFFF40] =	vst v6;
	v6 =	vmul.f32 v16, v8;
	v16 =	vld [tilespmem:s19+$0xFFFFFFB0]  }
0x495: {  	[tilespmem:s19+$0xFFFFFF50] =	vst v9;
	v8 =	vmul.f32 v13, v8;
	v9 =	vld [tilespmem:s19+$0xFFFFFFC0]  }
0x496: {  	[tilespmem:s19+$0xFFFFFF60] =	vst v6;
	v6 =	vmul.f32 v15, v11;
	v13 =	vld [tilespmem:s19+$0xFFFFFFD0]  }
0x497: {  	v7 =	vmul.f32 v7, v11;
	[tilespmem:s19+$0xFFFFFF70] =	vst v8;
	v8 =	vld [tilespmem:s19+$0xFFFFFFE0]  }
0x498: {  	[tilespmem:s19+$0xFFFFFF80] =	vst v6;
	v6 =	vmul.f32 v14, v11;
	v14 =	vld [tilespmem:s19+$0xFFFFFFF0]  }
0x499: {  	v15 =	vld [tilespmem:s19+$0x0];
	[tilespmem:s19+$0xFFFFFF90] =	vst v7;
	v7 =	vmul.f32 v16, v11  }
0x49a: {  	[tilespmem:s19+$0xFFFFFFA0] =	vst v6;
	v6 =	vmul.f32 v9, v11;
	v9 =	vld [tilespmem:s19+$0x10]  }
0x49b: {  	[tilespmem:s19+$0xFFFFFFB0] =	vst v7;
	v7 =	vmul.f32 v13, v11;
	v13 =	vld [tilespmem:s19+$0x20]  }
0x49c: {  	[tilespmem:s19+$0xFFFFFFC0] =	vst v6;
	v6 =	vmul.f32 v8, v11;
	v8 =	vld [tilespmem:s19+$0x30]  }
0x49d: {  	[tilespmem:s19+$0xFFFFFFD0] =	vst v7;
	v7 =	vmul.f32 v14, v11;
	v11 =	vld [tilespmem:s19+$0x40]  }
0x49e: {  	v14 =	vld [tilespmem:s19+$0x50];
	[tilespmem:s19+$0xFFFFFFE0] =	vst v6;
	v6 =	vmul.f32 v15, v12  }
0x49f: {  	[tilespmem:s19+$0xFFFFFFF0] =	vst v7;
	v7 =	vmul.f32 v9, v12;
	v9 =	vld [tilespmem:s19+$0x60]  }
0x4a0: {  	[tilespmem:s19+$0x0] =	vst v6;
	v6 =	vmul.f32 v13, v12;
	v13 =	vld [tilespmem:s19+$0x80]  }
0x4a1: {  	[tilespmem:s19+$0x10] =	vst v7;
	v7 =	vmul.f32 v8, v12;
	v8 =	vld [tilespmem:s19+$0x90]  }
0x4a2: {  	[tilespmem:s19+$0x20] =	vst v6;
	v6 =	vmul.f32 v11, v12;
	v11 =	vld [tilespmem:s19+$0xA0]  }
0x4a3: {  	[tilespmem:s19+$0x30] =	vst v7;
	v7 =	vmul.f32 v14, v12;
	v14 =	vld [tilespmem:s19+$0xB0]  }
0x4a4: {  	[tilespmem:s19+$0x40] =	vst v6;
	v6 =	vmul.f32 v9, v12;
	v9 =	vld [tilespmem:s19+$0xC0]  }
0x4a5: {  	v12 =	vld [tilespmem:s19+$0xD0];
	[tilespmem:s19+$0x50] =	vst v7;
	v7 =	vmul.f32 v13, v10  }
0x4a6: {  	[tilespmem:s19+$0x60] =	vst v6;
	v6 =	vmul.f32 v8, v10;
	v8 =	vld [tilespmem:s19+$0xE0]  }
0x4a7: {  	[tilespmem:s19+$0x80] =	vst v7;
	v7 =	vmul.f32 v11, v10;
	v11 =	vld [tilespmem:s19+$0xF0]  }
0x4a8: {  	[tilespmem:s19+$0x90] =	vst v6;
	v6 =	vmul.f32 v14, v10  }
0x4a9: {  	[tilespmem:s19+$0xA0] =	vst v7;
	v7 =	vmul.f32 v9, v10  }
0x4aa: {  	[tilespmem:s19+$0xB0] =	vst v6;
	v6 =	vmul.f32 v12, v10  }
0x4ab: {  	[tilespmem:s19+$0xC0] =	vst v7;
	v7 =	vmul.f32 v8, v10  }
0x4ac: {  	[tilespmem:s19+$0xD0] =	vst v6;
	v6 =	vmul.f32 v11, v10  }
0x4ad: {  	[tilespmem:s19+$0xE0] =	vst v7  }
0x4ae: {  	[tilespmem:s19+$0xF0] =	vst v6  }
0x4af: {  	[spmem:s2] =	stream.indirect.scatter.add.f32 [tilespmem:s26], [sflag:$0x5], $0x80, s17, s0, $0xb8;
	[tilespmem:$0x1F348] =	vst v63  }
0x4b0: {  	_ = 	snop  }
0x4b1: {  	[spmem:s3] =	stream.indirect.scatter.add.f32 [tilespmem:s28], [sflag:$0x7], $0x8, s17, s0, $0xb8;
	[tilespmem:$0x1F348] =	vst v63  }
0x4b2: {  	v6 =	vld [tilespmem:$0x4ED0]  }
0x4b3: {  	v7 =	vld [tilespmem:$0x4F70];
	_ =	sdelay $0x4  }
0x4b4: {  	v6 =	vshll.u32 v6, $0x1;
	v7 =	vshll.u32 v7, $0x1  }
0x4b5: {  	v7 =	vor.u32 $0x1, v7;
	_ =	sdelay $0x3  }
0x4b6: {  	v6 =	vld.idx.msk [tilespmem:v6+s20+$0x0], $0xffff  }
0x4b7: {  	v7 =	vld.idx.msk [tilespmem:v7+s20+$0x0], $0xffff;
	_ =	sdelay $0x4  }
0x4b8: {  	v6 =	vadd.f32 v7, v6;
	_ =	sdelay $0x1  }
0x4b9: {  	v7 =	vmul.f32 $2.000000030e-01, v6;
	_ =	sdelay $0x1  }
0x4ba: {  	v6 =	vmax.f32 v6, v7  }
0x4bb: {  	v6 =	vsub.f32 v6, v5;
	_ =	sdelay $0x1  }
0x4bc: {  	v6 =	vmul.f32 $1.442695020e+00, v6;
	_ =	sdelay $0x1  }
0x4bd: {  	(erf) = vpow2.f32 v6;
	_ =	sdelay $0x8  }
0x4be: {  	v6 =	vpop (erf)  }
0x4bf: {  	[tilespmem:$0x10] =	vst v6  }
0x4c0: {  	[tilespmem:v0+s29+$0x0] =	vst.idx.msk $0xffff, v6  }
0x4c1: {  	v6 =	vld [tilespmem:$0x4EE0]  }
0x4c2: {  	v7 =	vld [tilespmem:$0x4F80];
	_ =	sdelay $0x4  }
0x4c3: {  	v6 =	vshll.u32 v6, $0x1;
	v7 =	vshll.u32 v7, $0x1  }
0x4c4: {  	v7 =	vor.u32 $0x1, v7;
	_ =	sdelay $0x3  }
0x4c5: {  	v6 =	vld.idx.msk [tilespmem:v6+s20+$0x0], $0xffff  }
0x4c6: {  	v7 =	vld.idx.msk [tilespmem:v7+s20+$0x0], $0xffff;
	_ =	sdelay $0x4  }
0x4c7: {  	v6 =	vadd.f32 v7, v6;
	_ =	sdelay $0x1  }
0x4c8: {  	v7 =	vmul.f32 $2.000000030e-01, v6;
	_ =	sdelay $0x1  }
0x4c9: {  	v6 =	vmax.f32 v6, v7  }
0x4ca: {  	v6 =	vsub.f32 v6, v5;
	_ =	sdelay $0x1  }
0x4cb: {  	v6 =	vmul.f32 $1.442695020e+00, v6;
	_ =	sdelay $0x1  }
0x4cc: {  	(erf) = vpow2.f32 v6;
	_ =	sdelay $0x8  }
0x4cd: {  	v6 =	vpop (erf)  }
0x4ce: {  	[tilespmem:$0x20] =	vst v6  }
0x4cf: {  	[tilespmem:v1+s29+$0x0] =	vst.idx.msk $0xffff, v6  }
0x4d0: {  	v6 =	vld [tilespmem:$0x4EF0]  }
0x4d1: {  	v7 =	vld [tilespmem:$0x4F90];
	_ =	sdelay $0x4  }
0x4d2: {  	v6 =	vshll.u32 v6, $0x1;
	v7 =	vshll.u32 v7, $0x1  }
0x4d3: {  	v7 =	vor.u32 $0x1, v7;
	_ =	sdelay $0x3  }
0x4d4: {  	v6 =	vld.idx.msk [tilespmem:v6+s20+$0x0], $0xffff  }
0x4d5: {  	v7 =	vld.idx.msk [tilespmem:v7+s20+$0x0], $0xffff;
	_ =	sdelay $0x4  }
0x4d6: {  	v6 =	vadd.f32 v7, v6;
	_ =	sdelay $0x1  }
0x4d7: {  	v7 =	vmul.f32 $2.000000030e-01, v6;
	_ =	sdelay $0x1  }
0x4d8: {  	v6 =	vmax.f32 v6, v7  }
0x4d9: {  	v6 =	vsub.f32 v6, v5;
	_ =	sdelay $0x1  }
0x4da: {  	v6 =	vmul.f32 $1.442695020e+00, v6;
	_ =	sdelay $0x1  }
0x4db: {  	(erf) = vpow2.f32 v6;
	_ =	sdelay $0x8  }
0x4dc: {  	v6 =	vpop (erf)  }
0x4dd: {  	[tilespmem:$0x30] =	vst v6  }
0x4de: {  	[tilespmem:v2+s29+$0x0] =	vst.idx.msk $0xffff, v6  }
0x4df: {  	v6 =	vld [tilespmem:$0x4F00]  }
0x4e0: {  	v7 =	vld [tilespmem:$0x4FA0];
	_ =	sdelay $0x4  }
0x4e1: {  	v6 =	vshll.u32 v6, $0x1;
	v7 =	vshll.u32 v7, $0x1  }
0x4e2: {  	v7 =	vor.u32 $0x1, v7;
	_ =	sdelay $0x3  }
0x4e3: {  	v6 =	vld.idx.msk [tilespmem:v6+s20+$0x0], $0xffff  }
0x4e4: {  	v7 =	vld.idx.msk [tilespmem:v7+s20+$0x0], $0xffff;
	_ =	sdelay $0x4  }
0x4e5: {  	v6 =	vadd.f32 v7, v6;
	_ =	sdelay $0x1  }
0x4e6: {  	v7 =	vmul.f32 $2.000000030e-01, v6;
	_ =	sdelay $0x1  }
0x4e7: {  	v6 =	vmax.f32 v6, v7  }
0x4e8: {  	v6 =	vsub.f32 v6, v5;
	_ =	sdelay $0x1  }
0x4e9: {  	v6 =	vmul.f32 $1.442695020e+00, v6;
	_ =	sdelay $0x1  }
0x4ea: {  	(erf) = vpow2.f32 v6;
	_ =	sdelay $0x8  }
0x4eb: {  	v6 =	vpop (erf)  }
0x4ec: {  	[tilespmem:$0x40] =	vst v6  }
0x4ed: {  	[tilespmem:v3+s29+$0x0] =	vst.idx.msk $0xffff, v6  }
0x4ee: {  	v6 =	vld [tilespmem:$0x4F10]  }
0x4ef: {  	v7 =	vld [tilespmem:$0x4FB0];
	_ =	sdelay $0x4  }
0x4f0: {  	v6 =	vshll.u32 v6, $0x1;
	v7 =	vshll.u32 v7, $0x1  }
0x4f1: {  	v7 =	vor.u32 $0x1, v7;
	_ =	sdelay $0x3  }
0x4f2: {  	v6 =	vld.idx.msk [tilespmem:v6+s20+$0x0], $0xffff  }
0x4f3: {  	v7 =	vld.idx.msk [tilespmem:v7+s20+$0x0], $0xffff;
	_ =	sdelay $0x4  }
0x4f4: {  	v6 =	vadd.f32 v7, v6;
	_ =	sdelay $0x1  }
0x4f5: {  	v7 =	vmul.f32 $2.000000030e-01, v6;
	_ =	sdelay $0x1  }
0x4f6: {  	v6 =	vmax.f32 v6, v7  }
0x4f7: {  	v5 =	vsub.f32 v6, v5;
	_ =	sdelay $0x1  }
0x4f8: {  	v5 =	vmul.f32 $1.442695020e+00, v5;
	_ =	sdelay $0x1  }
0x4f9: {  	(erf) = vpow2.f32 v5;
	_ =	sdelay $0x8  }
0x4fa: {  	v5 =	vpop (erf)  }
0x4fb: {  	[tilespmem:$0x50] =	vst v5  }
0x4fc: {  	[tilespmem:v4+s29+$0x0] =	vst.idx.msk $0xffff, v5  }
0x4fd: {  	s30 =	simm.s32 $0x0;
	_ =	swait.ge [sflag:s18], $0x2800  }
0x4fe: {  	s7 =	simm.s32 $0x2;
	v5 =	vmov s30;
	[sflag:s18] =	ssyncset.done $0x0  }
0x4ff: {  	v6 =	vmov s7;
	v5 =	vand.u32 $0xFFFFFFFC, v5;
	[sflag:s18] =	ssyncadd.s32 $0xFFFFD800  }
0x500: {  	v6 =	vand.u32 $0xFFFFFFFE, v6;
	v5 =	vbroadcast v5, $0x0;
	_ =	swait.ge [sflag:s11], $0x280  }
0x501: {  	v6 =	vbroadcast v6, $0x0;
	[sflag:s11] =	ssyncset.done $0x0  }
0x502: {  	[sflag:s11] =	ssyncadd.s32 $0xFFFFFD80  }
0x503: {  	_ =	swait.ge [sflag:s22], $0x2800  }
0x504: {  	[sflag:s22] =	ssyncset.done $0x0  }
0x505: {  	[sflag:s22] =	ssyncadd.s32 $0xFFFFD800  }
0x506: {  	v5 =	vld.idx.msk [tilespmem:v5+s24+$0x0], $0xffff  }
0x507: {  	s8 =	simm.s32 $0x1;
	s7 =	simm.s32 $0x78C0;
	v6 =	vld.idx.msk [tilespmem:v6+s24+$0x0], $0xffff  }
0x508: {  	v7 =	vmov s8;
	v8 =	vld [tilespmem:s7+$0x70]  }
0x509: {  	v7 =	vand.u32 $0xFFFFFFFD, v7;
	v9 =	vld [tilespmem:s7+$0xFFFFFF00]  }
0x50a: {  	v7 =	vbroadcast v7, $0x0;
	v10 =	vld [tilespmem:s7+$0xFFFFFF10]  }
0x50b: {  	v11 =	vld [tilespmem:s7+$0xFFFFFF20]  }
0x50c: {  	v12 =	vld [tilespmem:s7+$0xFFFFFF30]  }
0x50d: {  	v13 =	vld [tilespmem:s7+$0xFFFFFF40]  }
0x50e: {  	v14 =	vld [tilespmem:s7+$0xFFFFFF50]  }
0x50f: {  	v15 =	vld [tilespmem:s7+$0xFFFFFF60];
	v9 =	vmul.f32 v9, v5  }
0x510: {  	v7 =	vld.idx.msk [tilespmem:v7+s24+$0x0], $0xffff;
	v8 =	vmul.f32 v8, v6  }
0x511: {  	v17 =	vld [tilespmem:s7+$0x40];
	[tilespmem:s7+$0xFFFFFF00] =	vst v9;
	v9 =	vmul.f32 v10, v5  }
0x512: {  	v10 =	vld [tilespmem:s7+$0xFFFFFF70];
	[tilespmem:s7+$0x70] =	vst v8;
	v8 =	vmul.f32 v11, v5  }
0x513: {  	v11 =	vld [tilespmem:s7+$0xFFFFFF80];
	[tilespmem:s7+$0xFFFFFF10] =	vst v9;
	v9 =	vmul.f32 v12, v5  }
0x514: {  	v12 =	vld [tilespmem:s7+$0xFFFFFF90];
	[tilespmem:s7+$0xFFFFFF20] =	vst v8;
	v8 =	vmul.f32 v13, v5  }
0x515: {  	v13 =	vld [tilespmem:s7+$0xFFFFFFA0];
	[tilespmem:s7+$0xFFFFFF30] =	vst v9;
	v9 =	vmul.f32 v14, v5  }
0x516: {  	v14 =	vld [tilespmem:s7+$0xFFFFFFB0];
	[tilespmem:s7+$0xFFFFFF40] =	vst v8;
	v8 =	vmul.f32 v15, v5  }
0x517: {  	v15 =	vld [tilespmem:s7+$0xFFFFFFC0];
	v10 =	vmul.f32 v10, v5;
	[tilespmem:s7+$0xFFFFFF50] =	vst v9  }
0x518: {  	v9 =	vmul.f32 v11, v7;
	v11 =	vld [tilespmem:s7+$0xFFFFFFD0];
	[tilespmem:s7+$0xFFFFFF60] =	vst v8  }
0x519: {  	s14 =	simm.s32 $0x3;
	v8 =	vld [tilespmem:s7+$0xFFFFFFE0];
	v12 =	vmul.f32 v12, v7;
	[tilespmem:s7+$0xFFFFFF70] =	vst v10  }
0x51a: {  	v16 =	vmov s14;
	v10 =	vld [tilespmem:s7+$0xFFFFFFF0];
	[tilespmem:s7+$0xFFFFFF80] =	vst v9;
	v9 =	vmul.f32 v13, v7  }
0x51b: {  	v13 =	vld [tilespmem:s7+$0x0];
	[tilespmem:s7+$0xFFFFFF90] =	vst v12;
	v12 =	vmul.f32 v14, v7  }
0x51c: {  	v14 =	vld [tilespmem:s7+$0x10];
	[tilespmem:s7+$0xFFFFFFA0] =	vst v9;
	v9 =	vmul.f32 v15, v7  }
0x51d: {  	[tilespmem:s7+$0xFFFFFFB0] =	vst v12;
	v11 =	vmul.f32 v11, v7;
	v12 =	vld [tilespmem:s7+$0x20]  }
0x51e: {  	v15 =	vld [tilespmem:s7+$0x30];
	v8 =	vmul.f32 v8, v7;
	[tilespmem:s7+$0xFFFFFFC0] =	vst v9  }
0x51f: {  	v5 =	vld.idx.msk [tilespmem:v16+s24+$0x0], $0xffff;
	v7 =	vmul.f32 v10, v7;
	[tilespmem:s7+$0xFFFFFFD0] =	vst v11  }
0x520: {  	[tilespmem:s7+$0xFFFFFFE0] =	vst v8;
	v9 =	vmul.f32 v13, v6;
	v8 =	vld [tilespmem:s7+$0x50]  }
0x521: {  	s15 =	simm.s32 $0x4;
	[tilespmem:s7+$0xFFFFFFF0] =	vst v7;
	v10 =	vmul.f32 v14, v6;
	v7 =	vld [tilespmem:s7+$0x60]  }
0x522: {  	s19 =	simm.s32 $0x7;
	v11 =	vmov s15;
	[tilespmem:s7+$0x0] =	vst v9;
	v13 =	vmul.f32 v12, v6;
	v12 =	vld [tilespmem:s7+$0x80]  }
0x523: {  	s30 =	simm.s32 $0x5;
	v16 =	vand.u32 $0xFFFFFFFC, v11;
	v11 =	vld [tilespmem:s7+$0x90];
	v9 =	vmov s19;
	v14 =	vmul.f32 v15, v6;
	[tilespmem:s7+$0x10] =	vst v10  }
0x524: {  	s1 =	simm.s32 $0x6;
	s8 =	simm.s32 $0x78C0;
	s19 =	simm.s32 $0x8;
	v15 =	vmul.f32 v17, v6;
	v10 =	vbroadcast v16, $0x0;
	v16 =	vmov s30;
	[tilespmem:s7+$0x20] =	vst v13;
	v13 =	vld [tilespmem:s7+$0xA0]  }
.LBB2_14:
0x525: {  	p0 =	slt.u32 s19, $0x4C;
	v16 =	vand.u32 $0xFFFFFFFD, v16;
	v17 =	vmov s1;
	[tilespmem:s7+$0x30] =	vst v14;
	v8 =	vmul.f32 v8, v6;
	v14 =	vld [tilespmem:s7+$0xB0]  }
0x526: {  	v16 =	vbroadcast v16, $0x0;
	v17 =	vand.u32 $0xFFFFFFFE, v17;
	[tilespmem:s7+$0x40] =	vst v15;
	v6 =	vmul.f32 v7, v6;
	v7 =	vld [tilespmem:s7+$0xC0]  }
0x527: {  	v15 =	vbroadcast v17, $0x0;
	[tilespmem:s7+$0x50] =	vst v8;
	v8 =	vmul.f32 v12, v5;
	v12 =	vld [tilespmem:s7+$0xD0]  }
0x528: {  	[tilespmem:s7+$0x60] =	vst v6;
	v6 =	vmul.f32 v11, v5;
	v11 =	vld [tilespmem:s7+$0xE0]  }
0x529: {  	[tilespmem:s7+$0x80] =	vst v8;
	v8 =	vmul.f32 v13, v5;
	v13 =	vld [tilespmem:s7+$0xF0]  }
0x52a: {  	v9 =	vld.idx.msk [tilespmem:v9+s24+$0x0], $0xffff;
	[tilespmem:s7+$0x90] =	vst v6;
	v6 =	vmul.f32 v14, v5  }
0x52b: {  	v10 =	vld.idx.msk [tilespmem:v10+s24+$0x0], $0xffff;
	[tilespmem:s7+$0xA0] =	vst v8;
	v7 =	vmul.f32 v7, v5  }
0x52c: {  	v8 =	vld.idx.msk [tilespmem:v16+s24+$0x0], $0xffff;
	[tilespmem:s7+$0xB0] =	vst v6;
	v12 =	vmul.f32 v12, v5  }
0x52d: {  	s7 =	sadd.s32 $0x200, s7;
	v6 =	vld.idx.msk [tilespmem:v15+s24+$0x0], $0xffff;
	[tilespmem:s8+$0xC0] =	vst v7;
	v7 =	vmul.f32 v11, v5  }
0x52e: {  	v11 =	vld [tilespmem:s7+$0x70];
	[tilespmem:s8+$0xD0] =	vst v12;
	v13 =	vmul.f32 v13, v5  }
0x52f: {  	v12 =	vld [tilespmem:s7+$0xFFFFFF00];
	[tilespmem:s8+$0xE0] =	vst v7  }
0x530: {  	v5 =	vmov v9;
	v7 =	vld [tilespmem:s7+$0xFFFFFF10];
	[tilespmem:s8+$0xF0] =	vst v13;
	s8 =	smov.u32 s7  }
0x531: {  	v9 =	vld [tilespmem:s7+$0xFFFFFF20]  }
0x532: {  	v13 =	vld [tilespmem:s7+$0xFFFFFF30]  }
0x533: {  	v14 =	vld [tilespmem:s7+$0xFFFFFF40];
	v11 =	vmul.f32 v11, v6  }
0x534: {  	v12 =	vmul.f32 v12, v10;
	v15 =	vld [tilespmem:s7+$0xFFFFFF50]  }
0x535: {  	v7 =	vmul.f32 v7, v10;
	v16 =	vld [tilespmem:s7+$0xFFFFFF60];
	[tilespmem:s7+$0x70] =	vst v11  }
0x536: {  	[tilespmem:s7+$0xFFFFFF00] =	vst v12;
	v9 =	vmul.f32 v9, v10;
	v11 =	vld [tilespmem:s7+$0xFFFFFF70]  }
0x537: {  	[tilespmem:s7+$0xFFFFFF10] =	vst v7;
	v7 =	vmul.f32 v13, v10;
	v12 =	vld [tilespmem:s7+$0xFFFFFF80]  }
0x538: {  	[tilespmem:s7+$0xFFFFFF20] =	vst v9;
	v9 =	vmul.f32 v14, v10;
	v13 =	vld [tilespmem:s7+$0xFFFFFF90]  }
0x539: {  	[tilespmem:s7+$0xFFFFFF30] =	vst v7;
	v7 =	vmul.f32 v15, v10;
	v14 =	vld [tilespmem:s7+$0xFFFFFFA0]  }
0x53a: {  	[tilespmem:s7+$0xFFFFFF40] =	vst v9;
	v9 =	vmul.f32 v16, v10;
	v15 =	vld [tilespmem:s7+$0xFFFFFFB0]  }
0x53b: {  	[tilespmem:s7+$0xFFFFFF50] =	vst v7;
	v7 =	vmul.f32 v11, v10;
	v10 =	vld [tilespmem:s7+$0xFFFFFFC0]  }
0x53c: {  	[tilespmem:s7+$0xFFFFFF60] =	vst v9;
	v9 =	vmul.f32 v12, v8;
	v11 =	vld [tilespmem:s7+$0xFFFFFFD0]  }
0x53d: {  	[tilespmem:s7+$0xFFFFFF70] =	vst v7;
	v7 =	vmul.f32 v13, v8;
	v12 =	vld [tilespmem:s7+$0xFFFFFFE0]  }
0x53e: {  	[tilespmem:s7+$0xFFFFFF80] =	vst v9;
	v9 =	vmul.f32 v14, v8;
	v13 =	vld [tilespmem:s7+$0xFFFFFFF0]  }
0x53f: {  	[tilespmem:s7+$0xFFFFFF90] =	vst v7;
	v7 =	vmul.f32 v15, v8;
	v14 =	vld [tilespmem:s7+$0x0]  }
0x540: {  	[tilespmem:s7+$0xFFFFFFA0] =	vst v9;
	v9 =	vmul.f32 v10, v8;
	v10 =	vld [tilespmem:s7+$0x10]  }
0x541: {  	[tilespmem:s7+$0xFFFFFFB0] =	vst v7;
	v7 =	vmul.f32 v11, v8;
	v11 =	vld [tilespmem:s7+$0x20]  }
0x542: {  	[tilespmem:s7+$0xFFFFFFC0] =	vst v9;
	v9 =	vmul.f32 v12, v8;
	v15 =	vld [tilespmem:s7+$0x30]  }
0x543: {  	[tilespmem:s7+$0xFFFFFFD0] =	vst v7;
	v7 =	vmul.f32 v13, v8;
	v13 =	vld [tilespmem:s7+$0x40]  }
.Ltmp6:
0x544: {  	[tilespmem:s7+$0xFFFFFFE0] =	vst v9;
	v9 =	vmul.f32 v14, v6;
	v8 =	vld [tilespmem:s7+$0x50];
	(pc) =	sbr.rel @p0 .LBB2_14-.Ltmp6, $4  }
0x545: {  	[tilespmem:s7+$0xFFFFFFF0] =	vst v7;
	v10 =	vmul.f32 v10, v6;
	v7 =	vld [tilespmem:s7+$0x60]  }
0x546: {  	s1 =	sadd.s32 $0x3, s19;
	v14 =	vmov s19;
	[tilespmem:s7+$0x0] =	vst v9;
	v17 =	vmul.f32 v11, v6;
	v12 =	vld [tilespmem:s7+$0x80]  }
0x547: {  	s14 =	sadd.s32 $0x1, s19;
	v16 =	vand.u32 $0xFFFFFFFC, v14;
	v9 =	vmov s1;
	[tilespmem:s7+$0x10] =	vst v10;
	v14 =	vmul.f32 v15, v6;
	v11 =	vld [tilespmem:s7+$0x90]  }
0x548: {  	s1 =	sadd.s32 $0x2, s19;
	s19 =	sadd.s32 $0x4, s19;
	v10 =	vbroadcast v16, $0x0;
	v16 =	vmov s14;
	[tilespmem:s7+$0x20] =	vst v17;
	v15 =	vmul.f32 v13, v6;
	v13 =	vld [tilespmem:s7+$0xA0]  }
0x549: {  	v17 =	vld [tilespmem:s7+$0xB0]  }
0x54a: {  	v19 =	vld [tilespmem:s7+$0xC0]  }
0x54b: {  	v20 =	vld [tilespmem:s7+$0xD0]  }
0x54c: {  	v21 =	vld [tilespmem:s7+$0xE0]  }
0x54d: {  	v29 =	vld [tilespmem:s7+$0xF0];
	[tilespmem:s7+$0x30] =	vst v14;
	v8 =	vmul.f32 v8, v6  }
0x54e: {  	v9 =	vld.idx.msk [tilespmem:v9+s24+$0x0], $0xffff;
	[tilespmem:s7+$0x40] =	vst v15;
	v6 =	vmul.f32 v7, v6  }
0x54f: {  	s19 =	sadd.s32 $0x200, s7;
	v7 =	vld.idx.msk [tilespmem:v10+s24+$0x0], $0xffff;
	v12 =	vmul.f32 v12, v5;
	[tilespmem:s7+$0x50] =	vst v8  }
0x550: {  	v18 =	vmov s1;
	v34 =	vld [tilespmem:s19+$0x70];
	v30 =	vmul.f32 v11, v5;
	[tilespmem:s7+$0x60] =	vst v6  }
0x551: {  	v18 =	vand.u32 $0xFFFFFFFE, v18;
	v35 =	vld [tilespmem:s19+$0xFFFFFF00];
	[tilespmem:s7+$0x80] =	vst v12;
	v6 =	vmul.f32 v13, v5  }
0x552: {  	v37 =	vld [tilespmem:s19+$0xFFFFFF10];
	v18 =	vbroadcast v18, $0x0;
	[tilespmem:s7+$0x90] =	vst v30;
	v33 =	vmul.f32 v17, v5  }
0x553: {  	v38 =	vld [tilespmem:s19+$0xFFFFFF20];
	[tilespmem:s7+$0xA0] =	vst v6;
	v6 =	vmul.f32 v19, v5  }
0x554: {  	v16 =	vand.u32 $0xFFFFFFFD, v16;
	v39 =	vld [tilespmem:s19+$0xFFFFFF30];
	v36 =	vmul.f32 v20, v5;
	[tilespmem:s7+$0xB0] =	vst v33  }
0x555: {  	v16 =	vbroadcast v16, $0x0;
	v41 =	vld [tilespmem:s19+$0xFFFFFF50];
	[tilespmem:s8+$0xC0] =	vst v6;
	v6 =	vmul.f32 v21, v5  }
0x556: {  	v43 =	vld [tilespmem:s19+$0xFFFFFF60];
	[tilespmem:s8+$0xD0] =	vst v36;
	v5 =	vmul.f32 v29, v5  }
0x557: {  	v42 =	vmul.f32 v37, v7;
	[tilespmem:s8+$0xE0] =	vst v6;
	v6 =	vld [tilespmem:s19+$0xFFFFFF40]  }
0x558: {  	v32 =	vld.idx.msk [tilespmem:v18+s24+$0x0], $0xffff;
	[tilespmem:s8+$0xF0] =	vst v5;
	v5 =	vmul.f32 v35, v7  }
0x559: {  	v44 =	vld [tilespmem:s19+$0xFFFFFF70];
	v8 =	vmul.f32 v39, v7;
	[tilespmem:s19+$0xFFFFFF10] =	vst v42  }
0x55a: {  	v45 =	vld [tilespmem:s19+$0xFFFFFF80];
	[tilespmem:s19+$0xFFFFFF00] =	vst v5;
	v5 =	vmul.f32 v38, v7  }
0x55b: {  	v46 =	vmul.f32 v41, v7;
	v31 =	vld.idx.msk [tilespmem:v16+s24+$0x0], $0xffff;
	[tilespmem:s19+$0xFFFFFF30] =	vst v8  }
0x55c: {  	[tilespmem:s19+$0xFFFFFF20] =	vst v5;
	v5 =	vmul.f32 v6, v7;
	v6 =	vld [tilespmem:s19+$0xFFFFFF90]  }
0x55d: {  	v47 =	vld [tilespmem:s19+$0xFFFFFFA0];
	[tilespmem:s19+$0xFFFFFF50] =	vst v46;
	v40 =	vmul.f32 v34, v32  }
0x55e: {  	v48 =	vld [tilespmem:s19+$0xFFFFFFB0];
	[tilespmem:s19+$0xFFFFFF40] =	vst v5;
	v5 =	vmul.f32 v43, v7  }
0x55f: {  	v49 =	vld [tilespmem:s19+$0xFFFFFFC0];
	[tilespmem:s19+$0x70] =	vst v40;
	v7 =	vmul.f32 v44, v7  }
0x560: {  	v50 =	vld [tilespmem:s19+$0xFFFFFFD0];
	[tilespmem:s19+$0xFFFFFF60] =	vst v5;
	v5 =	vmul.f32 v45, v31  }
0x561: {  	[tilespmem:s19+$0xFFFFFF70] =	vst v7;
	v7 =	vld [tilespmem:s19+$0xFFFFFFE0];
	v6 =	vmul.f32 v6, v31  }
0x562: {  	v51 =	vld [tilespmem:s19+$0xFFFFFFF0];
	[tilespmem:s19+$0xFFFFFF80] =	vst v5;
	v5 =	vmul.f32 v47, v31  }
0x563: {  	v52 =	vld [tilespmem:s19+$0x0];
	[tilespmem:s19+$0xFFFFFF90] =	vst v6;
	v6 =	vmul.f32 v48, v31  }
0x564: {  	v53 =	vld [tilespmem:s19+$0x10];
	[tilespmem:s19+$0xFFFFFFA0] =	vst v5;
	v5 =	vmul.f32 v49, v31  }
0x565: {  	v54 =	vld [tilespmem:s19+$0x20];
	[tilespmem:s19+$0xFFFFFFB0] =	vst v6;
	v6 =	vmul.f32 v50, v31  }
0x566: {  	[tilespmem:s19+$0xFFFFFFC0] =	vst v5;
	v5 =	vmul.f32 v7, v31;
	v7 =	vld [tilespmem:s19+$0x30]  }
0x567: {  	v55 =	vld [tilespmem:s19+$0x40];
	[tilespmem:s19+$0xFFFFFFD0] =	vst v6;
	v6 =	vmul.f32 v51, v31  }
0x568: {  	v56 =	vld [tilespmem:s19+$0x50];
	[tilespmem:s19+$0xFFFFFFE0] =	vst v5;
	v5 =	vmul.f32 v52, v32  }
0x569: {  	v57 =	vld [tilespmem:s19+$0x60];
	[tilespmem:s19+$0xFFFFFFF0] =	vst v6;
	v6 =	vmul.f32 v53, v32  }
0x56a: {  	v58 =	vld [tilespmem:s19+$0x80];
	[tilespmem:s19+$0x0] =	vst v5;
	v5 =	vmul.f32 v54, v32  }
0x56b: {  	[tilespmem:s19+$0x10] =	vst v6;
	v6 =	vmul.f32 v7, v32;
	v7 =	vld [tilespmem:s19+$0x90]  }
0x56c: {  	v59 =	vld [tilespmem:s19+$0xA0];
	[tilespmem:s19+$0x20] =	vst v5;
	v5 =	vmul.f32 v55, v32  }
0x56d: {  	v60 =	vld [tilespmem:s19+$0xB0];
	[tilespmem:s19+$0x30] =	vst v6;
	v6 =	vmul.f32 v56, v32  }
0x56e: {  	v61 =	vld [tilespmem:s19+$0xC0];
	[tilespmem:s19+$0x40] =	vst v5;
	v5 =	vmul.f32 v57, v32  }
0x56f: {  	v62 =	vld [tilespmem:s19+$0xD0];
	[tilespmem:s19+$0x50] =	vst v6;
	v6 =	vmul.f32 v58, v9  }
0x570: {  	[tilespmem:s19+$0x60] =	vst v5;
	v5 =	vmul.f32 v7, v9;
	v7 =	vld [tilespmem:s19+$0xE0]  }
0x571: {  	v63 =	vld [tilespmem:s19+$0xF0];
	[tilespmem:s19+$0x80] =	vst v6;
	v6 =	vmul.f32 v59, v9  }
0x572: {  	[tilespmem:s19+$0x90] =	vst v5;
	v5 =	vmul.f32 v60, v9  }
0x573: {  	[tilespmem:s19+$0xA0] =	vst v6;
	v6 =	vmul.f32 v61, v9  }
0x574: {  	[tilespmem:s19+$0xB0] =	vst v5;
	v5 =	vmul.f32 v62, v9  }
0x575: {  	[tilespmem:s19+$0xC0] =	vst v6;
	v6 =	vmul.f32 v7, v9  }
0x576: {  	[tilespmem:s19+$0xD0] =	vst v5;
	v5 =	vmul.f32 v63, v9  }
0x577: {  	[tilespmem:s19+$0xE0] =	vst v6  }
0x578: {  	[tilespmem:s19+$0xF0] =	vst v5  }
0x579: {  	[spmem:s2] =	stream.indirect.scatter.add.f32 [tilespmem:s12], [sflag:$0x6], $0x80, s6, s0, $0xb8;
	[tilespmem:$0x1F348] =	vst v63  }
0x57a: {  	_ = 	snop  }
0x57b: {  	[spmem:s3] =	stream.indirect.scatter.add.f32 [tilespmem:s29], [sflag:$0x8], $0x8, s6, s0, $0xb8;
	[tilespmem:$0x1F348] =	vst v63  }
0x57c: {  	_ =	swait.ge [sflag:s21], $0x2800  }
0x57d: {  	[sflag:s21] =	ssyncset.done $0x0  }
0x57e: {  	[sflag:s21] =	ssyncadd.s32 $0xFFFFD800  }
0x57f: {  	_ =	swait.ge [sflag:s25], $0x280  }
0x580: {  	[sflag:s25] =	ssyncset.done $0x0  }
0x581: {  	[sflag:s25] =	ssyncadd.s32 $0xFFFFFD80  }
0x582: {  	[bflag:$0x0] =	sbarrier.arrive $0xFFFF  }
0x583: {  	s19 =	rddreg [dreg:$0xe]  }
0x584: {  	s14 =	rddreg [dreg:$0x11]  }
0x585: {  	s8 =	simm.s32 $0x9;
	s7 =	rddreg [dreg:$0x12]  }
0x586: {  	[hbm:s19], [sflag:s14] =	dma.local [spmem:s7], $0x2710  }
0x587: {  	_ =	swait.ge [sflag:s8], $0x2710  }
0x588: {  	[sflag:s8] =	ssyncset.done $0x0;
	s30 =	rddreg [dreg:$0xf]  }
0x589: {  	s15 =	rddreg [dreg:$0x14];
	[sflag:s8] =	ssyncadd.s32 $0xFFFFD8F0  }
0x58a: {  	[hbm:s30], [sflag:s14] =	dma.local [spmem:s15], $0x271  }
0x58b: {  	_ =	swait.ge [sflag:s8], $0x271  }
0x58c: {  	s19 =	rddreg [dreg:$0x13]  }
0x58d: {  	s30 =	rddreg [dreg:$0x10];
	s15 =	sadd.s32 $0x1, s19  }
0x58e: {  	p0 =	sne.s32 s15, s30  }
.Ltmp7:
0x58f: {  	_ = 	snop;
	(pc) =	sbr.rel @p0 .LBB2_1-.Ltmp7, $3  }
0x590: {  	_ =	sdelay $0x1  }
0x591: {  	[sflag:s8] =	ssyncset.done $0x0  }
0x592: {  	[sflag:s8] =	ssyncadd.s32 $0xFFFFFD8F  }
0x593: {  	_ =	sfence.sel $0x180000  }
0x594: {  	[bflag:$0x0] =	sbarrier.arrive $0xFFFF  }
0x595: {  	_ =	strace $0x90000047  }
0x596: {  	s0 =	stileid.u32;
	[bflag:$0x2] =	sbarrier.arrive $0xFFFF  }
0x597: {  	p0 =	sne.s32 s0, $0x0;
	s0 =	rddreg [dreg:$0x4]  }
0x598: {  	s0 =	sadd.s32 @!p0 $0x100000, s0  }
0x599: {  	[sflag:s0] =	ssyncadd.tile.s32 @!p0 $0x1;
	_ =	shalt  }
.Lfunc_end2:
_tile_overlayer_lowered:
.L_overlay_start_2:
0x59a: {  	(tag) =	ssettag $0x2  }
0x59b: {  	s0 =	rddreg [dreg:$0x0];
	s2 =	stileid.u32  }
0x59c: {  	s1 =	rddreg [dreg:$0x1];
	p0 =	sne.s32 s2, $0x0  }
0x59d: {  	s3 =	rddreg [dreg:$0x2];
	[bflag:$0x3] =	sbarrier.arrive $0xFFFF;
	s2 =	simm.s32 @!p0 $0x1C09  }
0x59e: {  	[timem:s3], [sflag:s2] =	dma.local @!p0 [hbm:s0], s1  }
0x59f: {  	s0 =	simm.s32 @!p0 $0x9  }
0x5a0: {  	_ =	swait.ge @!p0 [sflag:s0], s1  }
0x5a1: {  	s1 =	ssub.s32 @!p0 $0x0, s1;
	[sflag:s0] =	ssyncset.done @!p0 $0x0  }
0x5a2: {  	[sflag:s0] =	ssyncadd.s32 @!p0 s1  }
0x5a3: {  	[bflag:$0x3] =	sbarrier.arrive $0xFFFF  }
0x5a4: {  	_ =	shalt  }

</sc_bundles>
